<compile_context>
chip_gen: v7x
topology: tpu7x:2x2x1
jax: 0.10.2.dev20260603
libtpu: 0.0.44.dev20260713+nightly
codegen_flags: <defaults>
</compile_context>

<pallas_src>
import functools

import jax
import jax.numpy as jnp
from jax import lax
from jax.experimental import pallas as pl
from jax.experimental.pallas import tpu as pltpu
from jax.experimental.pallas import tpu_sc as plsc

_B = 4096
_S = 200
_D = 32
_N = _B * _S
_NW = 32
_PER_W = _N // _NW
_CHUNK = 1600
_NCHUNK = _PER_W // _CHUNK
_SEQ_PER_CHUNK = _CHUNK // _S


def _add_pos(rows_v, pos_v):
    def p_body(p, _):
        p0 = pos_v[p, 0:16]
        p1 = pos_v[p, 16:32]
        for k in range(_SEQ_PER_CHUNK):
            r = k * _S + p
            rows_v[r, 0:16] += p0
            rows_v[r, 16:32] += p1
        return ()

    lax.fori_loop(0, _S, p_body, (), unroll=False)


def _body(x_hbm, tok_hbm, pos_hbm, out_hbm, idx_v, rows_v, pos_v,
          sem_i, sem_g, sem_o):
    wid = lax.axis_index("s") * 2 + lax.axis_index("c")
    base = wid * _PER_W

    pltpu.sync_copy(pos_hbm.at[pl.ds(0, _S)], pos_v)

    def off(ci):
        return base + ci * _CHUNK

    pltpu.sync_copy(x_hbm.at[pl.ds(off(0), _CHUNK)], idx_v[0])
    gather = [None, None]
    idx_cp = [None, None]
    out_cp = [None, None]
    gather[0] = pltpu.async_copy(tok_hbm.at[idx_v[0]], rows_v[0], sem_g[0])
    idx_cp[1] = pltpu.async_copy(x_hbm.at[pl.ds(off(1), _CHUNK)], idx_v[1],
                                 sem_i[1])

    for ci in range(_NCHUNK):
        cur = ci % 2
        nxt = 1 - cur
        if ci + 1 < _NCHUNK:
            idx_cp[nxt].wait()
            if out_cp[nxt] is not None:
                out_cp[nxt].wait()
            gather[nxt] = pltpu.async_copy(tok_hbm.at[idx_v[nxt]],
                                           rows_v[nxt], sem_g[nxt])
        gather[cur].wait()
        if ci + 2 < _NCHUNK:
            idx_cp[cur] = pltpu.async_copy(
                x_hbm.at[pl.ds(off(ci + 2), _CHUNK)], idx_v[cur], sem_i[cur])
        _add_pos(rows_v[cur], pos_v)
        out_cp[cur] = pltpu.async_copy(rows_v[cur],
                                       out_hbm.at[pl.ds(off(ci), _CHUNK)],
                                       sem_o[cur])

    out_cp[0].wait()
    out_cp[1].wait()


@jax.jit
def _run(x_flat, token_table, pos_table):
    kcall = pl.kernel(
        _body,
        mesh=plsc.VectorSubcoreMesh(core_axis_name="c", subcore_axis_name="s"),
        out_type=jax.ShapeDtypeStruct((_N, _D), jnp.float32),
        scratch_types=[
            [pltpu.VMEM((_CHUNK,), jnp.int32) for _ in range(2)],
            [pltpu.VMEM((_CHUNK, _D), jnp.float32) for _ in range(2)],
            pltpu.VMEM((_S, _D), jnp.float32),
            [pltpu.SemaphoreType.DMA for _ in range(2)],
            [pltpu.SemaphoreType.DMA for _ in range(2)],
            [pltpu.SemaphoreType.DMA for _ in range(2)],
        ],
        compiler_params=pltpu.CompilerParams(use_tc_tiling_on_sc=False),
    )
    return kcall(x_flat, token_table, pos_table)


def kernel(x, token_table, pos_table):
    x_flat = x.reshape(_N).astype(jnp.int32)
    out = _run(x_flat, token_table, pos_table)
    return out.reshape(_B, _S, _D)

# --- scband reference (transcript-rebuilt; emitter-appended) ---
"""Pipeline reference for scband-token-and-position-embedding-88656714925435 (READ-ONLY COPY).

The authoritative reference and input builder live on the scoring server;
editing this copy changes nothing except your own understanding.
"""

import jax, jax.numpy as jnp
import numpy as np

VOCAB = 1000000
POS_SIZE = 2048
EMBED_DIM = 32
BATCH = 4096
SEQ_LEN = 200


def setup_inputs(seed: int = 0) -> dict:
    key = jax.random.key(seed)
    k1, k2, k3 = jax.random.split(key, 3)
    x = jax.random.randint(k1, (BATCH, SEQ_LEN), 0, VOCAB, dtype=jnp.int64 if jax.config.jax_enable_x64 else jnp.int32)
    token_table = jax.random.normal(k2, (VOCAB, EMBED_DIM), dtype=jnp.float32) * 0.05
    pos_table = jax.random.normal(k3, (POS_SIZE, EMBED_DIM), dtype=jnp.float32) * 0.05
    return {"x": x, "token_table": token_table, "pos_table": pos_table}


def reference(x, token_table, pos_table):
    max_len = x.shape[-1]
    positions = jnp.arange(0, max_len)
    pos = jnp.take(pos_table, positions, axis=0)  # [S, D]
    token = jnp.take(token_table, x, axis=0)      # [B, S, D]
    return token + pos

if __name__ == "__main__":
    import jax
    _d = setup_inputs()
    print(jax.jit(kernel)(*tuple(_d.values())))

</pallas_src>

<mosaic_0001>
#map = affine_map<(d0, d1) -> (0)>
#map1 = affine_map<(d0, d1) -> (0, 0)>
module attributes {stable_mosaic.version = 14 : i64} {
  func.func @_body(%arg0: i32, %arg1: i32, %arg2: memref<819200xi32, #tpu.memory_space<hbm>>, %arg3: memref<1000000x32xf32, #tpu.memory_space<hbm>>, %arg4: memref<2048x32xf32, #tpu.memory_space<hbm>>, %arg5: memref<819200x32xf32, #tpu.memory_space<hbm>>, %arg6: memref<1600xi32, #tpu.memory_space<vmem>>, %arg7: memref<1600xi32, #tpu.memory_space<vmem>>, %arg8: memref<1600x32xf32, #tpu.memory_space<vmem>>, %arg9: memref<1600x32xf32, #tpu.memory_space<vmem>>, %arg10: memref<200x32xf32, #tpu.memory_space<vmem>>, %arg11: memref<!tpu.dma_semaphore, #tpu.memory_space<semaphore_mem>>, %arg12: memref<!tpu.dma_semaphore, #tpu.memory_space<semaphore_mem>>, %arg13: memref<!tpu.dma_semaphore, #tpu.memory_space<semaphore_mem>>, %arg14: memref<!tpu.dma_semaphore, #tpu.memory_space<semaphore_mem>>, %arg15: memref<!tpu.dma_semaphore, #tpu.memory_space<semaphore_mem>>, %arg16: memref<!tpu.dma_semaphore, #tpu.memory_space<semaphore_mem>>) attributes {dimension_semantics = [#tpu.dimension_semantics<core_parallel>, #tpu.dimension_semantics<subcore_parallel>], iteration_bounds = array<i64: 2, 16>, scalar_prefetch = 0 : i64, scratch_operands = 11 : i64, tpu.core_type = #tpu.core_type<sc_vector_subcore>, window_params = [{transform_indices = #map}, {transform_indices = #map1}, {transform_indices = #map1}, {transform_indices = #map1}]} {
    %mul3A = arith.constant 2 : i32
    %mul3A_0 = arith.muli %arg1, %mul3A : i32
    %add3A = arith.addi %mul3A_0, %arg0 : i32
    %mul3A_1 = arith.constant 25600 : i32
    %mul3A_2 = arith.muli %add3A, %mul3A_1 : i32
    "tpu.region"() ({
      %run_scoped3A = tpu.sem_alloc : memref<!tpu.dma_semaphore, #tpu.memory_space<semaphore_mem>>
      %dma_start3A_428 = arith.constant 0 : i32
      %dma_start3A_429 = arith.constant 0 : i32
      %dma_start3A_430 = tpu.memref_slice %arg4[%dma_start3A_428, %dma_start3A_429] : memref<2048x32xf32, #tpu.memory_space<hbm>> -> memref<200x32xf32, #tpu.memory_space<hbm>>
      %dma_start3A_431 = arith.constant 0 : i32
      %dma_start3A_432 = arith.constant 0 : i32
      %dma_start3A_433 = tpu.memref_slice %arg4[%dma_start3A_431, %dma_start3A_432] : memref<2048x32xf32, #tpu.memory_space<hbm>> -> memref<200x32xf32, #tpu.memory_space<hbm>>
      tpu.enqueue_dma source(%dma_start3A_433 : memref<200x32xf32, #tpu.memory_space<hbm>>) target(%arg10 : memref<200x32xf32, #tpu.memory_space<vmem>>) target_semaphore(%run_scoped3A : memref<!tpu.dma_semaphore, #tpu.memory_space<semaphore_mem>>)
      %dma_wait3A_434 = arith.constant 0 : i32
      %dma_wait3A_435 = arith.constant 0 : i32
      %dma_wait3A_436 = tpu.memref_slice %arg4[%dma_wait3A_434, %dma_wait3A_435] : memref<2048x32xf32, #tpu.memory_space<hbm>> -> memref<200x32xf32, #tpu.memory_space<hbm>>
      %dma_wait3A_437 = arith.constant 0 : i32
      %dma_wait3A_438 = arith.constant 0 : i32
      %dma_wait3A_439 = tpu.memref_slice %arg4[%dma_wait3A_437, %dma_wait3A_438] : memref<2048x32xf32, #tpu.memory_space<hbm>> -> memref<200x32xf32, #tpu.memory_space<hbm>>
      tpu.wait_dma2 semaphore(%run_scoped3A : memref<!tpu.dma_semaphore, #tpu.memory_space<semaphore_mem>>) src(%dma_wait3A_439 : memref<200x32xf32, #tpu.memory_space<hbm>>) dst(%arg10 : memref<200x32xf32, #tpu.memory_space<vmem>>)
      tpu.yield
    }) : () -> ()
    %add3A_3 = arith.constant 0 : i32
    %add3A_4 = arith.addi %mul3A_2, %add3A_3 : i32
    "tpu.region"() ({
      %run_scoped3A = tpu.sem_alloc : memref<!tpu.dma_semaphore, #tpu.memory_space<semaphore_mem>>
      %dma_start3A_428 = tpu.memref_slice %arg2[%add3A_4] : memref<819200xi32, #tpu.memory_space<hbm>> -> memref<1600xi32, #tpu.memory_space<hbm>>
      %dma_start3A_429 = tpu.memref_slice %arg2[%add3A_4] : memref<819200xi32, #tpu.memory_space<hbm>> -> memref<1600xi32, #tpu.memory_space<hbm>>
      tpu.enqueue_dma source(%dma_start3A_429 : memref<1600xi32, #tpu.memory_space<hbm>>) target(%arg6 : memref<1600xi32, #tpu.memory_space<vmem>>) target_semaphore(%run_scoped3A : memref<!tpu.dma_semaphore, #tpu.memory_space<semaphore_mem>>)
      %dma_wait3A_430 = tpu.memref_slice %arg2[%add3A_4] : memref<819200xi32, #tpu.memory_space<hbm>> -> memref<1600xi32, #tpu.memory_space<hbm>>
      %dma_wait3A_431 = tpu.memref_slice %arg2[%add3A_4] : memref<819200xi32, #tpu.memory_space<hbm>> -> memref<1600xi32, #tpu.memory_space<hbm>>
      tpu.wait_dma2 semaphore(%run_scoped3A : memref<!tpu.dma_semaphore, #tpu.memory_space<semaphore_mem>>) src(%dma_wait3A_431 : memref<1600xi32, #tpu.memory_space<hbm>>) dst(%arg6 : memref<1600xi32, #tpu.memory_space<vmem>>)
      tpu.yield
    }) : () -> ()
    %dma_start3A = arith.constant 0 : i32
    %dma_start3A_5 = arith.constant 0 : i32
    %dma_start3A_6 = tpu.memref_slice %arg3[%dma_start3A, %dma_start3A_5] : memref<1000000x32xf32, #tpu.memory_space<hbm>> -> memref<1000000x32xf32, #tpu.memory_space<hbm>>
    tpu.enqueue_indirect_dma source(%dma_start3A_6 : memref<1000000x32xf32, #tpu.memory_space<hbm>>) target(%arg8 : memref<1600x32xf32, #tpu.memory_space<vmem>>) offsets(%arg6 : memref<1600xi32, #tpu.memory_space<vmem>>) semaphore(%arg13 : memref<!tpu.dma_semaphore, #tpu.memory_space<semaphore_mem>>)
    %add3A_7 = arith.constant 1600 : i32
    %add3A_8 = arith.addi %mul3A_2, %add3A_7 : i32
    %dma_start3A_9 = tpu.memref_slice %arg2[%add3A_8] : memref<819200xi32, #tpu.memory_space<hbm>> -> memref<1600xi32, #tpu.memory_space<hbm>>
    %dma_start3A_10 = tpu.memref_slice %arg2[%add3A_8] : memref<819200xi32, #tpu.memory_space<hbm>> -> memref<1600xi32, #tpu.memory_space<hbm>>
    tpu.enqueue_dma source(%dma_start3A_10 : memref<1600xi32, #tpu.memory_space<hbm>>) target(%arg7 : memref<1600xi32, #tpu.memory_space<vmem>>) target_semaphore(%arg12 : memref<!tpu.dma_semaphore, #tpu.memory_space<semaphore_mem>>)
    %dma_wait3A = tpu.memref_slice %arg2[%add3A_8] : memref<819200xi32, #tpu.memory_space<hbm>> -> memref<1600xi32, #tpu.memory_space<hbm>>
    %dma_wait3A_11 = tpu.memref_slice %arg2[%add3A_8] : memref<819200xi32, #tpu.memory_space<hbm>> -> memref<1600xi32, #tpu.memory_space<hbm>>
    tpu.wait_dma2 semaphore(%arg12 : memref<!tpu.dma_semaphore, #tpu.memory_space<semaphore_mem>>) src(%dma_wait3A_11 : memref<1600xi32, #tpu.memory_space<hbm>>) dst(%arg7 : memref<1600xi32, #tpu.memory_space<vmem>>)
    %dma_start3A_12 = arith.constant 0 : i32
    %dma_start3A_13 = arith.constant 0 : i32
    %dma_start3A_14 = tpu.memref_slice %arg3[%dma_start3A_12, %dma_start3A_13] : memref<1000000x32xf32, #tpu.memory_space<hbm>> -> memref<1000000x32xf32, #tpu.memory_space<hbm>>
    tpu.enqueue_indirect_dma source(%dma_start3A_14 : memref<1000000x32xf32, #tpu.memory_space<hbm>>) target(%arg9 : memref<1600x32xf32, #tpu.memory_space<vmem>>) offsets(%arg7 : memref<1600xi32, #tpu.memory_space<vmem>>) semaphore(%arg14 : memref<!tpu.dma_semaphore, #tpu.memory_space<semaphore_mem>>)
    %dma_wait3A_15 = arith.constant 0 : i32
    %dma_wait3A_16 = arith.constant 0 : i32
    %dma_wait3A_17 = tpu.memref_slice %arg3[%dma_wait3A_15, %dma_wait3A_16] : memref<1000000x32xf32, #tpu.memory_space<hbm>> -> memref<1000000x32xf32, #tpu.memory_space<hbm>>
    tpu.wait_indirect_dma semaphore(%arg13 : memref<!tpu.dma_semaphore, #tpu.memory_space<semaphore_mem>>) src(%dma_wait3A_17 : memref<1000000x32xf32, #tpu.memory_space<hbm>>) dst(%arg8 : memref<1600x32xf32, #tpu.memory_space<vmem>>)
    %add3A_18 = arith.constant 3200 : i32
    %add3A_19 = arith.addi %mul3A_2, %add3A_18 : i32
    %dma_start3A_20 = tpu.memref_slice %arg2[%add3A_19] : memref<819200xi32, #tpu.memory_space<hbm>> -> memref<1600xi32, #tpu.memory_space<hbm>>
    %dma_start3A_21 = tpu.memref_slice %arg2[%add3A_19] : memref<819200xi32, #tpu.memory_space<hbm>> -> memref<1600xi32, #tpu.memory_space<hbm>>
    tpu.enqueue_dma source(%dma_start3A_21 : memref<1600xi32, #tpu.memory_space<hbm>>) target(%arg6 : memref<1600xi32, #tpu.memory_space<vmem>>) target_semaphore(%arg11 : memref<!tpu.dma_semaphore, #tpu.memory_space<semaphore_mem>>)
    %scan3A = arith.constant 0 : i32
    %scan3A_22 = arith.constant 200 : i32
    %scan3A_23 = arith.addi %scan3A, %scan3A_22 : i32
    %scan3A_24 = arith.constant 1 : i32
    scf.for %scan3A_428 = %scan3A to %scan3A_23 step %scan3A_24  : i32 {
      %get3A = arith.index_cast %scan3A_428 : i32 to index
      %get3A_429 = arith.constant 0 : index
      %get3A_430 = tpu.vector_load %arg10[%get3A, %get3A_429] {strides = array<i32>} : memref<200x32xf32, #tpu.memory_space<vmem>>, vector<1x16xf32>,
      %get3A_431 = vector.shape_cast %get3A_430 : vector<1x16xf32> to vector<16xf32>
      %get3A_432 = arith.index_cast %scan3A_428 : i32 to index
      %get3A_433 = arith.constant 16 : index
      %get3A_434 = tpu.vector_load %arg10[%get3A_432, %get3A_433] {strides = array<i32>} : memref<200x32xf32, #tpu.memory_space<vmem>>, vector<1x16xf32>,
      %get3A_435 = vector.shape_cast %get3A_434 : vector<1x16xf32> to vector<16xf32>
      %add3A_436 = arith.constant 0 : i32
      %add3A_437 = arith.addi %add3A_436, %scan3A_428 : i32
      %get3A_438 = arith.index_cast %add3A_437 : i32 to index
      %get3A_439 = arith.constant 0 : index
      %get3A_440 = tpu.vector_load %arg8[%get3A_438, %get3A_439] {strides = array<i32>} : memref<1600x32xf32, #tpu.memory_space<vmem>>, vector<1x16xf32>,
      %get3A_441 = vector.shape_cast %get3A_440 : vector<1x16xf32> to vector<16xf32>
      %add3A_442 = arith.addf %get3A_441, %get3A_431 : vector<16xf32>
      %swap3A = arith.index_cast %add3A_437 : i32 to index
      %swap3A_443 = arith.constant 0 : index
      %swap3A_444 = tpu.vector_load %arg8[%swap3A, %swap3A_443] {strides = array<i32>} : memref<1600x32xf32, #tpu.memory_space<vmem>>, vector<1x16xf32>,
      %swap3A_445 = vector.shape_cast %swap3A_444 : vector<1x16xf32> to vector<16xf32>
      %swap3A_446 = vector.shape_cast %add3A_442 : vector<16xf32> to vector<1x16xf32>
      tpu.vector_store %arg8[%swap3A, %swap3A_443], %swap3A_446 {strides = array<i32>} : memref<1600x32xf32, #tpu.memory_space<vmem>>, vector<1x16xf32>,
      %get3A_447 = arith.index_cast %add3A_437 : i32 to index
      %get3A_448 = arith.constant 16 : index
      %get3A_449 = tpu.vector_load %arg8[%get3A_447, %get3A_448] {strides = array<i32>} : memref<1600x32xf32, #tpu.memory_space<vmem>>, vector<1x16xf32>,
      %get3A_450 = vector.shape_cast %get3A_449 : vector<1x16xf32> to vector<16xf32>
      %add3A_451 = arith.addf %get3A_450, %get3A_435 : vector<16xf32>
      %swap3A_452 = arith.index_cast %add3A_437 : i32 to index
      %swap3A_453 = arith.constant 16 : index
      %swap3A_454 = tpu.vector_load %arg8[%swap3A_452, %swap3A_453] {strides = array<i32>} : memref<1600x32xf32, #tpu.memory_space<vmem>>, vector<1x16xf32>,
      %swap3A_455 = vector.shape_cast %swap3A_454 : vector<1x16xf32> to vector<16xf32>
      %swap3A_456 = vector.shape_cast %add3A_451 : vector<16xf32> to vector<1x16xf32>
      tpu.vector_store %arg8[%swap3A_452, %swap3A_453], %swap3A_456 {strides = array<i32>} : memref<1600x32xf32, #tpu.memory_space<vmem>>, vector<1x16xf32>,
      %add3A_457 = arith.constant 200 : i32
      %add3A_458 = arith.addi %add3A_457, %scan3A_428 : i32
      %get3A_459 = arith.index_cast %add3A_458 : i32 to index
      %get3A_460 = arith.constant 0 : index
      %get3A_461 = tpu.vector_load %arg8[%get3A_459, %get3A_460] {strides = array<i32>} : memref<1600x32xf32, #tpu.memory_space<vmem>>, vector<1x16xf32>,
      %get3A_462 = vector.shape_cast %get3A_461 : vector<1x16xf32> to vector<16xf32>
      %add3A_463 = arith.addf %get3A_462, %get3A_431 : vector<16xf32>
      %swap3A_464 = arith.index_cast %add3A_458 : i32 to index
      %swap3A_465 = arith.constant 0 : index
      %swap3A_466 = tpu.vector_load %arg8[%swap3A_464, %swap3A_465] {strides = array<i32>} : memref<1600x32xf32, #tpu.memory_space<vmem>>, vector<1x16xf32>,
      %swap3A_467 = vector.shape_cast %swap3A_466 : vector<1x16xf32> to vector<16xf32>
      %swap3A_468 = vector.shape_cast %add3A_463 : vector<16xf32> to vector<1x16xf32>
      tpu.vector_store %arg8[%swap3A_464, %swap3A_465], %swap3A_468 {strides = array<i32>} : memref<1600x32xf32, #tpu.memory_space<vmem>>, vector<1x16xf32>,
      %get3A_469 = arith.index_cast %add3A_458 : i32 to index
      %get3A_470 = arith.constant 16 : index
      %get3A_471 = tpu.vector_load %arg8[%get3A_469, %get3A_470] {strides = array<i32>} : memref<1600x32xf32, #tpu.memory_space<vmem>>, vector<1x16xf32>,
      %get3A_472 = vector.shape_cast %get3A_471 : vector<1x16xf32> to vector<16xf32>
      %add3A_473 = arith.addf %get3A_472, %get3A_435 : vector<16xf32>
      %swap3A_474 = arith.index_cast %add3A_458 : i32 to index
      %swap3A_475 = arith.constant 16 : index
      %swap3A_476 = tpu.vector_load %arg8[%swap3A_474, %swap3A_475] {strides = array<i32>} : memref<1600x32xf32, #tpu.memory_space<vmem>>, vector<1x16xf32>,
      %swap3A_477 = vector.shape_cast %swap3A_476 : vector<1x16xf32> to vector<16xf32>
      %swap3A_478 = vector.shape_cast %add3A_473 : vector<16xf32> to vector<1x16xf32>
      tpu.vector_store %arg8[%swap3A_474, %swap3A_475], %swap3A_478 {strides = array<i32>} : memref<1600x32xf32, #tpu.memory_space<vmem>>, vector<1x16xf32>,
      %add3A_479 = arith.constant 400 : i32
      %add3A_480 = arith.addi %add3A_479, %scan3A_428 : i32
      %get3A_481 = arith.index_cast %add3A_480 : i32 to index
      %get3A_482 = arith.constant 0 : index
      %get3A_483 = tpu.vector_load %arg8[%get3A_481, %get3A_482] {strides = array<i32>} : memref<1600x32xf32, #tpu.memory_space<vmem>>, vector<1x16xf32>,
      %get3A_484 = vector.shape_cast %get3A_483 : vector<1x16xf32> to vector<16xf32>
      %add3A_485 = arith.addf %get3A_484, %get3A_431 : vector<16xf32>
      %swap3A_486 = arith.index_cast %add3A_480 : i32 to index
      %swap3A_487 = arith.constant 0 : index
      %swap3A_488 = tpu.vector_load %arg8[%swap3A_486, %swap3A_487] {strides = array<i32>} : memref<1600x32xf32, #tpu.memory_space<vmem>>, vector<1x16xf32>,
      %swap3A_489 = vector.shape_cast %swap3A_488 : vector<1x16xf32> to vector<16xf32>
      %swap3A_490 = vector.shape_cast %add3A_485 : vector<16xf32> to vector<1x16xf32>
      tpu.vector_store %arg8[%swap3A_486, %swap3A_487], %swap3A_490 {strides = array<i32>} : memref<1600x32xf32, #tpu.memory_space<vmem>>, vector<1x16xf32>,
      %get3A_491 = arith.index_cast %add3A_480 : i32 to index
      %get3A_492 = arith.constant 16 : index
      %get3A_493 = tpu.vector_load %arg8[%get3A_491, %get3A_492] {strides = array<i32>} : memref<1600x32xf32, #tpu.memory_space<vmem>>, vector<1x16xf32>,
      %get3A_494 = vector.shape_cast %get3A_493 : vector<1x16xf32> to vector<16xf32>
      %add3A_495 = arith.addf %get3A_494, %get3A_435 : vector<16xf32>
      %swap3A_496 = arith.index_cast %add3A_480 : i32 to index
      %swap3A_497 = arith.constant 16 : index
      %swap3A_498 = tpu.vector_load %arg8[%swap3A_496, %swap3A_497] {strides = array<i32>} : memref<1600x32xf32, #tpu.memory_space<vmem>>, vector<1x16xf32>,
      %swap3A_499 = vector.shape_cast %swap3A_498 : vector<1x16xf32> to vector<16xf32>
      %swap3A_500 = vector.shape_cast %add3A_495 : vector<16xf32> to vector<1x16xf32>
      tpu.vector_store %arg8[%swap3A_496, %swap3A_497], %swap3A_500 {strides = array<i32>} : memref<1600x32xf32, #tpu.memory_space<vmem>>, vector<1x16xf32>,
      %add3A_501 = arith.constant 600 : i32
      %add3A_502 = arith.addi %add3A_501, %scan3A_428 : i32
      %get3A_503 = arith.index_cast %add3A_502 : i32 to index
      %get3A_504 = arith.constant 0 : index
      %get3A_505 = tpu.vector_load %arg8[%get3A_503, %get3A_504] {strides = array<i32>} : memref<1600x32xf32, #tpu.memory_space<vmem>>, vector<1x16xf32>,
      %get3A_506 = vector.shape_cast %get3A_505 : vector<1x16xf32> to vector<16xf32>
      %add3A_507 = arith.addf %get3A_506, %get3A_431 : vector<16xf32>
      %swap3A_508 = arith.index_cast %add3A_502 : i32 to index
      %swap3A_509 = arith.constant 0 : index
      %swap3A_510 = tpu.vector_load %arg8[%swap3A_508, %swap3A_509] {strides = array<i32>} : memref<1600x32xf32, #tpu.memory_space<vmem>>, vector<1x16xf32>,
      %swap3A_511 = vector.shape_cast %swap3A_510 : vector<1x16xf32> to vector<16xf32>
      %swap3A_512 = vector.shape_cast %add3A_507 : vector<16xf32> to vector<1x16xf32>
      tpu.vector_store %arg8[%swap3A_508, %swap3A_509], %swap3A_512 {strides = array<i32>} : memref<1600x32xf32, #tpu.memory_space<vmem>>, vector<1x16xf32>,
      %get3A_513 = arith.index_cast %add3A_502 : i32 to index
      %get3A_514 = arith.constant 16 : index
      %get3A_515 = tpu.vector_load %arg8[%get3A_513, %get3A_514] {strides = array<i32>} : memref<1600x32xf32, #tpu.memory_space<vmem>>, vector<1x16xf32>,
      %get3A_516 = vector.shape_cast %get3A_515 : vector<1x16xf32> to vector<16xf32>
      %add3A_517 = arith.addf %get3A_516, %get3A_435 : vector<16xf32>
      %swap3A_518 = arith.index_cast %add3A_502 : i32 to index
      %swap3A_519 = arith.constant 16 : index
      %swap3A_520 = tpu.vector_load %arg8[%swap3A_518, %swap3A_519] {strides = array<i32>} : memref<1600x32xf32, #tpu.memory_space<vmem>>, vector<1x16xf32>,
      %swap3A_521 = vector.shape_cast %swap3A_520 : vector<1x16xf32> to vector<16xf32>
      %swap3A_522 = vector.shape_cast %add3A_517 : vector<16xf32> to vector<1x16xf32>
      tpu.vector_store %arg8[%swap3A_518, %swap3A_519], %swap3A_522 {strides = array<i32>} : memref<1600x32xf32, #tpu.memory_space<vmem>>, vector<1x16xf32>,
      %add3A_523 = arith.constant 800 : i32
      %add3A_524 = arith.addi %add3A_523, %scan3A_428 : i32
      %get3A_525 = arith.index_cast %add3A_524 : i32 to index
      %get3A_526 = arith.constant 0 : index
      %get3A_527 = tpu.vector_load %arg8[%get3A_525, %get3A_526] {strides = array<i32>} : memref<1600x32xf32, #tpu.memory_space<vmem>>, vector<1x16xf32>,
      %get3A_528 = vector.shape_cast %get3A_527 : vector<1x16xf32> to vector<16xf32>
      %add3A_529 = arith.addf %get3A_528, %get3A_431 : vector<16xf32>
      %swap3A_530 = arith.index_cast %add3A_524 : i32 to index
      %swap3A_531 = arith.constant 0 : index
      %swap3A_532 = tpu.vector_load %arg8[%swap3A_530, %swap3A_531] {strides = array<i32>} : memref<1600x32xf32, #tpu.memory_space<vmem>>, vector<1x16xf32>,
      %swap3A_533 = vector.shape_cast %swap3A_532 : vector<1x16xf32> to vector<16xf32>
      %swap3A_534 = vector.shape_cast %add3A_529 : vector<16xf32> to vector<1x16xf32>
      tpu.vector_store %arg8[%swap3A_530, %swap3A_531], %swap3A_534 {strides = array<i32>} : memref<1600x32xf32, #tpu.memory_space<vmem>>, vector<1x16xf32>,
      %get3A_535 = arith.index_cast %add3A_524 : i32 to index
      %get3A_536 = arith.constant 16 : index
      %get3A_537 = tpu.vector_load %arg8[%get3A_535, %get3A_536] {strides = array<i32>} : memref<1600x32xf32, #tpu.memory_space<vmem>>, vector<1x16xf32>,
      %get3A_538 = vector.shape_cast %get3A_537 : vector<1x16xf32> to vector<16xf32>
      %add3A_539 = arith.addf %get3A_538, %get3A_435 : vector<16xf32>
      %swap3A_540 = arith.index_cast %add3A_524 : i32 to index
      %swap3A_541 = arith.constant 16 : index
      %swap3A_542 = tpu.vector_load %arg8[%swap3A_540, %swap3A_541] {strides = array<i32>} : memref<1600x32xf32, #tpu.memory_space<vmem>>, vector<1x16xf32>,
      %swap3A_543 = vector.shape_cast %swap3A_542 : vector<1x16xf32> to vector<16xf32>
      %swap3A_544 = vector.shape_cast %add3A_539 : vector<16xf32> to vector<1x16xf32>
      tpu.vector_store %arg8[%swap3A_540, %swap3A_541], %swap3A_544 {strides = array<i32>} : memref<1600x32xf32, #tpu.memory_space<vmem>>, vector<1x16xf32>,
      %add3A_545 = arith.constant 1000 : i32
      %add3A_546 = arith.addi %add3A_545, %scan3A_428 : i32
      %get3A_547 = arith.index_cast %add3A_546 : i32 to index
      %get3A_548 = arith.constant 0 : index
      %get3A_549 = tpu.vector_load %arg8[%get3A_547, %get3A_548] {strides = array<i32>} : memref<1600x32xf32, #tpu.memory_space<vmem>>, vector<1x16xf32>,
      %get3A_550 = vector.shape_cast %get3A_549 : vector<1x16xf32> to vector<16xf32>
      %add3A_551 = arith.addf %get3A_550, %get3A_431 : vector<16xf32>
      %swap3A_552 = arith.index_cast %add3A_546 : i32 to index
      %swap3A_553 = arith.constant 0 : index
      %swap3A_554 = tpu.vector_load %arg8[%swap3A_552, %swap3A_553] {strides = array<i32>} : memref<1600x32xf32, #tpu.memory_space<vmem>>, vector<1x16xf32>,
      %swap3A_555 = vector.shape_cast %swap3A_554 : vector<1x16xf32> to vector<16xf32>
      %swap3A_556 = vector.shape_cast %add3A_551 : vector<16xf32> to vector<1x16xf32>
      tpu.vector_store %arg8[%swap3A_552, %swap3A_553], %swap3A_556 {strides = array<i32>} : memref<1600x32xf32, #tpu.memory_space<vmem>>, vector<1x16xf32>,
      %get3A_557 = arith.index_cast %add3A_546 : i32 to index
      %get3A_558 = arith.constant 16 : index
      %get3A_559 = tpu.vector_load %arg8[%get3A_557, %get3A_558] {strides = array<i32>} : memref<1600x32xf32, #tpu.memory_space<vmem>>, vector<1x16xf32>,
      %get3A_560 = vector.shape_cast %get3A_559 : vector<1x16xf32> to vector<16xf32>
      %add3A_561 = arith.addf %get3A_560, %get3A_435 : vector<16xf32>
      %swap3A_562 = arith.index_cast %add3A_546 : i32 to index
      %swap3A_563 = arith.constant 16 : index
      %swap3A_564 = tpu.vector_load %arg8[%swap3A_562, %swap3A_563] {strides = array<i32>} : memref<1600x32xf32, #tpu.memory_space<vmem>>, vector<1x16xf32>,
      %swap3A_565 = vector.shape_cast %swap3A_564 : vector<1x16xf32> to vector<16xf32>
      %swap3A_566 = vector.shape_cast %add3A_561 : vector<16xf32> to vector<1x16xf32>
      tpu.vector_store %arg8[%swap3A_562, %swap3A_563], %swap3A_566 {strides = array<i32>} : memref<1600x32xf32, #tpu.memory_space<vmem>>, vector<1x16xf32>,
      %add3A_567 = arith.constant 1200 : i32
      %add3A_568 = arith.addi %add3A_567, %scan3A_428 : i32
      %get3A_569 = arith.index_cast %add3A_568 : i32 to index
      %get3A_570 = arith.constant 0 : index
      %get3A_571 = tpu.vector_load %arg8[%get3A_569, %get3A_570] {strides = array<i32>} : memref<1600x32xf32, #tpu.memory_space<vmem>>, vector<1x16xf32>,
      %get3A_572 = vector.shape_cast %get3A_571 : vector<1x16xf32> to vector<16xf32>
      %add3A_573 = arith.addf %get3A_572, %get3A_431 : vector<16xf32>
      %swap3A_574 = arith.index_cast %add3A_568 : i32 to index
      %swap3A_575 = arith.constant 0 : index
      %swap3A_576 = tpu.vector_load %arg8[%swap3A_574, %swap3A_575] {strides = array<i32>} : memref<1600x32xf32, #tpu.memory_space<vmem>>, vector<1x16xf32>,
      %swap3A_577 = vector.shape_cast %swap3A_576 : vector<1x16xf32> to vector<16xf32>
      %swap3A_578 = vector.shape_cast %add3A_573 : vector<16xf32> to vector<1x16xf32>
      tpu.vector_store %arg8[%swap3A_574, %swap3A_575], %swap3A_578 {strides = array<i32>} : memref<1600x32xf32, #tpu.memory_space<vmem>>, vector<1x16xf32>,
      %get3A_579 = arith.index_cast %add3A_568 : i32 to index
      %get3A_580 = arith.constant 16 : index
      %get3A_581 = tpu.vector_load %arg8[%get3A_579, %get3A_580] {strides = array<i32>} : memref<1600x32xf32, #tpu.memory_space<vmem>>, vector<1x16xf32>,
      %get3A_582 = vector.shape_cast %get3A_581 : vector<1x16xf32> to vector<16xf32>
      %add3A_583 = arith.addf %get3A_582, %get3A_435 : vector<16xf32>
      %swap3A_584 = arith.index_cast %add3A_568 : i32 to index
      %swap3A_585 = arith.constant 16 : index
      %swap3A_586 = tpu.vector_load %arg8[%swap3A_584, %swap3A_585] {strides = array<i32>} : memref<1600x32xf32, #tpu.memory_space<vmem>>, vector<1x16xf32>,
      %swap3A_587 = vector.shape_cast %swap3A_586 : vector<1x16xf32> to vector<16xf32>
      %swap3A_588 = vector.shape_cast %add3A_583 : vector<16xf32> to vector<1x16xf32>
      tpu.vector_store %arg8[%swap3A_584, %swap3A_585], %swap3A_588 {strides = array<i32>} : memref<1600x32xf32, #tpu.memory_space<vmem>>, vector<1x16xf32>,
      %add3A_589 = arith.constant 1400 : i32
      %add3A_590 = arith.addi %add3A_589, %scan3A_428 : i32
      %get3A_591 = arith.index_cast %add3A_590 : i32 to index
      %get3A_592 = arith.constant 0 : index
      %get3A_593 = tpu.vector_load %arg8[%get3A_591, %get3A_592] {strides = array<i32>} : memref<1600x32xf32, #tpu.memory_space<vmem>>, vector<1x16xf32>,
      %get3A_594 = vector.shape_cast %get3A_593 : vector<1x16xf32> to vector<16xf32>
      %add3A_595 = arith.addf %get3A_594, %get3A_431 : vector<16xf32>
      %swap3A_596 = arith.index_cast %add3A_590 : i32 to index
      %swap3A_597 = arith.constant 0 : index
      %swap3A_598 = tpu.vector_load %arg8[%swap3A_596, %swap3A_597] {strides = array<i32>} : memref<1600x32xf32, #tpu.memory_space<vmem>>, vector<1x16xf32>,
      %swap3A_599 = vector.shape_cast %swap3A_598 : vector<1x16xf32> to vector<16xf32>
      %swap3A_600 = vector.shape_cast %add3A_595 : vector<16xf32> to vector<1x16xf32>
      tpu.vector_store %arg8[%swap3A_596, %swap3A_597], %swap3A_600 {strides = array<i32>} : memref<1600x32xf32, #tpu.memory_space<vmem>>, vector<1x16xf32>,
      %get3A_601 = arith.index_cast %add3A_590 : i32 to index
      %get3A_602 = arith.constant 16 : index
      %get3A_603 = tpu.vector_load %arg8[%get3A_601, %get3A_602] {strides = array<i32>} : memref<1600x32xf32, #tpu.memory_space<vmem>>, vector<1x16xf32>,
      %get3A_604 = vector.shape_cast %get3A_603 : vector<1x16xf32> to vector<16xf32>
      %add3A_605 = arith.addf %get3A_604, %get3A_435 : vector<16xf32>
      %swap3A_606 = arith.index_cast %add3A_590 : i32 to index
      %swap3A_607 = arith.constant 16 : index
      %swap3A_608 = tpu.vector_load %arg8[%swap3A_606, %swap3A_607] {strides = array<i32>} : memref<1600x32xf32, #tpu.memory_space<vmem>>, vector<1x16xf32>,
      %swap3A_609 = vector.shape_cast %swap3A_608 : vector<1x16xf32> to vector<16xf32>
      %swap3A_610 = vector.shape_cast %add3A_605 : vector<16xf32> to vector<1x16xf32>
      tpu.vector_store %arg8[%swap3A_606, %swap3A_607], %swap3A_610 {strides = array<i32>} : memref<1600x32xf32, #tpu.memory_space<vmem>>, vector<1x16xf32>,
    }
    %scan3A_25 = arith.constant 200 : i32
    %add3A_26 = arith.constant 0 : i32
    %add3A_27 = arith.addi %mul3A_2, %add3A_26 : i32
    %dma_start3A_28 = arith.constant 0 : i32
    %dma_start3A_29 = tpu.memref_slice %arg5[%add3A_27, %dma_start3A_28] : memref<819200x32xf32, #tpu.memory_space<hbm>> -> memref<1600x32xf32, #tpu.memory_space<hbm>>
    %dma_start3A_30 = arith.constant 0 : i32
    %dma_start3A_31 = tpu.memref_slice %arg5[%add3A_27, %dma_start3A_30] : memref<819200x32xf32, #tpu.memory_space<hbm>> -> memref<1600x32xf32, #tpu.memory_space<hbm>>
    tpu.enqueue_dma source(%arg8 : memref<1600x32xf32, #tpu.memory_space<vmem>>) target(%dma_start3A_31 : memref<1600x32xf32, #tpu.memory_space<hbm>>) target_semaphore(%arg15 : memref<!tpu.dma_semaphore, #tpu.memory_space<semaphore_mem>>)
    %dma_wait3A_32 = tpu.memref_slice %arg2[%add3A_19] : memref<819200xi32, #tpu.memory_space<hbm>> -> memref<1600xi32, #tpu.memory_space<hbm>>
    %dma_wait3A_33 = tpu.memref_slice %arg2[%add3A_19] : memref<819200xi32, #tpu.memory_space<hbm>> -> memref<1600xi32, #tpu.memory_space<hbm>>
    tpu.wait_dma2 semaphore(%arg11 : memref<!tpu.dma_semaphore, #tpu.memory_space<semaphore_mem>>) src(%dma_wait3A_33 : memref<1600xi32, #tpu.memory_space<hbm>>) dst(%arg6 : memref<1600xi32, #tpu.memory_space<vmem>>)
    %dma_wait3A_34 = arith.constant 0 : i32
    %dma_wait3A_35 = tpu.memref_slice %arg5[%add3A_27, %dma_wait3A_34] : memref<819200x32xf32, #tpu.memory_space<hbm>> -> memref<1600x32xf32, #tpu.memory_space<hbm>>
    %dma_wait3A_36 = arith.constant 0 : i32
    %dma_wait3A_37 = tpu.memref_slice %arg5[%add3A_27, %dma_wait3A_36] : memref<819200x32xf32, #tpu.memory_space<hbm>> -> memref<1600x32xf32, #tpu.memory_space<hbm>>
    tpu.wait_dma2 semaphore(%arg15 : memref<!tpu.dma_semaphore, #tpu.memory_space<semaphore_mem>>) src(%arg8 : memref<1600x32xf32, #tpu.memory_space<vmem>>) dst(%dma_wait3A_37 : memref<1600x32xf32, #tpu.memory_space<hbm>>)
    %dma_start3A_38 = arith.constant 0 : i32
    %dma_start3A_39 = arith.constant 0 : i32
    %dma_start3A_40 = tpu.memref_slice %arg3[%dma_start3A_38, %dma_start3A_39] : memref<1000000x32xf32, #tpu.memory_space<hbm>> -> memref<1000000x32xf32, #tpu.memory_space<hbm>>
    tpu.enqueue_indirect_dma source(%dma_start3A_40 : memref<1000000x32xf32, #tpu.memory_space<hbm>>) target(%arg8 : memref<1600x32xf32, #tpu.memory_space<vmem>>) offsets(%arg6 : memref<1600xi32, #tpu.memory_space<vmem>>) semaphore(%arg13 : memref<!tpu.dma_semaphore, #tpu.memory_space<semaphore_mem>>)
    %dma_wait3A_41 = arith.constant 0 : i32
    %dma_wait3A_42 = arith.constant 0 : i32
    %dma_wait3A_43 = tpu.memref_slice %arg3[%dma_wait3A_41, %dma_wait3A_42] : memref<1000000x32xf32, #tpu.memory_space<hbm>> -> memref<1000000x32xf32, #tpu.memory_space<hbm>>
    tpu.wait_indirect_dma semaphore(%arg14 : memref<!tpu.dma_semaphore, #tpu.memory_space<semaphore_mem>>) src(%dma_wait3A_43 : memref<1000000x32xf32, #tpu.memory_space<hbm>>) dst(%arg9 : memref<1600x32xf32, #tpu.memory_space<vmem>>)
    %add3A_44 = arith.constant 4800 : i32
    %add3A_45 = arith.addi %mul3A_2, %add3A_44 : i32
    %dma_start3A_46 = tpu.memref_slice %arg2[%add3A_45] : memref<819200xi32, #tpu.memory_space<hbm>> -> memref<1600xi32, #tpu.memory_space<hbm>>
    %dma_start3A_47 = tpu.memref_slice %arg2[%add3A_45] : memref<819200xi32, #tpu.memory_space<hbm>> -> memref<1600xi32, #tpu.memory_space<hbm>>
    tpu.enqueue_dma source(%dma_start3A_47 : memref<1600xi32, #tpu.memory_space<hbm>>) target(%arg7 : memref<1600xi32, #tpu.memory_space<vmem>>) target_semaphore(%arg12 : memref<!tpu.dma_semaphore, #tpu.memory_space<semaphore_mem>>)
    %scan3A_48 = arith.constant 0 : i32
    %scan3A_49 = arith.constant 200 : i32
    %scan3A_50 = arith.addi %scan3A_48, %scan3A_49 : i32
    %scan3A_51 = arith.constant 1 : i32
    scf.for %scan3A_428 = %scan3A_48 to %scan3A_50 step %scan3A_51  : i32 {
      %get3A = arith.index_cast %scan3A_428 : i32 to index
      %get3A_429 = arith.constant 0 : index
      %get3A_430 = tpu.vector_load %arg10[%get3A, %get3A_429] {strides = array<i32>} : memref<200x32xf32, #tpu.memory_space<vmem>>, vector<1x16xf32>,
      %get3A_431 = vector.shape_cast %get3A_430 : vector<1x16xf32> to vector<16xf32>
      %get3A_432 = arith.index_cast %scan3A_428 : i32 to index
      %get3A_433 = arith.constant 16 : index
      %get3A_434 = tpu.vector_load %arg10[%get3A_432, %get3A_433] {strides = array<i32>} : memref<200x32xf32, #tpu.memory_space<vmem>>, vector<1x16xf32>,
      %get3A_435 = vector.shape_cast %get3A_434 : vector<1x16xf32> to vector<16xf32>
      %add3A_436 = arith.constant 0 : i32
      %add3A_437 = arith.addi %add3A_436, %scan3A_428 : i32
      %get3A_438 = arith.index_cast %add3A_437 : i32 to index
      %get3A_439 = arith.constant 0 : index
      %get3A_440 = tpu.vector_load %arg9[%get3A_438, %get3A_439] {strides = array<i32>} : memref<1600x32xf32, #tpu.memory_space<vmem>>, vector<1x16xf32>,
      %get3A_441 = vector.shape_cast %get3A_440 : vector<1x16xf32> to vector<16xf32>
      %add3A_442 = arith.addf %get3A_441, %get3A_431 : vector<16xf32>
      %swap3A = arith.index_cast %add3A_437 : i32 to index
      %swap3A_443 = arith.constant 0 : index
      %swap3A_444 = tpu.vector_load %arg9[%swap3A, %swap3A_443] {strides = array<i32>} : memref<1600x32xf32, #tpu.memory_space<vmem>>, vector<1x16xf32>,
      %swap3A_445 = vector.shape_cast %swap3A_444 : vector<1x16xf32> to vector<16xf32>
      %swap3A_446 = vector.shape_cast %add3A_442 : vector<16xf32> to vector<1x16xf32>
      tpu.vector_store %arg9[%swap3A, %swap3A_443], %swap3A_446 {strides = array<i32>} : memref<1600x32xf32, #tpu.memory_space<vmem>>, vector<1x16xf32>,
      %get3A_447 = arith.index_cast %add3A_437 : i32 to index
      %get3A_448 = arith.constant 16 : index
      %get3A_449 = tpu.vector_load %arg9[%get3A_447, %get3A_448] {strides = array<i32>} : memref<1600x32xf32, #tpu.memory_space<vmem>>, vector<1x16xf32>,
      %get3A_450 = vector.shape_cast %get3A_449 : vector<1x16xf32> to vector<16xf32>
      %add3A_451 = arith.addf %get3A_450, %get3A_435 : vector<16xf32>
      %swap3A_452 = arith.index_cast %add3A_437 : i32 to index
      %swap3A_453 = arith.constant 16 : index
      %swap3A_454 = tpu.vector_load %arg9[%swap3A_452, %swap3A_453] {strides = array<i32>} : memref<1600x32xf32, #tpu.memory_space<vmem>>, vector<1x16xf32>,
      %swap3A_455 = vector.shape_cast %swap3A_454 : vector<1x16xf32> to vector<16xf32>
      %swap3A_456 = vector.shape_cast %add3A_451 : vector<16xf32> to vector<1x16xf32>
      tpu.vector_store %arg9[%swap3A_452, %swap3A_453], %swap3A_456 {strides = array<i32>} : memref<1600x32xf32, #tpu.memory_space<vmem>>, vector<1x16xf32>,
      %add3A_457 = arith.constant 200 : i32
      %add3A_458 = arith.addi %add3A_457, %scan3A_428 : i32
      %get3A_459 = arith.index_cast %add3A_458 : i32 to index
      %get3A_460 = arith.constant 0 : index
      %get3A_461 = tpu.vector_load %arg9[%get3A_459, %get3A_460] {strides = array<i32>} : memref<1600x32xf32, #tpu.memory_space<vmem>>, vector<1x16xf32>,
      %get3A_462 = vector.shape_cast %get3A_461 : vector<1x16xf32> to vector<16xf32>
      %add3A_463 = arith.addf %get3A_462, %get3A_431 : vector<16xf32>
      %swap3A_464 = arith.index_cast %add3A_458 : i32 to index
      %swap3A_465 = arith.constant 0 : index
      %swap3A_466 = tpu.vector_load %arg9[%swap3A_464, %swap3A_465] {strides = array<i32>} : memref<1600x32xf32, #tpu.memory_space<vmem>>, vector<1x16xf32>,
      %swap3A_467 = vector.shape_cast %swap3A_466 : vector<1x16xf32> to vector<16xf32>
      %swap3A_468 = vector.shape_cast %add3A_463 : vector<16xf32> to vector<1x16xf32>
      tpu.vector_store %arg9[%swap3A_464, %swap3A_465], %swap3A_468 {strides = array<i32>} : memref<1600x32xf32, #tpu.memory_space<vmem>>, vector<1x16xf32>,
      %get3A_469 = arith.index_cast %add3A_458 : i32 to index
      %get3A_470 = arith.constant 16 : index
      %get3A_471 = tpu.vector_load %arg9[%get3A_469, %get3A_470] {strides = array<i32>} : memref<1600x32xf32, #tpu.memory_space<vmem>>, vector<1x16xf32>,
      %get3A_472 = vector.shape_cast %get3A_471 : vector<1x16xf32> to vector<16xf32>
      %add3A_473 = arith.addf %get3A_472, %get3A_435 : vector<16xf32>
      %swap3A_474 = arith.index_cast %add3A_458 : i32 to index
      %swap3A_475 = arith.constant 16 : index
      %swap3A_476 = tpu.vector_load %arg9[%swap3A_474, %swap3A_475] {strides = array<i32>} : memref<1600x32xf32, #tpu.memory_space<vmem>>, vector<1x16xf32>,
      %swap3A_477 = vector.shape_cast %swap3A_476 : vector<1x16xf32> to vector<16xf32>
      %swap3A_478 = vector.shape_cast %add3A_473 : vector<16xf32> to vector<1x16xf32>
      tpu.vector_store %arg9[%swap3A_474, %swap3A_475], %swap3A_478 {strides = array<i32>} : memref<1600x32xf32, #tpu.memory_space<vmem>>, vector<1x16xf32>,
      %add3A_479 = arith.constant 400 : i32
      %add3A_480 = arith.addi %add3A_479, %scan3A_428 : i32
      %get3A_481 = arith.index_cast %add3A_480 : i32 to index
      %get3A_482 = arith.constant 0 : index
      %get3A_483 = tpu.vector_load %arg9[%get3A_481, %get3A_482] {strides = array<i32>} : memref<1600x32xf32, #tpu.memory_space<vmem>>, vector<1x16xf32>,
      %get3A_484 = vector.shape_cast %get3A_483 : vector<1x16xf32> to vector<16xf32>
      %add3A_485 = arith.addf %get3A_484, %get3A_431 : vector<16xf32>
      %swap3A_486 = arith.index_cast %add3A_480 : i32 to index
      %swap3A_487 = arith.constant 0 : index
      %swap3A_488 = tpu.vector_load %arg9[%swap3A_486, %swap3A_487] {strides = array<i32>} : memref<1600x32xf32, #tpu.memory_space<vmem>>, vector<1x16xf32>,
      %swap3A_489 = vector.shape_cast %swap3A_488 : vector<1x16xf32> to vector<16xf32>
      %swap3A_490 = vector.shape_cast %add3A_485 : vector<16xf32> to vector<1x16xf32>
      tpu.vector_store %arg9[%swap3A_486, %swap3A_487], %swap3A_490 {strides = array<i32>} : memref<1600x32xf32, #tpu.memory_space<vmem>>, vector<1x16xf32>,
      %get3A_491 = arith.index_cast %add3A_480 : i32 to index
      %get3A_492 = arith.constant 16 : index
      %get3A_493 = tpu.vector_load %arg9[%get3A_491, %get3A_492] {strides = array<i32>} : memref<1600x32xf32, #tpu.memory_space<vmem>>, vector<1x16xf32>,
      %get3A_494 = vector.shape_cast %get3A_493 : vector<1x16xf32> to vector<16xf32>
      %add3A_495 = arith.addf %get3A_494, %get3A_435 : vector<16xf32>
      %swap3A_496 = arith.index_cast %add3A_480 : i32 to index
      %swap3A_497 = arith.constant 16 : index
      %swap3A_498 = tpu.vector_load %arg9[%swap3A_496, %swap3A_497] {strides = array<i32>} : memref<1600x32xf32, #tpu.memory_space<vmem>>, vector<1x16xf32>,
      %swap3A_499 = vector.shape_cast %swap3A_498 : vector<1x16xf32> to vector<16xf32>
      %swap3A_500 = vector.shape_cast %add3A_495 : vector<16xf32> to vector<1x16xf32>
      tpu.vector_store %arg9[%swap3A_496, %swap3A_497], %swap3A_500 {strides = array<i32>} : memref<1600x32xf32, #tpu.memory_space<vmem>>, vector<1x16xf32>,
      %add3A_501 = arith.constant 600 : i32
      %add3A_502 = arith.addi %add3A_501, %scan3A_428 : i32
      %get3A_503 = arith.index_cast %add3A_502 : i32 to index
      %get3A_504 = arith.constant 0 : index
      %get3A_505 = tpu.vector_load %arg9[%get3A_503, %get3A_504] {strides = array<i32>} : memref<1600x32xf32, #tpu.memory_space<vmem>>, vector<1x16xf32>,
      %get3A_506 = vector.shape_cast %get3A_505 : vector<1x16xf32> to vector<16xf32>
      %add3A_507 = arith.addf %get3A_506, %get3A_431 : vector<16xf32>
      %swap3A_508 = arith.index_cast %add3A_502 : i32 to index
      %swap3A_509 = arith.constant 0 : index
      %swap3A_510 = tpu.vector_load %arg9[%swap3A_508, %swap3A_509] {strides = array<i32>} : memref<1600x32xf32, #tpu.memory_space<vmem>>, vector<1x16xf32>,
      %swap3A_511 = vector.shape_cast %swap3A_510 : vector<1x16xf32> to vector<16xf32>
      %swap3A_512 = vector.shape_cast %add3A_507 : vector<16xf32> to vector<1x16xf32>
      tpu.vector_store %arg9[%swap3A_508, %swap3A_509], %swap3A_512 {strides = array<i32>} : memref<1600x32xf32, #tpu.memory_space<vmem>>, vector<1x16xf32>,
      %get3A_513 = arith.index_cast %add3A_502 : i32 to index
      %get3A_514 = arith.constant 16 : index
      %get3A_515 = tpu.vector_load %arg9[%get3A_513, %get3A_514] {strides = array<i32>} : memref<1600x32xf32, #tpu.memory_space<vmem>>, vector<1x16xf32>,
      %get3A_516 = vector.shape_cast %get3A_515 : vector<1x16xf32> to vector<16xf32>
      %add3A_517 = arith.addf %get3A_516, %get3A_435 : vector<16xf32>
      %swap3A_518 = arith.index_cast %add3A_502 : i32 to index
      %swap3A_519 = arith.constant 16 : index
      %swap3A_520 = tpu.vector_load %arg9[%swap3A_518, %swap3A_519] {strides = array<i32>} : memref<1600x32xf32, #tpu.memory_space<vmem>>, vector<1x16xf32>,
      %swap3A_521 = vector.shape_cast %swap3A_520 : vector<1x16xf32> to vector<16xf32>
      %swap3A_522 = vector.shape_cast %add3A_517 : vector<16xf32> to vector<1x16xf32>
      tpu.vector_store %arg9[%swap3A_518, %swap3A_519], %swap3A_522 {strides = array<i32>} : memref<1600x32xf32, #tpu.memory_space<vmem>>, vector<1x16xf32>,
      %add3A_523 = arith.constant 800 : i32
      %add3A_524 = arith.addi %add3A_523, %scan3A_428 : i32
      %get3A_525 = arith.index_cast %add3A_524 : i32 to index
      %get3A_526 = arith.constant 0 : index
      %get3A_527 = tpu.vector_load %arg9[%get3A_525, %get3A_526] {strides = array<i32>} : memref<1600x32xf32, #tpu.memory_space<vmem>>, vector<1x16xf32>,
      %get3A_528 = vector.shape_cast %get3A_527 : vector<1x16xf32> to vector<16xf32>
      %add3A_529 = arith.addf %get3A_528, %get3A_431 : vector<16xf32>
      %swap3A_530 = arith.index_cast %add3A_524 : i32 to index
      %swap3A_531 = arith.constant 0 : index
      %swap3A_532 = tpu.vector_load %arg9[%swap3A_530, %swap3A_531] {strides = array<i32>} : memref<1600x32xf32, #tpu.memory_space<vmem>>, vector<1x16xf32>,
      %swap3A_533 = vector.shape_cast %swap3A_532 : vector<1x16xf32> to vector<16xf32>
      %swap3A_534 = vector.shape_cast %add3A_529 : vector<16xf32> to vector<1x16xf32>
      tpu.vector_store %arg9[%swap3A_530, %swap3A_531], %swap3A_534 {strides = array<i32>} : memref<1600x32xf32, #tpu.memory_space<vmem>>, vector<1x16xf32>,
      %get3A_535 = arith.index_cast %add3A_524 : i32 to index
      %get3A_536 = arith.constant 16 : index
      %get3A_537 = tpu.vector_load %arg9[%get3A_535, %get3A_536] {strides = array<i32>} : memref<1600x32xf32, #tpu.memory_space<vmem>>, vector<1x16xf32>,
      %get3A_538 = vector.shape_cast %get3A_537 : vector<1x16xf32> to vector<16xf32>
      %add3A_539 = arith.addf %get3A_538, %get3A_435 : vector<16xf32>
      %swap3A_540 = arith.index_cast %add3A_524 : i32 to index
      %swap3A_541 = arith.constant 16 : index
      %swap3A_542 = tpu.vector_load %arg9[%swap3A_540, %swap3A_541] {strides = array<i32>} : memref<1600x32xf32, #tpu.memory_space<vmem>>, vector<1x16xf32>,
      %swap3A_543 = vector.shape_cast %swap3A_542 : vector<1x16xf32> to vector<16xf32>
      %swap3A_544 = vector.shape_cast %add3A_539 : vector<16xf32> to vector<1x16xf32>
      tpu.vector_store %arg9[%swap3A_540, %swap3A_541], %swap3A_544 {strides = array<i32>} : memref<1600x32xf32, #tpu.memory_space<vmem>>, vector<1x16xf32>,
      %add3A_545 = arith.constant 1000 : i32
      %add3A_546 = arith.addi %add3A_545, %scan3A_428 : i32
      %get3A_547 = arith.index_cast %add3A_546 : i32 to index
      %get3A_548 = arith.constant 0 : index
      %get3A_549 = tpu.vector_load %arg9[%get3A_547, %get3A_548] {strides = array<i32>} : memref<1600x32xf32, #tpu.memory_space<vmem>>, vector<1x16xf32>,
      %get3A_550 = vector.shape_cast %get3A_549 : vector<1x16xf32> to vector<16xf32>
      %add3A_551 = arith.addf %get3A_550, %get3A_431 : vector<16xf32>
      %swap3A_552 = arith.index_cast %add3A_546 : i32 to index
      %swap3A_553 = arith.constant 0 : index
      %swap3A_554 = tpu.vector_load %arg9[%swap3A_552, %swap3A_553] {strides = array<i32>} : memref<1600x32xf32, #tpu.memory_space<vmem>>, vector<1x16xf32>,
      %swap3A_555 = vector.shape_cast %swap3A_554 : vector<1x16xf32> to vector<16xf32>
      %swap3A_556 = vector.shape_cast %add3A_551 : vector<16xf32> to vector<1x16xf32>
      tpu.vector_store %arg9[%swap3A_552, %swap3A_553], %swap3A_556 {strides = array<i32>} : memref<1600x32xf32, #tpu.memory_space<vmem>>, vector<1x16xf32>,
      %get3A_557 = arith.index_cast %add3A_546 : i32 to index
      %get3A_558 = arith.constant 16 : index
      %get3A_559 = tpu.vector_load %arg9[%get3A_557, %get3A_558] {strides = array<i32>} : memref<1600x32xf32, #tpu.memory_space<vmem>>, vector<1x16xf32>,
      %get3A_560 = vector.shape_cast %get3A_559 : vector<1x16xf32> to vector<16xf32>
      %add3A_561 = arith.addf %get3A_560, %get3A_435 : vector<16xf32>
      %swap3A_562 = arith.index_cast %add3A_546 : i32 to index
      %swap3A_563 = arith.constant 16 : index
      %swap3A_564 = tpu.vector_load %arg9[%swap3A_562, %swap3A_563] {strides = array<i32>} : memref<1600x32xf32, #tpu.memory_space<vmem>>, vector<1x16xf32>,
      %swap3A_565 = vector.shape_cast %swap3A_564 : vector<1x16xf32> to vector<16xf32>
      %swap3A_566 = vector.shape_cast %add3A_561 : vector<16xf32> to vector<1x16xf32>
      tpu.vector_store %arg9[%swap3A_562, %swap3A_563], %swap3A_566 {strides = array<i32>} : memref<1600x32xf32, #tpu.memory_space<vmem>>, vector<1x16xf32>,
      %add3A_567 = arith.constant 1200 : i32
      %add3A_568 = arith.addi %add3A_567, %scan3A_428 : i32
      %get3A_569 = arith.index_cast %add3A_568 : i32 to index
      %get3A_570 = arith.constant 0 : index
      %get3A_571 = tpu.vector_load %arg9[%get3A_569, %get3A_570] {strides = array<i32>} : memref<1600x32xf32, #tpu.memory_space<vmem>>, vector<1x16xf32>,
      %get3A_572 = vector.shape_cast %get3A_571 : vector<1x16xf32> to vector<16xf32>
      %add3A_573 = arith.addf %get3A_572, %get3A_431 : vector<16xf32>
      %swap3A_574 = arith.index_cast %add3A_568 : i32 to index
      %swap3A_575 = arith.constant 0 : index
      %swap3A_576 = tpu.vector_load %arg9[%swap3A_574, %swap3A_575] {strides = array<i32>} : memref<1600x32xf32, #tpu.memory_space<vmem>>, vector<1x16xf32>,
      %swap3A_577 = vector.shape_cast %swap3A_576 : vector<1x16xf32> to vector<16xf32>
      %swap3A_578 = vector.shape_cast %add3A_573 : vector<16xf32> to vector<1x16xf32>
      tpu.vector_store %arg9[%swap3A_574, %swap3A_575], %swap3A_578 {strides = array<i32>} : memref<1600x32xf32, #tpu.memory_space<vmem>>, vector<1x16xf32>,
      %get3A_579 = arith.index_cast %add3A_568 : i32 to index
      %get3A_580 = arith.constant 16 : index
      %get3A_581 = tpu.vector_load %arg9[%get3A_579, %get3A_580] {strides = array<i32>} : memref<1600x32xf32, #tpu.memory_space<vmem>>, vector<1x16xf32>,
      %get3A_582 = vector.shape_cast %get3A_581 : vector<1x16xf32> to vector<16xf32>
      %add3A_583 = arith.addf %get3A_582, %get3A_435 : vector<16xf32>
      %swap3A_584 = arith.index_cast %add3A_568 : i32 to index
      %swap3A_585 = arith.constant 16 : index
      %swap3A_586 = tpu.vector_load %arg9[%swap3A_584, %swap3A_585] {strides = array<i32>} : memref<1600x32xf32, #tpu.memory_space<vmem>>, vector<1x16xf32>,
      %swap3A_587 = vector.shape_cast %swap3A_586 : vector<1x16xf32> to vector<16xf32>
      %swap3A_588 = vector.shape_cast %add3A_583 : vector<16xf32> to vector<1x16xf32>
      tpu.vector_store %arg9[%swap3A_584, %swap3A_585], %swap3A_588 {strides = array<i32>} : memref<1600x32xf32, #tpu.memory_space<vmem>>, vector<1x16xf32>,
      %add3A_589 = arith.constant 1400 : i32
      %add3A_590 = arith.addi %add3A_589, %scan3A_428 : i32
      %get3A_591 = arith.index_cast %add3A_590 : i32 to index
      %get3A_592 = arith.constant 0 : index
      %get3A_593 = tpu.vector_load %arg9[%get3A_591, %get3A_592] {strides = array<i32>} : memref<1600x32xf32, #tpu.memory_space<vmem>>, vector<1x16xf32>,
      %get3A_594 = vector.shape_cast %get3A_593 : vector<1x16xf32> to vector<16xf32>
      %add3A_595 = arith.addf %get3A_594, %get3A_431 : vector<16xf32>
      %swap3A_596 = arith.index_cast %add3A_590 : i32 to index
      %swap3A_597 = arith.constant 0 : index
      %swap3A_598 = tpu.vector_load %arg9[%swap3A_596, %swap3A_597] {strides = array<i32>} : memref<1600x32xf32, #tpu.memory_space<vmem>>, vector<1x16xf32>,
      %swap3A_599 = vector.shape_cast %swap3A_598 : vector<1x16xf32> to vector<16xf32>
      %swap3A_600 = vector.shape_cast %add3A_595 : vector<16xf32> to vector<1x16xf32>
      tpu.vector_store %arg9[%swap3A_596, %swap3A_597], %swap3A_600 {strides = array<i32>} : memref<1600x32xf32, #tpu.memory_space<vmem>>, vector<1x16xf32>,
      %get3A_601 = arith.index_cast %add3A_590 : i32 to index
      %get3A_602 = arith.constant 16 : index
      %get3A_603 = tpu.vector_load %arg9[%get3A_601, %get3A_602] {strides = array<i32>} : memref<1600x32xf32, #tpu.memory_space<vmem>>, vector<1x16xf32>,
      %get3A_604 = vector.shape_cast %get3A_603 : vector<1x16xf32> to vector<16xf32>
      %add3A_605 = arith.addf %get3A_604, %get3A_435 : vector<16xf32>
      %swap3A_606 = arith.index_cast %add3A_590 : i32 to index
      %swap3A_607 = arith.constant 16 : index
      %swap3A_608 = tpu.vector_load %arg9[%swap3A_606, %swap3A_607] {strides = array<i32>} : memref<1600x32xf32, #tpu.memory_space<vmem>>, vector<1x16xf32>,
      %swap3A_609 = vector.shape_cast %swap3A_608 : vector<1x16xf32> to vector<16xf32>
      %swap3A_610 = vector.shape_cast %add3A_605 : vector<16xf32> to vector<1x16xf32>
      tpu.vector_store %arg9[%swap3A_606, %swap3A_607], %swap3A_610 {strides = array<i32>} : memref<1600x32xf32, #tpu.memory_space<vmem>>, vector<1x16xf32>,
    }
    %scan3A_52 = arith.constant 200 : i32
    %add3A_53 = arith.constant 1600 : i32
    %add3A_54 = arith.addi %mul3A_2, %add3A_53 : i32
    %dma_start3A_55 = arith.constant 0 : i32
    %dma_start3A_56 = tpu.memref_slice %arg5[%add3A_54, %dma_start3A_55] : memref<819200x32xf32, #tpu.memory_space<hbm>> -> memref<1600x32xf32, #tpu.memory_space<hbm>>
    %dma_start3A_57 = arith.constant 0 : i32
    %dma_start3A_58 = tpu.memref_slice %arg5[%add3A_54, %dma_start3A_57] : memref<819200x32xf32, #tpu.memory_space<hbm>> -> memref<1600x32xf32, #tpu.memory_space<hbm>>
    tpu.enqueue_dma source(%arg9 : memref<1600x32xf32, #tpu.memory_space<vmem>>) target(%dma_start3A_58 : memref<1600x32xf32, #tpu.memory_space<hbm>>) target_semaphore(%arg16 : memref<!tpu.dma_semaphore, #tpu.memory_space<semaphore_mem>>)
    %dma_wait3A_59 = tpu.memref_slice %arg2[%add3A_45] : memref<819200xi32, #tpu.memory_space<hbm>> -> memref<1600xi32, #tpu.memory_space<hbm>>
    %dma_wait3A_60 = tpu.memref_slice %arg2[%add3A_45] : memref<819200xi32, #tpu.memory_space<hbm>> -> memref<1600xi32, #tpu.memory_space<hbm>>
    tpu.wait_dma2 semaphore(%arg12 : memref<!tpu.dma_semaphore, #tpu.memory_space<semaphore_mem>>) src(%dma_wait3A_60 : memref<1600xi32, #tpu.memory_space<hbm>>) dst(%arg7 : memref<1600xi32, #tpu.memory_space<vmem>>)
    %dma_wait3A_61 = arith.constant 0 : i32
    %dma_wait3A_62 = tpu.memref_slice %arg5[%add3A_54, %dma_wait3A_61] : memref<819200x32xf32, #tpu.memory_space<hbm>> -> memref<1600x32xf32, #tpu.memory_space<hbm>>
    %dma_wait3A_63 = arith.constant 0 : i32
    %dma_wait3A_64 = tpu.memref_slice %arg5[%add3A_54, %dma_wait3A_63] : memref<819200x32xf32, #tpu.memory_space<hbm>> -> memref<1600x32xf32, #tpu.memory_space<hbm>>
    tpu.wait_dma2 semaphore(%arg16 : memref<!tpu.dma_semaphore, #tpu.memory_space<semaphore_mem>>) src(%arg9 : memref<1600x32xf32, #tpu.memory_space<vmem>>) dst(%dma_wait3A_64 : memref<1600x32xf32, #tpu.memory_space<hbm>>)
    %dma_start3A_65 = arith.constant 0 : i32
    %dma_start3A_66 = arith.constant 0 : i32
    %dma_start3A_67 = tpu.memref_slice %arg3[%dma_start3A_65, %dma_start3A_66] : memref<1000000x32xf32, #tpu.memory_space<hbm>> -> memref<1000000x32xf32, #tpu.memory_space<hbm>>
    tpu.enqueue_indirect_dma source(%dma_start3A_67 : memref<1000000x32xf32, #tpu.memory_space<hbm>>) target(%arg9 : memref<1600x32xf32, #tpu.memory_space<vmem>>) offsets(%arg7 : memref<1600xi32, #tpu.memory_space<vmem>>) semaphore(%arg14 : memref<!tpu.dma_semaphore, #tpu.memory_space<semaphore_mem>>)
    %dma_wait3A_68 = arith.constant 0 : i32
    %dma_wait3A_69 = arith.constant 0 : i32
    %dma_wait3A_70 = tpu.memref_slice %arg3[%dma_wait3A_68, %dma_wait3A_69] : memref<1000000x32xf32, #tpu.memory_space<hbm>> -> memref<1000000x32xf32, #tpu.memory_space<hbm>>
    tpu.wait_indirect_dma semaphore(%arg13 : memref<!tpu.dma_semaphore, #tpu.memory_space<semaphore_mem>>) src(%dma_wait3A_70 : memref<1000000x32xf32, #tpu.memory_space<hbm>>) dst(%arg8 : memref<1600x32xf32, #tpu.memory_space<vmem>>)
    %add3A_71 = arith.constant 6400 : i32
    %add3A_72 = arith.addi %mul3A_2, %add3A_71 : i32
    %dma_start3A_73 = tpu.memref_slice %arg2[%add3A_72] : memref<819200xi32, #tpu.memory_space<hbm>> -> memref<1600xi32, #tpu.memory_space<hbm>>
    %dma_start3A_74 = tpu.memref_slice %arg2[%add3A_72] : memref<819200xi32, #tpu.memory_space<hbm>> -> memref<1600xi32, #tpu.memory_space<hbm>>
    tpu.enqueue_dma source(%dma_start3A_74 : memref<1600xi32, #tpu.memory_space<hbm>>) target(%arg6 : memref<1600xi32, #tpu.memory_space<vmem>>) target_semaphore(%arg11 : memref<!tpu.dma_semaphore, #tpu.memory_space<semaphore_mem>>)
    %scan3A_75 = arith.constant 0 : i32
    %scan3A_76 = arith.constant 200 : i32
    %scan3A_77 = arith.addi %scan3A_75, %scan3A_76 : i32
    %scan3A_78 = arith.constant 1 : i32
    scf.for %scan3A_428 = %scan3A_75 to %scan3A_77 step %scan3A_78  : i32 {
      %get3A = arith.index_cast %scan3A_428 : i32 to index
      %get3A_429 = arith.constant 0 : index
      %get3A_430 = tpu.vector_load %arg10[%get3A, %get3A_429] {strides = array<i32>} : memref<200x32xf32, #tpu.memory_space<vmem>>, vector<1x16xf32>,
      %get3A_431 = vector.shape_cast %get3A_430 : vector<1x16xf32> to vector<16xf32>
      %get3A_432 = arith.index_cast %scan3A_428 : i32 to index
      %get3A_433 = arith.constant 16 : index
      %get3A_434 = tpu.vector_load %arg10[%get3A_432, %get3A_433] {strides = array<i32>} : memref<200x32xf32, #tpu.memory_space<vmem>>, vector<1x16xf32>,
      %get3A_435 = vector.shape_cast %get3A_434 : vector<1x16xf32> to vector<16xf32>
      %add3A_436 = arith.constant 0 : i32
      %add3A_437 = arith.addi %add3A_436, %scan3A_428 : i32
      %get3A_438 = arith.index_cast %add3A_437 : i32 to index
      %get3A_439 = arith.constant 0 : index
      %get3A_440 = tpu.vector_load %arg8[%get3A_438, %get3A_439] {strides = array<i32>} : memref<1600x32xf32, #tpu.memory_space<vmem>>, vector<1x16xf32>,
      %get3A_441 = vector.shape_cast %get3A_440 : vector<1x16xf32> to vector<16xf32>
      %add3A_442 = arith.addf %get3A_441, %get3A_431 : vector<16xf32>
      %swap3A = arith.index_cast %add3A_437 : i32 to index
      %swap3A_443 = arith.constant 0 : index
      %swap3A_444 = tpu.vector_load %arg8[%swap3A, %swap3A_443] {strides = array<i32>} : memref<1600x32xf32, #tpu.memory_space<vmem>>, vector<1x16xf32>,
      %swap3A_445 = vector.shape_cast %swap3A_444 : vector<1x16xf32> to vector<16xf32>
      %swap3A_446 = vector.shape_cast %add3A_442 : vector<16xf32> to vector<1x16xf32>
      tpu.vector_store %arg8[%swap3A, %swap3A_443], %swap3A_446 {strides = array<i32>} : memref<1600x32xf32, #tpu.memory_space<vmem>>, vector<1x16xf32>,
      %get3A_447 = arith.index_cast %add3A_437 : i32 to index
      %get3A_448 = arith.constant 16 : index
      %get3A_449 = tpu.vector_load %arg8[%get3A_447, %get3A_448] {strides = array<i32>} : memref<1600x32xf32, #tpu.memory_space<vmem>>, vector<1x16xf32>,
      %get3A_450 = vector.shape_cast %get3A_449 : vector<1x16xf32> to vector<16xf32>
      %add3A_451 = arith.addf %get3A_450, %get3A_435 : vector<16xf32>
      %swap3A_452 = arith.index_cast %add3A_437 : i32 to index
      %swap3A_453 = arith.constant 16 : index
      %swap3A_454 = tpu.vector_load %arg8[%swap3A_452, %swap3A_453] {strides = array<i32>} : memref<1600x32xf32, #tpu.memory_space<vmem>>, vector<1x16xf32>,
      %swap3A_455 = vector.shape_cast %swap3A_454 : vector<1x16xf32> to vector<16xf32>
      %swap3A_456 = vector.shape_cast %add3A_451 : vector<16xf32> to vector<1x16xf32>
      tpu.vector_store %arg8[%swap3A_452, %swap3A_453], %swap3A_456 {strides = array<i32>} : memref<1600x32xf32, #tpu.memory_space<vmem>>, vector<1x16xf32>,
      %add3A_457 = arith.constant 200 : i32
      %add3A_458 = arith.addi %add3A_457, %scan3A_428 : i32
      %get3A_459 = arith.index_cast %add3A_458 : i32 to index
      %get3A_460 = arith.constant 0 : index
      %get3A_461 = tpu.vector_load %arg8[%get3A_459, %get3A_460] {strides = array<i32>} : memref<1600x32xf32, #tpu.memory_space<vmem>>, vector<1x16xf32>,
      %get3A_462 = vector.shape_cast %get3A_461 : vector<1x16xf32> to vector<16xf32>
      %add3A_463 = arith.addf %get3A_462, %get3A_431 : vector<16xf32>
      %swap3A_464 = arith.index_cast %add3A_458 : i32 to index
      %swap3A_465 = arith.constant 0 : index
      %swap3A_466 = tpu.vector_load %arg8[%swap3A_464, %swap3A_465] {strides = array<i32>} : memref<1600x32xf32, #tpu.memory_space<vmem>>, vector<1x16xf32>,
      %swap3A_467 = vector.shape_cast %swap3A_466 : vector<1x16xf32> to vector<16xf32>
      %swap3A_468 = vector.shape_cast %add3A_463 : vector<16xf32> to vector<1x16xf32>
      tpu.vector_store %arg8[%swap3A_464, %swap3A_465], %swap3A_468 {strides = array<i32>} : memref<1600x32xf32, #tpu.memory_space<vmem>>, vector<1x16xf32>,
      %get3A_469 = arith.index_cast %add3A_458 : i32 to index
      %get3A_470 = arith.constant 16 : index
      %get3A_471 = tpu.vector_load %arg8[%get3A_469, %get3A_470] {strides = array<i32>} : memref<1600x32xf32, #tpu.memory_space<vmem>>, vector<1x16xf32>,
      %get3A_472 = vector.shape_cast %get3A_471 : vector<1x16xf32> to vector<16xf32>
      %add3A_473 = arith.addf %get3A_472, %get3A_435 : vector<16xf32>
      %swap3A_474 = arith.index_cast %add3A_458 : i32 to index
      %swap3A_475 = arith.constant 16 : index
      %swap3A_476 = tpu.vector_load %arg8[%swap3A_474, %swap3A_475] {strides = array<i32>} : memref<1600x32xf32, #tpu.memory_space<vmem>>, vector<1x16xf32>,
      %swap3A_477 = vector.shape_cast %swap3A_476 : vector<1x16xf32> to vector<16xf32>
      %swap3A_478 = vector.shape_cast %add3A_473 : vector<16xf32> to vector<1x16xf32>
      tpu.vector_store %arg8[%swap3A_474, %swap3A_475], %swap3A_478 {strides = array<i32>} : memref<1600x32xf32, #tpu.memory_space<vmem>>, vector<1x16xf32>,
      %add3A_479 = arith.constant 400 : i32
      %add3A_480 = arith.addi %add3A_479, %scan3A_428 : i32
      %get3A_481 = arith.index_cast %add3A_480 : i32 to index
      %get3A_482 = arith.constant 0 : index
      %get3A_483 = tpu.vector_load %arg8[%get3A_481, %get3A_482] {strides = array<i32>} : memref<1600x32xf32, #tpu.memory_space<vmem>>, vector<1x16xf32>,
      %get3A_484 = vector.shape_cast %get3A_483 : vector<1x16xf32> to vector<16xf32>
      %add3A_485 = arith.addf %get3A_484, %get3A_431 : vector<16xf32>
      %swap3A_486 = arith.index_cast %add3A_480 : i32 to index
      %swap3A_487 = arith.constant 0 : index
      %swap3A_488 = tpu.vector_load %arg8[%swap3A_486, %swap3A_487] {strides = array<i32>} : memref<1600x32xf32, #tpu.memory_space<vmem>>, vector<1x16xf32>,
      %swap3A_489 = vector.shape_cast %swap3A_488 : vector<1x16xf32> to vector<16xf32>
      %swap3A_490 = vector.shape_cast %add3A_485 : vector<16xf32> to vector<1x16xf32>
      tpu.vector_store %arg8[%swap3A_486, %swap3A_487], %swap3A_490 {strides = array<i32>} : memref<1600x32xf32, #tpu.memory_space<vmem>>, vector<1x16xf32>,
      %get3A_491 = arith.index_cast %add3A_480 : i32 to index
      %get3A_492 = arith.constant 16 : index
      %get3A_493 = tpu.vector_load %arg8[%get3A_491, %get3A_492] {strides = array<i32>} : memref<1600x32xf32, #tpu.memory_space<vmem>>, vector<1x16xf32>,
      %get3A_494 = vector.shape_cast %get3A_493 : vector<1x16xf32> to vector<16xf32>
      %add3A_495 = arith.addf %get3A_494, %get3A_435 : vector<16xf32>
      %swap3A_496 = arith.index_cast %add3A_480 : i32 to index
      %swap3A_497 = arith.constant 16 : index
      %swap3A_498 = tpu.vector_load %arg8[%swap3A_496, %swap3A_497] {strides = array<i32>} : memref<1600x32xf32, #tpu.memory_space<vmem>>, vector<1x16xf32>,
      %swap3A_499 = vector.shape_cast %swap3A_498 : vector<1x16xf32> to vector<16xf32>
      %swap3A_500 = vector.shape_cast %add3A_495 : vector<16xf32> to vector<1x16xf32>
      tpu.vector_store %arg8[%swap3A_496, %swap3A_497], %swap3A_500 {strides = array<i32>} : memref<1600x32xf32, #tpu.memory_space<vmem>>, vector<1x16xf32>,
      %add3A_501 = arith.constant 600 : i32
      %add3A_502 = arith.addi %add3A_501, %scan3A_428 : i32
      %get3A_503 = arith.index_cast %add3A_502 : i32 to index
      %get3A_504 = arith.constant 0 : index
      %get3A_505 = tpu.vector_load %arg8[%get3A_503, %get3A_504] {strides = array<i32>} : memref<1600x32xf32, #tpu.memory_space<vmem>>, vector<1x16xf32>,
      %get3A_506 = vector.shape_cast %get3A_505 : vector<1x16xf32> to vector<16xf32>
      %add3A_507 = arith.addf %get3A_506, %get3A_431 : vector<16xf32>
      %swap3A_508 = arith.index_cast %add3A_502 : i32 to index
      %swap3A_509 = arith.constant 0 : index
      %swap3A_510 = tpu.vector_load %arg8[%swap3A_508, %swap3A_509] {strides = array<i32>} : memref<1600x32xf32, #tpu.memory_space<vmem>>, vector<1x16xf32>,
      %swap3A_511 = vector.shape_cast %swap3A_510 : vector<1x16xf32> to vector<16xf32>
      %swap3A_512 = vector.shape_cast %add3A_507 : vector<16xf32> to vector<1x16xf32>
      tpu.vector_store %arg8[%swap3A_508, %swap3A_509], %swap3A_512 {strides = array<i32>} : memref<1600x32xf32, #tpu.memory_space<vmem>>, vector<1x16xf32>,
      %get3A_513 = arith.index_cast %add3A_502 : i32 to index
      %get3A_514 = arith.constant 16 : index
      %get3A_515 = tpu.vector_load %arg8[%get3A_513, %get3A_514] {strides = array<i32>} : memref<1600x32xf32, #tpu.memory_space<vmem>>, vector<1x16xf32>,
      %get3A_516 = vector.shape_cast %get3A_515 : vector<1x16xf32> to vector<16xf32>
      %add3A_517 = arith.addf %get3A_516, %get3A_435 : vector<16xf32>
      %swap3A_518 = arith.index_cast %add3A_502 : i32 to index
      %swap3A_519 = arith.constant 16 : index
      %swap3A_520 = tpu.vector_load %arg8[%swap3A_518, %swap3A_519] {strides = array<i32>} : memref<1600x32xf32, #tpu.memory_space<vmem>>, vector<1x16xf32>,
      %swap3A_521 = vector.shape_cast %swap3A_520 : vector<1x16xf32> to vector<16xf32>
      %swap3A_522 = vector.shape_cast %add3A_517 : vector<16xf32> to vector<1x16xf32>
      tpu.vector_store %arg8[%swap3A_518, %swap3A_519], %swap3A_522 {strides = array<i32>} : memref<1600x32xf32, #tpu.memory_space<vmem>>, vector<1x16xf32>,
      %add3A_523 = arith.constant 800 : i32
      %add3A_524 = arith.addi %add3A_523, %scan3A_428 : i32
      %get3A_525 = arith.index_cast %add3A_524 : i32 to index
      %get3A_526 = arith.constant 0 : index
      %get3A_527 = tpu.vector_load %arg8[%get3A_525, %get3A_526] {strides = array<i32>} : memref<1600x32xf32, #tpu.memory_space<vmem>>, vector<1x16xf32>,
      %get3A_528 = vector.shape_cast %get3A_527 : vector<1x16xf32> to vector<16xf32>
      %add3A_529 = arith.addf %get3A_528, %get3A_431 : vector<16xf32>
      %swap3A_530 = arith.index_cast %add3A_524 : i32 to index
      %swap3A_531 = arith.constant 0 : index
      %swap3A_532 = tpu.vector_load %arg8[%swap3A_530, %swap3A_531] {strides = array<i32>} : memref<1600x32xf32, #tpu.memory_space<vmem>>, vector<1x16xf32>,
      %swap3A_533 = vector.shape_cast %swap3A_532 : vector<1x16xf32> to vector<16xf32>
      %swap3A_534 = vector.shape_cast %add3A_529 : vector<16xf32> to vector<1x16xf32>
      tpu.vector_store %arg8[%swap3A_530, %swap3A_531], %swap3A_534 {strides = array<i32>} : memref<1600x32xf32, #tpu.memory_space<vmem>>, vector<1x16xf32>,
      %get3A_535 = arith.index_cast %add3A_524 : i32 to index
      %get3A_536 = arith.constant 16 : index
      %get3A_537 = tpu.vector_load %arg8[%get3A_535, %get3A_536] {strides = array<i32>} : memref<1600x32xf32, #tpu.memory_space<vmem>>, vector<1x16xf32>,
      %get3A_538 = vector.shape_cast %get3A_537 : vector<1x16xf32> to vector<16xf32>
      %add3A_539 = arith.addf %get3A_538, %get3A_435 : vector<16xf32>
      %swap3A_540 = arith.index_cast %add3A_524 : i32 to index
      %swap3A_541 = arith.constant 16 : index
      %swap3A_542 = tpu.vector_load %arg8[%swap3A_540, %swap3A_541] {strides = array<i32>} : memref<1600x32xf32, #tpu.memory_space<vmem>>, vector<1x16xf32>,
      %swap3A_543 = vector.shape_cast %swap3A_542 : vector<1x16xf32> to vector<16xf32>
      %swap3A_544 = vector.shape_cast %add3A_539 : vector<16xf32> to vector<1x16xf32>
      tpu.vector_store %arg8[%swap3A_540, %swap3A_541], %swap3A_544 {strides = array<i32>} : memref<1600x32xf32, #tpu.memory_space<vmem>>, vector<1x16xf32>,
      %add3A_545 = arith.constant 1000 : i32
      %add3A_546 = arith.addi %add3A_545, %scan3A_428 : i32
      %get3A_547 = arith.index_cast %add3A_546 : i32 to index
      %get3A_548 = arith.constant 0 : index
      %get3A_549 = tpu.vector_load %arg8[%get3A_547, %get3A_548] {strides = array<i32>} : memref<1600x32xf32, #tpu.memory_space<vmem>>, vector<1x16xf32>,
      %get3A_550 = vector.shape_cast %get3A_549 : vector<1x16xf32> to vector<16xf32>
      %add3A_551 = arith.addf %get3A_550, %get3A_431 : vector<16xf32>
      %swap3A_552 = arith.index_cast %add3A_546 : i32 to index
      %swap3A_553 = arith.constant 0 : index
      %swap3A_554 = tpu.vector_load %arg8[%swap3A_552, %swap3A_553] {strides = array<i32>} : memref<1600x32xf32, #tpu.memory_space<vmem>>, vector<1x16xf32>,
      %swap3A_555 = vector.shape_cast %swap3A_554 : vector<1x16xf32> to vector<16xf32>
      %swap3A_556 = vector.shape_cast %add3A_551 : vector<16xf32> to vector<1x16xf32>
      tpu.vector_store %arg8[%swap3A_552, %swap3A_553], %swap3A_556 {strides = array<i32>} : memref<1600x32xf32, #tpu.memory_space<vmem>>, vector<1x16xf32>,
      %get3A_557 = arith.index_cast %add3A_546 : i32 to index
      %get3A_558 = arith.constant 16 : index
      %get3A_559 = tpu.vector_load %arg8[%get3A_557, %get3A_558] {strides = array<i32>} : memref<1600x32xf32, #tpu.memory_space<vmem>>, vector<1x16xf32>,
      %get3A_560 = vector.shape_cast %get3A_559 : vector<1x16xf32> to vector<16xf32>
      %add3A_561 = arith.addf %get3A_560, %get3A_435 : vector<16xf32>
      %swap3A_562 = arith.index_cast %add3A_546 : i32 to index
      %swap3A_563 = arith.constant 16 : index
      %swap3A_564 = tpu.vector_load %arg8[%swap3A_562, %swap3A_563] {strides = array<i32>} : memref<1600x32xf32, #tpu.memory_space<vmem>>, vector<1x16xf32>,
      %swap3A_565 = vector.shape_cast %swap3A_564 : vector<1x16xf32> to vector<16xf32>
      %swap3A_566 = vector.shape_cast %add3A_561 : vector<16xf32> to vector<1x16xf32>
      tpu.vector_store %arg8[%swap3A_562, %swap3A_563], %swap3A_566 {strides = array<i32>} : memref<1600x32xf32, #tpu.memory_space<vmem>>, vector<1x16xf32>,
      %add3A_567 = arith.constant 1200 : i32
      %add3A_568 = arith.addi %add3A_567, %scan3A_428 : i32
      %get3A_569 = arith.index_cast %add3A_568 : i32 to index
      %get3A_570 = arith.constant 0 : index
      %get3A_571 = tpu.vector_load %arg8[%get3A_569, %get3A_570] {strides = array<i32>} : memref<1600x32xf32, #tpu.memory_space<vmem>>, vector<1x16xf32>,
      %get3A_572 = vector.shape_cast %get3A_571 : vector<1x16xf32> to vector<16xf32>
      %add3A_573 = arith.addf %get3A_572, %get3A_431 : vector<16xf32>
      %swap3A_574 = arith.index_cast %add3A_568 : i32 to index
      %swap3A_575 = arith.constant 0 : index
      %swap3A_576 = tpu.vector_load %arg8[%swap3A_574, %swap3A_575] {strides = array<i32>} : memref<1600x32xf32, #tpu.memory_space<vmem>>, vector<1x16xf32>,
      %swap3A_577 = vector.shape_cast %swap3A_576 : vector<1x16xf32> to vector<16xf32>
      %swap3A_578 = vector.shape_cast %add3A_573 : vector<16xf32> to vector<1x16xf32>
      tpu.vector_store %arg8[%swap3A_574, %swap3A_575], %swap3A_578 {strides = array<i32>} : memref<1600x32xf32, #tpu.memory_space<vmem>>, vector<1x16xf32>,
      %get3A_579 = arith.index_cast %add3A_568 : i32 to index
      %get3A_580 = arith.constant 16 : index
      %get3A_581 = tpu.vector_load %arg8[%get3A_579, %get3A_580] {strides = array<i32>} : memref<1600x32xf32, #tpu.memory_space<vmem>>, vector<1x16xf32>,
      %get3A_582 = vector.shape_cast %get3A_581 : vector<1x16xf32> to vector<16xf32>
      %add3A_583 = arith.addf %get3A_582, %get3A_435 : vector<16xf32>
      %swap3A_584 = arith.index_cast %add3A_568 : i32 to index
      %swap3A_585 = arith.constant 16 : index
      %swap3A_586 = tpu.vector_load %arg8[%swap3A_584, %swap3A_585] {strides = array<i32>} : memref<1600x32xf32, #tpu.memory_space<vmem>>, vector<1x16xf32>,
      %swap3A_587 = vector.shape_cast %swap3A_586 : vector<1x16xf32> to vector<16xf32>
      %swap3A_588 = vector.shape_cast %add3A_583 : vector<16xf32> to vector<1x16xf32>
      tpu.vector_store %arg8[%swap3A_584, %swap3A_585], %swap3A_588 {strides = array<i32>} : memref<1600x32xf32, #tpu.memory_space<vmem>>, vector<1x16xf32>,
      %add3A_589 = arith.constant 1400 : i32
      %add3A_590 = arith.addi %add3A_589, %scan3A_428 : i32
      %get3A_591 = arith.index_cast %add3A_590 : i32 to index
      %get3A_592 = arith.constant 0 : index
      %get3A_593 = tpu.vector_load %arg8[%get3A_591, %get3A_592] {strides = array<i32>} : memref<1600x32xf32, #tpu.memory_space<vmem>>, vector<1x16xf32>,
      %get3A_594 = vector.shape_cast %get3A_593 : vector<1x16xf32> to vector<16xf32>
      %add3A_595 = arith.addf %get3A_594, %get3A_431 : vector<16xf32>
      %swap3A_596 = arith.index_cast %add3A_590 : i32 to index
      %swap3A_597 = arith.constant 0 : index
      %swap3A_598 = tpu.vector_load %arg8[%swap3A_596, %swap3A_597] {strides = array<i32>} : memref<1600x32xf32, #tpu.memory_space<vmem>>, vector<1x16xf32>,
      %swap3A_599 = vector.shape_cast %swap3A_598 : vector<1x16xf32> to vector<16xf32>
      %swap3A_600 = vector.shape_cast %add3A_595 : vector<16xf32> to vector<1x16xf32>
      tpu.vector_store %arg8[%swap3A_596, %swap3A_597], %swap3A_600 {strides = array<i32>} : memref<1600x32xf32, #tpu.memory_space<vmem>>, vector<1x16xf32>,
      %get3A_601 = arith.index_cast %add3A_590 : i32 to index
      %get3A_602 = arith.constant 16 : index
      %get3A_603 = tpu.vector_load %arg8[%get3A_601, %get3A_602] {strides = array<i32>} : memref<1600x32xf32, #tpu.memory_space<vmem>>, vector<1x16xf32>,
      %get3A_604 = vector.shape_cast %get3A_603 : vector<1x16xf32> to vector<16xf32>
      %add3A_605 = arith.addf %get3A_604, %get3A_435 : vector<16xf32>
      %swap3A_606 = arith.index_cast %add3A_590 : i32 to index
      %swap3A_607 = arith.constant 16 : index
      %swap3A_608 = tpu.vector_load %arg8[%swap3A_606, %swap3A_607] {strides = array<i32>} : memref<1600x32xf32, #tpu.memory_space<vmem>>, vector<1x16xf32>,
      %swap3A_609 = vector.shape_cast %swap3A_608 : vector<1x16xf32> to vector<16xf32>
      %swap3A_610 = vector.shape_cast %add3A_605 : vector<16xf32> to vector<1x16xf32>
      tpu.vector_store %arg8[%swap3A_606, %swap3A_607], %swap3A_610 {strides = array<i32>} : memref<1600x32xf32, #tpu.memory_space<vmem>>, vector<1x16xf32>,
    }
    %scan3A_79 = arith.constant 200 : i32
    %add3A_80 = arith.constant 3200 : i32
    %add3A_81 = arith.addi %mul3A_2, %add3A_80 : i32
    %dma_start3A_82 = arith.constant 0 : i32
    %dma_start3A_83 = tpu.memref_slice %arg5[%add3A_81, %dma_start3A_82] : memref<819200x32xf32, #tpu.memory_space<hbm>> -> memref<1600x32xf32, #tpu.memory_space<hbm>>
    %dma_start3A_84 = arith.constant 0 : i32
    %dma_start3A_85 = tpu.memref_slice %arg5[%add3A_81, %dma_start3A_84] : memref<819200x32xf32, #tpu.memory_space<hbm>> -> memref<1600x32xf32, #tpu.memory_space<hbm>>
    tpu.enqueue_dma source(%arg8 : memref<1600x32xf32, #tpu.memory_space<vmem>>) target(%dma_start3A_85 : memref<1600x32xf32, #tpu.memory_space<hbm>>) target_semaphore(%arg15 : memref<!tpu.dma_semaphore, #tpu.memory_space<semaphore_mem>>)
    %dma_wait3A_86 = tpu.memref_slice %arg2[%add3A_72] : memref<819200xi32, #tpu.memory_space<hbm>> -> memref<1600xi32, #tpu.memory_space<hbm>>
    %dma_wait3A_87 = tpu.memref_slice %arg2[%add3A_72] : memref<819200xi32, #tpu.memory_space<hbm>> -> memref<1600xi32, #tpu.memory_space<hbm>>
    tpu.wait_dma2 semaphore(%arg11 : memref<!tpu.dma_semaphore, #tpu.memory_space<semaphore_mem>>) src(%dma_wait3A_87 : memref<1600xi32, #tpu.memory_space<hbm>>) dst(%arg6 : memref<1600xi32, #tpu.memory_space<vmem>>)
    %dma_wait3A_88 = arith.constant 0 : i32
    %dma_wait3A_89 = tpu.memref_slice %arg5[%add3A_81, %dma_wait3A_88] : memref<819200x32xf32, #tpu.memory_space<hbm>> -> memref<1600x32xf32, #tpu.memory_space<hbm>>
    %dma_wait3A_90 = arith.constant 0 : i32
    %dma_wait3A_91 = tpu.memref_slice %arg5[%add3A_81, %dma_wait3A_90] : memref<819200x32xf32, #tpu.memory_space<hbm>> -> memref<1600x32xf32, #tpu.memory_space<hbm>>
    tpu.wait_dma2 semaphore(%arg15 : memref<!tpu.dma_semaphore, #tpu.memory_space<semaphore_mem>>) src(%arg8 : memref<1600x32xf32, #tpu.memory_space<vmem>>) dst(%dma_wait3A_91 : memref<1600x32xf32, #tpu.memory_space<hbm>>)
    %dma_start3A_92 = arith.constant 0 : i32
    %dma_start3A_93 = arith.constant 0 : i32
    %dma_start3A_94 = tpu.memref_slice %arg3[%dma_start3A_92, %dma_start3A_93] : memref<1000000x32xf32, #tpu.memory_space<hbm>> -> memref<1000000x32xf32, #tpu.memory_space<hbm>>
    tpu.enqueue_indirect_dma source(%dma_start3A_94 : memref<1000000x32xf32, #tpu.memory_space<hbm>>) target(%arg8 : memref<1600x32xf32, #tpu.memory_space<vmem>>) offsets(%arg6 : memref<1600xi32, #tpu.memory_space<vmem>>) semaphore(%arg13 : memref<!tpu.dma_semaphore, #tpu.memory_space<semaphore_mem>>)
    %dma_wait3A_95 = arith.constant 0 : i32
    %dma_wait3A_96 = arith.constant 0 : i32
    %dma_wait3A_97 = tpu.memref_slice %arg3[%dma_wait3A_95, %dma_wait3A_96] : memref<1000000x32xf32, #tpu.memory_space<hbm>> -> memref<1000000x32xf32, #tpu.memory_space<hbm>>
    tpu.wait_indirect_dma semaphore(%arg14 : memref<!tpu.dma_semaphore, #tpu.memory_space<semaphore_mem>>) src(%dma_wait3A_97 : memref<1000000x32xf32, #tpu.memory_space<hbm>>) dst(%arg9 : memref<1600x32xf32, #tpu.memory_space<vmem>>)
    %add3A_98 = arith.constant 8000 : i32
    %add3A_99 = arith.addi %mul3A_2, %add3A_98 : i32
    %dma_start3A_100 = tpu.memref_slice %arg2[%add3A_99] : memref<819200xi32, #tpu.memory_space<hbm>> -> memref<1600xi32, #tpu.memory_space<hbm>>
    %dma_start3A_101 = tpu.memref_slice %arg2[%add3A_99] : memref<819200xi32, #tpu.memory_space<hbm>> -> memref<1600xi32, #tpu.memory_space<hbm>>
    tpu.enqueue_dma source(%dma_start3A_101 : memref<1600xi32, #tpu.memory_space<hbm>>) target(%arg7 : memref<1600xi32, #tpu.memory_space<vmem>>) target_semaphore(%arg12 : memref<!tpu.dma_semaphore, #tpu.memory_space<semaphore_mem>>)
    %scan3A_102 = arith.constant 0 : i32
    %scan3A_103 = arith.constant 200 : i32
    %scan3A_104 = arith.addi %scan3A_102, %scan3A_103 : i32
    %scan3A_105 = arith.constant 1 : i32
    scf.for %scan3A_428 = %scan3A_102 to %scan3A_104 step %scan3A_105  : i32 {
      %get3A = arith.index_cast %scan3A_428 : i32 to index
      %get3A_429 = arith.constant 0 : index
      %get3A_430 = tpu.vector_load %arg10[%get3A, %get3A_429] {strides = array<i32>} : memref<200x32xf32, #tpu.memory_space<vmem>>, vector<1x16xf32>,
      %get3A_431 = vector.shape_cast %get3A_430 : vector<1x16xf32> to vector<16xf32>
      %get3A_432 = arith.index_cast %scan3A_428 : i32 to index
      %get3A_433 = arith.constant 16 : index
      %get3A_434 = tpu.vector_load %arg10[%get3A_432, %get3A_433] {strides = array<i32>} : memref<200x32xf32, #tpu.memory_space<vmem>>, vector<1x16xf32>,
      %get3A_435 = vector.shape_cast %get3A_434 : vector<1x16xf32> to vector<16xf32>
      %add3A_436 = arith.constant 0 : i32
      %add3A_437 = arith.addi %add3A_436, %scan3A_428 : i32
      %get3A_438 = arith.index_cast %add3A_437 : i32 to index
      %get3A_439 = arith.constant 0 : index
      %get3A_440 = tpu.vector_load %arg9[%get3A_438, %get3A_439] {strides = array<i32>} : memref<1600x32xf32, #tpu.memory_space<vmem>>, vector<1x16xf32>,
      %get3A_441 = vector.shape_cast %get3A_440 : vector<1x16xf32> to vector<16xf32>
      %add3A_442 = arith.addf %get3A_441, %get3A_431 : vector<16xf32>
      %swap3A = arith.index_cast %add3A_437 : i32 to index
      %swap3A_443 = arith.constant 0 : index
      %swap3A_444 = tpu.vector_load %arg9[%swap3A, %swap3A_443] {strides = array<i32>} : memref<1600x32xf32, #tpu.memory_space<vmem>>, vector<1x16xf32>,
      %swap3A_445 = vector.shape_cast %swap3A_444 : vector<1x16xf32> to vector<16xf32>
      %swap3A_446 = vector.shape_cast %add3A_442 : vector<16xf32> to vector<1x16xf32>
      tpu.vector_store %arg9[%swap3A, %swap3A_443], %swap3A_446 {strides = array<i32>} : memref<1600x32xf32, #tpu.memory_space<vmem>>, vector<1x16xf32>,
      %get3A_447 = arith.index_cast %add3A_437 : i32 to index
      %get3A_448 = arith.constant 16 : index
      %get3A_449 = tpu.vector_load %arg9[%get3A_447, %get3A_448] {strides = array<i32>} : memref<1600x32xf32, #tpu.memory_space<vmem>>, vector<1x16xf32>,
      %get3A_450 = vector.shape_cast %get3A_449 : vector<1x16xf32> to vector<16xf32>
      %add3A_451 = arith.addf %get3A_450, %get3A_435 : vector<16xf32>
      %swap3A_452 = arith.index_cast %add3A_437 : i32 to index
      %swap3A_453 = arith.constant 16 : index
      %swap3A_454 = tpu.vector_load %arg9[%swap3A_452, %swap3A_453] {strides = array<i32>} : memref<1600x32xf32, #tpu.memory_space<vmem>>, vector<1x16xf32>,
      %swap3A_455 = vector.shape_cast %swap3A_454 : vector<1x16xf32> to vector<16xf32>
      %swap3A_456 = vector.shape_cast %add3A_451 : vector<16xf32> to vector<1x16xf32>
      tpu.vector_store %arg9[%swap3A_452, %swap3A_453], %swap3A_456 {strides = array<i32>} : memref<1600x32xf32, #tpu.memory_space<vmem>>, vector<1x16xf32>,
      %add3A_457 = arith.constant 200 : i32
      %add3A_458 = arith.addi %add3A_457, %scan3A_428 : i32
      %get3A_459 = arith.index_cast %add3A_458 : i32 to index
      %get3A_460 = arith.constant 0 : index
      %get3A_461 = tpu.vector_load %arg9[%get3A_459, %get3A_460] {strides = array<i32>} : memref<1600x32xf32, #tpu.memory_space<vmem>>, vector<1x16xf32>,
      %get3A_462 = vector.shape_cast %get3A_461 : vector<1x16xf32> to vector<16xf32>
      %add3A_463 = arith.addf %get3A_462, %get3A_431 : vector<16xf32>
      %swap3A_464 = arith.index_cast %add3A_458 : i32 to index
      %swap3A_465 = arith.constant 0 : index
      %swap3A_466 = tpu.vector_load %arg9[%swap3A_464, %swap3A_465] {strides = array<i32>} : memref<1600x32xf32, #tpu.memory_space<vmem>>, vector<1x16xf32>,
      %swap3A_467 = vector.shape_cast %swap3A_466 : vector<1x16xf32> to vector<16xf32>
      %swap3A_468 = vector.shape_cast %add3A_463 : vector<16xf32> to vector<1x16xf32>
      tpu.vector_store %arg9[%swap3A_464, %swap3A_465], %swap3A_468 {strides = array<i32>} : memref<1600x32xf32, #tpu.memory_space<vmem>>, vector<1x16xf32>,
      %get3A_469 = arith.index_cast %add3A_458 : i32 to index
      %get3A_470 = arith.constant 16 : index
      %get3A_471 = tpu.vector_load %arg9[%get3A_469, %get3A_470] {strides = array<i32>} : memref<1600x32xf32, #tpu.memory_space<vmem>>, vector<1x16xf32>,
      %get3A_472 = vector.shape_cast %get3A_471 : vector<1x16xf32> to vector<16xf32>
      %add3A_473 = arith.addf %get3A_472, %get3A_435 : vector<16xf32>
      %swap3A_474 = arith.index_cast %add3A_458 : i32 to index
      %swap3A_475 = arith.constant 16 : index
      %swap3A_476 = tpu.vector_load %arg9[%swap3A_474, %swap3A_475] {strides = array<i32>} : memref<1600x32xf32, #tpu.memory_space<vmem>>, vector<1x16xf32>,
      %swap3A_477 = vector.shape_cast %swap3A_476 : vector<1x16xf32> to vector<16xf32>
      %swap3A_478 = vector.shape_cast %add3A_473 : vector<16xf32> to vector<1x16xf32>
      tpu.vector_store %arg9[%swap3A_474, %swap3A_475], %swap3A_478 {strides = array<i32>} : memref<1600x32xf32, #tpu.memory_space<vmem>>, vector<1x16xf32>,
      %add3A_479 = arith.constant 400 : i32
      %add3A_480 = arith.addi %add3A_479, %scan3A_428 : i32
      %get3A_481 = arith.index_cast %add3A_480 : i32 to index
      %get3A_482 = arith.constant 0 : index
      %get3A_483 = tpu.vector_load %arg9[%get3A_481, %get3A_482] {strides = array<i32>} : memref<1600x32xf32, #tpu.memory_space<vmem>>, vector<1x16xf32>,
      %get3A_484 = vector.shape_cast %get3A_483 : vector<1x16xf32> to vector<16xf32>
      %add3A_485 = arith.addf %get3A_484, %get3A_431 : vector<16xf32>
      %swap3A_486 = arith.index_cast %add3A_480 : i32 to index
      %swap3A_487 = arith.constant 0 : index
      %swap3A_488 = tpu.vector_load %arg9[%swap3A_486, %swap3A_487] {strides = array<i32>} : memref<1600x32xf32, #tpu.memory_space<vmem>>, vector<1x16xf32>,
      %swap3A_489 = vector.shape_cast %swap3A_488 : vector<1x16xf32> to vector<16xf32>
      %swap3A_490 = vector.shape_cast %add3A_485 : vector<16xf32> to vector<1x16xf32>
      tpu.vector_store %arg9[%swap3A_486, %swap3A_487], %swap3A_490 {strides = array<i32>} : memref<1600x32xf32, #tpu.memory_space<vmem>>, vector<1x16xf32>,
      %get3A_491 = arith.index_cast %add3A_480 : i32 to index
      %get3A_492 = arith.constant 16 : index
      %get3A_493 = tpu.vector_load %arg9[%get3A_491, %get3A_492] {strides = array<i32>} : memref<1600x32xf32, #tpu.memory_space<vmem>>, vector<1x16xf32>,
      %get3A_494 = vector.shape_cast %get3A_493 : vector<1x16xf32> to vector<16xf32>
      %add3A_495 = arith.addf %get3A_494, %get3A_435 : vector<16xf32>
      %swap3A_496 = arith.index_cast %add3A_480 : i32 to index
      %swap3A_497 = arith.constant 16 : index
      %swap3A_498 = tpu.vector_load %arg9[%swap3A_496, %swap3A_497] {strides = array<i32>} : memref<1600x32xf32, #tpu.memory_space<vmem>>, vector<1x16xf32>,
      %swap3A_499 = vector.shape_cast %swap3A_498 : vector<1x16xf32> to vector<16xf32>
      %swap3A_500 = vector.shape_cast %add3A_495 : vector<16xf32> to vector<1x16xf32>
      tpu.vector_store %arg9[%swap3A_496, %swap3A_497], %swap3A_500 {strides = array<i32>} : memref<1600x32xf32, #tpu.memory_space<vmem>>, vector<1x16xf32>,
      %add3A_501 = arith.constant 600 : i32
      %add3A_502 = arith.addi %add3A_501, %scan3A_428 : i32
      %get3A_503 = arith.index_cast %add3A_502 : i32 to index
      %get3A_504 = arith.constant 0 : index
      %get3A_505 = tpu.vector_load %arg9[%get3A_503, %get3A_504] {strides = array<i32>} : memref<1600x32xf32, #tpu.memory_space<vmem>>, vector<1x16xf32>,
      %get3A_506 = vector.shape_cast %get3A_505 : vector<1x16xf32> to vector<16xf32>
      %add3A_507 = arith.addf %get3A_506, %get3A_431 : vector<16xf32>
      %swap3A_508 = arith.index_cast %add3A_502 : i32 to index
      %swap3A_509 = arith.constant 0 : index
      %swap3A_510 = tpu.vector_load %arg9[%swap3A_508, %swap3A_509] {strides = array<i32>} : memref<1600x32xf32, #tpu.memory_space<vmem>>, vector<1x16xf32>,
      %swap3A_511 = vector.shape_cast %swap3A_510 : vector<1x16xf32> to vector<16xf32>
      %swap3A_512 = vector.shape_cast %add3A_507 : vector<16xf32> to vector<1x16xf32>
      tpu.vector_store %arg9[%swap3A_508, %swap3A_509], %swap3A_512 {strides = array<i32>} : memref<1600x32xf32, #tpu.memory_space<vmem>>, vector<1x16xf32>,
      %get3A_513 = arith.index_cast %add3A_502 : i32 to index
      %get3A_514 = arith.constant 16 : index
      %get3A_515 = tpu.vector_load %arg9[%get3A_513, %get3A_514] {strides = array<i32>} : memref<1600x32xf32, #tpu.memory_space<vmem>>, vector<1x16xf32>,
      %get3A_516 = vector.shape_cast %get3A_515 : vector<1x16xf32> to vector<16xf32>
      %add3A_517 = arith.addf %get3A_516, %get3A_435 : vector<16xf32>
      %swap3A_518 = arith.index_cast %add3A_502 : i32 to index
      %swap3A_519 = arith.constant 16 : index
      %swap3A_520 = tpu.vector_load %arg9[%swap3A_518, %swap3A_519] {strides = array<i32>} : memref<1600x32xf32, #tpu.memory_space<vmem>>, vector<1x16xf32>,
      %swap3A_521 = vector.shape_cast %swap3A_520 : vector<1x16xf32> to vector<16xf32>
      %swap3A_522 = vector.shape_cast %add3A_517 : vector<16xf32> to vector<1x16xf32>
      tpu.vector_store %arg9[%swap3A_518, %swap3A_519], %swap3A_522 {strides = array<i32>} : memref<1600x32xf32, #tpu.memory_space<vmem>>, vector<1x16xf32>,
      %add3A_523 = arith.constant 800 : i32
      %add3A_524 = arith.addi %add3A_523, %scan3A_428 : i32
      %get3A_525 = arith.index_cast %add3A_524 : i32 to index
      %get3A_526 = arith.constant 0 : index
      %get3A_527 = tpu.vector_load %arg9[%get3A_525, %get3A_526] {strides = array<i32>} : memref<1600x32xf32, #tpu.memory_space<vmem>>, vector<1x16xf32>,
      %get3A_528 = vector.shape_cast %get3A_527 : vector<1x16xf32> to vector<16xf32>
      %add3A_529 = arith.addf %get3A_528, %get3A_431 : vector<16xf32>
      %swap3A_530 = arith.index_cast %add3A_524 : i32 to index
      %swap3A_531 = arith.constant 0 : index
      %swap3A_532 = tpu.vector_load %arg9[%swap3A_530, %swap3A_531] {strides = array<i32>} : memref<1600x32xf32, #tpu.memory_space<vmem>>, vector<1x16xf32>,
      %swap3A_533 = vector.shape_cast %swap3A_532 : vector<1x16xf32> to vector<16xf32>
      %swap3A_534 = vector.shape_cast %add3A_529 : vector<16xf32> to vector<1x16xf32>
      tpu.vector_store %arg9[%swap3A_530, %swap3A_531], %swap3A_534 {strides = array<i32>} : memref<1600x32xf32, #tpu.memory_space<vmem>>, vector<1x16xf32>,
      %get3A_535 = arith.index_cast %add3A_524 : i32 to index
      %get3A_536 = arith.constant 16 : index
      %get3A_537 = tpu.vector_load %arg9[%get3A_535, %get3A_536] {strides = array<i32>} : memref<1600x32xf32, #tpu.memory_space<vmem>>, vector<1x16xf32>,
      %get3A_538 = vector.shape_cast %get3A_537 : vector<1x16xf32> to vector<16xf32>
      %add3A_539 = arith.addf %get3A_538, %get3A_435 : vector<16xf32>
      %swap3A_540 = arith.index_cast %add3A_524 : i32 to index
      %swap3A_541 = arith.constant 16 : index
      %swap3A_542 = tpu.vector_load %arg9[%swap3A_540, %swap3A_541] {strides = array<i32>} : memref<1600x32xf32, #tpu.memory_space<vmem>>, vector<1x16xf32>,
      %swap3A_543 = vector.shape_cast %swap3A_542 : vector<1x16xf32> to vector<16xf32>
      %swap3A_544 = vector.shape_cast %add3A_539 : vector<16xf32> to vector<1x16xf32>
      tpu.vector_store %arg9[%swap3A_540, %swap3A_541], %swap3A_544 {strides = array<i32>} : memref<1600x32xf32, #tpu.memory_space<vmem>>, vector<1x16xf32>,
      %add3A_545 = arith.constant 1000 : i32
      %add3A_546 = arith.addi %add3A_545, %scan3A_428 : i32
      %get3A_547 = arith.index_cast %add3A_546 : i32 to index
      %get3A_548 = arith.constant 0 : index
      %get3A_549 = tpu.vector_load %arg9[%get3A_547, %get3A_548] {strides = array<i32>} : memref<1600x32xf32, #tpu.memory_space<vmem>>, vector<1x16xf32>,
      %get3A_550 = vector.shape_cast %get3A_549 : vector<1x16xf32> to vector<16xf32>
      %add3A_551 = arith.addf %get3A_550, %get3A_431 : vector<16xf32>
      %swap3A_552 = arith.index_cast %add3A_546 : i32 to index
      %swap3A_553 = arith.constant 0 : index
      %swap3A_554 = tpu.vector_load %arg9[%swap3A_552, %swap3A_553] {strides = array<i32>} : memref<1600x32xf32, #tpu.memory_space<vmem>>, vector<1x16xf32>,
      %swap3A_555 = vector.shape_cast %swap3A_554 : vector<1x16xf32> to vector<16xf32>
      %swap3A_556 = vector.shape_cast %add3A_551 : vector<16xf32> to vector<1x16xf32>
      tpu.vector_store %arg9[%swap3A_552, %swap3A_553], %swap3A_556 {strides = array<i32>} : memref<1600x32xf32, #tpu.memory_space<vmem>>, vector<1x16xf32>,
      %get3A_557 = arith.index_cast %add3A_546 : i32 to index
      %get3A_558 = arith.constant 16 : index
      %get3A_559 = tpu.vector_load %arg9[%get3A_557, %get3A_558] {strides = array<i32>} : memref<1600x32xf32, #tpu.memory_space<vmem>>, vector<1x16xf32>,
      %get3A_560 = vector.shape_cast %get3A_559 : vector<1x16xf32> to vector<16xf32>
      %add3A_561 = arith.addf %get3A_560, %get3A_435 : vector<16xf32>
      %swap3A_562 = arith.index_cast %add3A_546 : i32 to index
      %swap3A_563 = arith.constant 16 : index
      %swap3A_564 = tpu.vector_load %arg9[%swap3A_562, %swap3A_563] {strides = array<i32>} : memref<1600x32xf32, #tpu.memory_space<vmem>>, vector<1x16xf32>,
      %swap3A_565 = vector.shape_cast %swap3A_564 : vector<1x16xf32> to vector<16xf32>
      %swap3A_566 = vector.shape_cast %add3A_561 : vector<16xf32> to vector<1x16xf32>
      tpu.vector_store %arg9[%swap3A_562, %swap3A_563], %swap3A_566 {strides = array<i32>} : memref<1600x32xf32, #tpu.memory_space<vmem>>, vector<1x16xf32>,
      %add3A_567 = arith.constant 1200 : i32
      %add3A_568 = arith.addi %add3A_567, %scan3A_428 : i32
      %get3A_569 = arith.index_cast %add3A_568 : i32 to index
      %get3A_570 = arith.constant 0 : index
      %get3A_571 = tpu.vector_load %arg9[%get3A_569, %get3A_570] {strides = array<i32>} : memref<1600x32xf32, #tpu.memory_space<vmem>>, vector<1x16xf32>,
      %get3A_572 = vector.shape_cast %get3A_571 : vector<1x16xf32> to vector<16xf32>
      %add3A_573 = arith.addf %get3A_572, %get3A_431 : vector<16xf32>
      %swap3A_574 = arith.index_cast %add3A_568 : i32 to index
      %swap3A_575 = arith.constant 0 : index
      %swap3A_576 = tpu.vector_load %arg9[%swap3A_574, %swap3A_575] {strides = array<i32>} : memref<1600x32xf32, #tpu.memory_space<vmem>>, vector<1x16xf32>,
      %swap3A_577 = vector.shape_cast %swap3A_576 : vector<1x16xf32> to vector<16xf32>
      %swap3A_578 = vector.shape_cast %add3A_573 : vector<16xf32> to vector<1x16xf32>
      tpu.vector_store %arg9[%swap3A_574, %swap3A_575], %swap3A_578 {strides = array<i32>} : memref<1600x32xf32, #tpu.memory_space<vmem>>, vector<1x16xf32>,
      %get3A_579 = arith.index_cast %add3A_568 : i32 to index
      %get3A_580 = arith.constant 16 : index
      %get3A_581 = tpu.vector_load %arg9[%get3A_579, %get3A_580] {strides = array<i32>} : memref<1600x32xf32, #tpu.memory_space<vmem>>, vector<1x16xf32>,
      %get3A_582 = vector.shape_cast %get3A_581 : vector<1x16xf32> to vector<16xf32>
      %add3A_583 = arith.addf %get3A_582, %get3A_435 : vector<16xf32>
      %swap3A_584 = arith.index_cast %add3A_568 : i32 to index
      %swap3A_585 = arith.constant 16 : index
      %swap3A_586 = tpu.vector_load %arg9[%swap3A_584, %swap3A_585] {strides = array<i32>} : memref<1600x32xf32, #tpu.memory_space<vmem>>, vector<1x16xf32>,
      %swap3A_587 = vector.shape_cast %swap3A_586 : vector<1x16xf32> to vector<16xf32>
      %swap3A_588 = vector.shape_cast %add3A_583 : vector<16xf32> to vector<1x16xf32>
      tpu.vector_store %arg9[%swap3A_584, %swap3A_585], %swap3A_588 {strides = array<i32>} : memref<1600x32xf32, #tpu.memory_space<vmem>>, vector<1x16xf32>,
      %add3A_589 = arith.constant 1400 : i32
      %add3A_590 = arith.addi %add3A_589, %scan3A_428 : i32
      %get3A_591 = arith.index_cast %add3A_590 : i32 to index
      %get3A_592 = arith.constant 0 : index
      %get3A_593 = tpu.vector_load %arg9[%get3A_591, %get3A_592] {strides = array<i32>} : memref<1600x32xf32, #tpu.memory_space<vmem>>, vector<1x16xf32>,
      %get3A_594 = vector.shape_cast %get3A_593 : vector<1x16xf32> to vector<16xf32>
      %add3A_595 = arith.addf %get3A_594, %get3A_431 : vector<16xf32>
      %swap3A_596 = arith.index_cast %add3A_590 : i32 to index
      %swap3A_597 = arith.constant 0 : index
      %swap3A_598 = tpu.vector_load %arg9[%swap3A_596, %swap3A_597] {strides = array<i32>} : memref<1600x32xf32, #tpu.memory_space<vmem>>, vector<1x16xf32>,
      %swap3A_599 = vector.shape_cast %swap3A_598 : vector<1x16xf32> to vector<16xf32>
      %swap3A_600 = vector.shape_cast %add3A_595 : vector<16xf32> to vector<1x16xf32>
      tpu.vector_store %arg9[%swap3A_596, %swap3A_597], %swap3A_600 {strides = array<i32>} : memref<1600x32xf32, #tpu.memory_space<vmem>>, vector<1x16xf32>,
      %get3A_601 = arith.index_cast %add3A_590 : i32 to index
      %get3A_602 = arith.constant 16 : index
      %get3A_603 = tpu.vector_load %arg9[%get3A_601, %get3A_602] {strides = array<i32>} : memref<1600x32xf32, #tpu.memory_space<vmem>>, vector<1x16xf32>,
      %get3A_604 = vector.shape_cast %get3A_603 : vector<1x16xf32> to vector<16xf32>
      %add3A_605 = arith.addf %get3A_604, %get3A_435 : vector<16xf32>
      %swap3A_606 = arith.index_cast %add3A_590 : i32 to index
      %swap3A_607 = arith.constant 16 : index
      %swap3A_608 = tpu.vector_load %arg9[%swap3A_606, %swap3A_607] {strides = array<i32>} : memref<1600x32xf32, #tpu.memory_space<vmem>>, vector<1x16xf32>,
      %swap3A_609 = vector.shape_cast %swap3A_608 : vector<1x16xf32> to vector<16xf32>
      %swap3A_610 = vector.shape_cast %add3A_605 : vector<16xf32> to vector<1x16xf32>
      tpu.vector_store %arg9[%swap3A_606, %swap3A_607], %swap3A_610 {strides = array<i32>} : memref<1600x32xf32, #tpu.memory_space<vmem>>, vector<1x16xf32>,
    }
    %scan3A_106 = arith.constant 200 : i32
    %add3A_107 = arith.constant 4800 : i32
    %add3A_108 = arith.addi %mul3A_2, %add3A_107 : i32
    %dma_start3A_109 = arith.constant 0 : i32
    %dma_start3A_110 = tpu.memref_slice %arg5[%add3A_108, %dma_start3A_109] : memref<819200x32xf32, #tpu.memory_space<hbm>> -> memref<1600x32xf32, #tpu.memory_space<hbm>>
    %dma_start3A_111 = arith.constant 0 : i32
    %dma_start3A_112 = tpu.memref_slice %arg5[%add3A_108, %dma_start3A_111] : memref<819200x32xf32, #tpu.memory_space<hbm>> -> memref<1600x32xf32, #tpu.memory_space<hbm>>
    tpu.enqueue_dma source(%arg9 : memref<1600x32xf32, #tpu.memory_space<vmem>>) target(%dma_start3A_112 : memref<1600x32xf32, #tpu.memory_space<hbm>>) target_semaphore(%arg16 : memref<!tpu.dma_semaphore, #tpu.memory_space<semaphore_mem>>)
    %dma_wait3A_113 = tpu.memref_slice %arg2[%add3A_99] : memref<819200xi32, #tpu.memory_space<hbm>> -> memref<1600xi32, #tpu.memory_space<hbm>>
    %dma_wait3A_114 = tpu.memref_slice %arg2[%add3A_99] : memref<819200xi32, #tpu.memory_space<hbm>> -> memref<1600xi32, #tpu.memory_space<hbm>>
    tpu.wait_dma2 semaphore(%arg12 : memref<!tpu.dma_semaphore, #tpu.memory_space<semaphore_mem>>) src(%dma_wait3A_114 : memref<1600xi32, #tpu.memory_space<hbm>>) dst(%arg7 : memref<1600xi32, #tpu.memory_space<vmem>>)
    %dma_wait3A_115 = arith.constant 0 : i32
    %dma_wait3A_116 = tpu.memref_slice %arg5[%add3A_108, %dma_wait3A_115] : memref<819200x32xf32, #tpu.memory_space<hbm>> -> memref<1600x32xf32, #tpu.memory_space<hbm>>
    %dma_wait3A_117 = arith.constant 0 : i32
    %dma_wait3A_118 = tpu.memref_slice %arg5[%add3A_108, %dma_wait3A_117] : memref<819200x32xf32, #tpu.memory_space<hbm>> -> memref<1600x32xf32, #tpu.memory_space<hbm>>
    tpu.wait_dma2 semaphore(%arg16 : memref<!tpu.dma_semaphore, #tpu.memory_space<semaphore_mem>>) src(%arg9 : memref<1600x32xf32, #tpu.memory_space<vmem>>) dst(%dma_wait3A_118 : memref<1600x32xf32, #tpu.memory_space<hbm>>)
    %dma_start3A_119 = arith.constant 0 : i32
    %dma_start3A_120 = arith.constant 0 : i32
    %dma_start3A_121 = tpu.memref_slice %arg3[%dma_start3A_119, %dma_start3A_120] : memref<1000000x32xf32, #tpu.memory_space<hbm>> -> memref<1000000x32xf32, #tpu.memory_space<hbm>>
    tpu.enqueue_indirect_dma source(%dma_start3A_121 : memref<1000000x32xf32, #tpu.memory_space<hbm>>) target(%arg9 : memref<1600x32xf32, #tpu.memory_space<vmem>>) offsets(%arg7 : memref<1600xi32, #tpu.memory_space<vmem>>) semaphore(%arg14 : memref<!tpu.dma_semaphore, #tpu.memory_space<semaphore_mem>>)
    %dma_wait3A_122 = arith.constant 0 : i32
    %dma_wait3A_123 = arith.constant 0 : i32
    %dma_wait3A_124 = tpu.memref_slice %arg3[%dma_wait3A_122, %dma_wait3A_123] : memref<1000000x32xf32, #tpu.memory_space<hbm>> -> memref<1000000x32xf32, #tpu.memory_space<hbm>>
    tpu.wait_indirect_dma semaphore(%arg13 : memref<!tpu.dma_semaphore, #tpu.memory_space<semaphore_mem>>) src(%dma_wait3A_124 : memref<1000000x32xf32, #tpu.memory_space<hbm>>) dst(%arg8 : memref<1600x32xf32, #tpu.memory_space<vmem>>)
    %add3A_125 = arith.constant 9600 : i32
    %add3A_126 = arith.addi %mul3A_2, %add3A_125 : i32
    %dma_start3A_127 = tpu.memref_slice %arg2[%add3A_126] : memref<819200xi32, #tpu.memory_space<hbm>> -> memref<1600xi32, #tpu.memory_space<hbm>>
    %dma_start3A_128 = tpu.memref_slice %arg2[%add3A_126] : memref<819200xi32, #tpu.memory_space<hbm>> -> memref<1600xi32, #tpu.memory_space<hbm>>
    tpu.enqueue_dma source(%dma_start3A_128 : memref<1600xi32, #tpu.memory_space<hbm>>) target(%arg6 : memref<1600xi32, #tpu.memory_space<vmem>>) target_semaphore(%arg11 : memref<!tpu.dma_semaphore, #tpu.memory_space<semaphore_mem>>)
    %scan3A_129 = arith.constant 0 : i32
    %scan3A_130 = arith.constant 200 : i32
    %scan3A_131 = arith.addi %scan3A_129, %scan3A_130 : i32
    %scan3A_132 = arith.constant 1 : i32
    scf.for %scan3A_428 = %scan3A_129 to %scan3A_131 step %scan3A_132  : i32 {
      %get3A = arith.index_cast %scan3A_428 : i32 to index
      %get3A_429 = arith.constant 0 : index
      %get3A_430 = tpu.vector_load %arg10[%get3A, %get3A_429] {strides = array<i32>} : memref<200x32xf32, #tpu.memory_space<vmem>>, vector<1x16xf32>,
      %get3A_431 = vector.shape_cast %get3A_430 : vector<1x16xf32> to vector<16xf32>
      %get3A_432 = arith.index_cast %scan3A_428 : i32 to index
      %get3A_433 = arith.constant 16 : index
      %get3A_434 = tpu.vector_load %arg10[%get3A_432, %get3A_433] {strides = array<i32>} : memref<200x32xf32, #tpu.memory_space<vmem>>, vector<1x16xf32>,
      %get3A_435 = vector.shape_cast %get3A_434 : vector<1x16xf32> to vector<16xf32>
      %add3A_436 = arith.constant 0 : i32
      %add3A_437 = arith.addi %add3A_436, %scan3A_428 : i32
      %get3A_438 = arith.index_cast %add3A_437 : i32 to index
      %get3A_439 = arith.constant 0 : index
      %get3A_440 = tpu.vector_load %arg8[%get3A_438, %get3A_439] {strides = array<i32>} : memref<1600x32xf32, #tpu.memory_space<vmem>>, vector<1x16xf32>,
      %get3A_441 = vector.shape_cast %get3A_440 : vector<1x16xf32> to vector<16xf32>
      %add3A_442 = arith.addf %get3A_441, %get3A_431 : vector<16xf32>
      %swap3A = arith.index_cast %add3A_437 : i32 to index
      %swap3A_443 = arith.constant 0 : index
      %swap3A_444 = tpu.vector_load %arg8[%swap3A, %swap3A_443] {strides = array<i32>} : memref<1600x32xf32, #tpu.memory_space<vmem>>, vector<1x16xf32>,
      %swap3A_445 = vector.shape_cast %swap3A_444 : vector<1x16xf32> to vector<16xf32>
      %swap3A_446 = vector.shape_cast %add3A_442 : vector<16xf32> to vector<1x16xf32>
      tpu.vector_store %arg8[%swap3A, %swap3A_443], %swap3A_446 {strides = array<i32>} : memref<1600x32xf32, #tpu.memory_space<vmem>>, vector<1x16xf32>,
      %get3A_447 = arith.index_cast %add3A_437 : i32 to index
      %get3A_448 = arith.constant 16 : index
      %get3A_449 = tpu.vector_load %arg8[%get3A_447, %get3A_448] {strides = array<i32>} : memref<1600x32xf32, #tpu.memory_space<vmem>>, vector<1x16xf32>,
      %get3A_450 = vector.shape_cast %get3A_449 : vector<1x16xf32> to vector<16xf32>
      %add3A_451 = arith.addf %get3A_450, %get3A_435 : vector<16xf32>
      %swap3A_452 = arith.index_cast %add3A_437 : i32 to index
      %swap3A_453 = arith.constant 16 : index
      %swap3A_454 = tpu.vector_load %arg8[%swap3A_452, %swap3A_453] {strides = array<i32>} : memref<1600x32xf32, #tpu.memory_space<vmem>>, vector<1x16xf32>,
      %swap3A_455 = vector.shape_cast %swap3A_454 : vector<1x16xf32> to vector<16xf32>
      %swap3A_456 = vector.shape_cast %add3A_451 : vector<16xf32> to vector<1x16xf32>
      tpu.vector_store %arg8[%swap3A_452, %swap3A_453], %swap3A_456 {strides = array<i32>} : memref<1600x32xf32, #tpu.memory_space<vmem>>, vector<1x16xf32>,
      %add3A_457 = arith.constant 200 : i32
      %add3A_458 = arith.addi %add3A_457, %scan3A_428 : i32
      %get3A_459 = arith.index_cast %add3A_458 : i32 to index
      %get3A_460 = arith.constant 0 : index
      %get3A_461 = tpu.vector_load %arg8[%get3A_459, %get3A_460] {strides = array<i32>} : memref<1600x32xf32, #tpu.memory_space<vmem>>, vector<1x16xf32>,
      %get3A_462 = vector.shape_cast %get3A_461 : vector<1x16xf32> to vector<16xf32>
      %add3A_463 = arith.addf %get3A_462, %get3A_431 : vector<16xf32>
      %swap3A_464 = arith.index_cast %add3A_458 : i32 to index
      %swap3A_465 = arith.constant 0 : index
      %swap3A_466 = tpu.vector_load %arg8[%swap3A_464, %swap3A_465] {strides = array<i32>} : memref<1600x32xf32, #tpu.memory_space<vmem>>, vector<1x16xf32>,
      %swap3A_467 = vector.shape_cast %swap3A_466 : vector<1x16xf32> to vector<16xf32>
      %swap3A_468 = vector.shape_cast %add3A_463 : vector<16xf32> to vector<1x16xf32>
      tpu.vector_store %arg8[%swap3A_464, %swap3A_465], %swap3A_468 {strides = array<i32>} : memref<1600x32xf32, #tpu.memory_space<vmem>>, vector<1x16xf32>,
      %get3A_469 = arith.index_cast %add3A_458 : i32 to index
      %get3A_470 = arith.constant 16 : index
      %get3A_471 = tpu.vector_load %arg8[%get3A_469, %get3A_470] {strides = array<i32>} : memref<1600x32xf32, #tpu.memory_space<vmem>>, vector<1x16xf32>,
      %get3A_472 = vector.shape_cast %get3A_471 : vector<1x16xf32> to vector<16xf32>
      %add3A_473 = arith.addf %get3A_472, %get3A_435 : vector<16xf32>
      %swap3A_474 = arith.index_cast %add3A_458 : i32 to index
      %swap3A_475 = arith.constant 16 : index
      %swap3A_476 = tpu.vector_load %arg8[%swap3A_474, %swap3A_475] {strides = array<i32>} : memref<1600x32xf32, #tpu.memory_space<vmem>>, vector<1x16xf32>,
      %swap3A_477 = vector.shape_cast %swap3A_476 : vector<1x16xf32> to vector<16xf32>
      %swap3A_478 = vector.shape_cast %add3A_473 : vector<16xf32> to vector<1x16xf32>
      tpu.vector_store %arg8[%swap3A_474, %swap3A_475], %swap3A_478 {strides = array<i32>} : memref<1600x32xf32, #tpu.memory_space<vmem>>, vector<1x16xf32>,
      %add3A_479 = arith.constant 400 : i32
      %add3A_480 = arith.addi %add3A_479, %scan3A_428 : i32
      %get3A_481 = arith.index_cast %add3A_480 : i32 to index
      %get3A_482 = arith.constant 0 : index
      %get3A_483 = tpu.vector_load %arg8[%get3A_481, %get3A_482] {strides = array<i32>} : memref<1600x32xf32, #tpu.memory_space<vmem>>, vector<1x16xf32>,
      %get3A_484 = vector.shape_cast %get3A_483 : vector<1x16xf32> to vector<16xf32>
      %add3A_485 = arith.addf %get3A_484, %get3A_431 : vector<16xf32>
      %swap3A_486 = arith.index_cast %add3A_480 : i32 to index
      %swap3A_487 = arith.constant 0 : index
      %swap3A_488 = tpu.vector_load %arg8[%swap3A_486, %swap3A_487] {strides = array<i32>} : memref<1600x32xf32, #tpu.memory_space<vmem>>, vector<1x16xf32>,
      %swap3A_489 = vector.shape_cast %swap3A_488 : vector<1x16xf32> to vector<16xf32>
      %swap3A_490 = vector.shape_cast %add3A_485 : vector<16xf32> to vector<1x16xf32>
      tpu.vector_store %arg8[%swap3A_486, %swap3A_487], %swap3A_490 {strides = array<i32>} : memref<1600x32xf32, #tpu.memory_space<vmem>>, vector<1x16xf32>,
      %get3A_491 = arith.index_cast %add3A_480 : i32 to index
      %get3A_492 = arith.constant 16 : index
      %get3A_493 = tpu.vector_load %arg8[%get3A_491, %get3A_492] {strides = array<i32>} : memref<1600x32xf32, #tpu.memory_space<vmem>>, vector<1x16xf32>,
      %get3A_494 = vector.shape_cast %get3A_493 : vector<1x16xf32> to vector<16xf32>
      %add3A_495 = arith.addf %get3A_494, %get3A_435 : vector<16xf32>
      %swap3A_496 = arith.index_cast %add3A_480 : i32 to index
      %swap3A_497 = arith.constant 16 : index
      %swap3A_498 = tpu.vector_load %arg8[%swap3A_496, %swap3A_497] {strides = array<i32>} : memref<1600x32xf32, #tpu.memory_space<vmem>>, vector<1x16xf32>,
      %swap3A_499 = vector.shape_cast %swap3A_498 : vector<1x16xf32> to vector<16xf32>
      %swap3A_500 = vector.shape_cast %add3A_495 : vector<16xf32> to vector<1x16xf32>
      tpu.vector_store %arg8[%swap3A_496, %swap3A_497], %swap3A_500 {strides = array<i32>} : memref<1600x32xf32, #tpu.memory_space<vmem>>, vector<1x16xf32>,
      %add3A_501 = arith.constant 600 : i32
      %add3A_502 = arith.addi %add3A_501, %scan3A_428 : i32
      %get3A_503 = arith.index_cast %add3A_502 : i32 to index
      %get3A_504 = arith.constant 0 : index
      %get3A_505 = tpu.vector_load %arg8[%get3A_503, %get3A_504] {strides = array<i32>} : memref<1600x32xf32, #tpu.memory_space<vmem>>, vector<1x16xf32>,
      %get3A_506 = vector.shape_cast %get3A_505 : vector<1x16xf32> to vector<16xf32>
      %add3A_507 = arith.addf %get3A_506, %get3A_431 : vector<16xf32>
      %swap3A_508 = arith.index_cast %add3A_502 : i32 to index
      %swap3A_509 = arith.constant 0 : index
      %swap3A_510 = tpu.vector_load %arg8[%swap3A_508, %swap3A_509] {strides = array<i32>} : memref<1600x32xf32, #tpu.memory_space<vmem>>, vector<1x16xf32>,
      %swap3A_511 = vector.shape_cast %swap3A_510 : vector<1x16xf32> to vector<16xf32>
      %swap3A_512 = vector.shape_cast %add3A_507 : vector<16xf32> to vector<1x16xf32>
      tpu.vector_store %arg8[%swap3A_508, %swap3A_509], %swap3A_512 {strides = array<i32>} : memref<1600x32xf32, #tpu.memory_space<vmem>>, vector<1x16xf32>,
      %get3A_513 = arith.index_cast %add3A_502 : i32 to index
      %get3A_514 = arith.constant 16 : index
      %get3A_515 = tpu.vector_load %arg8[%get3A_513, %get3A_514] {strides = array<i32>} : memref<1600x32xf32, #tpu.memory_space<vmem>>, vector<1x16xf32>,
      %get3A_516 = vector.shape_cast %get3A_515 : vector<1x16xf32> to vector<16xf32>
      %add3A_517 = arith.addf %get3A_516, %get3A_435 : vector<16xf32>
      %swap3A_518 = arith.index_cast %add3A_502 : i32 to index
      %swap3A_519 = arith.constant 16 : index
      %swap3A_520 = tpu.vector_load %arg8[%swap3A_518, %swap3A_519] {strides = array<i32>} : memref<1600x32xf32, #tpu.memory_space<vmem>>, vector<1x16xf32>,
      %swap3A_521 = vector.shape_cast %swap3A_520 : vector<1x16xf32> to vector<16xf32>
      %swap3A_522 = vector.shape_cast %add3A_517 : vector<16xf32> to vector<1x16xf32>
      tpu.vector_store %arg8[%swap3A_518, %swap3A_519], %swap3A_522 {strides = array<i32>} : memref<1600x32xf32, #tpu.memory_space<vmem>>, vector<1x16xf32>,
      %add3A_523 = arith.constant 800 : i32
      %add3A_524 = arith.addi %add3A_523, %scan3A_428 : i32
      %get3A_525 = arith.index_cast %add3A_524 : i32 to index
      %get3A_526 = arith.constant 0 : index
      %get3A_527 = tpu.vector_load %arg8[%get3A_525, %get3A_526] {strides = array<i32>} : memref<1600x32xf32, #tpu.memory_space<vmem>>, vector<1x16xf32>,
      %get3A_528 = vector.shape_cast %get3A_527 : vector<1x16xf32> to vector<16xf32>
      %add3A_529 = arith.addf %get3A_528, %get3A_431 : vector<16xf32>
      %swap3A_530 = arith.index_cast %add3A_524 : i32 to index
      %swap3A_531 = arith.constant 0 : index
      %swap3A_532 = tpu.vector_load %arg8[%swap3A_530, %swap3A_531] {strides = array<i32>} : memref<1600x32xf32, #tpu.memory_space<vmem>>, vector<1x16xf32>,
      %swap3A_533 = vector.shape_cast %swap3A_532 : vector<1x16xf32> to vector<16xf32>
      %swap3A_534 = vector.shape_cast %add3A_529 : vector<16xf32> to vector<1x16xf32>
      tpu.vector_store %arg8[%swap3A_530, %swap3A_531], %swap3A_534 {strides = array<i32>} : memref<1600x32xf32, #tpu.memory_space<vmem>>, vector<1x16xf32>,
      %get3A_535 = arith.index_cast %add3A_524 : i32 to index
      %get3A_536 = arith.constant 16 : index
      %get3A_537 = tpu.vector_load %arg8[%get3A_535, %get3A_536] {strides = array<i32>} : memref<1600x32xf32, #tpu.memory_space<vmem>>, vector<1x16xf32>,
      %get3A_538 = vector.shape_cast %get3A_537 : vector<1x16xf32> to vector<16xf32>
      %add3A_539 = arith.addf %get3A_538, %get3A_435 : vector<16xf32>
      %swap3A_540 = arith.index_cast %add3A_524 : i32 to index
      %swap3A_541 = arith.constant 16 : index
      %swap3A_542 = tpu.vector_load %arg8[%swap3A_540, %swap3A_541] {strides = array<i32>} : memref<1600x32xf32, #tpu.memory_space<vmem>>, vector<1x16xf32>,
      %swap3A_543 = vector.shape_cast %swap3A_542 : vector<1x16xf32> to vector<16xf32>
      %swap3A_544 = vector.shape_cast %add3A_539 : vector<16xf32> to vector<1x16xf32>
      tpu.vector_store %arg8[%swap3A_540, %swap3A_541], %swap3A_544 {strides = array<i32>} : memref<1600x32xf32, #tpu.memory_space<vmem>>, vector<1x16xf32>,
      %add3A_545 = arith.constant 1000 : i32
      %add3A_546 = arith.addi %add3A_545, %scan3A_428 : i32
      %get3A_547 = arith.index_cast %add3A_546 : i32 to index
      %get3A_548 = arith.constant 0 : index
      %get3A_549 = tpu.vector_load %arg8[%get3A_547, %get3A_548] {strides = array<i32>} : memref<1600x32xf32, #tpu.memory_space<vmem>>, vector<1x16xf32>,
      %get3A_550 = vector.shape_cast %get3A_549 : vector<1x16xf32> to vector<16xf32>
      %add3A_551 = arith.addf %get3A_550, %get3A_431 : vector<16xf32>
      %swap3A_552 = arith.index_cast %add3A_546 : i32 to index
      %swap3A_553 = arith.constant 0 : index
      %swap3A_554 = tpu.vector_load %arg8[%swap3A_552, %swap3A_553] {strides = array<i32>} : memref<1600x32xf32, #tpu.memory_space<vmem>>, vector<1x16xf32>,
      %swap3A_555 = vector.shape_cast %swap3A_554 : vector<1x16xf32> to vector<16xf32>
      %swap3A_556 = vector.shape_cast %add3A_551 : vector<16xf32> to vector<1x16xf32>
      tpu.vector_store %arg8[%swap3A_552, %swap3A_553], %swap3A_556 {strides = array<i32>} : memref<1600x32xf32, #tpu.memory_space<vmem>>, vector<1x16xf32>,
      %get3A_557 = arith.index_cast %add3A_546 : i32 to index
      %get3A_558 = arith.constant 16 : index
      %get3A_559 = tpu.vector_load %arg8[%get3A_557, %get3A_558] {strides = array<i32>} : memref<1600x32xf32, #tpu.memory_space<vmem>>, vector<1x16xf32>,
      %get3A_560 = vector.shape_cast %get3A_559 : vector<1x16xf32> to vector<16xf32>
      %add3A_561 = arith.addf %get3A_560, %get3A_435 : vector<16xf32>
      %swap3A_562 = arith.index_cast %add3A_546 : i32 to index
      %swap3A_563 = arith.constant 16 : index
      %swap3A_564 = tpu.vector_load %arg8[%swap3A_562, %swap3A_563] {strides = array<i32>} : memref<1600x32xf32, #tpu.memory_space<vmem>>, vector<1x16xf32>,
      %swap3A_565 = vector.shape_cast %swap3A_564 : vector<1x16xf32> to vector<16xf32>
      %swap3A_566 = vector.shape_cast %add3A_561 : vector<16xf32> to vector<1x16xf32>
      tpu.vector_store %arg8[%swap3A_562, %swap3A_563], %swap3A_566 {strides = array<i32>} : memref<1600x32xf32, #tpu.memory_space<vmem>>, vector<1x16xf32>,
      %add3A_567 = arith.constant 1200 : i32
      %add3A_568 = arith.addi %add3A_567, %scan3A_428 : i32
      %get3A_569 = arith.index_cast %add3A_568 : i32 to index
      %get3A_570 = arith.constant 0 : index
      %get3A_571 = tpu.vector_load %arg8[%get3A_569, %get3A_570] {strides = array<i32>} : memref<1600x32xf32, #tpu.memory_space<vmem>>, vector<1x16xf32>,
      %get3A_572 = vector.shape_cast %get3A_571 : vector<1x16xf32> to vector<16xf32>
      %add3A_573 = arith.addf %get3A_572, %get3A_431 : vector<16xf32>
      %swap3A_574 = arith.index_cast %add3A_568 : i32 to index
      %swap3A_575 = arith.constant 0 : index
      %swap3A_576 = tpu.vector_load %arg8[%swap3A_574, %swap3A_575] {strides = array<i32>} : memref<1600x32xf32, #tpu.memory_space<vmem>>, vector<1x16xf32>,
      %swap3A_577 = vector.shape_cast %swap3A_576 : vector<1x16xf32> to vector<16xf32>
      %swap3A_578 = vector.shape_cast %add3A_573 : vector<16xf32> to vector<1x16xf32>
      tpu.vector_store %arg8[%swap3A_574, %swap3A_575], %swap3A_578 {strides = array<i32>} : memref<1600x32xf32, #tpu.memory_space<vmem>>, vector<1x16xf32>,
      %get3A_579 = arith.index_cast %add3A_568 : i32 to index
      %get3A_580 = arith.constant 16 : index
      %get3A_581 = tpu.vector_load %arg8[%get3A_579, %get3A_580] {strides = array<i32>} : memref<1600x32xf32, #tpu.memory_space<vmem>>, vector<1x16xf32>,
      %get3A_582 = vector.shape_cast %get3A_581 : vector<1x16xf32> to vector<16xf32>
      %add3A_583 = arith.addf %get3A_582, %get3A_435 : vector<16xf32>
      %swap3A_584 = arith.index_cast %add3A_568 : i32 to index
      %swap3A_585 = arith.constant 16 : index
      %swap3A_586 = tpu.vector_load %arg8[%swap3A_584, %swap3A_585] {strides = array<i32>} : memref<1600x32xf32, #tpu.memory_space<vmem>>, vector<1x16xf32>,
      %swap3A_587 = vector.shape_cast %swap3A_586 : vector<1x16xf32> to vector<16xf32>
      %swap3A_588 = vector.shape_cast %add3A_583 : vector<16xf32> to vector<1x16xf32>
      tpu.vector_store %arg8[%swap3A_584, %swap3A_585], %swap3A_588 {strides = array<i32>} : memref<1600x32xf32, #tpu.memory_space<vmem>>, vector<1x16xf32>,
      %add3A_589 = arith.constant 1400 : i32
      %add3A_590 = arith.addi %add3A_589, %scan3A_428 : i32
      %get3A_591 = arith.index_cast %add3A_590 : i32 to index
      %get3A_592 = arith.constant 0 : index
      %get3A_593 = tpu.vector_load %arg8[%get3A_591, %get3A_592] {strides = array<i32>} : memref<1600x32xf32, #tpu.memory_space<vmem>>, vector<1x16xf32>,
      %get3A_594 = vector.shape_cast %get3A_593 : vector<1x16xf32> to vector<16xf32>
      %add3A_595 = arith.addf %get3A_594, %get3A_431 : vector<16xf32>
      %swap3A_596 = arith.index_cast %add3A_590 : i32 to index
      %swap3A_597 = arith.constant 0 : index
      %swap3A_598 = tpu.vector_load %arg8[%swap3A_596, %swap3A_597] {strides = array<i32>} : memref<1600x32xf32, #tpu.memory_space<vmem>>, vector<1x16xf32>,
      %swap3A_599 = vector.shape_cast %swap3A_598 : vector<1x16xf32> to vector<16xf32>
      %swap3A_600 = vector.shape_cast %add3A_595 : vector<16xf32> to vector<1x16xf32>
      tpu.vector_store %arg8[%swap3A_596, %swap3A_597], %swap3A_600 {strides = array<i32>} : memref<1600x32xf32, #tpu.memory_space<vmem>>, vector<1x16xf32>,
      %get3A_601 = arith.index_cast %add3A_590 : i32 to index
      %get3A_602 = arith.constant 16 : index
      %get3A_603 = tpu.vector_load %arg8[%get3A_601, %get3A_602] {strides = array<i32>} : memref<1600x32xf32, #tpu.memory_space<vmem>>, vector<1x16xf32>,
      %get3A_604 = vector.shape_cast %get3A_603 : vector<1x16xf32> to vector<16xf32>
      %add3A_605 = arith.addf %get3A_604, %get3A_435 : vector<16xf32>
      %swap3A_606 = arith.index_cast %add3A_590 : i32 to index
      %swap3A_607 = arith.constant 16 : index
      %swap3A_608 = tpu.vector_load %arg8[%swap3A_606, %swap3A_607] {strides = array<i32>} : memref<1600x32xf32, #tpu.memory_space<vmem>>, vector<1x16xf32>,
      %swap3A_609 = vector.shape_cast %swap3A_608 : vector<1x16xf32> to vector<16xf32>
      %swap3A_610 = vector.shape_cast %add3A_605 : vector<16xf32> to vector<1x16xf32>
      tpu.vector_store %arg8[%swap3A_606, %swap3A_607], %swap3A_610 {strides = array<i32>} : memref<1600x32xf32, #tpu.memory_space<vmem>>, vector<1x16xf32>,
    }
    %scan3A_133 = arith.constant 200 : i32
    %add3A_134 = arith.constant 6400 : i32
    %add3A_135 = arith.addi %mul3A_2, %add3A_134 : i32
    %dma_start3A_136 = arith.constant 0 : i32
    %dma_start3A_137 = tpu.memref_slice %arg5[%add3A_135, %dma_start3A_136] : memref<819200x32xf32, #tpu.memory_space<hbm>> -> memref<1600x32xf32, #tpu.memory_space<hbm>>
    %dma_start3A_138 = arith.constant 0 : i32
    %dma_start3A_139 = tpu.memref_slice %arg5[%add3A_135, %dma_start3A_138] : memref<819200x32xf32, #tpu.memory_space<hbm>> -> memref<1600x32xf32, #tpu.memory_space<hbm>>
    tpu.enqueue_dma source(%arg8 : memref<1600x32xf32, #tpu.memory_space<vmem>>) target(%dma_start3A_139 : memref<1600x32xf32, #tpu.memory_space<hbm>>) target_semaphore(%arg15 : memref<!tpu.dma_semaphore, #tpu.memory_space<semaphore_mem>>)
    %dma_wait3A_140 = tpu.memref_slice %arg2[%add3A_126] : memref<819200xi32, #tpu.memory_space<hbm>> -> memref<1600xi32, #tpu.memory_space<hbm>>
    %dma_wait3A_141 = tpu.memref_slice %arg2[%add3A_126] : memref<819200xi32, #tpu.memory_space<hbm>> -> memref<1600xi32, #tpu.memory_space<hbm>>
    tpu.wait_dma2 semaphore(%arg11 : memref<!tpu.dma_semaphore, #tpu.memory_space<semaphore_mem>>) src(%dma_wait3A_141 : memref<1600xi32, #tpu.memory_space<hbm>>) dst(%arg6 : memref<1600xi32, #tpu.memory_space<vmem>>)
    %dma_wait3A_142 = arith.constant 0 : i32
    %dma_wait3A_143 = tpu.memref_slice %arg5[%add3A_135, %dma_wait3A_142] : memref<819200x32xf32, #tpu.memory_space<hbm>> -> memref<1600x32xf32, #tpu.memory_space<hbm>>
    %dma_wait3A_144 = arith.constant 0 : i32
    %dma_wait3A_145 = tpu.memref_slice %arg5[%add3A_135, %dma_wait3A_144] : memref<819200x32xf32, #tpu.memory_space<hbm>> -> memref<1600x32xf32, #tpu.memory_space<hbm>>
    tpu.wait_dma2 semaphore(%arg15 : memref<!tpu.dma_semaphore, #tpu.memory_space<semaphore_mem>>) src(%arg8 : memref<1600x32xf32, #tpu.memory_space<vmem>>) dst(%dma_wait3A_145 : memref<1600x32xf32, #tpu.memory_space<hbm>>)
    %dma_start3A_146 = arith.constant 0 : i32
    %dma_start3A_147 = arith.constant 0 : i32
    %dma_start3A_148 = tpu.memref_slice %arg3[%dma_start3A_146, %dma_start3A_147] : memref<1000000x32xf32, #tpu.memory_space<hbm>> -> memref<1000000x32xf32, #tpu.memory_space<hbm>>
    tpu.enqueue_indirect_dma source(%dma_start3A_148 : memref<1000000x32xf32, #tpu.memory_space<hbm>>) target(%arg8 : memref<1600x32xf32, #tpu.memory_space<vmem>>) offsets(%arg6 : memref<1600xi32, #tpu.memory_space<vmem>>) semaphore(%arg13 : memref<!tpu.dma_semaphore, #tpu.memory_space<semaphore_mem>>)
    %dma_wait3A_149 = arith.constant 0 : i32
    %dma_wait3A_150 = arith.constant 0 : i32
    %dma_wait3A_151 = tpu.memref_slice %arg3[%dma_wait3A_149, %dma_wait3A_150] : memref<1000000x32xf32, #tpu.memory_space<hbm>> -> memref<1000000x32xf32, #tpu.memory_space<hbm>>
    tpu.wait_indirect_dma semaphore(%arg14 : memref<!tpu.dma_semaphore, #tpu.memory_space<semaphore_mem>>) src(%dma_wait3A_151 : memref<1000000x32xf32, #tpu.memory_space<hbm>>) dst(%arg9 : memref<1600x32xf32, #tpu.memory_space<vmem>>)
    %add3A_152 = arith.constant 11200 : i32
    %add3A_153 = arith.addi %mul3A_2, %add3A_152 : i32
    %dma_start3A_154 = tpu.memref_slice %arg2[%add3A_153] : memref<819200xi32, #tpu.memory_space<hbm>> -> memref<1600xi32, #tpu.memory_space<hbm>>
    %dma_start3A_155 = tpu.memref_slice %arg2[%add3A_153] : memref<819200xi32, #tpu.memory_space<hbm>> -> memref<1600xi32, #tpu.memory_space<hbm>>
    tpu.enqueue_dma source(%dma_start3A_155 : memref<1600xi32, #tpu.memory_space<hbm>>) target(%arg7 : memref<1600xi32, #tpu.memory_space<vmem>>) target_semaphore(%arg12 : memref<!tpu.dma_semaphore, #tpu.memory_space<semaphore_mem>>)
    %scan3A_156 = arith.constant 0 : i32
    %scan3A_157 = arith.constant 200 : i32
    %scan3A_158 = arith.addi %scan3A_156, %scan3A_157 : i32
    %scan3A_159 = arith.constant 1 : i32
    scf.for %scan3A_428 = %scan3A_156 to %scan3A_158 step %scan3A_159  : i32 {
      %get3A = arith.index_cast %scan3A_428 : i32 to index
      %get3A_429 = arith.constant 0 : index
      %get3A_430 = tpu.vector_load %arg10[%get3A, %get3A_429] {strides = array<i32>} : memref<200x32xf32, #tpu.memory_space<vmem>>, vector<1x16xf32>,
      %get3A_431 = vector.shape_cast %get3A_430 : vector<1x16xf32> to vector<16xf32>
      %get3A_432 = arith.index_cast %scan3A_428 : i32 to index
      %get3A_433 = arith.constant 16 : index
      %get3A_434 = tpu.vector_load %arg10[%get3A_432, %get3A_433] {strides = array<i32>} : memref<200x32xf32, #tpu.memory_space<vmem>>, vector<1x16xf32>,
      %get3A_435 = vector.shape_cast %get3A_434 : vector<1x16xf32> to vector<16xf32>
      %add3A_436 = arith.constant 0 : i32
      %add3A_437 = arith.addi %add3A_436, %scan3A_428 : i32
      %get3A_438 = arith.index_cast %add3A_437 : i32 to index
      %get3A_439 = arith.constant 0 : index
      %get3A_440 = tpu.vector_load %arg9[%get3A_438, %get3A_439] {strides = array<i32>} : memref<1600x32xf32, #tpu.memory_space<vmem>>, vector<1x16xf32>,
      %get3A_441 = vector.shape_cast %get3A_440 : vector<1x16xf32> to vector<16xf32>
      %add3A_442 = arith.addf %get3A_441, %get3A_431 : vector<16xf32>
      %swap3A = arith.index_cast %add3A_437 : i32 to index
      %swap3A_443 = arith.constant 0 : index
      %swap3A_444 = tpu.vector_load %arg9[%swap3A, %swap3A_443] {strides = array<i32>} : memref<1600x32xf32, #tpu.memory_space<vmem>>, vector<1x16xf32>,
      %swap3A_445 = vector.shape_cast %swap3A_444 : vector<1x16xf32> to vector<16xf32>
      %swap3A_446 = vector.shape_cast %add3A_442 : vector<16xf32> to vector<1x16xf32>
      tpu.vector_store %arg9[%swap3A, %swap3A_443], %swap3A_446 {strides = array<i32>} : memref<1600x32xf32, #tpu.memory_space<vmem>>, vector<1x16xf32>,
      %get3A_447 = arith.index_cast %add3A_437 : i32 to index
      %get3A_448 = arith.constant 16 : index
      %get3A_449 = tpu.vector_load %arg9[%get3A_447, %get3A_448] {strides = array<i32>} : memref<1600x32xf32, #tpu.memory_space<vmem>>, vector<1x16xf32>,
      %get3A_450 = vector.shape_cast %get3A_449 : vector<1x16xf32> to vector<16xf32>
      %add3A_451 = arith.addf %get3A_450, %get3A_435 : vector<16xf32>
      %swap3A_452 = arith.index_cast %add3A_437 : i32 to index
      %swap3A_453 = arith.constant 16 : index
      %swap3A_454 = tpu.vector_load %arg9[%swap3A_452, %swap3A_453] {strides = array<i32>} : memref<1600x32xf32, #tpu.memory_space<vmem>>, vector<1x16xf32>,
      %swap3A_455 = vector.shape_cast %swap3A_454 : vector<1x16xf32> to vector<16xf32>
      %swap3A_456 = vector.shape_cast %add3A_451 : vector<16xf32> to vector<1x16xf32>
      tpu.vector_store %arg9[%swap3A_452, %swap3A_453], %swap3A_456 {strides = array<i32>} : memref<1600x32xf32, #tpu.memory_space<vmem>>, vector<1x16xf32>,
      %add3A_457 = arith.constant 200 : i32
      %add3A_458 = arith.addi %add3A_457, %scan3A_428 : i32
      %get3A_459 = arith.index_cast %add3A_458 : i32 to index
      %get3A_460 = arith.constant 0 : index
      %get3A_461 = tpu.vector_load %arg9[%get3A_459, %get3A_460] {strides = array<i32>} : memref<1600x32xf32, #tpu.memory_space<vmem>>, vector<1x16xf32>,
      %get3A_462 = vector.shape_cast %get3A_461 : vector<1x16xf32> to vector<16xf32>
      %add3A_463 = arith.addf %get3A_462, %get3A_431 : vector<16xf32>
      %swap3A_464 = arith.index_cast %add3A_458 : i32 to index
      %swap3A_465 = arith.constant 0 : index
      %swap3A_466 = tpu.vector_load %arg9[%swap3A_464, %swap3A_465] {strides = array<i32>} : memref<1600x32xf32, #tpu.memory_space<vmem>>, vector<1x16xf32>,
      %swap3A_467 = vector.shape_cast %swap3A_466 : vector<1x16xf32> to vector<16xf32>
      %swap3A_468 = vector.shape_cast %add3A_463 : vector<16xf32> to vector<1x16xf32>
      tpu.vector_store %arg9[%swap3A_464, %swap3A_465], %swap3A_468 {strides = array<i32>} : memref<1600x32xf32, #tpu.memory_space<vmem>>, vector<1x16xf32>,
      %get3A_469 = arith.index_cast %add3A_458 : i32 to index
      %get3A_470 = arith.constant 16 : index
      %get3A_471 = tpu.vector_load %arg9[%get3A_469, %get3A_470] {strides = array<i32>} : memref<1600x32xf32, #tpu.memory_space<vmem>>, vector<1x16xf32>,
      %get3A_472 = vector.shape_cast %get3A_471 : vector<1x16xf32> to vector<16xf32>
      %add3A_473 = arith.addf %get3A_472, %get3A_435 : vector<16xf32>
      %swap3A_474 = arith.index_cast %add3A_458 : i32 to index
      %swap3A_475 = arith.constant 16 : index
      %swap3A_476 = tpu.vector_load %arg9[%swap3A_474, %swap3A_475] {strides = array<i32>} : memref<1600x32xf32, #tpu.memory_space<vmem>>, vector<1x16xf32>,
      %swap3A_477 = vector.shape_cast %swap3A_476 : vector<1x16xf32> to vector<16xf32>
      %swap3A_478 = vector.shape_cast %add3A_473 : vector<16xf32> to vector<1x16xf32>
      tpu.vector_store %arg9[%swap3A_474, %swap3A_475], %swap3A_478 {strides = array<i32>} : memref<1600x32xf32, #tpu.memory_space<vmem>>, vector<1x16xf32>,
      %add3A_479 = arith.constant 400 : i32
      %add3A_480 = arith.addi %add3A_479, %scan3A_428 : i32
      %get3A_481 = arith.index_cast %add3A_480 : i32 to index
      %get3A_482 = arith.constant 0 : index
      %get3A_483 = tpu.vector_load %arg9[%get3A_481, %get3A_482] {strides = array<i32>} : memref<1600x32xf32, #tpu.memory_space<vmem>>, vector<1x16xf32>,
      %get3A_484 = vector.shape_cast %get3A_483 : vector<1x16xf32> to vector<16xf32>
      %add3A_485 = arith.addf %get3A_484, %get3A_431 : vector<16xf32>
      %swap3A_486 = arith.index_cast %add3A_480 : i32 to index
      %swap3A_487 = arith.constant 0 : index
      %swap3A_488 = tpu.vector_load %arg9[%swap3A_486, %swap3A_487] {strides = array<i32>} : memref<1600x32xf32, #tpu.memory_space<vmem>>, vector<1x16xf32>,
      %swap3A_489 = vector.shape_cast %swap3A_488 : vector<1x16xf32> to vector<16xf32>
      %swap3A_490 = vector.shape_cast %add3A_485 : vector<16xf32> to vector<1x16xf32>
      tpu.vector_store %arg9[%swap3A_486, %swap3A_487], %swap3A_490 {strides = array<i32>} : memref<1600x32xf32, #tpu.memory_space<vmem>>, vector<1x16xf32>,
      %get3A_491 = arith.index_cast %add3A_480 : i32 to index
      %get3A_492 = arith.constant 16 : index
      %get3A_493 = tpu.vector_load %arg9[%get3A_491, %get3A_492] {strides = array<i32>} : memref<1600x32xf32, #tpu.memory_space<vmem>>, vector<1x16xf32>,
      %get3A_494 = vector.shape_cast %get3A_493 : vector<1x16xf32> to vector<16xf32>
      %add3A_495 = arith.addf %get3A_494, %get3A_435 : vector<16xf32>
      %swap3A_496 = arith.index_cast %add3A_480 : i32 to index
      %swap3A_497 = arith.constant 16 : index
      %swap3A_498 = tpu.vector_load %arg9[%swap3A_496, %swap3A_497] {strides = array<i32>} : memref<1600x32xf32, #tpu.memory_space<vmem>>, vector<1x16xf32>,
      %swap3A_499 = vector.shape_cast %swap3A_498 : vector<1x16xf32> to vector<16xf32>
      %swap3A_500 = vector.shape_cast %add3A_495 : vector<16xf32> to vector<1x16xf32>
      tpu.vector_store %arg9[%swap3A_496, %swap3A_497], %swap3A_500 {strides = array<i32>} : memref<1600x32xf32, #tpu.memory_space<vmem>>, vector<1x16xf32>,
      %add3A_501 = arith.constant 600 : i32
      %add3A_502 = arith.addi %add3A_501, %scan3A_428 : i32
      %get3A_503 = arith.index_cast %add3A_502 : i32 to index
      %get3A_504 = arith.constant 0 : index
      %get3A_505 = tpu.vector_load %arg9[%get3A_503, %get3A_504] {strides = array<i32>} : memref<1600x32xf32, #tpu.memory_space<vmem>>, vector<1x16xf32>,
      %get3A_506 = vector.shape_cast %get3A_505 : vector<1x16xf32> to vector<16xf32>
      %add3A_507 = arith.addf %get3A_506, %get3A_431 : vector<16xf32>
      %swap3A_508 = arith.index_cast %add3A_502 : i32 to index
      %swap3A_509 = arith.constant 0 : index
      %swap3A_510 = tpu.vector_load %arg9[%swap3A_508, %swap3A_509] {strides = array<i32>} : memref<1600x32xf32, #tpu.memory_space<vmem>>, vector<1x16xf32>,
      %swap3A_511 = vector.shape_cast %swap3A_510 : vector<1x16xf32> to vector<16xf32>
      %swap3A_512 = vector.shape_cast %add3A_507 : vector<16xf32> to vector<1x16xf32>
      tpu.vector_store %arg9[%swap3A_508, %swap3A_509], %swap3A_512 {strides = array<i32>} : memref<1600x32xf32, #tpu.memory_space<vmem>>, vector<1x16xf32>,
      %get3A_513 = arith.index_cast %add3A_502 : i32 to index
      %get3A_514 = arith.constant 16 : index
      %get3A_515 = tpu.vector_load %arg9[%get3A_513, %get3A_514] {strides = array<i32>} : memref<1600x32xf32, #tpu.memory_space<vmem>>, vector<1x16xf32>,
      %get3A_516 = vector.shape_cast %get3A_515 : vector<1x16xf32> to vector<16xf32>
      %add3A_517 = arith.addf %get3A_516, %get3A_435 : vector<16xf32>
      %swap3A_518 = arith.index_cast %add3A_502 : i32 to index
      %swap3A_519 = arith.constant 16 : index
      %swap3A_520 = tpu.vector_load %arg9[%swap3A_518, %swap3A_519] {strides = array<i32>} : memref<1600x32xf32, #tpu.memory_space<vmem>>, vector<1x16xf32>,
      %swap3A_521 = vector.shape_cast %swap3A_520 : vector<1x16xf32> to vector<16xf32>
      %swap3A_522 = vector.shape_cast %add3A_517 : vector<16xf32> to vector<1x16xf32>
      tpu.vector_store %arg9[%swap3A_518, %swap3A_519], %swap3A_522 {strides = array<i32>} : memref<1600x32xf32, #tpu.memory_space<vmem>>, vector<1x16xf32>,
      %add3A_523 = arith.constant 800 : i32
      %add3A_524 = arith.addi %add3A_523, %scan3A_428 : i32
      %get3A_525 = arith.index_cast %add3A_524 : i32 to index
      %get3A_526 = arith.constant 0 : index
      %get3A_527 = tpu.vector_load %arg9[%get3A_525, %get3A_526] {strides = array<i32>} : memref<1600x32xf32, #tpu.memory_space<vmem>>, vector<1x16xf32>,
      %get3A_528 = vector.shape_cast %get3A_527 : vector<1x16xf32> to vector<16xf32>
      %add3A_529 = arith.addf %get3A_528, %get3A_431 : vector<16xf32>
      %swap3A_530 = arith.index_cast %add3A_524 : i32 to index
      %swap3A_531 = arith.constant 0 : index
      %swap3A_532 = tpu.vector_load %arg9[%swap3A_530, %swap3A_531] {strides = array<i32>} : memref<1600x32xf32, #tpu.memory_space<vmem>>, vector<1x16xf32>,
      %swap3A_533 = vector.shape_cast %swap3A_532 : vector<1x16xf32> to vector<16xf32>
      %swap3A_534 = vector.shape_cast %add3A_529 : vector<16xf32> to vector<1x16xf32>
      tpu.vector_store %arg9[%swap3A_530, %swap3A_531], %swap3A_534 {strides = array<i32>} : memref<1600x32xf32, #tpu.memory_space<vmem>>, vector<1x16xf32>,
      %get3A_535 = arith.index_cast %add3A_524 : i32 to index
      %get3A_536 = arith.constant 16 : index
      %get3A_537 = tpu.vector_load %arg9[%get3A_535, %get3A_536] {strides = array<i32>} : memref<1600x32xf32, #tpu.memory_space<vmem>>, vector<1x16xf32>,
      %get3A_538 = vector.shape_cast %get3A_537 : vector<1x16xf32> to vector<16xf32>
      %add3A_539 = arith.addf %get3A_538, %get3A_435 : vector<16xf32>
      %swap3A_540 = arith.index_cast %add3A_524 : i32 to index
      %swap3A_541 = arith.constant 16 : index
      %swap3A_542 = tpu.vector_load %arg9[%swap3A_540, %swap3A_541] {strides = array<i32>} : memref<1600x32xf32, #tpu.memory_space<vmem>>, vector<1x16xf32>,
      %swap3A_543 = vector.shape_cast %swap3A_542 : vector<1x16xf32> to vector<16xf32>
      %swap3A_544 = vector.shape_cast %add3A_539 : vector<16xf32> to vector<1x16xf32>
      tpu.vector_store %arg9[%swap3A_540, %swap3A_541], %swap3A_544 {strides = array<i32>} : memref<1600x32xf32, #tpu.memory_space<vmem>>, vector<1x16xf32>,
      %add3A_545 = arith.constant 1000 : i32
      %add3A_546 = arith.addi %add3A_545, %scan3A_428 : i32
      %get3A_547 = arith.index_cast %add3A_546 : i32 to index
      %get3A_548 = arith.constant 0 : index
      %get3A_549 = tpu.vector_load %arg9[%get3A_547, %get3A_548] {strides = array<i32>} : memref<1600x32xf32, #tpu.memory_space<vmem>>, vector<1x16xf32>,
      %get3A_550 = vector.shape_cast %get3A_549 : vector<1x16xf32> to vector<16xf32>
      %add3A_551 = arith.addf %get3A_550, %get3A_431 : vector<16xf32>
      %swap3A_552 = arith.index_cast %add3A_546 : i32 to index
      %swap3A_553 = arith.constant 0 : index
      %swap3A_554 = tpu.vector_load %arg9[%swap3A_552, %swap3A_553] {strides = array<i32>} : memref<1600x32xf32, #tpu.memory_space<vmem>>, vector<1x16xf32>,
      %swap3A_555 = vector.shape_cast %swap3A_554 : vector<1x16xf32> to vector<16xf32>
      %swap3A_556 = vector.shape_cast %add3A_551 : vector<16xf32> to vector<1x16xf32>
      tpu.vector_store %arg9[%swap3A_552, %swap3A_553], %swap3A_556 {strides = array<i32>} : memref<1600x32xf32, #tpu.memory_space<vmem>>, vector<1x16xf32>,
      %get3A_557 = arith.index_cast %add3A_546 : i32 to index
      %get3A_558 = arith.constant 16 : index
      %get3A_559 = tpu.vector_load %arg9[%get3A_557, %get3A_558] {strides = array<i32>} : memref<1600x32xf32, #tpu.memory_space<vmem>>, vector<1x16xf32>,
      %get3A_560 = vector.shape_cast %get3A_559 : vector<1x16xf32> to vector<16xf32>
      %add3A_561 = arith.addf %get3A_560, %get3A_435 : vector<16xf32>
      %swap3A_562 = arith.index_cast %add3A_546 : i32 to index
      %swap3A_563 = arith.constant 16 : index
      %swap3A_564 = tpu.vector_load %arg9[%swap3A_562, %swap3A_563] {strides = array<i32>} : memref<1600x32xf32, #tpu.memory_space<vmem>>, vector<1x16xf32>,
      %swap3A_565 = vector.shape_cast %swap3A_564 : vector<1x16xf32> to vector<16xf32>
      %swap3A_566 = vector.shape_cast %add3A_561 : vector<16xf32> to vector<1x16xf32>
      tpu.vector_store %arg9[%swap3A_562, %swap3A_563], %swap3A_566 {strides = array<i32>} : memref<1600x32xf32, #tpu.memory_space<vmem>>, vector<1x16xf32>,
      %add3A_567 = arith.constant 1200 : i32
      %add3A_568 = arith.addi %add3A_567, %scan3A_428 : i32
      %get3A_569 = arith.index_cast %add3A_568 : i32 to index
      %get3A_570 = arith.constant 0 : index
      %get3A_571 = tpu.vector_load %arg9[%get3A_569, %get3A_570] {strides = array<i32>} : memref<1600x32xf32, #tpu.memory_space<vmem>>, vector<1x16xf32>,
      %get3A_572 = vector.shape_cast %get3A_571 : vector<1x16xf32> to vector<16xf32>
      %add3A_573 = arith.addf %get3A_572, %get3A_431 : vector<16xf32>
      %swap3A_574 = arith.index_cast %add3A_568 : i32 to index
      %swap3A_575 = arith.constant 0 : index
      %swap3A_576 = tpu.vector_load %arg9[%swap3A_574, %swap3A_575] {strides = array<i32>} : memref<1600x32xf32, #tpu.memory_space<vmem>>, vector<1x16xf32>,
      %swap3A_577 = vector.shape_cast %swap3A_576 : vector<1x16xf32> to vector<16xf32>
      %swap3A_578 = vector.shape_cast %add3A_573 : vector<16xf32> to vector<1x16xf32>
      tpu.vector_store %arg9[%swap3A_574, %swap3A_575], %swap3A_578 {strides = array<i32>} : memref<1600x32xf32, #tpu.memory_space<vmem>>, vector<1x16xf32>,
      %get3A_579 = arith.index_cast %add3A_568 : i32 to index
      %get3A_580 = arith.constant 16 : index
      %get3A_581 = tpu.vector_load %arg9[%get3A_579, %get3A_580] {strides = array<i32>} : memref<1600x32xf32, #tpu.memory_space<vmem>>, vector<1x16xf32>,
      %get3A_582 = vector.shape_cast %get3A_581 : vector<1x16xf32> to vector<16xf32>
      %add3A_583 = arith.addf %get3A_582, %get3A_435 : vector<16xf32>
      %swap3A_584 = arith.index_cast %add3A_568 : i32 to index
      %swap3A_585 = arith.constant 16 : index
      %swap3A_586 = tpu.vector_load %arg9[%swap3A_584, %swap3A_585] {strides = array<i32>} : memref<1600x32xf32, #tpu.memory_space<vmem>>, vector<1x16xf32>,
      %swap3A_587 = vector.shape_cast %swap3A_586 : vector<1x16xf32> to vector<16xf32>
      %swap3A_588 = vector.shape_cast %add3A_583 : vector<16xf32> to vector<1x16xf32>
      tpu.vector_store %arg9[%swap3A_584, %swap3A_585], %swap3A_588 {strides = array<i32>} : memref<1600x32xf32, #tpu.memory_space<vmem>>, vector<1x16xf32>,
      %add3A_589 = arith.constant 1400 : i32
      %add3A_590 = arith.addi %add3A_589, %scan3A_428 : i32
      %get3A_591 = arith.index_cast %add3A_590 : i32 to index
      %get3A_592 = arith.constant 0 : index
      %get3A_593 = tpu.vector_load %arg9[%get3A_591, %get3A_592] {strides = array<i32>} : memref<1600x32xf32, #tpu.memory_space<vmem>>, vector<1x16xf32>,
      %get3A_594 = vector.shape_cast %get3A_593 : vector<1x16xf32> to vector<16xf32>
      %add3A_595 = arith.addf %get3A_594, %get3A_431 : vector<16xf32>
      %swap3A_596 = arith.index_cast %add3A_590 : i32 to index
      %swap3A_597 = arith.constant 0 : index
      %swap3A_598 = tpu.vector_load %arg9[%swap3A_596, %swap3A_597] {strides = array<i32>} : memref<1600x32xf32, #tpu.memory_space<vmem>>, vector<1x16xf32>,
      %swap3A_599 = vector.shape_cast %swap3A_598 : vector<1x16xf32> to vector<16xf32>
      %swap3A_600 = vector.shape_cast %add3A_595 : vector<16xf32> to vector<1x16xf32>
      tpu.vector_store %arg9[%swap3A_596, %swap3A_597], %swap3A_600 {strides = array<i32>} : memref<1600x32xf32, #tpu.memory_space<vmem>>, vector<1x16xf32>,
      %get3A_601 = arith.index_cast %add3A_590 : i32 to index
      %get3A_602 = arith.constant 16 : index
      %get3A_603 = tpu.vector_load %arg9[%get3A_601, %get3A_602] {strides = array<i32>} : memref<1600x32xf32, #tpu.memory_space<vmem>>, vector<1x16xf32>,
      %get3A_604 = vector.shape_cast %get3A_603 : vector<1x16xf32> to vector<16xf32>
      %add3A_605 = arith.addf %get3A_604, %get3A_435 : vector<16xf32>
      %swap3A_606 = arith.index_cast %add3A_590 : i32 to index
      %swap3A_607 = arith.constant 16 : index
      %swap3A_608 = tpu.vector_load %arg9[%swap3A_606, %swap3A_607] {strides = array<i32>} : memref<1600x32xf32, #tpu.memory_space<vmem>>, vector<1x16xf32>,
      %swap3A_609 = vector.shape_cast %swap3A_608 : vector<1x16xf32> to vector<16xf32>
      %swap3A_610 = vector.shape_cast %add3A_605 : vector<16xf32> to vector<1x16xf32>
      tpu.vector_store %arg9[%swap3A_606, %swap3A_607], %swap3A_610 {strides = array<i32>} : memref<1600x32xf32, #tpu.memory_space<vmem>>, vector<1x16xf32>,
    }
    %scan3A_160 = arith.constant 200 : i32
    %add3A_161 = arith.constant 8000 : i32
    %add3A_162 = arith.addi %mul3A_2, %add3A_161 : i32
    %dma_start3A_163 = arith.constant 0 : i32
    %dma_start3A_164 = tpu.memref_slice %arg5[%add3A_162, %dma_start3A_163] : memref<819200x32xf32, #tpu.memory_space<hbm>> -> memref<1600x32xf32, #tpu.memory_space<hbm>>
    %dma_start3A_165 = arith.constant 0 : i32
    %dma_start3A_166 = tpu.memref_slice %arg5[%add3A_162, %dma_start3A_165] : memref<819200x32xf32, #tpu.memory_space<hbm>> -> memref<1600x32xf32, #tpu.memory_space<hbm>>
    tpu.enqueue_dma source(%arg9 : memref<1600x32xf32, #tpu.memory_space<vmem>>) target(%dma_start3A_166 : memref<1600x32xf32, #tpu.memory_space<hbm>>) target_semaphore(%arg16 : memref<!tpu.dma_semaphore, #tpu.memory_space<semaphore_mem>>)
    %dma_wait3A_167 = tpu.memref_slice %arg2[%add3A_153] : memref<819200xi32, #tpu.memory_space<hbm>> -> memref<1600xi32, #tpu.memory_space<hbm>>
    %dma_wait3A_168 = tpu.memref_slice %arg2[%add3A_153] : memref<819200xi32, #tpu.memory_space<hbm>> -> memref<1600xi32, #tpu.memory_space<hbm>>
    tpu.wait_dma2 semaphore(%arg12 : memref<!tpu.dma_semaphore, #tpu.memory_space<semaphore_mem>>) src(%dma_wait3A_168 : memref<1600xi32, #tpu.memory_space<hbm>>) dst(%arg7 : memref<1600xi32, #tpu.memory_space<vmem>>)
    %dma_wait3A_169 = arith.constant 0 : i32
    %dma_wait3A_170 = tpu.memref_slice %arg5[%add3A_162, %dma_wait3A_169] : memref<819200x32xf32, #tpu.memory_space<hbm>> -> memref<1600x32xf32, #tpu.memory_space<hbm>>
    %dma_wait3A_171 = arith.constant 0 : i32
    %dma_wait3A_172 = tpu.memref_slice %arg5[%add3A_162, %dma_wait3A_171] : memref<819200x32xf32, #tpu.memory_space<hbm>> -> memref<1600x32xf32, #tpu.memory_space<hbm>>
    tpu.wait_dma2 semaphore(%arg16 : memref<!tpu.dma_semaphore, #tpu.memory_space<semaphore_mem>>) src(%arg9 : memref<1600x32xf32, #tpu.memory_space<vmem>>) dst(%dma_wait3A_172 : memref<1600x32xf32, #tpu.memory_space<hbm>>)
    %dma_start3A_173 = arith.constant 0 : i32
    %dma_start3A_174 = arith.constant 0 : i32
    %dma_start3A_175 = tpu.memref_slice %arg3[%dma_start3A_173, %dma_start3A_174] : memref<1000000x32xf32, #tpu.memory_space<hbm>> -> memref<1000000x32xf32, #tpu.memory_space<hbm>>
    tpu.enqueue_indirect_dma source(%dma_start3A_175 : memref<1000000x32xf32, #tpu.memory_space<hbm>>) target(%arg9 : memref<1600x32xf32, #tpu.memory_space<vmem>>) offsets(%arg7 : memref<1600xi32, #tpu.memory_space<vmem>>) semaphore(%arg14 : memref<!tpu.dma_semaphore, #tpu.memory_space<semaphore_mem>>)
    %dma_wait3A_176 = arith.constant 0 : i32
    %dma_wait3A_177 = arith.constant 0 : i32
    %dma_wait3A_178 = tpu.memref_slice %arg3[%dma_wait3A_176, %dma_wait3A_177] : memref<1000000x32xf32, #tpu.memory_space<hbm>> -> memref<1000000x32xf32, #tpu.memory_space<hbm>>
    tpu.wait_indirect_dma semaphore(%arg13 : memref<!tpu.dma_semaphore, #tpu.memory_space<semaphore_mem>>) src(%dma_wait3A_178 : memref<1000000x32xf32, #tpu.memory_space<hbm>>) dst(%arg8 : memref<1600x32xf32, #tpu.memory_space<vmem>>)
    %add3A_179 = arith.constant 12800 : i32
    %add3A_180 = arith.addi %mul3A_2, %add3A_179 : i32
    %dma_start3A_181 = tpu.memref_slice %arg2[%add3A_180] : memref<819200xi32, #tpu.memory_space<hbm>> -> memref<1600xi32, #tpu.memory_space<hbm>>
    %dma_start3A_182 = tpu.memref_slice %arg2[%add3A_180] : memref<819200xi32, #tpu.memory_space<hbm>> -> memref<1600xi32, #tpu.memory_space<hbm>>
    tpu.enqueue_dma source(%dma_start3A_182 : memref<1600xi32, #tpu.memory_space<hbm>>) target(%arg6 : memref<1600xi32, #tpu.memory_space<vmem>>) target_semaphore(%arg11 : memref<!tpu.dma_semaphore, #tpu.memory_space<semaphore_mem>>)
    %scan3A_183 = arith.constant 0 : i32
    %scan3A_184 = arith.constant 200 : i32
    %scan3A_185 = arith.addi %scan3A_183, %scan3A_184 : i32
    %scan3A_186 = arith.constant 1 : i32
    scf.for %scan3A_428 = %scan3A_183 to %scan3A_185 step %scan3A_186  : i32 {
      %get3A = arith.index_cast %scan3A_428 : i32 to index
      %get3A_429 = arith.constant 0 : index
      %get3A_430 = tpu.vector_load %arg10[%get3A, %get3A_429] {strides = array<i32>} : memref<200x32xf32, #tpu.memory_space<vmem>>, vector<1x16xf32>,
      %get3A_431 = vector.shape_cast %get3A_430 : vector<1x16xf32> to vector<16xf32>
      %get3A_432 = arith.index_cast %scan3A_428 : i32 to index
      %get3A_433 = arith.constant 16 : index
      %get3A_434 = tpu.vector_load %arg10[%get3A_432, %get3A_433] {strides = array<i32>} : memref<200x32xf32, #tpu.memory_space<vmem>>, vector<1x16xf32>,
      %get3A_435 = vector.shape_cast %get3A_434 : vector<1x16xf32> to vector<16xf32>
      %add3A_436 = arith.constant 0 : i32
      %add3A_437 = arith.addi %add3A_436, %scan3A_428 : i32
      %get3A_438 = arith.index_cast %add3A_437 : i32 to index
      %get3A_439 = arith.constant 0 : index
      %get3A_440 = tpu.vector_load %arg8[%get3A_438, %get3A_439] {strides = array<i32>} : memref<1600x32xf32, #tpu.memory_space<vmem>>, vector<1x16xf32>,
      %get3A_441 = vector.shape_cast %get3A_440 : vector<1x16xf32> to vector<16xf32>
      %add3A_442 = arith.addf %get3A_441, %get3A_431 : vector<16xf32>
      %swap3A = arith.index_cast %add3A_437 : i32 to index
      %swap3A_443 = arith.constant 0 : index
      %swap3A_444 = tpu.vector_load %arg8[%swap3A, %swap3A_443] {strides = array<i32>} : memref<1600x32xf32, #tpu.memory_space<vmem>>, vector<1x16xf32>,
      %swap3A_445 = vector.shape_cast %swap3A_444 : vector<1x16xf32> to vector<16xf32>
      %swap3A_446 = vector.shape_cast %add3A_442 : vector<16xf32> to vector<1x16xf32>
      tpu.vector_store %arg8[%swap3A, %swap3A_443], %swap3A_446 {strides = array<i32>} : memref<1600x32xf32, #tpu.memory_space<vmem>>, vector<1x16xf32>,
      %get3A_447 = arith.index_cast %add3A_437 : i32 to index
      %get3A_448 = arith.constant 16 : index
      %get3A_449 = tpu.vector_load %arg8[%get3A_447, %get3A_448] {strides = array<i32>} : memref<1600x32xf32, #tpu.memory_space<vmem>>, vector<1x16xf32>,
      %get3A_450 = vector.shape_cast %get3A_449 : vector<1x16xf32> to vector<16xf32>
      %add3A_451 = arith.addf %get3A_450, %get3A_435 : vector<16xf32>
      %swap3A_452 = arith.index_cast %add3A_437 : i32 to index
      %swap3A_453 = arith.constant 16 : index
      %swap3A_454 = tpu.vector_load %arg8[%swap3A_452, %swap3A_453] {strides = array<i32>} : memref<1600x32xf32, #tpu.memory_space<vmem>>, vector<1x16xf32>,
      %swap3A_455 = vector.shape_cast %swap3A_454 : vector<1x16xf32> to vector<16xf32>
      %swap3A_456 = vector.shape_cast %add3A_451 : vector<16xf32> to vector<1x16xf32>
      tpu.vector_store %arg8[%swap3A_452, %swap3A_453], %swap3A_456 {strides = array<i32>} : memref<1600x32xf32, #tpu.memory_space<vmem>>, vector<1x16xf32>,
      %add3A_457 = arith.constant 200 : i32
      %add3A_458 = arith.addi %add3A_457, %scan3A_428 : i32
      %get3A_459 = arith.index_cast %add3A_458 : i32 to index
      %get3A_460 = arith.constant 0 : index
      %get3A_461 = tpu.vector_load %arg8[%get3A_459, %get3A_460] {strides = array<i32>} : memref<1600x32xf32, #tpu.memory_space<vmem>>, vector<1x16xf32>,
      %get3A_462 = vector.shape_cast %get3A_461 : vector<1x16xf32> to vector<16xf32>
      %add3A_463 = arith.addf %get3A_462, %get3A_431 : vector<16xf32>
      %swap3A_464 = arith.index_cast %add3A_458 : i32 to index
      %swap3A_465 = arith.constant 0 : index
      %swap3A_466 = tpu.vector_load %arg8[%swap3A_464, %swap3A_465] {strides = array<i32>} : memref<1600x32xf32, #tpu.memory_space<vmem>>, vector<1x16xf32>,
      %swap3A_467 = vector.shape_cast %swap3A_466 : vector<1x16xf32> to vector<16xf32>
      %swap3A_468 = vector.shape_cast %add3A_463 : vector<16xf32> to vector<1x16xf32>
      tpu.vector_store %arg8[%swap3A_464, %swap3A_465], %swap3A_468 {strides = array<i32>} : memref<1600x32xf32, #tpu.memory_space<vmem>>, vector<1x16xf32>,
      %get3A_469 = arith.index_cast %add3A_458 : i32 to index
      %get3A_470 = arith.constant 16 : index
      %get3A_471 = tpu.vector_load %arg8[%get3A_469, %get3A_470] {strides = array<i32>} : memref<1600x32xf32, #tpu.memory_space<vmem>>, vector<1x16xf32>,
      %get3A_472 = vector.shape_cast %get3A_471 : vector<1x16xf32> to vector<16xf32>
      %add3A_473 = arith.addf %get3A_472, %get3A_435 : vector<16xf32>
      %swap3A_474 = arith.index_cast %add3A_458 : i32 to index
      %swap3A_475 = arith.constant 16 : index
      %swap3A_476 = tpu.vector_load %arg8[%swap3A_474, %swap3A_475] {strides = array<i32>} : memref<1600x32xf32, #tpu.memory_space<vmem>>, vector<1x16xf32>,
      %swap3A_477 = vector.shape_cast %swap3A_476 : vector<1x16xf32> to vector<16xf32>
      %swap3A_478 = vector.shape_cast %add3A_473 : vector<16xf32> to vector<1x16xf32>
      tpu.vector_store %arg8[%swap3A_474, %swap3A_475], %swap3A_478 {strides = array<i32>} : memref<1600x32xf32, #tpu.memory_space<vmem>>, vector<1x16xf32>,
      %add3A_479 = arith.constant 400 : i32
      %add3A_480 = arith.addi %add3A_479, %scan3A_428 : i32
      %get3A_481 = arith.index_cast %add3A_480 : i32 to index
      %get3A_482 = arith.constant 0 : index
      %get3A_483 = tpu.vector_load %arg8[%get3A_481, %get3A_482] {strides = array<i32>} : memref<1600x32xf32, #tpu.memory_space<vmem>>, vector<1x16xf32>,
      %get3A_484 = vector.shape_cast %get3A_483 : vector<1x16xf32> to vector<16xf32>
      %add3A_485 = arith.addf %get3A_484, %get3A_431 : vector<16xf32>
      %swap3A_486 = arith.index_cast %add3A_480 : i32 to index
      %swap3A_487 = arith.constant 0 : index
      %swap3A_488 = tpu.vector_load %arg8[%swap3A_486, %swap3A_487] {strides = array<i32>} : memref<1600x32xf32, #tpu.memory_space<vmem>>, vector<1x16xf32>,
      %swap3A_489 = vector.shape_cast %swap3A_488 : vector<1x16xf32> to vector<16xf32>
      %swap3A_490 = vector.shape_cast %add3A_485 : vector<16xf32> to vector<1x16xf32>
      tpu.vector_store %arg8[%swap3A_486, %swap3A_487], %swap3A_490 {strides = array<i32>} : memref<1600x32xf32, #tpu.memory_space<vmem>>, vector<1x16xf32>,
      %get3A_491 = arith.index_cast %add3A_480 : i32 to index
      %get3A_492 = arith.constant 16 : index
      %get3A_493 = tpu.vector_load %arg8[%get3A_491, %get3A_492] {strides = array<i32>} : memref<1600x32xf32, #tpu.memory_space<vmem>>, vector<1x16xf32>,
      %get3A_494 = vector.shape_cast %get3A_493 : vector<1x16xf32> to vector<16xf32>
      %add3A_495 = arith.addf %get3A_494, %get3A_435 : vector<16xf32>
      %swap3A_496 = arith.index_cast %add3A_480 : i32 to index
      %swap3A_497 = arith.constant 16 : index
      %swap3A_498 = tpu.vector_load %arg8[%swap3A_496, %swap3A_497] {strides = array<i32>} : memref<1600x32xf32, #tpu.memory_space<vmem>>, vector<1x16xf32>,
      %swap3A_499 = vector.shape_cast %swap3A_498 : vector<1x16xf32> to vector<16xf32>
      %swap3A_500 = vector.shape_cast %add3A_495 : vector<16xf32> to vector<1x16xf32>
      tpu.vector_store %arg8[%swap3A_496, %swap3A_497], %swap3A_500 {strides = array<i32>} : memref<1600x32xf32, #tpu.memory_space<vmem>>, vector<1x16xf32>,
      %add3A_501 = arith.constant 600 : i32
      %add3A_502 = arith.addi %add3A_501, %scan3A_428 : i32
      %get3A_503 = arith.index_cast %add3A_502 : i32 to index
      %get3A_504 = arith.constant 0 : index
      %get3A_505 = tpu.vector_load %arg8[%get3A_503, %get3A_504] {strides = array<i32>} : memref<1600x32xf32, #tpu.memory_space<vmem>>, vector<1x16xf32>,
      %get3A_506 = vector.shape_cast %get3A_505 : vector<1x16xf32> to vector<16xf32>
      %add3A_507 = arith.addf %get3A_506, %get3A_431 : vector<16xf32>
      %swap3A_508 = arith.index_cast %add3A_502 : i32 to index
      %swap3A_509 = arith.constant 0 : index
      %swap3A_510 = tpu.vector_load %arg8[%swap3A_508, %swap3A_509] {strides = array<i32>} : memref<1600x32xf32, #tpu.memory_space<vmem>>, vector<1x16xf32>,
      %swap3A_511 = vector.shape_cast %swap3A_510 : vector<1x16xf32> to vector<16xf32>
      %swap3A_512 = vector.shape_cast %add3A_507 : vector<16xf32> to vector<1x16xf32>
      tpu.vector_store %arg8[%swap3A_508, %swap3A_509], %swap3A_512 {strides = array<i32>} : memref<1600x32xf32, #tpu.memory_space<vmem>>, vector<1x16xf32>,
      %get3A_513 = arith.index_cast %add3A_502 : i32 to index
      %get3A_514 = arith.constant 16 : index
      %get3A_515 = tpu.vector_load %arg8[%get3A_513, %get3A_514] {strides = array<i32>} : memref<1600x32xf32, #tpu.memory_space<vmem>>, vector<1x16xf32>,
      %get3A_516 = vector.shape_cast %get3A_515 : vector<1x16xf32> to vector<16xf32>
      %add3A_517 = arith.addf %get3A_516, %get3A_435 : vector<16xf32>
      %swap3A_518 = arith.index_cast %add3A_502 : i32 to index
      %swap3A_519 = arith.constant 16 : index
      %swap3A_520 = tpu.vector_load %arg8[%swap3A_518, %swap3A_519] {strides = array<i32>} : memref<1600x32xf32, #tpu.memory_space<vmem>>, vector<1x16xf32>,
      %swap3A_521 = vector.shape_cast %swap3A_520 : vector<1x16xf32> to vector<16xf32>
      %swap3A_522 = vector.shape_cast %add3A_517 : vector<16xf32> to vector<1x16xf32>
      tpu.vector_store %arg8[%swap3A_518, %swap3A_519], %swap3A_522 {strides = array<i32>} : memref<1600x32xf32, #tpu.memory_space<vmem>>, vector<1x16xf32>,
      %add3A_523 = arith.constant 800 : i32
      %add3A_524 = arith.addi %add3A_523, %scan3A_428 : i32
      %get3A_525 = arith.index_cast %add3A_524 : i32 to index
      %get3A_526 = arith.constant 0 : index
      %get3A_527 = tpu.vector_load %arg8[%get3A_525, %get3A_526] {strides = array<i32>} : memref<1600x32xf32, #tpu.memory_space<vmem>>, vector<1x16xf32>,
      %get3A_528 = vector.shape_cast %get3A_527 : vector<1x16xf32> to vector<16xf32>
      %add3A_529 = arith.addf %get3A_528, %get3A_431 : vector<16xf32>
      %swap3A_530 = arith.index_cast %add3A_524 : i32 to index
      %swap3A_531 = arith.constant 0 : index
      %swap3A_532 = tpu.vector_load %arg8[%swap3A_530, %swap3A_531] {strides = array<i32>} : memref<1600x32xf32, #tpu.memory_space<vmem>>, vector<1x16xf32>,
      %swap3A_533 = vector.shape_cast %swap3A_532 : vector<1x16xf32> to vector<16xf32>
      %swap3A_534 = vector.shape_cast %add3A_529 : vector<16xf32> to vector<1x16xf32>
      tpu.vector_store %arg8[%swap3A_530, %swap3A_531], %swap3A_534 {strides = array<i32>} : memref<1600x32xf32, #tpu.memory_space<vmem>>, vector<1x16xf32>,
      %get3A_535 = arith.index_cast %add3A_524 : i32 to index
      %get3A_536 = arith.constant 16 : index
      %get3A_537 = tpu.vector_load %arg8[%get3A_535, %get3A_536] {strides = array<i32>} : memref<1600x32xf32, #tpu.memory_space<vmem>>, vector<1x16xf32>,
      %get3A_538 = vector.shape_cast %get3A_537 : vector<1x16xf32> to vector<16xf32>
      %add3A_539 = arith.addf %get3A_538, %get3A_435 : vector<16xf32>
      %swap3A_540 = arith.index_cast %add3A_524 : i32 to index
      %swap3A_541 = arith.constant 16 : index
      %swap3A_542 = tpu.vector_load %arg8[%swap3A_540, %swap3A_541] {strides = array<i32>} : memref<1600x32xf32, #tpu.memory_space<vmem>>, vector<1x16xf32>,
      %swap3A_543 = vector.shape_cast %swap3A_542 : vector<1x16xf32> to vector<16xf32>
      %swap3A_544 = vector.shape_cast %add3A_539 : vector<16xf32> to vector<1x16xf32>
      tpu.vector_store %arg8[%swap3A_540, %swap3A_541], %swap3A_544 {strides = array<i32>} : memref<1600x32xf32, #tpu.memory_space<vmem>>, vector<1x16xf32>,
      %add3A_545 = arith.constant 1000 : i32
      %add3A_546 = arith.addi %add3A_545, %scan3A_428 : i32
      %get3A_547 = arith.index_cast %add3A_546 : i32 to index
      %get3A_548 = arith.constant 0 : index
      %get3A_549 = tpu.vector_load %arg8[%get3A_547, %get3A_548] {strides = array<i32>} : memref<1600x32xf32, #tpu.memory_space<vmem>>, vector<1x16xf32>,
      %get3A_550 = vector.shape_cast %get3A_549 : vector<1x16xf32> to vector<16xf32>
      %add3A_551 = arith.addf %get3A_550, %get3A_431 : vector<16xf32>
      %swap3A_552 = arith.index_cast %add3A_546 : i32 to index
      %swap3A_553 = arith.constant 0 : index
      %swap3A_554 = tpu.vector_load %arg8[%swap3A_552, %swap3A_553] {strides = array<i32>} : memref<1600x32xf32, #tpu.memory_space<vmem>>, vector<1x16xf32>,
      %swap3A_555 = vector.shape_cast %swap3A_554 : vector<1x16xf32> to vector<16xf32>
      %swap3A_556 = vector.shape_cast %add3A_551 : vector<16xf32> to vector<1x16xf32>
      tpu.vector_store %arg8[%swap3A_552, %swap3A_553], %swap3A_556 {strides = array<i32>} : memref<1600x32xf32, #tpu.memory_space<vmem>>, vector<1x16xf32>,
      %get3A_557 = arith.index_cast %add3A_546 : i32 to index
      %get3A_558 = arith.constant 16 : index
      %get3A_559 = tpu.vector_load %arg8[%get3A_557, %get3A_558] {strides = array<i32>} : memref<1600x32xf32, #tpu.memory_space<vmem>>, vector<1x16xf32>,
      %get3A_560 = vector.shape_cast %get3A_559 : vector<1x16xf32> to vector<16xf32>
      %add3A_561 = arith.addf %get3A_560, %get3A_435 : vector<16xf32>
      %swap3A_562 = arith.index_cast %add3A_546 : i32 to index
      %swap3A_563 = arith.constant 16 : index
      %swap3A_564 = tpu.vector_load %arg8[%swap3A_562, %swap3A_563] {strides = array<i32>} : memref<1600x32xf32, #tpu.memory_space<vmem>>, vector<1x16xf32>,
      %swap3A_565 = vector.shape_cast %swap3A_564 : vector<1x16xf32> to vector<16xf32>
      %swap3A_566 = vector.shape_cast %add3A_561 : vector<16xf32> to vector<1x16xf32>
      tpu.vector_store %arg8[%swap3A_562, %swap3A_563], %swap3A_566 {strides = array<i32>} : memref<1600x32xf32, #tpu.memory_space<vmem>>, vector<1x16xf32>,
      %add3A_567 = arith.constant 1200 : i32
      %add3A_568 = arith.addi %add3A_567, %scan3A_428 : i32
      %get3A_569 = arith.index_cast %add3A_568 : i32 to index
      %get3A_570 = arith.constant 0 : index
      %get3A_571 = tpu.vector_load %arg8[%get3A_569, %get3A_570] {strides = array<i32>} : memref<1600x32xf32, #tpu.memory_space<vmem>>, vector<1x16xf32>,
      %get3A_572 = vector.shape_cast %get3A_571 : vector<1x16xf32> to vector<16xf32>
      %add3A_573 = arith.addf %get3A_572, %get3A_431 : vector<16xf32>
      %swap3A_574 = arith.index_cast %add3A_568 : i32 to index
      %swap3A_575 = arith.constant 0 : index
      %swap3A_576 = tpu.vector_load %arg8[%swap3A_574, %swap3A_575] {strides = array<i32>} : memref<1600x32xf32, #tpu.memory_space<vmem>>, vector<1x16xf32>,
      %swap3A_577 = vector.shape_cast %swap3A_576 : vector<1x16xf32> to vector<16xf32>
      %swap3A_578 = vector.shape_cast %add3A_573 : vector<16xf32> to vector<1x16xf32>
      tpu.vector_store %arg8[%swap3A_574, %swap3A_575], %swap3A_578 {strides = array<i32>} : memref<1600x32xf32, #tpu.memory_space<vmem>>, vector<1x16xf32>,
      %get3A_579 = arith.index_cast %add3A_568 : i32 to index
      %get3A_580 = arith.constant 16 : index
      %get3A_581 = tpu.vector_load %arg8[%get3A_579, %get3A_580] {strides = array<i32>} : memref<1600x32xf32, #tpu.memory_space<vmem>>, vector<1x16xf32>,
      %get3A_582 = vector.shape_cast %get3A_581 : vector<1x16xf32> to vector<16xf32>
      %add3A_583 = arith.addf %get3A_582, %get3A_435 : vector<16xf32>
      %swap3A_584 = arith.index_cast %add3A_568 : i32 to index
      %swap3A_585 = arith.constant 16 : index
      %swap3A_586 = tpu.vector_load %arg8[%swap3A_584, %swap3A_585] {strides = array<i32>} : memref<1600x32xf32, #tpu.memory_space<vmem>>, vector<1x16xf32>,
      %swap3A_587 = vector.shape_cast %swap3A_586 : vector<1x16xf32> to vector<16xf32>
      %swap3A_588 = vector.shape_cast %add3A_583 : vector<16xf32> to vector<1x16xf32>
      tpu.vector_store %arg8[%swap3A_584, %swap3A_585], %swap3A_588 {strides = array<i32>} : memref<1600x32xf32, #tpu.memory_space<vmem>>, vector<1x16xf32>,
      %add3A_589 = arith.constant 1400 : i32
      %add3A_590 = arith.addi %add3A_589, %scan3A_428 : i32
      %get3A_591 = arith.index_cast %add3A_590 : i32 to index
      %get3A_592 = arith.constant 0 : index
      %get3A_593 = tpu.vector_load %arg8[%get3A_591, %get3A_592] {strides = array<i32>} : memref<1600x32xf32, #tpu.memory_space<vmem>>, vector<1x16xf32>,
      %get3A_594 = vector.shape_cast %get3A_593 : vector<1x16xf32> to vector<16xf32>
      %add3A_595 = arith.addf %get3A_594, %get3A_431 : vector<16xf32>
      %swap3A_596 = arith.index_cast %add3A_590 : i32 to index
      %swap3A_597 = arith.constant 0 : index
      %swap3A_598 = tpu.vector_load %arg8[%swap3A_596, %swap3A_597] {strides = array<i32>} : memref<1600x32xf32, #tpu.memory_space<vmem>>, vector<1x16xf32>,
      %swap3A_599 = vector.shape_cast %swap3A_598 : vector<1x16xf32> to vector<16xf32>
      %swap3A_600 = vector.shape_cast %add3A_595 : vector<16xf32> to vector<1x16xf32>
      tpu.vector_store %arg8[%swap3A_596, %swap3A_597], %swap3A_600 {strides = array<i32>} : memref<1600x32xf32, #tpu.memory_space<vmem>>, vector<1x16xf32>,
      %get3A_601 = arith.index_cast %add3A_590 : i32 to index
      %get3A_602 = arith.constant 16 : index
      %get3A_603 = tpu.vector_load %arg8[%get3A_601, %get3A_602] {strides = array<i32>} : memref<1600x32xf32, #tpu.memory_space<vmem>>, vector<1x16xf32>,
      %get3A_604 = vector.shape_cast %get3A_603 : vector<1x16xf32> to vector<16xf32>
      %add3A_605 = arith.addf %get3A_604, %get3A_435 : vector<16xf32>
      %swap3A_606 = arith.index_cast %add3A_590 : i32 to index
      %swap3A_607 = arith.constant 16 : index
      %swap3A_608 = tpu.vector_load %arg8[%swap3A_606, %swap3A_607] {strides = array<i32>} : memref<1600x32xf32, #tpu.memory_space<vmem>>, vector<1x16xf32>,
      %swap3A_609 = vector.shape_cast %swap3A_608 : vector<1x16xf32> to vector<16xf32>
      %swap3A_610 = vector.shape_cast %add3A_605 : vector<16xf32> to vector<1x16xf32>
      tpu.vector_store %arg8[%swap3A_606, %swap3A_607], %swap3A_610 {strides = array<i32>} : memref<1600x32xf32, #tpu.memory_space<vmem>>, vector<1x16xf32>,
    }
    %scan3A_187 = arith.constant 200 : i32
    %add3A_188 = arith.constant 9600 : i32
    %add3A_189 = arith.addi %mul3A_2, %add3A_188 : i32
    %dma_start3A_190 = arith.constant 0 : i32
    %dma_start3A_191 = tpu.memref_slice %arg5[%add3A_189, %dma_start3A_190] : memref<819200x32xf32, #tpu.memory_space<hbm>> -> memref<1600x32xf32, #tpu.memory_space<hbm>>
    %dma_start3A_192 = arith.constant 0 : i32
    %dma_start3A_193 = tpu.memref_slice %arg5[%add3A_189, %dma_start3A_192] : memref<819200x32xf32, #tpu.memory_space<hbm>> -> memref<1600x32xf32, #tpu.memory_space<hbm>>
    tpu.enqueue_dma source(%arg8 : memref<1600x32xf32, #tpu.memory_space<vmem>>) target(%dma_start3A_193 : memref<1600x32xf32, #tpu.memory_space<hbm>>) target_semaphore(%arg15 : memref<!tpu.dma_semaphore, #tpu.memory_space<semaphore_mem>>)
    %dma_wait3A_194 = tpu.memref_slice %arg2[%add3A_180] : memref<819200xi32, #tpu.memory_space<hbm>> -> memref<1600xi32, #tpu.memory_space<hbm>>
    %dma_wait3A_195 = tpu.memref_slice %arg2[%add3A_180] : memref<819200xi32, #tpu.memory_space<hbm>> -> memref<1600xi32, #tpu.memory_space<hbm>>
    tpu.wait_dma2 semaphore(%arg11 : memref<!tpu.dma_semaphore, #tpu.memory_space<semaphore_mem>>) src(%dma_wait3A_195 : memref<1600xi32, #tpu.memory_space<hbm>>) dst(%arg6 : memref<1600xi32, #tpu.memory_space<vmem>>)
    %dma_wait3A_196 = arith.constant 0 : i32
    %dma_wait3A_197 = tpu.memref_slice %arg5[%add3A_189, %dma_wait3A_196] : memref<819200x32xf32, #tpu.memory_space<hbm>> -> memref<1600x32xf32, #tpu.memory_space<hbm>>
    %dma_wait3A_198 = arith.constant 0 : i32
    %dma_wait3A_199 = tpu.memref_slice %arg5[%add3A_189, %dma_wait3A_198] : memref<819200x32xf32, #tpu.memory_space<hbm>> -> memref<1600x32xf32, #tpu.memory_space<hbm>>
    tpu.wait_dma2 semaphore(%arg15 : memref<!tpu.dma_semaphore, #tpu.memory_space<semaphore_mem>>) src(%arg8 : memref<1600x32xf32, #tpu.memory_space<vmem>>) dst(%dma_wait3A_199 : memref<1600x32xf32, #tpu.memory_space<hbm>>)
    %dma_start3A_200 = arith.constant 0 : i32
    %dma_start3A_201 = arith.constant 0 : i32
    %dma_start3A_202 = tpu.memref_slice %arg3[%dma_start3A_200, %dma_start3A_201] : memref<1000000x32xf32, #tpu.memory_space<hbm>> -> memref<1000000x32xf32, #tpu.memory_space<hbm>>
    tpu.enqueue_indirect_dma source(%dma_start3A_202 : memref<1000000x32xf32, #tpu.memory_space<hbm>>) target(%arg8 : memref<1600x32xf32, #tpu.memory_space<vmem>>) offsets(%arg6 : memref<1600xi32, #tpu.memory_space<vmem>>) semaphore(%arg13 : memref<!tpu.dma_semaphore, #tpu.memory_space<semaphore_mem>>)
    %dma_wait3A_203 = arith.constant 0 : i32
    %dma_wait3A_204 = arith.constant 0 : i32
    %dma_wait3A_205 = tpu.memref_slice %arg3[%dma_wait3A_203, %dma_wait3A_204] : memref<1000000x32xf32, #tpu.memory_space<hbm>> -> memref<1000000x32xf32, #tpu.memory_space<hbm>>
    tpu.wait_indirect_dma semaphore(%arg14 : memref<!tpu.dma_semaphore, #tpu.memory_space<semaphore_mem>>) src(%dma_wait3A_205 : memref<1000000x32xf32, #tpu.memory_space<hbm>>) dst(%arg9 : memref<1600x32xf32, #tpu.memory_space<vmem>>)
    %add3A_206 = arith.constant 14400 : i32
    %add3A_207 = arith.addi %mul3A_2, %add3A_206 : i32
    %dma_start3A_208 = tpu.memref_slice %arg2[%add3A_207] : memref<819200xi32, #tpu.memory_space<hbm>> -> memref<1600xi32, #tpu.memory_space<hbm>>
    %dma_start3A_209 = tpu.memref_slice %arg2[%add3A_207] : memref<819200xi32, #tpu.memory_space<hbm>> -> memref<1600xi32, #tpu.memory_space<hbm>>
    tpu.enqueue_dma source(%dma_start3A_209 : memref<1600xi32, #tpu.memory_space<hbm>>) target(%arg7 : memref<1600xi32, #tpu.memory_space<vmem>>) target_semaphore(%arg12 : memref<!tpu.dma_semaphore, #tpu.memory_space<semaphore_mem>>)
    %scan3A_210 = arith.constant 0 : i32
    %scan3A_211 = arith.constant 200 : i32
    %scan3A_212 = arith.addi %scan3A_210, %scan3A_211 : i32
    %scan3A_213 = arith.constant 1 : i32
    scf.for %scan3A_428 = %scan3A_210 to %scan3A_212 step %scan3A_213  : i32 {
      %get3A = arith.index_cast %scan3A_428 : i32 to index
      %get3A_429 = arith.constant 0 : index
      %get3A_430 = tpu.vector_load %arg10[%get3A, %get3A_429] {strides = array<i32>} : memref<200x32xf32, #tpu.memory_space<vmem>>, vector<1x16xf32>,
      %get3A_431 = vector.shape_cast %get3A_430 : vector<1x16xf32> to vector<16xf32>
      %get3A_432 = arith.index_cast %scan3A_428 : i32 to index
      %get3A_433 = arith.constant 16 : index
      %get3A_434 = tpu.vector_load %arg10[%get3A_432, %get3A_433] {strides = array<i32>} : memref<200x32xf32, #tpu.memory_space<vmem>>, vector<1x16xf32>,
      %get3A_435 = vector.shape_cast %get3A_434 : vector<1x16xf32> to vector<16xf32>
      %add3A_436 = arith.constant 0 : i32
      %add3A_437 = arith.addi %add3A_436, %scan3A_428 : i32
      %get3A_438 = arith.index_cast %add3A_437 : i32 to index
      %get3A_439 = arith.constant 0 : index
      %get3A_440 = tpu.vector_load %arg9[%get3A_438, %get3A_439] {strides = array<i32>} : memref<1600x32xf32, #tpu.memory_space<vmem>>, vector<1x16xf32>,
      %get3A_441 = vector.shape_cast %get3A_440 : vector<1x16xf32> to vector<16xf32>
      %add3A_442 = arith.addf %get3A_441, %get3A_431 : vector<16xf32>
      %swap3A = arith.index_cast %add3A_437 : i32 to index
      %swap3A_443 = arith.constant 0 : index
      %swap3A_444 = tpu.vector_load %arg9[%swap3A, %swap3A_443] {strides = array<i32>} : memref<1600x32xf32, #tpu.memory_space<vmem>>, vector<1x16xf32>,
      %swap3A_445 = vector.shape_cast %swap3A_444 : vector<1x16xf32> to vector<16xf32>
      %swap3A_446 = vector.shape_cast %add3A_442 : vector<16xf32> to vector<1x16xf32>
      tpu.vector_store %arg9[%swap3A, %swap3A_443], %swap3A_446 {strides = array<i32>} : memref<1600x32xf32, #tpu.memory_space<vmem>>, vector<1x16xf32>,
      %get3A_447 = arith.index_cast %add3A_437 : i32 to index
      %get3A_448 = arith.constant 16 : index
      %get3A_449 = tpu.vector_load %arg9[%get3A_447, %get3A_448] {strides = array<i32>} : memref<1600x32xf32, #tpu.memory_space<vmem>>, vector<1x16xf32>,
      %get3A_450 = vector.shape_cast %get3A_449 : vector<1x16xf32> to vector<16xf32>
      %add3A_451 = arith.addf %get3A_450, %get3A_435 : vector<16xf32>
      %swap3A_452 = arith.index_cast %add3A_437 : i32 to index
      %swap3A_453 = arith.constant 16 : index
      %swap3A_454 = tpu.vector_load %arg9[%swap3A_452, %swap3A_453] {strides = array<i32>} : memref<1600x32xf32, #tpu.memory_space<vmem>>, vector<1x16xf32>,
      %swap3A_455 = vector.shape_cast %swap3A_454 : vector<1x16xf32> to vector<16xf32>
      %swap3A_456 = vector.shape_cast %add3A_451 : vector<16xf32> to vector<1x16xf32>
      tpu.vector_store %arg9[%swap3A_452, %swap3A_453], %swap3A_456 {strides = array<i32>} : memref<1600x32xf32, #tpu.memory_space<vmem>>, vector<1x16xf32>,
      %add3A_457 = arith.constant 200 : i32
      %add3A_458 = arith.addi %add3A_457, %scan3A_428 : i32
      %get3A_459 = arith.index_cast %add3A_458 : i32 to index
      %get3A_460 = arith.constant 0 : index
      %get3A_461 = tpu.vector_load %arg9[%get3A_459, %get3A_460] {strides = array<i32>} : memref<1600x32xf32, #tpu.memory_space<vmem>>, vector<1x16xf32>,
      %get3A_462 = vector.shape_cast %get3A_461 : vector<1x16xf32> to vector<16xf32>
      %add3A_463 = arith.addf %get3A_462, %get3A_431 : vector<16xf32>
      %swap3A_464 = arith.index_cast %add3A_458 : i32 to index
      %swap3A_465 = arith.constant 0 : index
      %swap3A_466 = tpu.vector_load %arg9[%swap3A_464, %swap3A_465] {strides = array<i32>} : memref<1600x32xf32, #tpu.memory_space<vmem>>, vector<1x16xf32>,
      %swap3A_467 = vector.shape_cast %swap3A_466 : vector<1x16xf32> to vector<16xf32>
      %swap3A_468 = vector.shape_cast %add3A_463 : vector<16xf32> to vector<1x16xf32>
      tpu.vector_store %arg9[%swap3A_464, %swap3A_465], %swap3A_468 {strides = array<i32>} : memref<1600x32xf32, #tpu.memory_space<vmem>>, vector<1x16xf32>,
      %get3A_469 = arith.index_cast %add3A_458 : i32 to index
      %get3A_470 = arith.constant 16 : index
      %get3A_471 = tpu.vector_load %arg9[%get3A_469, %get3A_470] {strides = array<i32>} : memref<1600x32xf32, #tpu.memory_space<vmem>>, vector<1x16xf32>,
      %get3A_472 = vector.shape_cast %get3A_471 : vector<1x16xf32> to vector<16xf32>
      %add3A_473 = arith.addf %get3A_472, %get3A_435 : vector<16xf32>
      %swap3A_474 = arith.index_cast %add3A_458 : i32 to index
      %swap3A_475 = arith.constant 16 : index
      %swap3A_476 = tpu.vector_load %arg9[%swap3A_474, %swap3A_475] {strides = array<i32>} : memref<1600x32xf32, #tpu.memory_space<vmem>>, vector<1x16xf32>,
      %swap3A_477 = vector.shape_cast %swap3A_476 : vector<1x16xf32> to vector<16xf32>
      %swap3A_478 = vector.shape_cast %add3A_473 : vector<16xf32> to vector<1x16xf32>
      tpu.vector_store %arg9[%swap3A_474, %swap3A_475], %swap3A_478 {strides = array<i32>} : memref<1600x32xf32, #tpu.memory_space<vmem>>, vector<1x16xf32>,
      %add3A_479 = arith.constant 400 : i32
      %add3A_480 = arith.addi %add3A_479, %scan3A_428 : i32
      %get3A_481 = arith.index_cast %add3A_480 : i32 to index
      %get3A_482 = arith.constant 0 : index
      %get3A_483 = tpu.vector_load %arg9[%get3A_481, %get3A_482] {strides = array<i32>} : memref<1600x32xf32, #tpu.memory_space<vmem>>, vector<1x16xf32>,
      %get3A_484 = vector.shape_cast %get3A_483 : vector<1x16xf32> to vector<16xf32>
      %add3A_485 = arith.addf %get3A_484, %get3A_431 : vector<16xf32>
      %swap3A_486 = arith.index_cast %add3A_480 : i32 to index
      %swap3A_487 = arith.constant 0 : index
      %swap3A_488 = tpu.vector_load %arg9[%swap3A_486, %swap3A_487] {strides = array<i32>} : memref<1600x32xf32, #tpu.memory_space<vmem>>, vector<1x16xf32>,
      %swap3A_489 = vector.shape_cast %swap3A_488 : vector<1x16xf32> to vector<16xf32>
      %swap3A_490 = vector.shape_cast %add3A_485 : vector<16xf32> to vector<1x16xf32>
      tpu.vector_store %arg9[%swap3A_486, %swap3A_487], %swap3A_490 {strides = array<i32>} : memref<1600x32xf32, #tpu.memory_space<vmem>>, vector<1x16xf32>,
      %get3A_491 = arith.index_cast %add3A_480 : i32 to index
      %get3A_492 = arith.constant 16 : index
      %get3A_493 = tpu.vector_load %arg9[%get3A_491, %get3A_492] {strides = array<i32>} : memref<1600x32xf32, #tpu.memory_space<vmem>>, vector<1x16xf32>,
      %get3A_494 = vector.shape_cast %get3A_493 : vector<1x16xf32> to vector<16xf32>
      %add3A_495 = arith.addf %get3A_494, %get3A_435 : vector<16xf32>
      %swap3A_496 = arith.index_cast %add3A_480 : i32 to index
      %swap3A_497 = arith.constant 16 : index
      %swap3A_498 = tpu.vector_load %arg9[%swap3A_496, %swap3A_497] {strides = array<i32>} : memref<1600x32xf32, #tpu.memory_space<vmem>>, vector<1x16xf32>,
      %swap3A_499 = vector.shape_cast %swap3A_498 : vector<1x16xf32> to vector<16xf32>
      %swap3A_500 = vector.shape_cast %add3A_495 : vector<16xf32> to vector<1x16xf32>
      tpu.vector_store %arg9[%swap3A_496, %swap3A_497], %swap3A_500 {strides = array<i32>} : memref<1600x32xf32, #tpu.memory_space<vmem>>, vector<1x16xf32>,
      %add3A_501 = arith.constant 600 : i32
      %add3A_502 = arith.addi %add3A_501, %scan3A_428 : i32
      %get3A_503 = arith.index_cast %add3A_502 : i32 to index
      %get3A_504 = arith.constant 0 : index
      %get3A_505 = tpu.vector_load %arg9[%get3A_503, %get3A_504] {strides = array<i32>} : memref<1600x32xf32, #tpu.memory_space<vmem>>, vector<1x16xf32>,
      %get3A_506 = vector.shape_cast %get3A_505 : vector<1x16xf32> to vector<16xf32>
      %add3A_507 = arith.addf %get3A_506, %get3A_431 : vector<16xf32>
      %swap3A_508 = arith.index_cast %add3A_502 : i32 to index
      %swap3A_509 = arith.constant 0 : index
      %swap3A_510 = tpu.vector_load %arg9[%swap3A_508, %swap3A_509] {strides = array<i32>} : memref<1600x32xf32, #tpu.memory_space<vmem>>, vector<1x16xf32>,
      %swap3A_511 = vector.shape_cast %swap3A_510 : vector<1x16xf32> to vector<16xf32>
      %swap3A_512 = vector.shape_cast %add3A_507 : vector<16xf32> to vector<1x16xf32>
      tpu.vector_store %arg9[%swap3A_508, %swap3A_509], %swap3A_512 {strides = array<i32>} : memref<1600x32xf32, #tpu.memory_space<vmem>>, vector<1x16xf32>,
      %get3A_513 = arith.index_cast %add3A_502 : i32 to index
      %get3A_514 = arith.constant 16 : index
      %get3A_515 = tpu.vector_load %arg9[%get3A_513, %get3A_514] {strides = array<i32>} : memref<1600x32xf32, #tpu.memory_space<vmem>>, vector<1x16xf32>,
      %get3A_516 = vector.shape_cast %get3A_515 : vector<1x16xf32> to vector<16xf32>
      %add3A_517 = arith.addf %get3A_516, %get3A_435 : vector<16xf32>
      %swap3A_518 = arith.index_cast %add3A_502 : i32 to index
      %swap3A_519 = arith.constant 16 : index
      %swap3A_520 = tpu.vector_load %arg9[%swap3A_518, %swap3A_519] {strides = array<i32>} : memref<1600x32xf32, #tpu.memory_space<vmem>>, vector<1x16xf32>,
      %swap3A_521 = vector.shape_cast %swap3A_520 : vector<1x16xf32> to vector<16xf32>
      %swap3A_522 = vector.shape_cast %add3A_517 : vector<16xf32> to vector<1x16xf32>
      tpu.vector_store %arg9[%swap3A_518, %swap3A_519], %swap3A_522 {strides = array<i32>} : memref<1600x32xf32, #tpu.memory_space<vmem>>, vector<1x16xf32>,
      %add3A_523 = arith.constant 800 : i32
      %add3A_524 = arith.addi %add3A_523, %scan3A_428 : i32
      %get3A_525 = arith.index_cast %add3A_524 : i32 to index
      %get3A_526 = arith.constant 0 : index
      %get3A_527 = tpu.vector_load %arg9[%get3A_525, %get3A_526] {strides = array<i32>} : memref<1600x32xf32, #tpu.memory_space<vmem>>, vector<1x16xf32>,
      %get3A_528 = vector.shape_cast %get3A_527 : vector<1x16xf32> to vector<16xf32>
      %add3A_529 = arith.addf %get3A_528, %get3A_431 : vector<16xf32>
      %swap3A_530 = arith.index_cast %add3A_524 : i32 to index
      %swap3A_531 = arith.constant 0 : index
      %swap3A_532 = tpu.vector_load %arg9[%swap3A_530, %swap3A_531] {strides = array<i32>} : memref<1600x32xf32, #tpu.memory_space<vmem>>, vector<1x16xf32>,
      %swap3A_533 = vector.shape_cast %swap3A_532 : vector<1x16xf32> to vector<16xf32>
      %swap3A_534 = vector.shape_cast %add3A_529 : vector<16xf32> to vector<1x16xf32>
      tpu.vector_store %arg9[%swap3A_530, %swap3A_531], %swap3A_534 {strides = array<i32>} : memref<1600x32xf32, #tpu.memory_space<vmem>>, vector<1x16xf32>,
      %get3A_535 = arith.index_cast %add3A_524 : i32 to index
      %get3A_536 = arith.constant 16 : index
      %get3A_537 = tpu.vector_load %arg9[%get3A_535, %get3A_536] {strides = array<i32>} : memref<1600x32xf32, #tpu.memory_space<vmem>>, vector<1x16xf32>,
      %get3A_538 = vector.shape_cast %get3A_537 : vector<1x16xf32> to vector<16xf32>
      %add3A_539 = arith.addf %get3A_538, %get3A_435 : vector<16xf32>
      %swap3A_540 = arith.index_cast %add3A_524 : i32 to index
      %swap3A_541 = arith.constant 16 : index
      %swap3A_542 = tpu.vector_load %arg9[%swap3A_540, %swap3A_541] {strides = array<i32>} : memref<1600x32xf32, #tpu.memory_space<vmem>>, vector<1x16xf32>,
      %swap3A_543 = vector.shape_cast %swap3A_542 : vector<1x16xf32> to vector<16xf32>
      %swap3A_544 = vector.shape_cast %add3A_539 : vector<16xf32> to vector<1x16xf32>
      tpu.vector_store %arg9[%swap3A_540, %swap3A_541], %swap3A_544 {strides = array<i32>} : memref<1600x32xf32, #tpu.memory_space<vmem>>, vector<1x16xf32>,
      %add3A_545 = arith.constant 1000 : i32
      %add3A_546 = arith.addi %add3A_545, %scan3A_428 : i32
      %get3A_547 = arith.index_cast %add3A_546 : i32 to index
      %get3A_548 = arith.constant 0 : index
      %get3A_549 = tpu.vector_load %arg9[%get3A_547, %get3A_548] {strides = array<i32>} : memref<1600x32xf32, #tpu.memory_space<vmem>>, vector<1x16xf32>,
      %get3A_550 = vector.shape_cast %get3A_549 : vector<1x16xf32> to vector<16xf32>
      %add3A_551 = arith.addf %get3A_550, %get3A_431 : vector<16xf32>
      %swap3A_552 = arith.index_cast %add3A_546 : i32 to index
      %swap3A_553 = arith.constant 0 : index
      %swap3A_554 = tpu.vector_load %arg9[%swap3A_552, %swap3A_553] {strides = array<i32>} : memref<1600x32xf32, #tpu.memory_space<vmem>>, vector<1x16xf32>,
      %swap3A_555 = vector.shape_cast %swap3A_554 : vector<1x16xf32> to vector<16xf32>
      %swap3A_556 = vector.shape_cast %add3A_551 : vector<16xf32> to vector<1x16xf32>
      tpu.vector_store %arg9[%swap3A_552, %swap3A_553], %swap3A_556 {strides = array<i32>} : memref<1600x32xf32, #tpu.memory_space<vmem>>, vector<1x16xf32>,
      %get3A_557 = arith.index_cast %add3A_546 : i32 to index
      %get3A_558 = arith.constant 16 : index
      %get3A_559 = tpu.vector_load %arg9[%get3A_557, %get3A_558] {strides = array<i32>} : memref<1600x32xf32, #tpu.memory_space<vmem>>, vector<1x16xf32>,
      %get3A_560 = vector.shape_cast %get3A_559 : vector<1x16xf32> to vector<16xf32>
      %add3A_561 = arith.addf %get3A_560, %get3A_435 : vector<16xf32>
      %swap3A_562 = arith.index_cast %add3A_546 : i32 to index
      %swap3A_563 = arith.constant 16 : index
      %swap3A_564 = tpu.vector_load %arg9[%swap3A_562, %swap3A_563] {strides = array<i32>} : memref<1600x32xf32, #tpu.memory_space<vmem>>, vector<1x16xf32>,
      %swap3A_565 = vector.shape_cast %swap3A_564 : vector<1x16xf32> to vector<16xf32>
      %swap3A_566 = vector.shape_cast %add3A_561 : vector<16xf32> to vector<1x16xf32>
      tpu.vector_store %arg9[%swap3A_562, %swap3A_563], %swap3A_566 {strides = array<i32>} : memref<1600x32xf32, #tpu.memory_space<vmem>>, vector<1x16xf32>,
      %add3A_567 = arith.constant 1200 : i32
      %add3A_568 = arith.addi %add3A_567, %scan3A_428 : i32
      %get3A_569 = arith.index_cast %add3A_568 : i32 to index
      %get3A_570 = arith.constant 0 : index
      %get3A_571 = tpu.vector_load %arg9[%get3A_569, %get3A_570] {strides = array<i32>} : memref<1600x32xf32, #tpu.memory_space<vmem>>, vector<1x16xf32>,
      %get3A_572 = vector.shape_cast %get3A_571 : vector<1x16xf32> to vector<16xf32>
      %add3A_573 = arith.addf %get3A_572, %get3A_431 : vector<16xf32>
      %swap3A_574 = arith.index_cast %add3A_568 : i32 to index
      %swap3A_575 = arith.constant 0 : index
      %swap3A_576 = tpu.vector_load %arg9[%swap3A_574, %swap3A_575] {strides = array<i32>} : memref<1600x32xf32, #tpu.memory_space<vmem>>, vector<1x16xf32>,
      %swap3A_577 = vector.shape_cast %swap3A_576 : vector<1x16xf32> to vector<16xf32>
      %swap3A_578 = vector.shape_cast %add3A_573 : vector<16xf32> to vector<1x16xf32>
      tpu.vector_store %arg9[%swap3A_574, %swap3A_575], %swap3A_578 {strides = array<i32>} : memref<1600x32xf32, #tpu.memory_space<vmem>>, vector<1x16xf32>,
      %get3A_579 = arith.index_cast %add3A_568 : i32 to index
      %get3A_580 = arith.constant 16 : index
      %get3A_581 = tpu.vector_load %arg9[%get3A_579, %get3A_580] {strides = array<i32>} : memref<1600x32xf32, #tpu.memory_space<vmem>>, vector<1x16xf32>,
      %get3A_582 = vector.shape_cast %get3A_581 : vector<1x16xf32> to vector<16xf32>
      %add3A_583 = arith.addf %get3A_582, %get3A_435 : vector<16xf32>
      %swap3A_584 = arith.index_cast %add3A_568 : i32 to index
      %swap3A_585 = arith.constant 16 : index
      %swap3A_586 = tpu.vector_load %arg9[%swap3A_584, %swap3A_585] {strides = array<i32>} : memref<1600x32xf32, #tpu.memory_space<vmem>>, vector<1x16xf32>,
      %swap3A_587 = vector.shape_cast %swap3A_586 : vector<1x16xf32> to vector<16xf32>
      %swap3A_588 = vector.shape_cast %add3A_583 : vector<16xf32> to vector<1x16xf32>
      tpu.vector_store %arg9[%swap3A_584, %swap3A_585], %swap3A_588 {strides = array<i32>} : memref<1600x32xf32, #tpu.memory_space<vmem>>, vector<1x16xf32>,
      %add3A_589 = arith.constant 1400 : i32
      %add3A_590 = arith.addi %add3A_589, %scan3A_428 : i32
      %get3A_591 = arith.index_cast %add3A_590 : i32 to index
      %get3A_592 = arith.constant 0 : index
      %get3A_593 = tpu.vector_load %arg9[%get3A_591, %get3A_592] {strides = array<i32>} : memref<1600x32xf32, #tpu.memory_space<vmem>>, vector<1x16xf32>,
      %get3A_594 = vector.shape_cast %get3A_593 : vector<1x16xf32> to vector<16xf32>
      %add3A_595 = arith.addf %get3A_594, %get3A_431 : vector<16xf32>
      %swap3A_596 = arith.index_cast %add3A_590 : i32 to index
      %swap3A_597 = arith.constant 0 : index
      %swap3A_598 = tpu.vector_load %arg9[%swap3A_596, %swap3A_597] {strides = array<i32>} : memref<1600x32xf32, #tpu.memory_space<vmem>>, vector<1x16xf32>,
      %swap3A_599 = vector.shape_cast %swap3A_598 : vector<1x16xf32> to vector<16xf32>
      %swap3A_600 = vector.shape_cast %add3A_595 : vector<16xf32> to vector<1x16xf32>
      tpu.vector_store %arg9[%swap3A_596, %swap3A_597], %swap3A_600 {strides = array<i32>} : memref<1600x32xf32, #tpu.memory_space<vmem>>, vector<1x16xf32>,
      %get3A_601 = arith.index_cast %add3A_590 : i32 to index
      %get3A_602 = arith.constant 16 : index
      %get3A_603 = tpu.vector_load %arg9[%get3A_601, %get3A_602] {strides = array<i32>} : memref<1600x32xf32, #tpu.memory_space<vmem>>, vector<1x16xf32>,
      %get3A_604 = vector.shape_cast %get3A_603 : vector<1x16xf32> to vector<16xf32>
      %add3A_605 = arith.addf %get3A_604, %get3A_435 : vector<16xf32>
      %swap3A_606 = arith.index_cast %add3A_590 : i32 to index
      %swap3A_607 = arith.constant 16 : index
      %swap3A_608 = tpu.vector_load %arg9[%swap3A_606, %swap3A_607] {strides = array<i32>} : memref<1600x32xf32, #tpu.memory_space<vmem>>, vector<1x16xf32>,
      %swap3A_609 = vector.shape_cast %swap3A_608 : vector<1x16xf32> to vector<16xf32>
      %swap3A_610 = vector.shape_cast %add3A_605 : vector<16xf32> to vector<1x16xf32>
      tpu.vector_store %arg9[%swap3A_606, %swap3A_607], %swap3A_610 {strides = array<i32>} : memref<1600x32xf32, #tpu.memory_space<vmem>>, vector<1x16xf32>,
    }
    %scan3A_214 = arith.constant 200 : i32
    %add3A_215 = arith.constant 11200 : i32
    %add3A_216 = arith.addi %mul3A_2, %add3A_215 : i32
    %dma_start3A_217 = arith.constant 0 : i32
    %dma_start3A_218 = tpu.memref_slice %arg5[%add3A_216, %dma_start3A_217] : memref<819200x32xf32, #tpu.memory_space<hbm>> -> memref<1600x32xf32, #tpu.memory_space<hbm>>
    %dma_start3A_219 = arith.constant 0 : i32
    %dma_start3A_220 = tpu.memref_slice %arg5[%add3A_216, %dma_start3A_219] : memref<819200x32xf32, #tpu.memory_space<hbm>> -> memref<1600x32xf32, #tpu.memory_space<hbm>>
    tpu.enqueue_dma source(%arg9 : memref<1600x32xf32, #tpu.memory_space<vmem>>) target(%dma_start3A_220 : memref<1600x32xf32, #tpu.memory_space<hbm>>) target_semaphore(%arg16 : memref<!tpu.dma_semaphore, #tpu.memory_space<semaphore_mem>>)
    %dma_wait3A_221 = tpu.memref_slice %arg2[%add3A_207] : memref<819200xi32, #tpu.memory_space<hbm>> -> memref<1600xi32, #tpu.memory_space<hbm>>
    %dma_wait3A_222 = tpu.memref_slice %arg2[%add3A_207] : memref<819200xi32, #tpu.memory_space<hbm>> -> memref<1600xi32, #tpu.memory_space<hbm>>
    tpu.wait_dma2 semaphore(%arg12 : memref<!tpu.dma_semaphore, #tpu.memory_space<semaphore_mem>>) src(%dma_wait3A_222 : memref<1600xi32, #tpu.memory_space<hbm>>) dst(%arg7 : memref<1600xi32, #tpu.memory_space<vmem>>)
    %dma_wait3A_223 = arith.constant 0 : i32
    %dma_wait3A_224 = tpu.memref_slice %arg5[%add3A_216, %dma_wait3A_223] : memref<819200x32xf32, #tpu.memory_space<hbm>> -> memref<1600x32xf32, #tpu.memory_space<hbm>>
    %dma_wait3A_225 = arith.constant 0 : i32
    %dma_wait3A_226 = tpu.memref_slice %arg5[%add3A_216, %dma_wait3A_225] : memref<819200x32xf32, #tpu.memory_space<hbm>> -> memref<1600x32xf32, #tpu.memory_space<hbm>>
    tpu.wait_dma2 semaphore(%arg16 : memref<!tpu.dma_semaphore, #tpu.memory_space<semaphore_mem>>) src(%arg9 : memref<1600x32xf32, #tpu.memory_space<vmem>>) dst(%dma_wait3A_226 : memref<1600x32xf32, #tpu.memory_space<hbm>>)
    %dma_start3A_227 = arith.constant 0 : i32
    %dma_start3A_228 = arith.constant 0 : i32
    %dma_start3A_229 = tpu.memref_slice %arg3[%dma_start3A_227, %dma_start3A_228] : memref<1000000x32xf32, #tpu.memory_space<hbm>> -> memref<1000000x32xf32, #tpu.memory_space<hbm>>
    tpu.enqueue_indirect_dma source(%dma_start3A_229 : memref<1000000x32xf32, #tpu.memory_space<hbm>>) target(%arg9 : memref<1600x32xf32, #tpu.memory_space<vmem>>) offsets(%arg7 : memref<1600xi32, #tpu.memory_space<vmem>>) semaphore(%arg14 : memref<!tpu.dma_semaphore, #tpu.memory_space<semaphore_mem>>)
    %dma_wait3A_230 = arith.constant 0 : i32
    %dma_wait3A_231 = arith.constant 0 : i32
    %dma_wait3A_232 = tpu.memref_slice %arg3[%dma_wait3A_230, %dma_wait3A_231] : memref<1000000x32xf32, #tpu.memory_space<hbm>> -> memref<1000000x32xf32, #tpu.memory_space<hbm>>
    tpu.wait_indirect_dma semaphore(%arg13 : memref<!tpu.dma_semaphore, #tpu.memory_space<semaphore_mem>>) src(%dma_wait3A_232 : memref<1000000x32xf32, #tpu.memory_space<hbm>>) dst(%arg8 : memref<1600x32xf32, #tpu.memory_space<vmem>>)
    %add3A_233 = arith.constant 16000 : i32
    %add3A_234 = arith.addi %mul3A_2, %add3A_233 : i32
    %dma_start3A_235 = tpu.memref_slice %arg2[%add3A_234] : memref<819200xi32, #tpu.memory_space<hbm>> -> memref<1600xi32, #tpu.memory_space<hbm>>
    %dma_start3A_236 = tpu.memref_slice %arg2[%add3A_234] : memref<819200xi32, #tpu.memory_space<hbm>> -> memref<1600xi32, #tpu.memory_space<hbm>>
    tpu.enqueue_dma source(%dma_start3A_236 : memref<1600xi32, #tpu.memory_space<hbm>>) target(%arg6 : memref<1600xi32, #tpu.memory_space<vmem>>) target_semaphore(%arg11 : memref<!tpu.dma_semaphore, #tpu.memory_space<semaphore_mem>>)
    %scan3A_237 = arith.constant 0 : i32
    %scan3A_238 = arith.constant 200 : i32
    %scan3A_239 = arith.addi %scan3A_237, %scan3A_238 : i32
    %scan3A_240 = arith.constant 1 : i32
    scf.for %scan3A_428 = %scan3A_237 to %scan3A_239 step %scan3A_240  : i32 {
      %get3A = arith.index_cast %scan3A_428 : i32 to index
      %get3A_429 = arith.constant 0 : index
      %get3A_430 = tpu.vector_load %arg10[%get3A, %get3A_429] {strides = array<i32>} : memref<200x32xf32, #tpu.memory_space<vmem>>, vector<1x16xf32>,
      %get3A_431 = vector.shape_cast %get3A_430 : vector<1x16xf32> to vector<16xf32>
      %get3A_432 = arith.index_cast %scan3A_428 : i32 to index
      %get3A_433 = arith.constant 16 : index
      %get3A_434 = tpu.vector_load %arg10[%get3A_432, %get3A_433] {strides = array<i32>} : memref<200x32xf32, #tpu.memory_space<vmem>>, vector<1x16xf32>,
      %get3A_435 = vector.shape_cast %get3A_434 : vector<1x16xf32> to vector<16xf32>
      %add3A_436 = arith.constant 0 : i32
      %add3A_437 = arith.addi %add3A_436, %scan3A_428 : i32
      %get3A_438 = arith.index_cast %add3A_437 : i32 to index
      %get3A_439 = arith.constant 0 : index
      %get3A_440 = tpu.vector_load %arg8[%get3A_438, %get3A_439] {strides = array<i32>} : memref<1600x32xf32, #tpu.memory_space<vmem>>, vector<1x16xf32>,
      %get3A_441 = vector.shape_cast %get3A_440 : vector<1x16xf32> to vector<16xf32>
      %add3A_442 = arith.addf %get3A_441, %get3A_431 : vector<16xf32>
      %swap3A = arith.index_cast %add3A_437 : i32 to index
      %swap3A_443 = arith.constant 0 : index
      %swap3A_444 = tpu.vector_load %arg8[%swap3A, %swap3A_443] {strides = array<i32>} : memref<1600x32xf32, #tpu.memory_space<vmem>>, vector<1x16xf32>,
      %swap3A_445 = vector.shape_cast %swap3A_444 : vector<1x16xf32> to vector<16xf32>
      %swap3A_446 = vector.shape_cast %add3A_442 : vector<16xf32> to vector<1x16xf32>
      tpu.vector_store %arg8[%swap3A, %swap3A_443], %swap3A_446 {strides = array<i32>} : memref<1600x32xf32, #tpu.memory_space<vmem>>, vector<1x16xf32>,
      %get3A_447 = arith.index_cast %add3A_437 : i32 to index
      %get3A_448 = arith.constant 16 : index
      %get3A_449 = tpu.vector_load %arg8[%get3A_447, %get3A_448] {strides = array<i32>} : memref<1600x32xf32, #tpu.memory_space<vmem>>, vector<1x16xf32>,
      %get3A_450 = vector.shape_cast %get3A_449 : vector<1x16xf32> to vector<16xf32>
      %add3A_451 = arith.addf %get3A_450, %get3A_435 : vector<16xf32>
      %swap3A_452 = arith.index_cast %add3A_437 : i32 to index
      %swap3A_453 = arith.constant 16 : index
      %swap3A_454 = tpu.vector_load %arg8[%swap3A_452, %swap3A_453] {strides = array<i32>} : memref<1600x32xf32, #tpu.memory_space<vmem>>, vector<1x16xf32>,
      %swap3A_455 = vector.shape_cast %swap3A_454 : vector<1x16xf32> to vector<16xf32>
      %swap3A_456 = vector.shape_cast %add3A_451 : vector<16xf32> to vector<1x16xf32>
      tpu.vector_store %arg8[%swap3A_452, %swap3A_453], %swap3A_456 {strides = array<i32>} : memref<1600x32xf32, #tpu.memory_space<vmem>>, vector<1x16xf32>,
      %add3A_457 = arith.constant 200 : i32
      %add3A_458 = arith.addi %add3A_457, %scan3A_428 : i32
      %get3A_459 = arith.index_cast %add3A_458 : i32 to index
      %get3A_460 = arith.constant 0 : index
      %get3A_461 = tpu.vector_load %arg8[%get3A_459, %get3A_460] {strides = array<i32>} : memref<1600x32xf32, #tpu.memory_space<vmem>>, vector<1x16xf32>,
      %get3A_462 = vector.shape_cast %get3A_461 : vector<1x16xf32> to vector<16xf32>
      %add3A_463 = arith.addf %get3A_462, %get3A_431 : vector<16xf32>
      %swap3A_464 = arith.index_cast %add3A_458 : i32 to index
      %swap3A_465 = arith.constant 0 : index
      %swap3A_466 = tpu.vector_load %arg8[%swap3A_464, %swap3A_465] {strides = array<i32>} : memref<1600x32xf32, #tpu.memory_space<vmem>>, vector<1x16xf32>,
      %swap3A_467 = vector.shape_cast %swap3A_466 : vector<1x16xf32> to vector<16xf32>
      %swap3A_468 = vector.shape_cast %add3A_463 : vector<16xf32> to vector<1x16xf32>
      tpu.vector_store %arg8[%swap3A_464, %swap3A_465], %swap3A_468 {strides = array<i32>} : memref<1600x32xf32, #tpu.memory_space<vmem>>, vector<1x16xf32>,
      %get3A_469 = arith.index_cast %add3A_458 : i32 to index
      %get3A_470 = arith.constant 16 : index
      %get3A_471 = tpu.vector_load %arg8[%get3A_469, %get3A_470] {strides = array<i32>} : memref<1600x32xf32, #tpu.memory_space<vmem>>, vector<1x16xf32>,
      %get3A_472 = vector.shape_cast %get3A_471 : vector<1x16xf32> to vector<16xf32>
      %add3A_473 = arith.addf %get3A_472, %get3A_435 : vector<16xf32>
      %swap3A_474 = arith.index_cast %add3A_458 : i32 to index
      %swap3A_475 = arith.constant 16 : index
      %swap3A_476 = tpu.vector_load %arg8[%swap3A_474, %swap3A_475] {strides = array<i32>} : memref<1600x32xf32, #tpu.memory_space<vmem>>, vector<1x16xf32>,
      %swap3A_477 = vector.shape_cast %swap3A_476 : vector<1x16xf32> to vector<16xf32>
      %swap3A_478 = vector.shape_cast %add3A_473 : vector<16xf32> to vector<1x16xf32>
      tpu.vector_store %arg8[%swap3A_474, %swap3A_475], %swap3A_478 {strides = array<i32>} : memref<1600x32xf32, #tpu.memory_space<vmem>>, vector<1x16xf32>,
      %add3A_479 = arith.constant 400 : i32
      %add3A_480 = arith.addi %add3A_479, %scan3A_428 : i32
      %get3A_481 = arith.index_cast %add3A_480 : i32 to index
      %get3A_482 = arith.constant 0 : index
      %get3A_483 = tpu.vector_load %arg8[%get3A_481, %get3A_482] {strides = array<i32>} : memref<1600x32xf32, #tpu.memory_space<vmem>>, vector<1x16xf32>,
      %get3A_484 = vector.shape_cast %get3A_483 : vector<1x16xf32> to vector<16xf32>
      %add3A_485 = arith.addf %get3A_484, %get3A_431 : vector<16xf32>
      %swap3A_486 = arith.index_cast %add3A_480 : i32 to index
      %swap3A_487 = arith.constant 0 : index
      %swap3A_488 = tpu.vector_load %arg8[%swap3A_486, %swap3A_487] {strides = array<i32>} : memref<1600x32xf32, #tpu.memory_space<vmem>>, vector<1x16xf32>,
      %swap3A_489 = vector.shape_cast %swap3A_488 : vector<1x16xf32> to vector<16xf32>
      %swap3A_490 = vector.shape_cast %add3A_485 : vector<16xf32> to vector<1x16xf32>
      tpu.vector_store %arg8[%swap3A_486, %swap3A_487], %swap3A_490 {strides = array<i32>} : memref<1600x32xf32, #tpu.memory_space<vmem>>, vector<1x16xf32>,
      %get3A_491 = arith.index_cast %add3A_480 : i32 to index
      %get3A_492 = arith.constant 16 : index
      %get3A_493 = tpu.vector_load %arg8[%get3A_491, %get3A_492] {strides = array<i32>} : memref<1600x32xf32, #tpu.memory_space<vmem>>, vector<1x16xf32>,
      %get3A_494 = vector.shape_cast %get3A_493 : vector<1x16xf32> to vector<16xf32>
      %add3A_495 = arith.addf %get3A_494, %get3A_435 : vector<16xf32>
      %swap3A_496 = arith.index_cast %add3A_480 : i32 to index
      %swap3A_497 = arith.constant 16 : index
      %swap3A_498 = tpu.vector_load %arg8[%swap3A_496, %swap3A_497] {strides = array<i32>} : memref<1600x32xf32, #tpu.memory_space<vmem>>, vector<1x16xf32>,
      %swap3A_499 = vector.shape_cast %swap3A_498 : vector<1x16xf32> to vector<16xf32>
      %swap3A_500 = vector.shape_cast %add3A_495 : vector<16xf32> to vector<1x16xf32>
      tpu.vector_store %arg8[%swap3A_496, %swap3A_497], %swap3A_500 {strides = array<i32>} : memref<1600x32xf32, #tpu.memory_space<vmem>>, vector<1x16xf32>,
      %add3A_501 = arith.constant 600 : i32
      %add3A_502 = arith.addi %add3A_501, %scan3A_428 : i32
      %get3A_503 = arith.index_cast %add3A_502 : i32 to index
      %get3A_504 = arith.constant 0 : index
      %get3A_505 = tpu.vector_load %arg8[%get3A_503, %get3A_504] {strides = array<i32>} : memref<1600x32xf32, #tpu.memory_space<vmem>>, vector<1x16xf32>,
      %get3A_506 = vector.shape_cast %get3A_505 : vector<1x16xf32> to vector<16xf32>
      %add3A_507 = arith.addf %get3A_506, %get3A_431 : vector<16xf32>
      %swap3A_508 = arith.index_cast %add3A_502 : i32 to index
      %swap3A_509 = arith.constant 0 : index
      %swap3A_510 = tpu.vector_load %arg8[%swap3A_508, %swap3A_509] {strides = array<i32>} : memref<1600x32xf32, #tpu.memory_space<vmem>>, vector<1x16xf32>,
      %swap3A_511 = vector.shape_cast %swap3A_510 : vector<1x16xf32> to vector<16xf32>
      %swap3A_512 = vector.shape_cast %add3A_507 : vector<16xf32> to vector<1x16xf32>
      tpu.vector_store %arg8[%swap3A_508, %swap3A_509], %swap3A_512 {strides = array<i32>} : memref<1600x32xf32, #tpu.memory_space<vmem>>, vector<1x16xf32>,
      %get3A_513 = arith.index_cast %add3A_502 : i32 to index
      %get3A_514 = arith.constant 16 : index
      %get3A_515 = tpu.vector_load %arg8[%get3A_513, %get3A_514] {strides = array<i32>} : memref<1600x32xf32, #tpu.memory_space<vmem>>, vector<1x16xf32>,
      %get3A_516 = vector.shape_cast %get3A_515 : vector<1x16xf32> to vector<16xf32>
      %add3A_517 = arith.addf %get3A_516, %get3A_435 : vector<16xf32>
      %swap3A_518 = arith.index_cast %add3A_502 : i32 to index
      %swap3A_519 = arith.constant 16 : index
      %swap3A_520 = tpu.vector_load %arg8[%swap3A_518, %swap3A_519] {strides = array<i32>} : memref<1600x32xf32, #tpu.memory_space<vmem>>, vector<1x16xf32>,
      %swap3A_521 = vector.shape_cast %swap3A_520 : vector<1x16xf32> to vector<16xf32>
      %swap3A_522 = vector.shape_cast %add3A_517 : vector<16xf32> to vector<1x16xf32>
      tpu.vector_store %arg8[%swap3A_518, %swap3A_519], %swap3A_522 {strides = array<i32>} : memref<1600x32xf32, #tpu.memory_space<vmem>>, vector<1x16xf32>,
      %add3A_523 = arith.constant 800 : i32
      %add3A_524 = arith.addi %add3A_523, %scan3A_428 : i32
      %get3A_525 = arith.index_cast %add3A_524 : i32 to index
      %get3A_526 = arith.constant 0 : index
      %get3A_527 = tpu.vector_load %arg8[%get3A_525, %get3A_526] {strides = array<i32>} : memref<1600x32xf32, #tpu.memory_space<vmem>>, vector<1x16xf32>,
      %get3A_528 = vector.shape_cast %get3A_527 : vector<1x16xf32> to vector<16xf32>
      %add3A_529 = arith.addf %get3A_528, %get3A_431 : vector<16xf32>
      %swap3A_530 = arith.index_cast %add3A_524 : i32 to index
      %swap3A_531 = arith.constant 0 : index
      %swap3A_532 = tpu.vector_load %arg8[%swap3A_530, %swap3A_531] {strides = array<i32>} : memref<1600x32xf32, #tpu.memory_space<vmem>>, vector<1x16xf32>,
      %swap3A_533 = vector.shape_cast %swap3A_532 : vector<1x16xf32> to vector<16xf32>
      %swap3A_534 = vector.shape_cast %add3A_529 : vector<16xf32> to vector<1x16xf32>
      tpu.vector_store %arg8[%swap3A_530, %swap3A_531], %swap3A_534 {strides = array<i32>} : memref<1600x32xf32, #tpu.memory_space<vmem>>, vector<1x16xf32>,
      %get3A_535 = arith.index_cast %add3A_524 : i32 to index
      %get3A_536 = arith.constant 16 : index
      %get3A_537 = tpu.vector_load %arg8[%get3A_535, %get3A_536] {strides = array<i32>} : memref<1600x32xf32, #tpu.memory_space<vmem>>, vector<1x16xf32>,
      %get3A_538 = vector.shape_cast %get3A_537 : vector<1x16xf32> to vector<16xf32>
      %add3A_539 = arith.addf %get3A_538, %get3A_435 : vector<16xf32>
      %swap3A_540 = arith.index_cast %add3A_524 : i32 to index
      %swap3A_541 = arith.constant 16 : index
      %swap3A_542 = tpu.vector_load %arg8[%swap3A_540, %swap3A_541] {strides = array<i32>} : memref<1600x32xf32, #tpu.memory_space<vmem>>, vector<1x16xf32>,
      %swap3A_543 = vector.shape_cast %swap3A_542 : vector<1x16xf32> to vector<16xf32>
      %swap3A_544 = vector.shape_cast %add3A_539 : vector<16xf32> to vector<1x16xf32>
      tpu.vector_store %arg8[%swap3A_540, %swap3A_541], %swap3A_544 {strides = array<i32>} : memref<1600x32xf32, #tpu.memory_space<vmem>>, vector<1x16xf32>,
      %add3A_545 = arith.constant 1000 : i32
      %add3A_546 = arith.addi %add3A_545, %scan3A_428 : i32
      %get3A_547 = arith.index_cast %add3A_546 : i32 to index
      %get3A_548 = arith.constant 0 : index
      %get3A_549 = tpu.vector_load %arg8[%get3A_547, %get3A_548] {strides = array<i32>} : memref<1600x32xf32, #tpu.memory_space<vmem>>, vector<1x16xf32>,
      %get3A_550 = vector.shape_cast %get3A_549 : vector<1x16xf32> to vector<16xf32>
      %add3A_551 = arith.addf %get3A_550, %get3A_431 : vector<16xf32>
      %swap3A_552 = arith.index_cast %add3A_546 : i32 to index
      %swap3A_553 = arith.constant 0 : index
      %swap3A_554 = tpu.vector_load %arg8[%swap3A_552, %swap3A_553] {strides = array<i32>} : memref<1600x32xf32, #tpu.memory_space<vmem>>, vector<1x16xf32>,
      %swap3A_555 = vector.shape_cast %swap3A_554 : vector<1x16xf32> to vector<16xf32>
      %swap3A_556 = vector.shape_cast %add3A_551 : vector<16xf32> to vector<1x16xf32>
      tpu.vector_store %arg8[%swap3A_552, %swap3A_553], %swap3A_556 {strides = array<i32>} : memref<1600x32xf32, #tpu.memory_space<vmem>>, vector<1x16xf32>,
      %get3A_557 = arith.index_cast %add3A_546 : i32 to index
      %get3A_558 = arith.constant 16 : index
      %get3A_559 = tpu.vector_load %arg8[%get3A_557, %get3A_558] {strides = array<i32>} : memref<1600x32xf32, #tpu.memory_space<vmem>>, vector<1x16xf32>,
      %get3A_560 = vector.shape_cast %get3A_559 : vector<1x16xf32> to vector<16xf32>
      %add3A_561 = arith.addf %get3A_560, %get3A_435 : vector<16xf32>
      %swap3A_562 = arith.index_cast %add3A_546 : i32 to index
      %swap3A_563 = arith.constant 16 : index
      %swap3A_564 = tpu.vector_load %arg8[%swap3A_562, %swap3A_563] {strides = array<i32>} : memref<1600x32xf32, #tpu.memory_space<vmem>>, vector<1x16xf32>,
      %swap3A_565 = vector.shape_cast %swap3A_564 : vector<1x16xf32> to vector<16xf32>
      %swap3A_566 = vector.shape_cast %add3A_561 : vector<16xf32> to vector<1x16xf32>
      tpu.vector_store %arg8[%swap3A_562, %swap3A_563], %swap3A_566 {strides = array<i32>} : memref<1600x32xf32, #tpu.memory_space<vmem>>, vector<1x16xf32>,
      %add3A_567 = arith.constant 1200 : i32
      %add3A_568 = arith.addi %add3A_567, %scan3A_428 : i32
      %get3A_569 = arith.index_cast %add3A_568 : i32 to index
      %get3A_570 = arith.constant 0 : index
      %get3A_571 = tpu.vector_load %arg8[%get3A_569, %get3A_570] {strides = array<i32>} : memref<1600x32xf32, #tpu.memory_space<vmem>>, vector<1x16xf32>,
      %get3A_572 = vector.shape_cast %get3A_571 : vector<1x16xf32> to vector<16xf32>
      %add3A_573 = arith.addf %get3A_572, %get3A_431 : vector<16xf32>
      %swap3A_574 = arith.index_cast %add3A_568 : i32 to index
      %swap3A_575 = arith.constant 0 : index
      %swap3A_576 = tpu.vector_load %arg8[%swap3A_574, %swap3A_575] {strides = array<i32>} : memref<1600x32xf32, #tpu.memory_space<vmem>>, vector<1x16xf32>,
      %swap3A_577 = vector.shape_cast %swap3A_576 : vector<1x16xf32> to vector<16xf32>
      %swap3A_578 = vector.shape_cast %add3A_573 : vector<16xf32> to vector<1x16xf32>
      tpu.vector_store %arg8[%swap3A_574, %swap3A_575], %swap3A_578 {strides = array<i32>} : memref<1600x32xf32, #tpu.memory_space<vmem>>, vector<1x16xf32>,
      %get3A_579 = arith.index_cast %add3A_568 : i32 to index
      %get3A_580 = arith.constant 16 : index
      %get3A_581 = tpu.vector_load %arg8[%get3A_579, %get3A_580] {strides = array<i32>} : memref<1600x32xf32, #tpu.memory_space<vmem>>, vector<1x16xf32>,
      %get3A_582 = vector.shape_cast %get3A_581 : vector<1x16xf32> to vector<16xf32>
      %add3A_583 = arith.addf %get3A_582, %get3A_435 : vector<16xf32>
      %swap3A_584 = arith.index_cast %add3A_568 : i32 to index
      %swap3A_585 = arith.constant 16 : index
      %swap3A_586 = tpu.vector_load %arg8[%swap3A_584, %swap3A_585] {strides = array<i32>} : memref<1600x32xf32, #tpu.memory_space<vmem>>, vector<1x16xf32>,
      %swap3A_587 = vector.shape_cast %swap3A_586 : vector<1x16xf32> to vector<16xf32>
      %swap3A_588 = vector.shape_cast %add3A_583 : vector<16xf32> to vector<1x16xf32>
      tpu.vector_store %arg8[%swap3A_584, %swap3A_585], %swap3A_588 {strides = array<i32>} : memref<1600x32xf32, #tpu.memory_space<vmem>>, vector<1x16xf32>,
      %add3A_589 = arith.constant 1400 : i32
      %add3A_590 = arith.addi %add3A_589, %scan3A_428 : i32
      %get3A_591 = arith.index_cast %add3A_590 : i32 to index
      %get3A_592 = arith.constant 0 : index
      %get3A_593 = tpu.vector_load %arg8[%get3A_591, %get3A_592] {strides = array<i32>} : memref<1600x32xf32, #tpu.memory_space<vmem>>, vector<1x16xf32>,
      %get3A_594 = vector.shape_cast %get3A_593 : vector<1x16xf32> to vector<16xf32>
      %add3A_595 = arith.addf %get3A_594, %get3A_431 : vector<16xf32>
      %swap3A_596 = arith.index_cast %add3A_590 : i32 to index
      %swap3A_597 = arith.constant 0 : index
      %swap3A_598 = tpu.vector_load %arg8[%swap3A_596, %swap3A_597] {strides = array<i32>} : memref<1600x32xf32, #tpu.memory_space<vmem>>, vector<1x16xf32>,
      %swap3A_599 = vector.shape_cast %swap3A_598 : vector<1x16xf32> to vector<16xf32>
      %swap3A_600 = vector.shape_cast %add3A_595 : vector<16xf32> to vector<1x16xf32>
      tpu.vector_store %arg8[%swap3A_596, %swap3A_597], %swap3A_600 {strides = array<i32>} : memref<1600x32xf32, #tpu.memory_space<vmem>>, vector<1x16xf32>,
      %get3A_601 = arith.index_cast %add3A_590 : i32 to index
      %get3A_602 = arith.constant 16 : index
      %get3A_603 = tpu.vector_load %arg8[%get3A_601, %get3A_602] {strides = array<i32>} : memref<1600x32xf32, #tpu.memory_space<vmem>>, vector<1x16xf32>,
      %get3A_604 = vector.shape_cast %get3A_603 : vector<1x16xf32> to vector<16xf32>
      %add3A_605 = arith.addf %get3A_604, %get3A_435 : vector<16xf32>
      %swap3A_606 = arith.index_cast %add3A_590 : i32 to index
      %swap3A_607 = arith.constant 16 : index
      %swap3A_608 = tpu.vector_load %arg8[%swap3A_606, %swap3A_607] {strides = array<i32>} : memref<1600x32xf32, #tpu.memory_space<vmem>>, vector<1x16xf32>,
      %swap3A_609 = vector.shape_cast %swap3A_608 : vector<1x16xf32> to vector<16xf32>
      %swap3A_610 = vector.shape_cast %add3A_605 : vector<16xf32> to vector<1x16xf32>
      tpu.vector_store %arg8[%swap3A_606, %swap3A_607], %swap3A_610 {strides = array<i32>} : memref<1600x32xf32, #tpu.memory_space<vmem>>, vector<1x16xf32>,
    }
    %scan3A_241 = arith.constant 200 : i32
    %add3A_242 = arith.constant 12800 : i32
    %add3A_243 = arith.addi %mul3A_2, %add3A_242 : i32
    %dma_start3A_244 = arith.constant 0 : i32
    %dma_start3A_245 = tpu.memref_slice %arg5[%add3A_243, %dma_start3A_244] : memref<819200x32xf32, #tpu.memory_space<hbm>> -> memref<1600x32xf32, #tpu.memory_space<hbm>>
    %dma_start3A_246 = arith.constant 0 : i32
    %dma_start3A_247 = tpu.memref_slice %arg5[%add3A_243, %dma_start3A_246] : memref<819200x32xf32, #tpu.memory_space<hbm>> -> memref<1600x32xf32, #tpu.memory_space<hbm>>
    tpu.enqueue_dma source(%arg8 : memref<1600x32xf32, #tpu.memory_space<vmem>>) target(%dma_start3A_247 : memref<1600x32xf32, #tpu.memory_space<hbm>>) target_semaphore(%arg15 : memref<!tpu.dma_semaphore, #tpu.memory_space<semaphore_mem>>)
    %dma_wait3A_248 = tpu.memref_slice %arg2[%add3A_234] : memref<819200xi32, #tpu.memory_space<hbm>> -> memref<1600xi32, #tpu.memory_space<hbm>>
    %dma_wait3A_249 = tpu.memref_slice %arg2[%add3A_234] : memref<819200xi32, #tpu.memory_space<hbm>> -> memref<1600xi32, #tpu.memory_space<hbm>>
    tpu.wait_dma2 semaphore(%arg11 : memref<!tpu.dma_semaphore, #tpu.memory_space<semaphore_mem>>) src(%dma_wait3A_249 : memref<1600xi32, #tpu.memory_space<hbm>>) dst(%arg6 : memref<1600xi32, #tpu.memory_space<vmem>>)
    %dma_wait3A_250 = arith.constant 0 : i32
    %dma_wait3A_251 = tpu.memref_slice %arg5[%add3A_243, %dma_wait3A_250] : memref<819200x32xf32, #tpu.memory_space<hbm>> -> memref<1600x32xf32, #tpu.memory_space<hbm>>
    %dma_wait3A_252 = arith.constant 0 : i32
    %dma_wait3A_253 = tpu.memref_slice %arg5[%add3A_243, %dma_wait3A_252] : memref<819200x32xf32, #tpu.memory_space<hbm>> -> memref<1600x32xf32, #tpu.memory_space<hbm>>
    tpu.wait_dma2 semaphore(%arg15 : memref<!tpu.dma_semaphore, #tpu.memory_space<semaphore_mem>>) src(%arg8 : memref<1600x32xf32, #tpu.memory_space<vmem>>) dst(%dma_wait3A_253 : memref<1600x32xf32, #tpu.memory_space<hbm>>)
    %dma_start3A_254 = arith.constant 0 : i32
    %dma_start3A_255 = arith.constant 0 : i32
    %dma_start3A_256 = tpu.memref_slice %arg3[%dma_start3A_254, %dma_start3A_255] : memref<1000000x32xf32, #tpu.memory_space<hbm>> -> memref<1000000x32xf32, #tpu.memory_space<hbm>>
    tpu.enqueue_indirect_dma source(%dma_start3A_256 : memref<1000000x32xf32, #tpu.memory_space<hbm>>) target(%arg8 : memref<1600x32xf32, #tpu.memory_space<vmem>>) offsets(%arg6 : memref<1600xi32, #tpu.memory_space<vmem>>) semaphore(%arg13 : memref<!tpu.dma_semaphore, #tpu.memory_space<semaphore_mem>>)
    %dma_wait3A_257 = arith.constant 0 : i32
    %dma_wait3A_258 = arith.constant 0 : i32
    %dma_wait3A_259 = tpu.memref_slice %arg3[%dma_wait3A_257, %dma_wait3A_258] : memref<1000000x32xf32, #tpu.memory_space<hbm>> -> memref<1000000x32xf32, #tpu.memory_space<hbm>>
    tpu.wait_indirect_dma semaphore(%arg14 : memref<!tpu.dma_semaphore, #tpu.memory_space<semaphore_mem>>) src(%dma_wait3A_259 : memref<1000000x32xf32, #tpu.memory_space<hbm>>) dst(%arg9 : memref<1600x32xf32, #tpu.memory_space<vmem>>)
    %add3A_260 = arith.constant 17600 : i32
    %add3A_261 = arith.addi %mul3A_2, %add3A_260 : i32
    %dma_start3A_262 = tpu.memref_slice %arg2[%add3A_261] : memref<819200xi32, #tpu.memory_space<hbm>> -> memref<1600xi32, #tpu.memory_space<hbm>>
    %dma_start3A_263 = tpu.memref_slice %arg2[%add3A_261] : memref<819200xi32, #tpu.memory_space<hbm>> -> memref<1600xi32, #tpu.memory_space<hbm>>
    tpu.enqueue_dma source(%dma_start3A_263 : memref<1600xi32, #tpu.memory_space<hbm>>) target(%arg7 : memref<1600xi32, #tpu.memory_space<vmem>>) target_semaphore(%arg12 : memref<!tpu.dma_semaphore, #tpu.memory_space<semaphore_mem>>)
    %scan3A_264 = arith.constant 0 : i32
    %scan3A_265 = arith.constant 200 : i32
    %scan3A_266 = arith.addi %scan3A_264, %scan3A_265 : i32
    %scan3A_267 = arith.constant 1 : i32
    scf.for %scan3A_428 = %scan3A_264 to %scan3A_266 step %scan3A_267  : i32 {
      %get3A = arith.index_cast %scan3A_428 : i32 to index
      %get3A_429 = arith.constant 0 : index
      %get3A_430 = tpu.vector_load %arg10[%get3A, %get3A_429] {strides = array<i32>} : memref<200x32xf32, #tpu.memory_space<vmem>>, vector<1x16xf32>,
      %get3A_431 = vector.shape_cast %get3A_430 : vector<1x16xf32> to vector<16xf32>
      %get3A_432 = arith.index_cast %scan3A_428 : i32 to index
      %get3A_433 = arith.constant 16 : index
      %get3A_434 = tpu.vector_load %arg10[%get3A_432, %get3A_433] {strides = array<i32>} : memref<200x32xf32, #tpu.memory_space<vmem>>, vector<1x16xf32>,
      %get3A_435 = vector.shape_cast %get3A_434 : vector<1x16xf32> to vector<16xf32>
      %add3A_436 = arith.constant 0 : i32
      %add3A_437 = arith.addi %add3A_436, %scan3A_428 : i32
      %get3A_438 = arith.index_cast %add3A_437 : i32 to index
      %get3A_439 = arith.constant 0 : index
      %get3A_440 = tpu.vector_load %arg9[%get3A_438, %get3A_439] {strides = array<i32>} : memref<1600x32xf32, #tpu.memory_space<vmem>>, vector<1x16xf32>,
      %get3A_441 = vector.shape_cast %get3A_440 : vector<1x16xf32> to vector<16xf32>
      %add3A_442 = arith.addf %get3A_441, %get3A_431 : vector<16xf32>
      %swap3A = arith.index_cast %add3A_437 : i32 to index
      %swap3A_443 = arith.constant 0 : index
      %swap3A_444 = tpu.vector_load %arg9[%swap3A, %swap3A_443] {strides = array<i32>} : memref<1600x32xf32, #tpu.memory_space<vmem>>, vector<1x16xf32>,
      %swap3A_445 = vector.shape_cast %swap3A_444 : vector<1x16xf32> to vector<16xf32>
      %swap3A_446 = vector.shape_cast %add3A_442 : vector<16xf32> to vector<1x16xf32>
      tpu.vector_store %arg9[%swap3A, %swap3A_443], %swap3A_446 {strides = array<i32>} : memref<1600x32xf32, #tpu.memory_space<vmem>>, vector<1x16xf32>,
      %get3A_447 = arith.index_cast %add3A_437 : i32 to index
      %get3A_448 = arith.constant 16 : index
      %get3A_449 = tpu.vector_load %arg9[%get3A_447, %get3A_448] {strides = array<i32>} : memref<1600x32xf32, #tpu.memory_space<vmem>>, vector<1x16xf32>,
      %get3A_450 = vector.shape_cast %get3A_449 : vector<1x16xf32> to vector<16xf32>
      %add3A_451 = arith.addf %get3A_450, %get3A_435 : vector<16xf32>
      %swap3A_452 = arith.index_cast %add3A_437 : i32 to index
      %swap3A_453 = arith.constant 16 : index
      %swap3A_454 = tpu.vector_load %arg9[%swap3A_452, %swap3A_453] {strides = array<i32>} : memref<1600x32xf32, #tpu.memory_space<vmem>>, vector<1x16xf32>,
      %swap3A_455 = vector.shape_cast %swap3A_454 : vector<1x16xf32> to vector<16xf32>
      %swap3A_456 = vector.shape_cast %add3A_451 : vector<16xf32> to vector<1x16xf32>
      tpu.vector_store %arg9[%swap3A_452, %swap3A_453], %swap3A_456 {strides = array<i32>} : memref<1600x32xf32, #tpu.memory_space<vmem>>, vector<1x16xf32>,
      %add3A_457 = arith.constant 200 : i32
      %add3A_458 = arith.addi %add3A_457, %scan3A_428 : i32
      %get3A_459 = arith.index_cast %add3A_458 : i32 to index
      %get3A_460 = arith.constant 0 : index
      %get3A_461 = tpu.vector_load %arg9[%get3A_459, %get3A_460] {strides = array<i32>} : memref<1600x32xf32, #tpu.memory_space<vmem>>, vector<1x16xf32>,
      %get3A_462 = vector.shape_cast %get3A_461 : vector<1x16xf32> to vector<16xf32>
      %add3A_463 = arith.addf %get3A_462, %get3A_431 : vector<16xf32>
      %swap3A_464 = arith.index_cast %add3A_458 : i32 to index
      %swap3A_465 = arith.constant 0 : index
      %swap3A_466 = tpu.vector_load %arg9[%swap3A_464, %swap3A_465] {strides = array<i32>} : memref<1600x32xf32, #tpu.memory_space<vmem>>, vector<1x16xf32>,
      %swap3A_467 = vector.shape_cast %swap3A_466 : vector<1x16xf32> to vector<16xf32>
      %swap3A_468 = vector.shape_cast %add3A_463 : vector<16xf32> to vector<1x16xf32>
      tpu.vector_store %arg9[%swap3A_464, %swap3A_465], %swap3A_468 {strides = array<i32>} : memref<1600x32xf32, #tpu.memory_space<vmem>>, vector<1x16xf32>,
      %get3A_469 = arith.index_cast %add3A_458 : i32 to index
      %get3A_470 = arith.constant 16 : index
      %get3A_471 = tpu.vector_load %arg9[%get3A_469, %get3A_470] {strides = array<i32>} : memref<1600x32xf32, #tpu.memory_space<vmem>>, vector<1x16xf32>,
      %get3A_472 = vector.shape_cast %get3A_471 : vector<1x16xf32> to vector<16xf32>
      %add3A_473 = arith.addf %get3A_472, %get3A_435 : vector<16xf32>
      %swap3A_474 = arith.index_cast %add3A_458 : i32 to index
      %swap3A_475 = arith.constant 16 : index
      %swap3A_476 = tpu.vector_load %arg9[%swap3A_474, %swap3A_475] {strides = array<i32>} : memref<1600x32xf32, #tpu.memory_space<vmem>>, vector<1x16xf32>,
      %swap3A_477 = vector.shape_cast %swap3A_476 : vector<1x16xf32> to vector<16xf32>
      %swap3A_478 = vector.shape_cast %add3A_473 : vector<16xf32> to vector<1x16xf32>
      tpu.vector_store %arg9[%swap3A_474, %swap3A_475], %swap3A_478 {strides = array<i32>} : memref<1600x32xf32, #tpu.memory_space<vmem>>, vector<1x16xf32>,
      %add3A_479 = arith.constant 400 : i32
      %add3A_480 = arith.addi %add3A_479, %scan3A_428 : i32
      %get3A_481 = arith.index_cast %add3A_480 : i32 to index
      %get3A_482 = arith.constant 0 : index
      %get3A_483 = tpu.vector_load %arg9[%get3A_481, %get3A_482] {strides = array<i32>} : memref<1600x32xf32, #tpu.memory_space<vmem>>, vector<1x16xf32>,
      %get3A_484 = vector.shape_cast %get3A_483 : vector<1x16xf32> to vector<16xf32>
      %add3A_485 = arith.addf %get3A_484, %get3A_431 : vector<16xf32>
      %swap3A_486 = arith.index_cast %add3A_480 : i32 to index
      %swap3A_487 = arith.constant 0 : index
      %swap3A_488 = tpu.vector_load %arg9[%swap3A_486, %swap3A_487] {strides = array<i32>} : memref<1600x32xf32, #tpu.memory_space<vmem>>, vector<1x16xf32>,
      %swap3A_489 = vector.shape_cast %swap3A_488 : vector<1x16xf32> to vector<16xf32>
      %swap3A_490 = vector.shape_cast %add3A_485 : vector<16xf32> to vector<1x16xf32>
      tpu.vector_store %arg9[%swap3A_486, %swap3A_487], %swap3A_490 {strides = array<i32>} : memref<1600x32xf32, #tpu.memory_space<vmem>>, vector<1x16xf32>,
      %get3A_491 = arith.index_cast %add3A_480 : i32 to index
      %get3A_492 = arith.constant 16 : index
      %get3A_493 = tpu.vector_load %arg9[%get3A_491, %get3A_492] {strides = array<i32>} : memref<1600x32xf32, #tpu.memory_space<vmem>>, vector<1x16xf32>,
      %get3A_494 = vector.shape_cast %get3A_493 : vector<1x16xf32> to vector<16xf32>
      %add3A_495 = arith.addf %get3A_494, %get3A_435 : vector<16xf32>
      %swap3A_496 = arith.index_cast %add3A_480 : i32 to index
      %swap3A_497 = arith.constant 16 : index
      %swap3A_498 = tpu.vector_load %arg9[%swap3A_496, %swap3A_497] {strides = array<i32>} : memref<1600x32xf32, #tpu.memory_space<vmem>>, vector<1x16xf32>,
      %swap3A_499 = vector.shape_cast %swap3A_498 : vector<1x16xf32> to vector<16xf32>
      %swap3A_500 = vector.shape_cast %add3A_495 : vector<16xf32> to vector<1x16xf32>
      tpu.vector_store %arg9[%swap3A_496, %swap3A_497], %swap3A_500 {strides = array<i32>} : memref<1600x32xf32, #tpu.memory_space<vmem>>, vector<1x16xf32>,
      %add3A_501 = arith.constant 600 : i32
      %add3A_502 = arith.addi %add3A_501, %scan3A_428 : i32
      %get3A_503 = arith.index_cast %add3A_502 : i32 to index
      %get3A_504 = arith.constant 0 : index
      %get3A_505 = tpu.vector_load %arg9[%get3A_503, %get3A_504] {strides = array<i32>} : memref<1600x32xf32, #tpu.memory_space<vmem>>, vector<1x16xf32>,
      %get3A_506 = vector.shape_cast %get3A_505 : vector<1x16xf32> to vector<16xf32>
      %add3A_507 = arith.addf %get3A_506, %get3A_431 : vector<16xf32>
      %swap3A_508 = arith.index_cast %add3A_502 : i32 to index
      %swap3A_509 = arith.constant 0 : index
      %swap3A_510 = tpu.vector_load %arg9[%swap3A_508, %swap3A_509] {strides = array<i32>} : memref<1600x32xf32, #tpu.memory_space<vmem>>, vector<1x16xf32>,
      %swap3A_511 = vector.shape_cast %swap3A_510 : vector<1x16xf32> to vector<16xf32>
      %swap3A_512 = vector.shape_cast %add3A_507 : vector<16xf32> to vector<1x16xf32>
      tpu.vector_store %arg9[%swap3A_508, %swap3A_509], %swap3A_512 {strides = array<i32>} : memref<1600x32xf32, #tpu.memory_space<vmem>>, vector<1x16xf32>,
      %get3A_513 = arith.index_cast %add3A_502 : i32 to index
      %get3A_514 = arith.constant 16 : index
      %get3A_515 = tpu.vector_load %arg9[%get3A_513, %get3A_514] {strides = array<i32>} : memref<1600x32xf32, #tpu.memory_space<vmem>>, vector<1x16xf32>,
      %get3A_516 = vector.shape_cast %get3A_515 : vector<1x16xf32> to vector<16xf32>
      %add3A_517 = arith.addf %get3A_516, %get3A_435 : vector<16xf32>
      %swap3A_518 = arith.index_cast %add3A_502 : i32 to index
      %swap3A_519 = arith.constant 16 : index
      %swap3A_520 = tpu.vector_load %arg9[%swap3A_518, %swap3A_519] {strides = array<i32>} : memref<1600x32xf32, #tpu.memory_space<vmem>>, vector<1x16xf32>,
      %swap3A_521 = vector.shape_cast %swap3A_520 : vector<1x16xf32> to vector<16xf32>
      %swap3A_522 = vector.shape_cast %add3A_517 : vector<16xf32> to vector<1x16xf32>
      tpu.vector_store %arg9[%swap3A_518, %swap3A_519], %swap3A_522 {strides = array<i32>} : memref<1600x32xf32, #tpu.memory_space<vmem>>, vector<1x16xf32>,
      %add3A_523 = arith.constant 800 : i32
      %add3A_524 = arith.addi %add3A_523, %scan3A_428 : i32
      %get3A_525 = arith.index_cast %add3A_524 : i32 to index
      %get3A_526 = arith.constant 0 : index
      %get3A_527 = tpu.vector_load %arg9[%get3A_525, %get3A_526] {strides = array<i32>} : memref<1600x32xf32, #tpu.memory_space<vmem>>, vector<1x16xf32>,
      %get3A_528 = vector.shape_cast %get3A_527 : vector<1x16xf32> to vector<16xf32>
      %add3A_529 = arith.addf %get3A_528, %get3A_431 : vector<16xf32>
      %swap3A_530 = arith.index_cast %add3A_524 : i32 to index
      %swap3A_531 = arith.constant 0 : index
      %swap3A_532 = tpu.vector_load %arg9[%swap3A_530, %swap3A_531] {strides = array<i32>} : memref<1600x32xf32, #tpu.memory_space<vmem>>, vector<1x16xf32>,
      %swap3A_533 = vector.shape_cast %swap3A_532 : vector<1x16xf32> to vector<16xf32>
      %swap3A_534 = vector.shape_cast %add3A_529 : vector<16xf32> to vector<1x16xf32>
      tpu.vector_store %arg9[%swap3A_530, %swap3A_531], %swap3A_534 {strides = array<i32>} : memref<1600x32xf32, #tpu.memory_space<vmem>>, vector<1x16xf32>,
      %get3A_535 = arith.index_cast %add3A_524 : i32 to index
      %get3A_536 = arith.constant 16 : index
      %get3A_537 = tpu.vector_load %arg9[%get3A_535, %get3A_536] {strides = array<i32>} : memref<1600x32xf32, #tpu.memory_space<vmem>>, vector<1x16xf32>,
      %get3A_538 = vector.shape_cast %get3A_537 : vector<1x16xf32> to vector<16xf32>
      %add3A_539 = arith.addf %get3A_538, %get3A_435 : vector<16xf32>
      %swap3A_540 = arith.index_cast %add3A_524 : i32 to index
      %swap3A_541 = arith.constant 16 : index
      %swap3A_542 = tpu.vector_load %arg9[%swap3A_540, %swap3A_541] {strides = array<i32>} : memref<1600x32xf32, #tpu.memory_space<vmem>>, vector<1x16xf32>,
      %swap3A_543 = vector.shape_cast %swap3A_542 : vector<1x16xf32> to vector<16xf32>
      %swap3A_544 = vector.shape_cast %add3A_539 : vector<16xf32> to vector<1x16xf32>
      tpu.vector_store %arg9[%swap3A_540, %swap3A_541], %swap3A_544 {strides = array<i32>} : memref<1600x32xf32, #tpu.memory_space<vmem>>, vector<1x16xf32>,
      %add3A_545 = arith.constant 1000 : i32
      %add3A_546 = arith.addi %add3A_545, %scan3A_428 : i32
      %get3A_547 = arith.index_cast %add3A_546 : i32 to index
      %get3A_548 = arith.constant 0 : index
      %get3A_549 = tpu.vector_load %arg9[%get3A_547, %get3A_548] {strides = array<i32>} : memref<1600x32xf32, #tpu.memory_space<vmem>>, vector<1x16xf32>,
      %get3A_550 = vector.shape_cast %get3A_549 : vector<1x16xf32> to vector<16xf32>
      %add3A_551 = arith.addf %get3A_550, %get3A_431 : vector<16xf32>
      %swap3A_552 = arith.index_cast %add3A_546 : i32 to index
      %swap3A_553 = arith.constant 0 : index
      %swap3A_554 = tpu.vector_load %arg9[%swap3A_552, %swap3A_553] {strides = array<i32>} : memref<1600x32xf32, #tpu.memory_space<vmem>>, vector<1x16xf32>,
      %swap3A_555 = vector.shape_cast %swap3A_554 : vector<1x16xf32> to vector<16xf32>
      %swap3A_556 = vector.shape_cast %add3A_551 : vector<16xf32> to vector<1x16xf32>
      tpu.vector_store %arg9[%swap3A_552, %swap3A_553], %swap3A_556 {strides = array<i32>} : memref<1600x32xf32, #tpu.memory_space<vmem>>, vector<1x16xf32>,
      %get3A_557 = arith.index_cast %add3A_546 : i32 to index
      %get3A_558 = arith.constant 16 : index
      %get3A_559 = tpu.vector_load %arg9[%get3A_557, %get3A_558] {strides = array<i32>} : memref<1600x32xf32, #tpu.memory_space<vmem>>, vector<1x16xf32>,
      %get3A_560 = vector.shape_cast %get3A_559 : vector<1x16xf32> to vector<16xf32>
      %add3A_561 = arith.addf %get3A_560, %get3A_435 : vector<16xf32>
      %swap3A_562 = arith.index_cast %add3A_546 : i32 to index
      %swap3A_563 = arith.constant 16 : index
      %swap3A_564 = tpu.vector_load %arg9[%swap3A_562, %swap3A_563] {strides = array<i32>} : memref<1600x32xf32, #tpu.memory_space<vmem>>, vector<1x16xf32>,
      %swap3A_565 = vector.shape_cast %swap3A_564 : vector<1x16xf32> to vector<16xf32>
      %swap3A_566 = vector.shape_cast %add3A_561 : vector<16xf32> to vector<1x16xf32>
      tpu.vector_store %arg9[%swap3A_562, %swap3A_563], %swap3A_566 {strides = array<i32>} : memref<1600x32xf32, #tpu.memory_space<vmem>>, vector<1x16xf32>,
      %add3A_567 = arith.constant 1200 : i32
      %add3A_568 = arith.addi %add3A_567, %scan3A_428 : i32
      %get3A_569 = arith.index_cast %add3A_568 : i32 to index
      %get3A_570 = arith.constant 0 : index
      %get3A_571 = tpu.vector_load %arg9[%get3A_569, %get3A_570] {strides = array<i32>} : memref<1600x32xf32, #tpu.memory_space<vmem>>, vector<1x16xf32>,
      %get3A_572 = vector.shape_cast %get3A_571 : vector<1x16xf32> to vector<16xf32>
      %add3A_573 = arith.addf %get3A_572, %get3A_431 : vector<16xf32>
      %swap3A_574 = arith.index_cast %add3A_568 : i32 to index
      %swap3A_575 = arith.constant 0 : index
      %swap3A_576 = tpu.vector_load %arg9[%swap3A_574, %swap3A_575] {strides = array<i32>} : memref<1600x32xf32, #tpu.memory_space<vmem>>, vector<1x16xf32>,
      %swap3A_577 = vector.shape_cast %swap3A_576 : vector<1x16xf32> to vector<16xf32>
      %swap3A_578 = vector.shape_cast %add3A_573 : vector<16xf32> to vector<1x16xf32>
      tpu.vector_store %arg9[%swap3A_574, %swap3A_575], %swap3A_578 {strides = array<i32>} : memref<1600x32xf32, #tpu.memory_space<vmem>>, vector<1x16xf32>,
      %get3A_579 = arith.index_cast %add3A_568 : i32 to index
      %get3A_580 = arith.constant 16 : index
      %get3A_581 = tpu.vector_load %arg9[%get3A_579, %get3A_580] {strides = array<i32>} : memref<1600x32xf32, #tpu.memory_space<vmem>>, vector<1x16xf32>,
      %get3A_582 = vector.shape_cast %get3A_581 : vector<1x16xf32> to vector<16xf32>
      %add3A_583 = arith.addf %get3A_582, %get3A_435 : vector<16xf32>
      %swap3A_584 = arith.index_cast %add3A_568 : i32 to index
      %swap3A_585 = arith.constant 16 : index
      %swap3A_586 = tpu.vector_load %arg9[%swap3A_584, %swap3A_585] {strides = array<i32>} : memref<1600x32xf32, #tpu.memory_space<vmem>>, vector<1x16xf32>,
      %swap3A_587 = vector.shape_cast %swap3A_586 : vector<1x16xf32> to vector<16xf32>
      %swap3A_588 = vector.shape_cast %add3A_583 : vector<16xf32> to vector<1x16xf32>
      tpu.vector_store %arg9[%swap3A_584, %swap3A_585], %swap3A_588 {strides = array<i32>} : memref<1600x32xf32, #tpu.memory_space<vmem>>, vector<1x16xf32>,
      %add3A_589 = arith.constant 1400 : i32
      %add3A_590 = arith.addi %add3A_589, %scan3A_428 : i32
      %get3A_591 = arith.index_cast %add3A_590 : i32 to index
      %get3A_592 = arith.constant 0 : index
      %get3A_593 = tpu.vector_load %arg9[%get3A_591, %get3A_592] {strides = array<i32>} : memref<1600x32xf32, #tpu.memory_space<vmem>>, vector<1x16xf32>,
      %get3A_594 = vector.shape_cast %get3A_593 : vector<1x16xf32> to vector<16xf32>
      %add3A_595 = arith.addf %get3A_594, %get3A_431 : vector<16xf32>
      %swap3A_596 = arith.index_cast %add3A_590 : i32 to index
      %swap3A_597 = arith.constant 0 : index
      %swap3A_598 = tpu.vector_load %arg9[%swap3A_596, %swap3A_597] {strides = array<i32>} : memref<1600x32xf32, #tpu.memory_space<vmem>>, vector<1x16xf32>,
      %swap3A_599 = vector.shape_cast %swap3A_598 : vector<1x16xf32> to vector<16xf32>
      %swap3A_600 = vector.shape_cast %add3A_595 : vector<16xf32> to vector<1x16xf32>
      tpu.vector_store %arg9[%swap3A_596, %swap3A_597], %swap3A_600 {strides = array<i32>} : memref<1600x32xf32, #tpu.memory_space<vmem>>, vector<1x16xf32>,
      %get3A_601 = arith.index_cast %add3A_590 : i32 to index
      %get3A_602 = arith.constant 16 : index
      %get3A_603 = tpu.vector_load %arg9[%get3A_601, %get3A_602] {strides = array<i32>} : memref<1600x32xf32, #tpu.memory_space<vmem>>, vector<1x16xf32>,
      %get3A_604 = vector.shape_cast %get3A_603 : vector<1x16xf32> to vector<16xf32>
      %add3A_605 = arith.addf %get3A_604, %get3A_435 : vector<16xf32>
      %swap3A_606 = arith.index_cast %add3A_590 : i32 to index
      %swap3A_607 = arith.constant 16 : index
      %swap3A_608 = tpu.vector_load %arg9[%swap3A_606, %swap3A_607] {strides = array<i32>} : memref<1600x32xf32, #tpu.memory_space<vmem>>, vector<1x16xf32>,
      %swap3A_609 = vector.shape_cast %swap3A_608 : vector<1x16xf32> to vector<16xf32>
      %swap3A_610 = vector.shape_cast %add3A_605 : vector<16xf32> to vector<1x16xf32>
      tpu.vector_store %arg9[%swap3A_606, %swap3A_607], %swap3A_610 {strides = array<i32>} : memref<1600x32xf32, #tpu.memory_space<vmem>>, vector<1x16xf32>,
    }
    %scan3A_268 = arith.constant 200 : i32
    %add3A_269 = arith.constant 14400 : i32
    %add3A_270 = arith.addi %mul3A_2, %add3A_269 : i32
    %dma_start3A_271 = arith.constant 0 : i32
    %dma_start3A_272 = tpu.memref_slice %arg5[%add3A_270, %dma_start3A_271] : memref<819200x32xf32, #tpu.memory_space<hbm>> -> memref<1600x32xf32, #tpu.memory_space<hbm>>
    %dma_start3A_273 = arith.constant 0 : i32
    %dma_start3A_274 = tpu.memref_slice %arg5[%add3A_270, %dma_start3A_273] : memref<819200x32xf32, #tpu.memory_space<hbm>> -> memref<1600x32xf32, #tpu.memory_space<hbm>>
    tpu.enqueue_dma source(%arg9 : memref<1600x32xf32, #tpu.memory_space<vmem>>) target(%dma_start3A_274 : memref<1600x32xf32, #tpu.memory_space<hbm>>) target_semaphore(%arg16 : memref<!tpu.dma_semaphore, #tpu.memory_space<semaphore_mem>>)
    %dma_wait3A_275 = tpu.memref_slice %arg2[%add3A_261] : memref<819200xi32, #tpu.memory_space<hbm>> -> memref<1600xi32, #tpu.memory_space<hbm>>
    %dma_wait3A_276 = tpu.memref_slice %arg2[%add3A_261] : memref<819200xi32, #tpu.memory_space<hbm>> -> memref<1600xi32, #tpu.memory_space<hbm>>
    tpu.wait_dma2 semaphore(%arg12 : memref<!tpu.dma_semaphore, #tpu.memory_space<semaphore_mem>>) src(%dma_wait3A_276 : memref<1600xi32, #tpu.memory_space<hbm>>) dst(%arg7 : memref<1600xi32, #tpu.memory_space<vmem>>)
    %dma_wait3A_277 = arith.constant 0 : i32
    %dma_wait3A_278 = tpu.memref_slice %arg5[%add3A_270, %dma_wait3A_277] : memref<819200x32xf32, #tpu.memory_space<hbm>> -> memref<1600x32xf32, #tpu.memory_space<hbm>>
    %dma_wait3A_279 = arith.constant 0 : i32
    %dma_wait3A_280 = tpu.memref_slice %arg5[%add3A_270, %dma_wait3A_279] : memref<819200x32xf32, #tpu.memory_space<hbm>> -> memref<1600x32xf32, #tpu.memory_space<hbm>>
    tpu.wait_dma2 semaphore(%arg16 : memref<!tpu.dma_semaphore, #tpu.memory_space<semaphore_mem>>) src(%arg9 : memref<1600x32xf32, #tpu.memory_space<vmem>>) dst(%dma_wait3A_280 : memref<1600x32xf32, #tpu.memory_space<hbm>>)
    %dma_start3A_281 = arith.constant 0 : i32
    %dma_start3A_282 = arith.constant 0 : i32
    %dma_start3A_283 = tpu.memref_slice %arg3[%dma_start3A_281, %dma_start3A_282] : memref<1000000x32xf32, #tpu.memory_space<hbm>> -> memref<1000000x32xf32, #tpu.memory_space<hbm>>
    tpu.enqueue_indirect_dma source(%dma_start3A_283 : memref<1000000x32xf32, #tpu.memory_space<hbm>>) target(%arg9 : memref<1600x32xf32, #tpu.memory_space<vmem>>) offsets(%arg7 : memref<1600xi32, #tpu.memory_space<vmem>>) semaphore(%arg14 : memref<!tpu.dma_semaphore, #tpu.memory_space<semaphore_mem>>)
    %dma_wait3A_284 = arith.constant 0 : i32
    %dma_wait3A_285 = arith.constant 0 : i32
    %dma_wait3A_286 = tpu.memref_slice %arg3[%dma_wait3A_284, %dma_wait3A_285] : memref<1000000x32xf32, #tpu.memory_space<hbm>> -> memref<1000000x32xf32, #tpu.memory_space<hbm>>
    tpu.wait_indirect_dma semaphore(%arg13 : memref<!tpu.dma_semaphore, #tpu.memory_space<semaphore_mem>>) src(%dma_wait3A_286 : memref<1000000x32xf32, #tpu.memory_space<hbm>>) dst(%arg8 : memref<1600x32xf32, #tpu.memory_space<vmem>>)
    %add3A_287 = arith.constant 19200 : i32
    %add3A_288 = arith.addi %mul3A_2, %add3A_287 : i32
    %dma_start3A_289 = tpu.memref_slice %arg2[%add3A_288] : memref<819200xi32, #tpu.memory_space<hbm>> -> memref<1600xi32, #tpu.memory_space<hbm>>
    %dma_start3A_290 = tpu.memref_slice %arg2[%add3A_288] : memref<819200xi32, #tpu.memory_space<hbm>> -> memref<1600xi32, #tpu.memory_space<hbm>>
    tpu.enqueue_dma source(%dma_start3A_290 : memref<1600xi32, #tpu.memory_space<hbm>>) target(%arg6 : memref<1600xi32, #tpu.memory_space<vmem>>) target_semaphore(%arg11 : memref<!tpu.dma_semaphore, #tpu.memory_space<semaphore_mem>>)
    %scan3A_291 = arith.constant 0 : i32
    %scan3A_292 = arith.constant 200 : i32
    %scan3A_293 = arith.addi %scan3A_291, %scan3A_292 : i32
    %scan3A_294 = arith.constant 1 : i32
    scf.for %scan3A_428 = %scan3A_291 to %scan3A_293 step %scan3A_294  : i32 {
      %get3A = arith.index_cast %scan3A_428 : i32 to index
      %get3A_429 = arith.constant 0 : index
      %get3A_430 = tpu.vector_load %arg10[%get3A, %get3A_429] {strides = array<i32>} : memref<200x32xf32, #tpu.memory_space<vmem>>, vector<1x16xf32>,
      %get3A_431 = vector.shape_cast %get3A_430 : vector<1x16xf32> to vector<16xf32>
      %get3A_432 = arith.index_cast %scan3A_428 : i32 to index
      %get3A_433 = arith.constant 16 : index
      %get3A_434 = tpu.vector_load %arg10[%get3A_432, %get3A_433] {strides = array<i32>} : memref<200x32xf32, #tpu.memory_space<vmem>>, vector<1x16xf32>,
      %get3A_435 = vector.shape_cast %get3A_434 : vector<1x16xf32> to vector<16xf32>
      %add3A_436 = arith.constant 0 : i32
      %add3A_437 = arith.addi %add3A_436, %scan3A_428 : i32
      %get3A_438 = arith.index_cast %add3A_437 : i32 to index
      %get3A_439 = arith.constant 0 : index
      %get3A_440 = tpu.vector_load %arg8[%get3A_438, %get3A_439] {strides = array<i32>} : memref<1600x32xf32, #tpu.memory_space<vmem>>, vector<1x16xf32>,
      %get3A_441 = vector.shape_cast %get3A_440 : vector<1x16xf32> to vector<16xf32>
      %add3A_442 = arith.addf %get3A_441, %get3A_431 : vector<16xf32>
      %swap3A = arith.index_cast %add3A_437 : i32 to index
      %swap3A_443 = arith.constant 0 : index
      %swap3A_444 = tpu.vector_load %arg8[%swap3A, %swap3A_443] {strides = array<i32>} : memref<1600x32xf32, #tpu.memory_space<vmem>>, vector<1x16xf32>,
      %swap3A_445 = vector.shape_cast %swap3A_444 : vector<1x16xf32> to vector<16xf32>
      %swap3A_446 = vector.shape_cast %add3A_442 : vector<16xf32> to vector<1x16xf32>
      tpu.vector_store %arg8[%swap3A, %swap3A_443], %swap3A_446 {strides = array<i32>} : memref<1600x32xf32, #tpu.memory_space<vmem>>, vector<1x16xf32>,
      %get3A_447 = arith.index_cast %add3A_437 : i32 to index
      %get3A_448 = arith.constant 16 : index
      %get3A_449 = tpu.vector_load %arg8[%get3A_447, %get3A_448] {strides = array<i32>} : memref<1600x32xf32, #tpu.memory_space<vmem>>, vector<1x16xf32>,
      %get3A_450 = vector.shape_cast %get3A_449 : vector<1x16xf32> to vector<16xf32>
      %add3A_451 = arith.addf %get3A_450, %get3A_435 : vector<16xf32>
      %swap3A_452 = arith.index_cast %add3A_437 : i32 to index
      %swap3A_453 = arith.constant 16 : index
      %swap3A_454 = tpu.vector_load %arg8[%swap3A_452, %swap3A_453] {strides = array<i32>} : memref<1600x32xf32, #tpu.memory_space<vmem>>, vector<1x16xf32>,
      %swap3A_455 = vector.shape_cast %swap3A_454 : vector<1x16xf32> to vector<16xf32>
      %swap3A_456 = vector.shape_cast %add3A_451 : vector<16xf32> to vector<1x16xf32>
      tpu.vector_store %arg8[%swap3A_452, %swap3A_453], %swap3A_456 {strides = array<i32>} : memref<1600x32xf32, #tpu.memory_space<vmem>>, vector<1x16xf32>,
      %add3A_457 = arith.constant 200 : i32
      %add3A_458 = arith.addi %add3A_457, %scan3A_428 : i32
      %get3A_459 = arith.index_cast %add3A_458 : i32 to index
      %get3A_460 = arith.constant 0 : index
      %get3A_461 = tpu.vector_load %arg8[%get3A_459, %get3A_460] {strides = array<i32>} : memref<1600x32xf32, #tpu.memory_space<vmem>>, vector<1x16xf32>,
      %get3A_462 = vector.shape_cast %get3A_461 : vector<1x16xf32> to vector<16xf32>
      %add3A_463 = arith.addf %get3A_462, %get3A_431 : vector<16xf32>
      %swap3A_464 = arith.index_cast %add3A_458 : i32 to index
      %swap3A_465 = arith.constant 0 : index
      %swap3A_466 = tpu.vector_load %arg8[%swap3A_464, %swap3A_465] {strides = array<i32>} : memref<1600x32xf32, #tpu.memory_space<vmem>>, vector<1x16xf32>,
      %swap3A_467 = vector.shape_cast %swap3A_466 : vector<1x16xf32> to vector<16xf32>
      %swap3A_468 = vector.shape_cast %add3A_463 : vector<16xf32> to vector<1x16xf32>
      tpu.vector_store %arg8[%swap3A_464, %swap3A_465], %swap3A_468 {strides = array<i32>} : memref<1600x32xf32, #tpu.memory_space<vmem>>, vector<1x16xf32>,
      %get3A_469 = arith.index_cast %add3A_458 : i32 to index
      %get3A_470 = arith.constant 16 : index
      %get3A_471 = tpu.vector_load %arg8[%get3A_469, %get3A_470] {strides = array<i32>} : memref<1600x32xf32, #tpu.memory_space<vmem>>, vector<1x16xf32>,
      %get3A_472 = vector.shape_cast %get3A_471 : vector<1x16xf32> to vector<16xf32>
      %add3A_473 = arith.addf %get3A_472, %get3A_435 : vector<16xf32>
      %swap3A_474 = arith.index_cast %add3A_458 : i32 to index
      %swap3A_475 = arith.constant 16 : index
      %swap3A_476 = tpu.vector_load %arg8[%swap3A_474, %swap3A_475] {strides = array<i32>} : memref<1600x32xf32, #tpu.memory_space<vmem>>, vector<1x16xf32>,
      %swap3A_477 = vector.shape_cast %swap3A_476 : vector<1x16xf32> to vector<16xf32>
      %swap3A_478 = vector.shape_cast %add3A_473 : vector<16xf32> to vector<1x16xf32>
      tpu.vector_store %arg8[%swap3A_474, %swap3A_475], %swap3A_478 {strides = array<i32>} : memref<1600x32xf32, #tpu.memory_space<vmem>>, vector<1x16xf32>,
      %add3A_479 = arith.constant 400 : i32
      %add3A_480 = arith.addi %add3A_479, %scan3A_428 : i32
      %get3A_481 = arith.index_cast %add3A_480 : i32 to index
      %get3A_482 = arith.constant 0 : index
      %get3A_483 = tpu.vector_load %arg8[%get3A_481, %get3A_482] {strides = array<i32>} : memref<1600x32xf32, #tpu.memory_space<vmem>>, vector<1x16xf32>,
      %get3A_484 = vector.shape_cast %get3A_483 : vector<1x16xf32> to vector<16xf32>
      %add3A_485 = arith.addf %get3A_484, %get3A_431 : vector<16xf32>
      %swap3A_486 = arith.index_cast %add3A_480 : i32 to index
      %swap3A_487 = arith.constant 0 : index
      %swap3A_488 = tpu.vector_load %arg8[%swap3A_486, %swap3A_487] {strides = array<i32>} : memref<1600x32xf32, #tpu.memory_space<vmem>>, vector<1x16xf32>,
      %swap3A_489 = vector.shape_cast %swap3A_488 : vector<1x16xf32> to vector<16xf32>
      %swap3A_490 = vector.shape_cast %add3A_485 : vector<16xf32> to vector<1x16xf32>
      tpu.vector_store %arg8[%swap3A_486, %swap3A_487], %swap3A_490 {strides = array<i32>} : memref<1600x32xf32, #tpu.memory_space<vmem>>, vector<1x16xf32>,
      %get3A_491 = arith.index_cast %add3A_480 : i32 to index
      %get3A_492 = arith.constant 16 : index
      %get3A_493 = tpu.vector_load %arg8[%get3A_491, %get3A_492] {strides = array<i32>} : memref<1600x32xf32, #tpu.memory_space<vmem>>, vector<1x16xf32>,
      %get3A_494 = vector.shape_cast %get3A_493 : vector<1x16xf32> to vector<16xf32>
      %add3A_495 = arith.addf %get3A_494, %get3A_435 : vector<16xf32>
      %swap3A_496 = arith.index_cast %add3A_480 : i32 to index
      %swap3A_497 = arith.constant 16 : index
      %swap3A_498 = tpu.vector_load %arg8[%swap3A_496, %swap3A_497] {strides = array<i32>} : memref<1600x32xf32, #tpu.memory_space<vmem>>, vector<1x16xf32>,
      %swap3A_499 = vector.shape_cast %swap3A_498 : vector<1x16xf32> to vector<16xf32>
      %swap3A_500 = vector.shape_cast %add3A_495 : vector<16xf32> to vector<1x16xf32>
      tpu.vector_store %arg8[%swap3A_496, %swap3A_497], %swap3A_500 {strides = array<i32>} : memref<1600x32xf32, #tpu.memory_space<vmem>>, vector<1x16xf32>,
      %add3A_501 = arith.constant 600 : i32
      %add3A_502 = arith.addi %add3A_501, %scan3A_428 : i32
      %get3A_503 = arith.index_cast %add3A_502 : i32 to index
      %get3A_504 = arith.constant 0 : index
      %get3A_505 = tpu.vector_load %arg8[%get3A_503, %get3A_504] {strides = array<i32>} : memref<1600x32xf32, #tpu.memory_space<vmem>>, vector<1x16xf32>,
      %get3A_506 = vector.shape_cast %get3A_505 : vector<1x16xf32> to vector<16xf32>
      %add3A_507 = arith.addf %get3A_506, %get3A_431 : vector<16xf32>
      %swap3A_508 = arith.index_cast %add3A_502 : i32 to index
      %swap3A_509 = arith.constant 0 : index
      %swap3A_510 = tpu.vector_load %arg8[%swap3A_508, %swap3A_509] {strides = array<i32>} : memref<1600x32xf32, #tpu.memory_space<vmem>>, vector<1x16xf32>,
      %swap3A_511 = vector.shape_cast %swap3A_510 : vector<1x16xf32> to vector<16xf32>
      %swap3A_512 = vector.shape_cast %add3A_507 : vector<16xf32> to vector<1x16xf32>
      tpu.vector_store %arg8[%swap3A_508, %swap3A_509], %swap3A_512 {strides = array<i32>} : memref<1600x32xf32, #tpu.memory_space<vmem>>, vector<1x16xf32>,
      %get3A_513 = arith.index_cast %add3A_502 : i32 to index
      %get3A_514 = arith.constant 16 : index
      %get3A_515 = tpu.vector_load %arg8[%get3A_513, %get3A_514] {strides = array<i32>} : memref<1600x32xf32, #tpu.memory_space<vmem>>, vector<1x16xf32>,
      %get3A_516 = vector.shape_cast %get3A_515 : vector<1x16xf32> to vector<16xf32>
      %add3A_517 = arith.addf %get3A_516, %get3A_435 : vector<16xf32>
      %swap3A_518 = arith.index_cast %add3A_502 : i32 to index
      %swap3A_519 = arith.constant 16 : index
      %swap3A_520 = tpu.vector_load %arg8[%swap3A_518, %swap3A_519] {strides = array<i32>} : memref<1600x32xf32, #tpu.memory_space<vmem>>, vector<1x16xf32>,
      %swap3A_521 = vector.shape_cast %swap3A_520 : vector<1x16xf32> to vector<16xf32>
      %swap3A_522 = vector.shape_cast %add3A_517 : vector<16xf32> to vector<1x16xf32>
      tpu.vector_store %arg8[%swap3A_518, %swap3A_519], %swap3A_522 {strides = array<i32>} : memref<1600x32xf32, #tpu.memory_space<vmem>>, vector<1x16xf32>,
      %add3A_523 = arith.constant 800 : i32
      %add3A_524 = arith.addi %add3A_523, %scan3A_428 : i32
      %get3A_525 = arith.index_cast %add3A_524 : i32 to index
      %get3A_526 = arith.constant 0 : index
      %get3A_527 = tpu.vector_load %arg8[%get3A_525, %get3A_526] {strides = array<i32>} : memref<1600x32xf32, #tpu.memory_space<vmem>>, vector<1x16xf32>,
      %get3A_528 = vector.shape_cast %get3A_527 : vector<1x16xf32> to vector<16xf32>
      %add3A_529 = arith.addf %get3A_528, %get3A_431 : vector<16xf32>
      %swap3A_530 = arith.index_cast %add3A_524 : i32 to index
      %swap3A_531 = arith.constant 0 : index
      %swap3A_532 = tpu.vector_load %arg8[%swap3A_530, %swap3A_531] {strides = array<i32>} : memref<1600x32xf32, #tpu.memory_space<vmem>>, vector<1x16xf32>,
      %swap3A_533 = vector.shape_cast %swap3A_532 : vector<1x16xf32> to vector<16xf32>
      %swap3A_534 = vector.shape_cast %add3A_529 : vector<16xf32> to vector<1x16xf32>
      tpu.vector_store %arg8[%swap3A_530, %swap3A_531], %swap3A_534 {strides = array<i32>} : memref<1600x32xf32, #tpu.memory_space<vmem>>, vector<1x16xf32>,
      %get3A_535 = arith.index_cast %add3A_524 : i32 to index
      %get3A_536 = arith.constant 16 : index
      %get3A_537 = tpu.vector_load %arg8[%get3A_535, %get3A_536] {strides = array<i32>} : memref<1600x32xf32, #tpu.memory_space<vmem>>, vector<1x16xf32>,
      %get3A_538 = vector.shape_cast %get3A_537 : vector<1x16xf32> to vector<16xf32>
      %add3A_539 = arith.addf %get3A_538, %get3A_435 : vector<16xf32>
      %swap3A_540 = arith.index_cast %add3A_524 : i32 to index
      %swap3A_541 = arith.constant 16 : index
      %swap3A_542 = tpu.vector_load %arg8[%swap3A_540, %swap3A_541] {strides = array<i32>} : memref<1600x32xf32, #tpu.memory_space<vmem>>, vector<1x16xf32>,
      %swap3A_543 = vector.shape_cast %swap3A_542 : vector<1x16xf32> to vector<16xf32>
      %swap3A_544 = vector.shape_cast %add3A_539 : vector<16xf32> to vector<1x16xf32>
      tpu.vector_store %arg8[%swap3A_540, %swap3A_541], %swap3A_544 {strides = array<i32>} : memref<1600x32xf32, #tpu.memory_space<vmem>>, vector<1x16xf32>,
      %add3A_545 = arith.constant 1000 : i32
      %add3A_546 = arith.addi %add3A_545, %scan3A_428 : i32
      %get3A_547 = arith.index_cast %add3A_546 : i32 to index
      %get3A_548 = arith.constant 0 : index
      %get3A_549 = tpu.vector_load %arg8[%get3A_547, %get3A_548] {strides = array<i32>} : memref<1600x32xf32, #tpu.memory_space<vmem>>, vector<1x16xf32>,
      %get3A_550 = vector.shape_cast %get3A_549 : vector<1x16xf32> to vector<16xf32>
      %add3A_551 = arith.addf %get3A_550, %get3A_431 : vector<16xf32>
      %swap3A_552 = arith.index_cast %add3A_546 : i32 to index
      %swap3A_553 = arith.constant 0 : index
      %swap3A_554 = tpu.vector_load %arg8[%swap3A_552, %swap3A_553] {strides = array<i32>} : memref<1600x32xf32, #tpu.memory_space<vmem>>, vector<1x16xf32>,
      %swap3A_555 = vector.shape_cast %swap3A_554 : vector<1x16xf32> to vector<16xf32>
      %swap3A_556 = vector.shape_cast %add3A_551 : vector<16xf32> to vector<1x16xf32>
      tpu.vector_store %arg8[%swap3A_552, %swap3A_553], %swap3A_556 {strides = array<i32>} : memref<1600x32xf32, #tpu.memory_space<vmem>>, vector<1x16xf32>,
      %get3A_557 = arith.index_cast %add3A_546 : i32 to index
      %get3A_558 = arith.constant 16 : index
      %get3A_559 = tpu.vector_load %arg8[%get3A_557, %get3A_558] {strides = array<i32>} : memref<1600x32xf32, #tpu.memory_space<vmem>>, vector<1x16xf32>,
      %get3A_560 = vector.shape_cast %get3A_559 : vector<1x16xf32> to vector<16xf32>
      %add3A_561 = arith.addf %get3A_560, %get3A_435 : vector<16xf32>
      %swap3A_562 = arith.index_cast %add3A_546 : i32 to index
      %swap3A_563 = arith.constant 16 : index
      %swap3A_564 = tpu.vector_load %arg8[%swap3A_562, %swap3A_563] {strides = array<i32>} : memref<1600x32xf32, #tpu.memory_space<vmem>>, vector<1x16xf32>,
      %swap3A_565 = vector.shape_cast %swap3A_564 : vector<1x16xf32> to vector<16xf32>
      %swap3A_566 = vector.shape_cast %add3A_561 : vector<16xf32> to vector<1x16xf32>
      tpu.vector_store %arg8[%swap3A_562, %swap3A_563], %swap3A_566 {strides = array<i32>} : memref<1600x32xf32, #tpu.memory_space<vmem>>, vector<1x16xf32>,
      %add3A_567 = arith.constant 1200 : i32
      %add3A_568 = arith.addi %add3A_567, %scan3A_428 : i32
      %get3A_569 = arith.index_cast %add3A_568 : i32 to index
      %get3A_570 = arith.constant 0 : index
      %get3A_571 = tpu.vector_load %arg8[%get3A_569, %get3A_570] {strides = array<i32>} : memref<1600x32xf32, #tpu.memory_space<vmem>>, vector<1x16xf32>,
      %get3A_572 = vector.shape_cast %get3A_571 : vector<1x16xf32> to vector<16xf32>
      %add3A_573 = arith.addf %get3A_572, %get3A_431 : vector<16xf32>
      %swap3A_574 = arith.index_cast %add3A_568 : i32 to index
      %swap3A_575 = arith.constant 0 : index
      %swap3A_576 = tpu.vector_load %arg8[%swap3A_574, %swap3A_575] {strides = array<i32>} : memref<1600x32xf32, #tpu.memory_space<vmem>>, vector<1x16xf32>,
      %swap3A_577 = vector.shape_cast %swap3A_576 : vector<1x16xf32> to vector<16xf32>
      %swap3A_578 = vector.shape_cast %add3A_573 : vector<16xf32> to vector<1x16xf32>
      tpu.vector_store %arg8[%swap3A_574, %swap3A_575], %swap3A_578 {strides = array<i32>} : memref<1600x32xf32, #tpu.memory_space<vmem>>, vector<1x16xf32>,
      %get3A_579 = arith.index_cast %add3A_568 : i32 to index
      %get3A_580 = arith.constant 16 : index
      %get3A_581 = tpu.vector_load %arg8[%get3A_579, %get3A_580] {strides = array<i32>} : memref<1600x32xf32, #tpu.memory_space<vmem>>, vector<1x16xf32>,
      %get3A_582 = vector.shape_cast %get3A_581 : vector<1x16xf32> to vector<16xf32>
      %add3A_583 = arith.addf %get3A_582, %get3A_435 : vector<16xf32>
      %swap3A_584 = arith.index_cast %add3A_568 : i32 to index
      %swap3A_585 = arith.constant 16 : index
      %swap3A_586 = tpu.vector_load %arg8[%swap3A_584, %swap3A_585] {strides = array<i32>} : memref<1600x32xf32, #tpu.memory_space<vmem>>, vector<1x16xf32>,
      %swap3A_587 = vector.shape_cast %swap3A_586 : vector<1x16xf32> to vector<16xf32>
      %swap3A_588 = vector.shape_cast %add3A_583 : vector<16xf32> to vector<1x16xf32>
      tpu.vector_store %arg8[%swap3A_584, %swap3A_585], %swap3A_588 {strides = array<i32>} : memref<1600x32xf32, #tpu.memory_space<vmem>>, vector<1x16xf32>,
      %add3A_589 = arith.constant 1400 : i32
      %add3A_590 = arith.addi %add3A_589, %scan3A_428 : i32
      %get3A_591 = arith.index_cast %add3A_590 : i32 to index
      %get3A_592 = arith.constant 0 : index
      %get3A_593 = tpu.vector_load %arg8[%get3A_591, %get3A_592] {strides = array<i32>} : memref<1600x32xf32, #tpu.memory_space<vmem>>, vector<1x16xf32>,
      %get3A_594 = vector.shape_cast %get3A_593 : vector<1x16xf32> to vector<16xf32>
      %add3A_595 = arith.addf %get3A_594, %get3A_431 : vector<16xf32>
      %swap3A_596 = arith.index_cast %add3A_590 : i32 to index
      %swap3A_597 = arith.constant 0 : index
      %swap3A_598 = tpu.vector_load %arg8[%swap3A_596, %swap3A_597] {strides = array<i32>} : memref<1600x32xf32, #tpu.memory_space<vmem>>, vector<1x16xf32>,
      %swap3A_599 = vector.shape_cast %swap3A_598 : vector<1x16xf32> to vector<16xf32>
      %swap3A_600 = vector.shape_cast %add3A_595 : vector<16xf32> to vector<1x16xf32>
      tpu.vector_store %arg8[%swap3A_596, %swap3A_597], %swap3A_600 {strides = array<i32>} : memref<1600x32xf32, #tpu.memory_space<vmem>>, vector<1x16xf32>,
      %get3A_601 = arith.index_cast %add3A_590 : i32 to index
      %get3A_602 = arith.constant 16 : index
      %get3A_603 = tpu.vector_load %arg8[%get3A_601, %get3A_602] {strides = array<i32>} : memref<1600x32xf32, #tpu.memory_space<vmem>>, vector<1x16xf32>,
      %get3A_604 = vector.shape_cast %get3A_603 : vector<1x16xf32> to vector<16xf32>
      %add3A_605 = arith.addf %get3A_604, %get3A_435 : vector<16xf32>
      %swap3A_606 = arith.index_cast %add3A_590 : i32 to index
      %swap3A_607 = arith.constant 16 : index
      %swap3A_608 = tpu.vector_load %arg8[%swap3A_606, %swap3A_607] {strides = array<i32>} : memref<1600x32xf32, #tpu.memory_space<vmem>>, vector<1x16xf32>,
      %swap3A_609 = vector.shape_cast %swap3A_608 : vector<1x16xf32> to vector<16xf32>
      %swap3A_610 = vector.shape_cast %add3A_605 : vector<16xf32> to vector<1x16xf32>
      tpu.vector_store %arg8[%swap3A_606, %swap3A_607], %swap3A_610 {strides = array<i32>} : memref<1600x32xf32, #tpu.memory_space<vmem>>, vector<1x16xf32>,
    }
    %scan3A_295 = arith.constant 200 : i32
    %add3A_296 = arith.constant 16000 : i32
    %add3A_297 = arith.addi %mul3A_2, %add3A_296 : i32
    %dma_start3A_298 = arith.constant 0 : i32
    %dma_start3A_299 = tpu.memref_slice %arg5[%add3A_297, %dma_start3A_298] : memref<819200x32xf32, #tpu.memory_space<hbm>> -> memref<1600x32xf32, #tpu.memory_space<hbm>>
    %dma_start3A_300 = arith.constant 0 : i32
    %dma_start3A_301 = tpu.memref_slice %arg5[%add3A_297, %dma_start3A_300] : memref<819200x32xf32, #tpu.memory_space<hbm>> -> memref<1600x32xf32, #tpu.memory_space<hbm>>
    tpu.enqueue_dma source(%arg8 : memref<1600x32xf32, #tpu.memory_space<vmem>>) target(%dma_start3A_301 : memref<1600x32xf32, #tpu.memory_space<hbm>>) target_semaphore(%arg15 : memref<!tpu.dma_semaphore, #tpu.memory_space<semaphore_mem>>)
    %dma_wait3A_302 = tpu.memref_slice %arg2[%add3A_288] : memref<819200xi32, #tpu.memory_space<hbm>> -> memref<1600xi32, #tpu.memory_space<hbm>>
    %dma_wait3A_303 = tpu.memref_slice %arg2[%add3A_288] : memref<819200xi32, #tpu.memory_space<hbm>> -> memref<1600xi32, #tpu.memory_space<hbm>>
    tpu.wait_dma2 semaphore(%arg11 : memref<!tpu.dma_semaphore, #tpu.memory_space<semaphore_mem>>) src(%dma_wait3A_303 : memref<1600xi32, #tpu.memory_space<hbm>>) dst(%arg6 : memref<1600xi32, #tpu.memory_space<vmem>>)
    %dma_wait3A_304 = arith.constant 0 : i32
    %dma_wait3A_305 = tpu.memref_slice %arg5[%add3A_297, %dma_wait3A_304] : memref<819200x32xf32, #tpu.memory_space<hbm>> -> memref<1600x32xf32, #tpu.memory_space<hbm>>
    %dma_wait3A_306 = arith.constant 0 : i32
    %dma_wait3A_307 = tpu.memref_slice %arg5[%add3A_297, %dma_wait3A_306] : memref<819200x32xf32, #tpu.memory_space<hbm>> -> memref<1600x32xf32, #tpu.memory_space<hbm>>
    tpu.wait_dma2 semaphore(%arg15 : memref<!tpu.dma_semaphore, #tpu.memory_space<semaphore_mem>>) src(%arg8 : memref<1600x32xf32, #tpu.memory_space<vmem>>) dst(%dma_wait3A_307 : memref<1600x32xf32, #tpu.memory_space<hbm>>)
    %dma_start3A_308 = arith.constant 0 : i32
    %dma_start3A_309 = arith.constant 0 : i32
    %dma_start3A_310 = tpu.memref_slice %arg3[%dma_start3A_308, %dma_start3A_309] : memref<1000000x32xf32, #tpu.memory_space<hbm>> -> memref<1000000x32xf32, #tpu.memory_space<hbm>>
    tpu.enqueue_indirect_dma source(%dma_start3A_310 : memref<1000000x32xf32, #tpu.memory_space<hbm>>) target(%arg8 : memref<1600x32xf32, #tpu.memory_space<vmem>>) offsets(%arg6 : memref<1600xi32, #tpu.memory_space<vmem>>) semaphore(%arg13 : memref<!tpu.dma_semaphore, #tpu.memory_space<semaphore_mem>>)
    %dma_wait3A_311 = arith.constant 0 : i32
    %dma_wait3A_312 = arith.constant 0 : i32
    %dma_wait3A_313 = tpu.memref_slice %arg3[%dma_wait3A_311, %dma_wait3A_312] : memref<1000000x32xf32, #tpu.memory_space<hbm>> -> memref<1000000x32xf32, #tpu.memory_space<hbm>>
    tpu.wait_indirect_dma semaphore(%arg14 : memref<!tpu.dma_semaphore, #tpu.memory_space<semaphore_mem>>) src(%dma_wait3A_313 : memref<1000000x32xf32, #tpu.memory_space<hbm>>) dst(%arg9 : memref<1600x32xf32, #tpu.memory_space<vmem>>)
    %add3A_314 = arith.constant 20800 : i32
    %add3A_315 = arith.addi %mul3A_2, %add3A_314 : i32
    %dma_start3A_316 = tpu.memref_slice %arg2[%add3A_315] : memref<819200xi32, #tpu.memory_space<hbm>> -> memref<1600xi32, #tpu.memory_space<hbm>>
    %dma_start3A_317 = tpu.memref_slice %arg2[%add3A_315] : memref<819200xi32, #tpu.memory_space<hbm>> -> memref<1600xi32, #tpu.memory_space<hbm>>
    tpu.enqueue_dma source(%dma_start3A_317 : memref<1600xi32, #tpu.memory_space<hbm>>) target(%arg7 : memref<1600xi32, #tpu.memory_space<vmem>>) target_semaphore(%arg12 : memref<!tpu.dma_semaphore, #tpu.memory_space<semaphore_mem>>)
    %scan3A_318 = arith.constant 0 : i32
    %scan3A_319 = arith.constant 200 : i32
    %scan3A_320 = arith.addi %scan3A_318, %scan3A_319 : i32
    %scan3A_321 = arith.constant 1 : i32
    scf.for %scan3A_428 = %scan3A_318 to %scan3A_320 step %scan3A_321  : i32 {
      %get3A = arith.index_cast %scan3A_428 : i32 to index
      %get3A_429 = arith.constant 0 : index
      %get3A_430 = tpu.vector_load %arg10[%get3A, %get3A_429] {strides = array<i32>} : memref<200x32xf32, #tpu.memory_space<vmem>>, vector<1x16xf32>,
      %get3A_431 = vector.shape_cast %get3A_430 : vector<1x16xf32> to vector<16xf32>
      %get3A_432 = arith.index_cast %scan3A_428 : i32 to index
      %get3A_433 = arith.constant 16 : index
      %get3A_434 = tpu.vector_load %arg10[%get3A_432, %get3A_433] {strides = array<i32>} : memref<200x32xf32, #tpu.memory_space<vmem>>, vector<1x16xf32>,
      %get3A_435 = vector.shape_cast %get3A_434 : vector<1x16xf32> to vector<16xf32>
      %add3A_436 = arith.constant 0 : i32
      %add3A_437 = arith.addi %add3A_436, %scan3A_428 : i32
      %get3A_438 = arith.index_cast %add3A_437 : i32 to index
      %get3A_439 = arith.constant 0 : index
      %get3A_440 = tpu.vector_load %arg9[%get3A_438, %get3A_439] {strides = array<i32>} : memref<1600x32xf32, #tpu.memory_space<vmem>>, vector<1x16xf32>,
      %get3A_441 = vector.shape_cast %get3A_440 : vector<1x16xf32> to vector<16xf32>
      %add3A_442 = arith.addf %get3A_441, %get3A_431 : vector<16xf32>
      %swap3A = arith.index_cast %add3A_437 : i32 to index
      %swap3A_443 = arith.constant 0 : index
      %swap3A_444 = tpu.vector_load %arg9[%swap3A, %swap3A_443] {strides = array<i32>} : memref<1600x32xf32, #tpu.memory_space<vmem>>, vector<1x16xf32>,
      %swap3A_445 = vector.shape_cast %swap3A_444 : vector<1x16xf32> to vector<16xf32>
      %swap3A_446 = vector.shape_cast %add3A_442 : vector<16xf32> to vector<1x16xf32>
      tpu.vector_store %arg9[%swap3A, %swap3A_443], %swap3A_446 {strides = array<i32>} : memref<1600x32xf32, #tpu.memory_space<vmem>>, vector<1x16xf32>,
      %get3A_447 = arith.index_cast %add3A_437 : i32 to index
      %get3A_448 = arith.constant 16 : index
      %get3A_449 = tpu.vector_load %arg9[%get3A_447, %get3A_448] {strides = array<i32>} : memref<1600x32xf32, #tpu.memory_space<vmem>>, vector<1x16xf32>,
      %get3A_450 = vector.shape_cast %get3A_449 : vector<1x16xf32> to vector<16xf32>
      %add3A_451 = arith.addf %get3A_450, %get3A_435 : vector<16xf32>
      %swap3A_452 = arith.index_cast %add3A_437 : i32 to index
      %swap3A_453 = arith.constant 16 : index
      %swap3A_454 = tpu.vector_load %arg9[%swap3A_452, %swap3A_453] {strides = array<i32>} : memref<1600x32xf32, #tpu.memory_space<vmem>>, vector<1x16xf32>,
      %swap3A_455 = vector.shape_cast %swap3A_454 : vector<1x16xf32> to vector<16xf32>
      %swap3A_456 = vector.shape_cast %add3A_451 : vector<16xf32> to vector<1x16xf32>
      tpu.vector_store %arg9[%swap3A_452, %swap3A_453], %swap3A_456 {strides = array<i32>} : memref<1600x32xf32, #tpu.memory_space<vmem>>, vector<1x16xf32>,
      %add3A_457 = arith.constant 200 : i32
      %add3A_458 = arith.addi %add3A_457, %scan3A_428 : i32
      %get3A_459 = arith.index_cast %add3A_458 : i32 to index
      %get3A_460 = arith.constant 0 : index
      %get3A_461 = tpu.vector_load %arg9[%get3A_459, %get3A_460] {strides = array<i32>} : memref<1600x32xf32, #tpu.memory_space<vmem>>, vector<1x16xf32>,
      %get3A_462 = vector.shape_cast %get3A_461 : vector<1x16xf32> to vector<16xf32>
      %add3A_463 = arith.addf %get3A_462, %get3A_431 : vector<16xf32>
      %swap3A_464 = arith.index_cast %add3A_458 : i32 to index
      %swap3A_465 = arith.constant 0 : index
      %swap3A_466 = tpu.vector_load %arg9[%swap3A_464, %swap3A_465] {strides = array<i32>} : memref<1600x32xf32, #tpu.memory_space<vmem>>, vector<1x16xf32>,
      %swap3A_467 = vector.shape_cast %swap3A_466 : vector<1x16xf32> to vector<16xf32>
      %swap3A_468 = vector.shape_cast %add3A_463 : vector<16xf32> to vector<1x16xf32>
      tpu.vector_store %arg9[%swap3A_464, %swap3A_465], %swap3A_468 {strides = array<i32>} : memref<1600x32xf32, #tpu.memory_space<vmem>>, vector<1x16xf32>,
      %get3A_469 = arith.index_cast %add3A_458 : i32 to index
      %get3A_470 = arith.constant 16 : index
      %get3A_471 = tpu.vector_load %arg9[%get3A_469, %get3A_470] {strides = array<i32>} : memref<1600x32xf32, #tpu.memory_space<vmem>>, vector<1x16xf32>,
      %get3A_472 = vector.shape_cast %get3A_471 : vector<1x16xf32> to vector<16xf32>
      %add3A_473 = arith.addf %get3A_472, %get3A_435 : vector<16xf32>
      %swap3A_474 = arith.index_cast %add3A_458 : i32 to index
      %swap3A_475 = arith.constant 16 : index
      %swap3A_476 = tpu.vector_load %arg9[%swap3A_474, %swap3A_475] {strides = array<i32>} : memref<1600x32xf32, #tpu.memory_space<vmem>>, vector<1x16xf32>,
      %swap3A_477 = vector.shape_cast %swap3A_476 : vector<1x16xf32> to vector<16xf32>
      %swap3A_478 = vector.shape_cast %add3A_473 : vector<16xf32> to vector<1x16xf32>
      tpu.vector_store %arg9[%swap3A_474, %swap3A_475], %swap3A_478 {strides = array<i32>} : memref<1600x32xf32, #tpu.memory_space<vmem>>, vector<1x16xf32>,
      %add3A_479 = arith.constant 400 : i32
      %add3A_480 = arith.addi %add3A_479, %scan3A_428 : i32
      %get3A_481 = arith.index_cast %add3A_480 : i32 to index
      %get3A_482 = arith.constant 0 : index
      %get3A_483 = tpu.vector_load %arg9[%get3A_481, %get3A_482] {strides = array<i32>} : memref<1600x32xf32, #tpu.memory_space<vmem>>, vector<1x16xf32>,
      %get3A_484 = vector.shape_cast %get3A_483 : vector<1x16xf32> to vector<16xf32>
      %add3A_485 = arith.addf %get3A_484, %get3A_431 : vector<16xf32>
      %swap3A_486 = arith.index_cast %add3A_480 : i32 to index
      %swap3A_487 = arith.constant 0 : index
      %swap3A_488 = tpu.vector_load %arg9[%swap3A_486, %swap3A_487] {strides = array<i32>} : memref<1600x32xf32, #tpu.memory_space<vmem>>, vector<1x16xf32>,
      %swap3A_489 = vector.shape_cast %swap3A_488 : vector<1x16xf32> to vector<16xf32>
      %swap3A_490 = vector.shape_cast %add3A_485 : vector<16xf32> to vector<1x16xf32>
      tpu.vector_store %arg9[%swap3A_486, %swap3A_487], %swap3A_490 {strides = array<i32>} : memref<1600x32xf32, #tpu.memory_space<vmem>>, vector<1x16xf32>,
      %get3A_491 = arith.index_cast %add3A_480 : i32 to index
      %get3A_492 = arith.constant 16 : index
      %get3A_493 = tpu.vector_load %arg9[%get3A_491, %get3A_492] {strides = array<i32>} : memref<1600x32xf32, #tpu.memory_space<vmem>>, vector<1x16xf32>,
      %get3A_494 = vector.shape_cast %get3A_493 : vector<1x16xf32> to vector<16xf32>
      %add3A_495 = arith.addf %get3A_494, %get3A_435 : vector<16xf32>
      %swap3A_496 = arith.index_cast %add3A_480 : i32 to index
      %swap3A_497 = arith.constant 16 : index
      %swap3A_498 = tpu.vector_load %arg9[%swap3A_496, %swap3A_497] {strides = array<i32>} : memref<1600x32xf32, #tpu.memory_space<vmem>>, vector<1x16xf32>,
      %swap3A_499 = vector.shape_cast %swap3A_498 : vector<1x16xf32> to vector<16xf32>
      %swap3A_500 = vector.shape_cast %add3A_495 : vector<16xf32> to vector<1x16xf32>
      tpu.vector_store %arg9[%swap3A_496, %swap3A_497], %swap3A_500 {strides = array<i32>} : memref<1600x32xf32, #tpu.memory_space<vmem>>, vector<1x16xf32>,
      %add3A_501 = arith.constant 600 : i32
      %add3A_502 = arith.addi %add3A_501, %scan3A_428 : i32
      %get3A_503 = arith.index_cast %add3A_502 : i32 to index
      %get3A_504 = arith.constant 0 : index
      %get3A_505 = tpu.vector_load %arg9[%get3A_503, %get3A_504] {strides = array<i32>} : memref<1600x32xf32, #tpu.memory_space<vmem>>, vector<1x16xf32>,
      %get3A_506 = vector.shape_cast %get3A_505 : vector<1x16xf32> to vector<16xf32>
      %add3A_507 = arith.addf %get3A_506, %get3A_431 : vector<16xf32>
      %swap3A_508 = arith.index_cast %add3A_502 : i32 to index
      %swap3A_509 = arith.constant 0 : index
      %swap3A_510 = tpu.vector_load %arg9[%swap3A_508, %swap3A_509] {strides = array<i32>} : memref<1600x32xf32, #tpu.memory_space<vmem>>, vector<1x16xf32>,
      %swap3A_511 = vector.shape_cast %swap3A_510 : vector<1x16xf32> to vector<16xf32>
      %swap3A_512 = vector.shape_cast %add3A_507 : vector<16xf32> to vector<1x16xf32>
      tpu.vector_store %arg9[%swap3A_508, %swap3A_509], %swap3A_512 {strides = array<i32>} : memref<1600x32xf32, #tpu.memory_space<vmem>>, vector<1x16xf32>,
      %get3A_513 = arith.index_cast %add3A_502 : i32 to index
      %get3A_514 = arith.constant 16 : index
      %get3A_515 = tpu.vector_load %arg9[%get3A_513, %get3A_514] {strides = array<i32>} : memref<1600x32xf32, #tpu.memory_space<vmem>>, vector<1x16xf32>,
      %get3A_516 = vector.shape_cast %get3A_515 : vector<1x16xf32> to vector<16xf32>
      %add3A_517 = arith.addf %get3A_516, %get3A_435 : vector<16xf32>
      %swap3A_518 = arith.index_cast %add3A_502 : i32 to index
      %swap3A_519 = arith.constant 16 : index
      %swap3A_520 = tpu.vector_load %arg9[%swap3A_518, %swap3A_519] {strides = array<i32>} : memref<1600x32xf32, #tpu.memory_space<vmem>>, vector<1x16xf32>,
      %swap3A_521 = vector.shape_cast %swap3A_520 : vector<1x16xf32> to vector<16xf32>
      %swap3A_522 = vector.shape_cast %add3A_517 : vector<16xf32> to vector<1x16xf32>
      tpu.vector_store %arg9[%swap3A_518, %swap3A_519], %swap3A_522 {strides = array<i32>} : memref<1600x32xf32, #tpu.memory_space<vmem>>, vector<1x16xf32>,
      %add3A_523 = arith.constant 800 : i32
      %add3A_524 = arith.addi %add3A_523, %scan3A_428 : i32
      %get3A_525 = arith.index_cast %add3A_524 : i32 to index
      %get3A_526 = arith.constant 0 : index
      %get3A_527 = tpu.vector_load %arg9[%get3A_525, %get3A_526] {strides = array<i32>} : memref<1600x32xf32, #tpu.memory_space<vmem>>, vector<1x16xf32>,
      %get3A_528 = vector.shape_cast %get3A_527 : vector<1x16xf32> to vector<16xf32>
      %add3A_529 = arith.addf %get3A_528, %get3A_431 : vector<16xf32>
      %swap3A_530 = arith.index_cast %add3A_524 : i32 to index
      %swap3A_531 = arith.constant 0 : index
      %swap3A_532 = tpu.vector_load %arg9[%swap3A_530, %swap3A_531] {strides = array<i32>} : memref<1600x32xf32, #tpu.memory_space<vmem>>, vector<1x16xf32>,
      %swap3A_533 = vector.shape_cast %swap3A_532 : vector<1x16xf32> to vector<16xf32>
      %swap3A_534 = vector.shape_cast %add3A_529 : vector<16xf32> to vector<1x16xf32>
      tpu.vector_store %arg9[%swap3A_530, %swap3A_531], %swap3A_534 {strides = array<i32>} : memref<1600x32xf32, #tpu.memory_space<vmem>>, vector<1x16xf32>,
      %get3A_535 = arith.index_cast %add3A_524 : i32 to index
      %get3A_536 = arith.constant 16 : index
      %get3A_537 = tpu.vector_load %arg9[%get3A_535, %get3A_536] {strides = array<i32>} : memref<1600x32xf32, #tpu.memory_space<vmem>>, vector<1x16xf32>,
      %get3A_538 = vector.shape_cast %get3A_537 : vector<1x16xf32> to vector<16xf32>
      %add3A_539 = arith.addf %get3A_538, %get3A_435 : vector<16xf32>
      %swap3A_540 = arith.index_cast %add3A_524 : i32 to index
      %swap3A_541 = arith.constant 16 : index
      %swap3A_542 = tpu.vector_load %arg9[%swap3A_540, %swap3A_541] {strides = array<i32>} : memref<1600x32xf32, #tpu.memory_space<vmem>>, vector<1x16xf32>,
      %swap3A_543 = vector.shape_cast %swap3A_542 : vector<1x16xf32> to vector<16xf32>
      %swap3A_544 = vector.shape_cast %add3A_539 : vector<16xf32> to vector<1x16xf32>
      tpu.vector_store %arg9[%swap3A_540, %swap3A_541], %swap3A_544 {strides = array<i32>} : memref<1600x32xf32, #tpu.memory_space<vmem>>, vector<1x16xf32>,
      %add3A_545 = arith.constant 1000 : i32
      %add3A_546 = arith.addi %add3A_545, %scan3A_428 : i32
      %get3A_547 = arith.index_cast %add3A_546 : i32 to index
      %get3A_548 = arith.constant 0 : index
      %get3A_549 = tpu.vector_load %arg9[%get3A_547, %get3A_548] {strides = array<i32>} : memref<1600x32xf32, #tpu.memory_space<vmem>>, vector<1x16xf32>,
      %get3A_550 = vector.shape_cast %get3A_549 : vector<1x16xf32> to vector<16xf32>
      %add3A_551 = arith.addf %get3A_550, %get3A_431 : vector<16xf32>
      %swap3A_552 = arith.index_cast %add3A_546 : i32 to index
      %swap3A_553 = arith.constant 0 : index
      %swap3A_554 = tpu.vector_load %arg9[%swap3A_552, %swap3A_553] {strides = array<i32>} : memref<1600x32xf32, #tpu.memory_space<vmem>>, vector<1x16xf32>,
      %swap3A_555 = vector.shape_cast %swap3A_554 : vector<1x16xf32> to vector<16xf32>
      %swap3A_556 = vector.shape_cast %add3A_551 : vector<16xf32> to vector<1x16xf32>
      tpu.vector_store %arg9[%swap3A_552, %swap3A_553], %swap3A_556 {strides = array<i32>} : memref<1600x32xf32, #tpu.memory_space<vmem>>, vector<1x16xf32>,
      %get3A_557 = arith.index_cast %add3A_546 : i32 to index
      %get3A_558 = arith.constant 16 : index
      %get3A_559 = tpu.vector_load %arg9[%get3A_557, %get3A_558] {strides = array<i32>} : memref<1600x32xf32, #tpu.memory_space<vmem>>, vector<1x16xf32>,
      %get3A_560 = vector.shape_cast %get3A_559 : vector<1x16xf32> to vector<16xf32>
      %add3A_561 = arith.addf %get3A_560, %get3A_435 : vector<16xf32>
      %swap3A_562 = arith.index_cast %add3A_546 : i32 to index
      %swap3A_563 = arith.constant 16 : index
      %swap3A_564 = tpu.vector_load %arg9[%swap3A_562, %swap3A_563] {strides = array<i32>} : memref<1600x32xf32, #tpu.memory_space<vmem>>, vector<1x16xf32>,
      %swap3A_565 = vector.shape_cast %swap3A_564 : vector<1x16xf32> to vector<16xf32>
      %swap3A_566 = vector.shape_cast %add3A_561 : vector<16xf32> to vector<1x16xf32>
      tpu.vector_store %arg9[%swap3A_562, %swap3A_563], %swap3A_566 {strides = array<i32>} : memref<1600x32xf32, #tpu.memory_space<vmem>>, vector<1x16xf32>,
      %add3A_567 = arith.constant 1200 : i32
      %add3A_568 = arith.addi %add3A_567, %scan3A_428 : i32
      %get3A_569 = arith.index_cast %add3A_568 : i32 to index
      %get3A_570 = arith.constant 0 : index
      %get3A_571 = tpu.vector_load %arg9[%get3A_569, %get3A_570] {strides = array<i32>} : memref<1600x32xf32, #tpu.memory_space<vmem>>, vector<1x16xf32>,
      %get3A_572 = vector.shape_cast %get3A_571 : vector<1x16xf32> to vector<16xf32>
      %add3A_573 = arith.addf %get3A_572, %get3A_431 : vector<16xf32>
      %swap3A_574 = arith.index_cast %add3A_568 : i32 to index
      %swap3A_575 = arith.constant 0 : index
      %swap3A_576 = tpu.vector_load %arg9[%swap3A_574, %swap3A_575] {strides = array<i32>} : memref<1600x32xf32, #tpu.memory_space<vmem>>, vector<1x16xf32>,
      %swap3A_577 = vector.shape_cast %swap3A_576 : vector<1x16xf32> to vector<16xf32>
      %swap3A_578 = vector.shape_cast %add3A_573 : vector<16xf32> to vector<1x16xf32>
      tpu.vector_store %arg9[%swap3A_574, %swap3A_575], %swap3A_578 {strides = array<i32>} : memref<1600x32xf32, #tpu.memory_space<vmem>>, vector<1x16xf32>,
      %get3A_579 = arith.index_cast %add3A_568 : i32 to index
      %get3A_580 = arith.constant 16 : index
      %get3A_581 = tpu.vector_load %arg9[%get3A_579, %get3A_580] {strides = array<i32>} : memref<1600x32xf32, #tpu.memory_space<vmem>>, vector<1x16xf32>,
      %get3A_582 = vector.shape_cast %get3A_581 : vector<1x16xf32> to vector<16xf32>
      %add3A_583 = arith.addf %get3A_582, %get3A_435 : vector<16xf32>
      %swap3A_584 = arith.index_cast %add3A_568 : i32 to index
      %swap3A_585 = arith.constant 16 : index
      %swap3A_586 = tpu.vector_load %arg9[%swap3A_584, %swap3A_585] {strides = array<i32>} : memref<1600x32xf32, #tpu.memory_space<vmem>>, vector<1x16xf32>,
      %swap3A_587 = vector.shape_cast %swap3A_586 : vector<1x16xf32> to vector<16xf32>
      %swap3A_588 = vector.shape_cast %add3A_583 : vector<16xf32> to vector<1x16xf32>
      tpu.vector_store %arg9[%swap3A_584, %swap3A_585], %swap3A_588 {strides = array<i32>} : memref<1600x32xf32, #tpu.memory_space<vmem>>, vector<1x16xf32>,
      %add3A_589 = arith.constant 1400 : i32
      %add3A_590 = arith.addi %add3A_589, %scan3A_428 : i32
      %get3A_591 = arith.index_cast %add3A_590 : i32 to index
      %get3A_592 = arith.constant 0 : index
      %get3A_593 = tpu.vector_load %arg9[%get3A_591, %get3A_592] {strides = array<i32>} : memref<1600x32xf32, #tpu.memory_space<vmem>>, vector<1x16xf32>,
      %get3A_594 = vector.shape_cast %get3A_593 : vector<1x16xf32> to vector<16xf32>
      %add3A_595 = arith.addf %get3A_594, %get3A_431 : vector<16xf32>
      %swap3A_596 = arith.index_cast %add3A_590 : i32 to index
      %swap3A_597 = arith.constant 0 : index
      %swap3A_598 = tpu.vector_load %arg9[%swap3A_596, %swap3A_597] {strides = array<i32>} : memref<1600x32xf32, #tpu.memory_space<vmem>>, vector<1x16xf32>,
      %swap3A_599 = vector.shape_cast %swap3A_598 : vector<1x16xf32> to vector<16xf32>
      %swap3A_600 = vector.shape_cast %add3A_595 : vector<16xf32> to vector<1x16xf32>
      tpu.vector_store %arg9[%swap3A_596, %swap3A_597], %swap3A_600 {strides = array<i32>} : memref<1600x32xf32, #tpu.memory_space<vmem>>, vector<1x16xf32>,
      %get3A_601 = arith.index_cast %add3A_590 : i32 to index
      %get3A_602 = arith.constant 16 : index
      %get3A_603 = tpu.vector_load %arg9[%get3A_601, %get3A_602] {strides = array<i32>} : memref<1600x32xf32, #tpu.memory_space<vmem>>, vector<1x16xf32>,
      %get3A_604 = vector.shape_cast %get3A_603 : vector<1x16xf32> to vector<16xf32>
      %add3A_605 = arith.addf %get3A_604, %get3A_435 : vector<16xf32>
      %swap3A_606 = arith.index_cast %add3A_590 : i32 to index
      %swap3A_607 = arith.constant 16 : index
      %swap3A_608 = tpu.vector_load %arg9[%swap3A_606, %swap3A_607] {strides = array<i32>} : memref<1600x32xf32, #tpu.memory_space<vmem>>, vector<1x16xf32>,
      %swap3A_609 = vector.shape_cast %swap3A_608 : vector<1x16xf32> to vector<16xf32>
      %swap3A_610 = vector.shape_cast %add3A_605 : vector<16xf32> to vector<1x16xf32>
      tpu.vector_store %arg9[%swap3A_606, %swap3A_607], %swap3A_610 {strides = array<i32>} : memref<1600x32xf32, #tpu.memory_space<vmem>>, vector<1x16xf32>,
    }
    %scan3A_322 = arith.constant 200 : i32
    %add3A_323 = arith.constant 17600 : i32
    %add3A_324 = arith.addi %mul3A_2, %add3A_323 : i32
    %dma_start3A_325 = arith.constant 0 : i32
    %dma_start3A_326 = tpu.memref_slice %arg5[%add3A_324, %dma_start3A_325] : memref<819200x32xf32, #tpu.memory_space<hbm>> -> memref<1600x32xf32, #tpu.memory_space<hbm>>
    %dma_start3A_327 = arith.constant 0 : i32
    %dma_start3A_328 = tpu.memref_slice %arg5[%add3A_324, %dma_start3A_327] : memref<819200x32xf32, #tpu.memory_space<hbm>> -> memref<1600x32xf32, #tpu.memory_space<hbm>>
    tpu.enqueue_dma source(%arg9 : memref<1600x32xf32, #tpu.memory_space<vmem>>) target(%dma_start3A_328 : memref<1600x32xf32, #tpu.memory_space<hbm>>) target_semaphore(%arg16 : memref<!tpu.dma_semaphore, #tpu.memory_space<semaphore_mem>>)
    %dma_wait3A_329 = tpu.memref_slice %arg2[%add3A_315] : memref<819200xi32, #tpu.memory_space<hbm>> -> memref<1600xi32, #tpu.memory_space<hbm>>
    %dma_wait3A_330 = tpu.memref_slice %arg2[%add3A_315] : memref<819200xi32, #tpu.memory_space<hbm>> -> memref<1600xi32, #tpu.memory_space<hbm>>
    tpu.wait_dma2 semaphore(%arg12 : memref<!tpu.dma_semaphore, #tpu.memory_space<semaphore_mem>>) src(%dma_wait3A_330 : memref<1600xi32, #tpu.memory_space<hbm>>) dst(%arg7 : memref<1600xi32, #tpu.memory_space<vmem>>)
    %dma_wait3A_331 = arith.constant 0 : i32
    %dma_wait3A_332 = tpu.memref_slice %arg5[%add3A_324, %dma_wait3A_331] : memref<819200x32xf32, #tpu.memory_space<hbm>> -> memref<1600x32xf32, #tpu.memory_space<hbm>>
    %dma_wait3A_333 = arith.constant 0 : i32
    %dma_wait3A_334 = tpu.memref_slice %arg5[%add3A_324, %dma_wait3A_333] : memref<819200x32xf32, #tpu.memory_space<hbm>> -> memref<1600x32xf32, #tpu.memory_space<hbm>>
    tpu.wait_dma2 semaphore(%arg16 : memref<!tpu.dma_semaphore, #tpu.memory_space<semaphore_mem>>) src(%arg9 : memref<1600x32xf32, #tpu.memory_space<vmem>>) dst(%dma_wait3A_334 : memref<1600x32xf32, #tpu.memory_space<hbm>>)
    %dma_start3A_335 = arith.constant 0 : i32
    %dma_start3A_336 = arith.constant 0 : i32
    %dma_start3A_337 = tpu.memref_slice %arg3[%dma_start3A_335, %dma_start3A_336] : memref<1000000x32xf32, #tpu.memory_space<hbm>> -> memref<1000000x32xf32, #tpu.memory_space<hbm>>
    tpu.enqueue_indirect_dma source(%dma_start3A_337 : memref<1000000x32xf32, #tpu.memory_space<hbm>>) target(%arg9 : memref<1600x32xf32, #tpu.memory_space<vmem>>) offsets(%arg7 : memref<1600xi32, #tpu.memory_space<vmem>>) semaphore(%arg14 : memref<!tpu.dma_semaphore, #tpu.memory_space<semaphore_mem>>)
    %dma_wait3A_338 = arith.constant 0 : i32
    %dma_wait3A_339 = arith.constant 0 : i32
    %dma_wait3A_340 = tpu.memref_slice %arg3[%dma_wait3A_338, %dma_wait3A_339] : memref<1000000x32xf32, #tpu.memory_space<hbm>> -> memref<1000000x32xf32, #tpu.memory_space<hbm>>
    tpu.wait_indirect_dma semaphore(%arg13 : memref<!tpu.dma_semaphore, #tpu.memory_space<semaphore_mem>>) src(%dma_wait3A_340 : memref<1000000x32xf32, #tpu.memory_space<hbm>>) dst(%arg8 : memref<1600x32xf32, #tpu.memory_space<vmem>>)
    %add3A_341 = arith.constant 22400 : i32
    %add3A_342 = arith.addi %mul3A_2, %add3A_341 : i32
    %dma_start3A_343 = tpu.memref_slice %arg2[%add3A_342] : memref<819200xi32, #tpu.memory_space<hbm>> -> memref<1600xi32, #tpu.memory_space<hbm>>
    %dma_start3A_344 = tpu.memref_slice %arg2[%add3A_342] : memref<819200xi32, #tpu.memory_space<hbm>> -> memref<1600xi32, #tpu.memory_space<hbm>>
    tpu.enqueue_dma source(%dma_start3A_344 : memref<1600xi32, #tpu.memory_space<hbm>>) target(%arg6 : memref<1600xi32, #tpu.memory_space<vmem>>) target_semaphore(%arg11 : memref<!tpu.dma_semaphore, #tpu.memory_space<semaphore_mem>>)
    %scan3A_345 = arith.constant 0 : i32
    %scan3A_346 = arith.constant 200 : i32
    %scan3A_347 = arith.addi %scan3A_345, %scan3A_346 : i32
    %scan3A_348 = arith.constant 1 : i32
    scf.for %scan3A_428 = %scan3A_345 to %scan3A_347 step %scan3A_348  : i32 {
      %get3A = arith.index_cast %scan3A_428 : i32 to index
      %get3A_429 = arith.constant 0 : index
      %get3A_430 = tpu.vector_load %arg10[%get3A, %get3A_429] {strides = array<i32>} : memref<200x32xf32, #tpu.memory_space<vmem>>, vector<1x16xf32>,
      %get3A_431 = vector.shape_cast %get3A_430 : vector<1x16xf32> to vector<16xf32>
      %get3A_432 = arith.index_cast %scan3A_428 : i32 to index
      %get3A_433 = arith.constant 16 : index
      %get3A_434 = tpu.vector_load %arg10[%get3A_432, %get3A_433] {strides = array<i32>} : memref<200x32xf32, #tpu.memory_space<vmem>>, vector<1x16xf32>,
      %get3A_435 = vector.shape_cast %get3A_434 : vector<1x16xf32> to vector<16xf32>
      %add3A_436 = arith.constant 0 : i32
      %add3A_437 = arith.addi %add3A_436, %scan3A_428 : i32
      %get3A_438 = arith.index_cast %add3A_437 : i32 to index
      %get3A_439 = arith.constant 0 : index
      %get3A_440 = tpu.vector_load %arg8[%get3A_438, %get3A_439] {strides = array<i32>} : memref<1600x32xf32, #tpu.memory_space<vmem>>, vector<1x16xf32>,
      %get3A_441 = vector.shape_cast %get3A_440 : vector<1x16xf32> to vector<16xf32>
      %add3A_442 = arith.addf %get3A_441, %get3A_431 : vector<16xf32>
      %swap3A = arith.index_cast %add3A_437 : i32 to index
      %swap3A_443 = arith.constant 0 : index
      %swap3A_444 = tpu.vector_load %arg8[%swap3A, %swap3A_443] {strides = array<i32>} : memref<1600x32xf32, #tpu.memory_space<vmem>>, vector<1x16xf32>,
      %swap3A_445 = vector.shape_cast %swap3A_444 : vector<1x16xf32> to vector<16xf32>
      %swap3A_446 = vector.shape_cast %add3A_442 : vector<16xf32> to vector<1x16xf32>
      tpu.vector_store %arg8[%swap3A, %swap3A_443], %swap3A_446 {strides = array<i32>} : memref<1600x32xf32, #tpu.memory_space<vmem>>, vector<1x16xf32>,
      %get3A_447 = arith.index_cast %add3A_437 : i32 to index
      %get3A_448 = arith.constant 16 : index
      %get3A_449 = tpu.vector_load %arg8[%get3A_447, %get3A_448] {strides = array<i32>} : memref<1600x32xf32, #tpu.memory_space<vmem>>, vector<1x16xf32>,
      %get3A_450 = vector.shape_cast %get3A_449 : vector<1x16xf32> to vector<16xf32>
      %add3A_451 = arith.addf %get3A_450, %get3A_435 : vector<16xf32>
      %swap3A_452 = arith.index_cast %add3A_437 : i32 to index
      %swap3A_453 = arith.constant 16 : index
      %swap3A_454 = tpu.vector_load %arg8[%swap3A_452, %swap3A_453] {strides = array<i32>} : memref<1600x32xf32, #tpu.memory_space<vmem>>, vector<1x16xf32>,
      %swap3A_455 = vector.shape_cast %swap3A_454 : vector<1x16xf32> to vector<16xf32>
      %swap3A_456 = vector.shape_cast %add3A_451 : vector<16xf32> to vector<1x16xf32>
      tpu.vector_store %arg8[%swap3A_452, %swap3A_453], %swap3A_456 {strides = array<i32>} : memref<1600x32xf32, #tpu.memory_space<vmem>>, vector<1x16xf32>,
      %add3A_457 = arith.constant 200 : i32
      %add3A_458 = arith.addi %add3A_457, %scan3A_428 : i32
      %get3A_459 = arith.index_cast %add3A_458 : i32 to index
      %get3A_460 = arith.constant 0 : index
      %get3A_461 = tpu.vector_load %arg8[%get3A_459, %get3A_460] {strides = array<i32>} : memref<1600x32xf32, #tpu.memory_space<vmem>>, vector<1x16xf32>,
      %get3A_462 = vector.shape_cast %get3A_461 : vector<1x16xf32> to vector<16xf32>
      %add3A_463 = arith.addf %get3A_462, %get3A_431 : vector<16xf32>
      %swap3A_464 = arith.index_cast %add3A_458 : i32 to index
      %swap3A_465 = arith.constant 0 : index
      %swap3A_466 = tpu.vector_load %arg8[%swap3A_464, %swap3A_465] {strides = array<i32>} : memref<1600x32xf32, #tpu.memory_space<vmem>>, vector<1x16xf32>,
      %swap3A_467 = vector.shape_cast %swap3A_466 : vector<1x16xf32> to vector<16xf32>
      %swap3A_468 = vector.shape_cast %add3A_463 : vector<16xf32> to vector<1x16xf32>
      tpu.vector_store %arg8[%swap3A_464, %swap3A_465], %swap3A_468 {strides = array<i32>} : memref<1600x32xf32, #tpu.memory_space<vmem>>, vector<1x16xf32>,
      %get3A_469 = arith.index_cast %add3A_458 : i32 to index
      %get3A_470 = arith.constant 16 : index
      %get3A_471 = tpu.vector_load %arg8[%get3A_469, %get3A_470] {strides = array<i32>} : memref<1600x32xf32, #tpu.memory_space<vmem>>, vector<1x16xf32>,
      %get3A_472 = vector.shape_cast %get3A_471 : vector<1x16xf32> to vector<16xf32>
      %add3A_473 = arith.addf %get3A_472, %get3A_435 : vector<16xf32>
      %swap3A_474 = arith.index_cast %add3A_458 : i32 to index
      %swap3A_475 = arith.constant 16 : index
      %swap3A_476 = tpu.vector_load %arg8[%swap3A_474, %swap3A_475] {strides = array<i32>} : memref<1600x32xf32, #tpu.memory_space<vmem>>, vector<1x16xf32>,
      %swap3A_477 = vector.shape_cast %swap3A_476 : vector<1x16xf32> to vector<16xf32>
      %swap3A_478 = vector.shape_cast %add3A_473 : vector<16xf32> to vector<1x16xf32>
      tpu.vector_store %arg8[%swap3A_474, %swap3A_475], %swap3A_478 {strides = array<i32>} : memref<1600x32xf32, #tpu.memory_space<vmem>>, vector<1x16xf32>,
      %add3A_479 = arith.constant 400 : i32
      %add3A_480 = arith.addi %add3A_479, %scan3A_428 : i32
      %get3A_481 = arith.index_cast %add3A_480 : i32 to index
      %get3A_482 = arith.constant 0 : index
      %get3A_483 = tpu.vector_load %arg8[%get3A_481, %get3A_482] {strides = array<i32>} : memref<1600x32xf32, #tpu.memory_space<vmem>>, vector<1x16xf32>,
      %get3A_484 = vector.shape_cast %get3A_483 : vector<1x16xf32> to vector<16xf32>
      %add3A_485 = arith.addf %get3A_484, %get3A_431 : vector<16xf32>
      %swap3A_486 = arith.index_cast %add3A_480 : i32 to index
      %swap3A_487 = arith.constant 0 : index
      %swap3A_488 = tpu.vector_load %arg8[%swap3A_486, %swap3A_487] {strides = array<i32>} : memref<1600x32xf32, #tpu.memory_space<vmem>>, vector<1x16xf32>,
      %swap3A_489 = vector.shape_cast %swap3A_488 : vector<1x16xf32> to vector<16xf32>
      %swap3A_490 = vector.shape_cast %add3A_485 : vector<16xf32> to vector<1x16xf32>
      tpu.vector_store %arg8[%swap3A_486, %swap3A_487], %swap3A_490 {strides = array<i32>} : memref<1600x32xf32, #tpu.memory_space<vmem>>, vector<1x16xf32>,
      %get3A_491 = arith.index_cast %add3A_480 : i32 to index
      %get3A_492 = arith.constant 16 : index
      %get3A_493 = tpu.vector_load %arg8[%get3A_491, %get3A_492] {strides = array<i32>} : memref<1600x32xf32, #tpu.memory_space<vmem>>, vector<1x16xf32>,
      %get3A_494 = vector.shape_cast %get3A_493 : vector<1x16xf32> to vector<16xf32>
      %add3A_495 = arith.addf %get3A_494, %get3A_435 : vector<16xf32>
      %swap3A_496 = arith.index_cast %add3A_480 : i32 to index
      %swap3A_497 = arith.constant 16 : index
      %swap3A_498 = tpu.vector_load %arg8[%swap3A_496, %swap3A_497] {strides = array<i32>} : memref<1600x32xf32, #tpu.memory_space<vmem>>, vector<1x16xf32>,
      %swap3A_499 = vector.shape_cast %swap3A_498 : vector<1x16xf32> to vector<16xf32>
      %swap3A_500 = vector.shape_cast %add3A_495 : vector<16xf32> to vector<1x16xf32>
      tpu.vector_store %arg8[%swap3A_496, %swap3A_497], %swap3A_500 {strides = array<i32>} : memref<1600x32xf32, #tpu.memory_space<vmem>>, vector<1x16xf32>,
      %add3A_501 = arith.constant 600 : i32
      %add3A_502 = arith.addi %add3A_501, %scan3A_428 : i32
      %get3A_503 = arith.index_cast %add3A_502 : i32 to index
      %get3A_504 = arith.constant 0 : index
      %get3A_505 = tpu.vector_load %arg8[%get3A_503, %get3A_504] {strides = array<i32>} : memref<1600x32xf32, #tpu.memory_space<vmem>>, vector<1x16xf32>,
      %get3A_506 = vector.shape_cast %get3A_505 : vector<1x16xf32> to vector<16xf32>
      %add3A_507 = arith.addf %get3A_506, %get3A_431 : vector<16xf32>
      %swap3A_508 = arith.index_cast %add3A_502 : i32 to index
      %swap3A_509 = arith.constant 0 : index
      %swap3A_510 = tpu.vector_load %arg8[%swap3A_508, %swap3A_509] {strides = array<i32>} : memref<1600x32xf32, #tpu.memory_space<vmem>>, vector<1x16xf32>,
      %swap3A_511 = vector.shape_cast %swap3A_510 : vector<1x16xf32> to vector<16xf32>
      %swap3A_512 = vector.shape_cast %add3A_507 : vector<16xf32> to vector<1x16xf32>
      tpu.vector_store %arg8[%swap3A_508, %swap3A_509], %swap3A_512 {strides = array<i32>} : memref<1600x32xf32, #tpu.memory_space<vmem>>, vector<1x16xf32>,
      %get3A_513 = arith.index_cast %add3A_502 : i32 to index
      %get3A_514 = arith.constant 16 : index
      %get3A_515 = tpu.vector_load %arg8[%get3A_513, %get3A_514] {strides = array<i32>} : memref<1600x32xf32, #tpu.memory_space<vmem>>, vector<1x16xf32>,
      %get3A_516 = vector.shape_cast %get3A_515 : vector<1x16xf32> to vector<16xf32>
      %add3A_517 = arith.addf %get3A_516, %get3A_435 : vector<16xf32>
      %swap3A_518 = arith.index_cast %add3A_502 : i32 to index
      %swap3A_519 = arith.constant 16 : index
      %swap3A_520 = tpu.vector_load %arg8[%swap3A_518, %swap3A_519] {strides = array<i32>} : memref<1600x32xf32, #tpu.memory_space<vmem>>, vector<1x16xf32>,
      %swap3A_521 = vector.shape_cast %swap3A_520 : vector<1x16xf32> to vector<16xf32>
      %swap3A_522 = vector.shape_cast %add3A_517 : vector<16xf32> to vector<1x16xf32>
      tpu.vector_store %arg8[%swap3A_518, %swap3A_519], %swap3A_522 {strides = array<i32>} : memref<1600x32xf32, #tpu.memory_space<vmem>>, vector<1x16xf32>,
      %add3A_523 = arith.constant 800 : i32
      %add3A_524 = arith.addi %add3A_523, %scan3A_428 : i32
      %get3A_525 = arith.index_cast %add3A_524 : i32 to index
      %get3A_526 = arith.constant 0 : index
      %get3A_527 = tpu.vector_load %arg8[%get3A_525, %get3A_526] {strides = array<i32>} : memref<1600x32xf32, #tpu.memory_space<vmem>>, vector<1x16xf32>,
      %get3A_528 = vector.shape_cast %get3A_527 : vector<1x16xf32> to vector<16xf32>
      %add3A_529 = arith.addf %get3A_528, %get3A_431 : vector<16xf32>
      %swap3A_530 = arith.index_cast %add3A_524 : i32 to index
      %swap3A_531 = arith.constant 0 : index
      %swap3A_532 = tpu.vector_load %arg8[%swap3A_530, %swap3A_531] {strides = array<i32>} : memref<1600x32xf32, #tpu.memory_space<vmem>>, vector<1x16xf32>,
      %swap3A_533 = vector.shape_cast %swap3A_532 : vector<1x16xf32> to vector<16xf32>
      %swap3A_534 = vector.shape_cast %add3A_529 : vector<16xf32> to vector<1x16xf32>
      tpu.vector_store %arg8[%swap3A_530, %swap3A_531], %swap3A_534 {strides = array<i32>} : memref<1600x32xf32, #tpu.memory_space<vmem>>, vector<1x16xf32>,
      %get3A_535 = arith.index_cast %add3A_524 : i32 to index
      %get3A_536 = arith.constant 16 : index
      %get3A_537 = tpu.vector_load %arg8[%get3A_535, %get3A_536] {strides = array<i32>} : memref<1600x32xf32, #tpu.memory_space<vmem>>, vector<1x16xf32>,
      %get3A_538 = vector.shape_cast %get3A_537 : vector<1x16xf32> to vector<16xf32>
      %add3A_539 = arith.addf %get3A_538, %get3A_435 : vector<16xf32>
      %swap3A_540 = arith.index_cast %add3A_524 : i32 to index
      %swap3A_541 = arith.constant 16 : index
      %swap3A_542 = tpu.vector_load %arg8[%swap3A_540, %swap3A_541] {strides = array<i32>} : memref<1600x32xf32, #tpu.memory_space<vmem>>, vector<1x16xf32>,
      %swap3A_543 = vector.shape_cast %swap3A_542 : vector<1x16xf32> to vector<16xf32>
      %swap3A_544 = vector.shape_cast %add3A_539 : vector<16xf32> to vector<1x16xf32>
      tpu.vector_store %arg8[%swap3A_540, %swap3A_541], %swap3A_544 {strides = array<i32>} : memref<1600x32xf32, #tpu.memory_space<vmem>>, vector<1x16xf32>,
      %add3A_545 = arith.constant 1000 : i32
      %add3A_546 = arith.addi %add3A_545, %scan3A_428 : i32
      %get3A_547 = arith.index_cast %add3A_546 : i32 to index
      %get3A_548 = arith.constant 0 : index
      %get3A_549 = tpu.vector_load %arg8[%get3A_547, %get3A_548] {strides = array<i32>} : memref<1600x32xf32, #tpu.memory_space<vmem>>, vector<1x16xf32>,
      %get3A_550 = vector.shape_cast %get3A_549 : vector<1x16xf32> to vector<16xf32>
      %add3A_551 = arith.addf %get3A_550, %get3A_431 : vector<16xf32>
      %swap3A_552 = arith.index_cast %add3A_546 : i32 to index
      %swap3A_553 = arith.constant 0 : index
      %swap3A_554 = tpu.vector_load %arg8[%swap3A_552, %swap3A_553] {strides = array<i32>} : memref<1600x32xf32, #tpu.memory_space<vmem>>, vector<1x16xf32>,
      %swap3A_555 = vector.shape_cast %swap3A_554 : vector<1x16xf32> to vector<16xf32>
      %swap3A_556 = vector.shape_cast %add3A_551 : vector<16xf32> to vector<1x16xf32>
      tpu.vector_store %arg8[%swap3A_552, %swap3A_553], %swap3A_556 {strides = array<i32>} : memref<1600x32xf32, #tpu.memory_space<vmem>>, vector<1x16xf32>,
      %get3A_557 = arith.index_cast %add3A_546 : i32 to index
      %get3A_558 = arith.constant 16 : index
      %get3A_559 = tpu.vector_load %arg8[%get3A_557, %get3A_558] {strides = array<i32>} : memref<1600x32xf32, #tpu.memory_space<vmem>>, vector<1x16xf32>,
      %get3A_560 = vector.shape_cast %get3A_559 : vector<1x16xf32> to vector<16xf32>
      %add3A_561 = arith.addf %get3A_560, %get3A_435 : vector<16xf32>
      %swap3A_562 = arith.index_cast %add3A_546 : i32 to index
      %swap3A_563 = arith.constant 16 : index
      %swap3A_564 = tpu.vector_load %arg8[%swap3A_562, %swap3A_563] {strides = array<i32>} : memref<1600x32xf32, #tpu.memory_space<vmem>>, vector<1x16xf32>,
      %swap3A_565 = vector.shape_cast %swap3A_564 : vector<1x16xf32> to vector<16xf32>
      %swap3A_566 = vector.shape_cast %add3A_561 : vector<16xf32> to vector<1x16xf32>
      tpu.vector_store %arg8[%swap3A_562, %swap3A_563], %swap3A_566 {strides = array<i32>} : memref<1600x32xf32, #tpu.memory_space<vmem>>, vector<1x16xf32>,
      %add3A_567 = arith.constant 1200 : i32
      %add3A_568 = arith.addi %add3A_567, %scan3A_428 : i32
      %get3A_569 = arith.index_cast %add3A_568 : i32 to index
      %get3A_570 = arith.constant 0 : index
      %get3A_571 = tpu.vector_load %arg8[%get3A_569, %get3A_570] {strides = array<i32>} : memref<1600x32xf32, #tpu.memory_space<vmem>>, vector<1x16xf32>,
      %get3A_572 = vector.shape_cast %get3A_571 : vector<1x16xf32> to vector<16xf32>
      %add3A_573 = arith.addf %get3A_572, %get3A_431 : vector<16xf32>
      %swap3A_574 = arith.index_cast %add3A_568 : i32 to index
      %swap3A_575 = arith.constant 0 : index
      %swap3A_576 = tpu.vector_load %arg8[%swap3A_574, %swap3A_575] {strides = array<i32>} : memref<1600x32xf32, #tpu.memory_space<vmem>>, vector<1x16xf32>,
      %swap3A_577 = vector.shape_cast %swap3A_576 : vector<1x16xf32> to vector<16xf32>
      %swap3A_578 = vector.shape_cast %add3A_573 : vector<16xf32> to vector<1x16xf32>
      tpu.vector_store %arg8[%swap3A_574, %swap3A_575], %swap3A_578 {strides = array<i32>} : memref<1600x32xf32, #tpu.memory_space<vmem>>, vector<1x16xf32>,
      %get3A_579 = arith.index_cast %add3A_568 : i32 to index
      %get3A_580 = arith.constant 16 : index
      %get3A_581 = tpu.vector_load %arg8[%get3A_579, %get3A_580] {strides = array<i32>} : memref<1600x32xf32, #tpu.memory_space<vmem>>, vector<1x16xf32>,
      %get3A_582 = vector.shape_cast %get3A_581 : vector<1x16xf32> to vector<16xf32>
      %add3A_583 = arith.addf %get3A_582, %get3A_435 : vector<16xf32>
      %swap3A_584 = arith.index_cast %add3A_568 : i32 to index
      %swap3A_585 = arith.constant 16 : index
      %swap3A_586 = tpu.vector_load %arg8[%swap3A_584, %swap3A_585] {strides = array<i32>} : memref<1600x32xf32, #tpu.memory_space<vmem>>, vector<1x16xf32>,
      %swap3A_587 = vector.shape_cast %swap3A_586 : vector<1x16xf32> to vector<16xf32>
      %swap3A_588 = vector.shape_cast %add3A_583 : vector<16xf32> to vector<1x16xf32>
      tpu.vector_store %arg8[%swap3A_584, %swap3A_585], %swap3A_588 {strides = array<i32>} : memref<1600x32xf32, #tpu.memory_space<vmem>>, vector<1x16xf32>,
      %add3A_589 = arith.constant 1400 : i32
      %add3A_590 = arith.addi %add3A_589, %scan3A_428 : i32
      %get3A_591 = arith.index_cast %add3A_590 : i32 to index
      %get3A_592 = arith.constant 0 : index
      %get3A_593 = tpu.vector_load %arg8[%get3A_591, %get3A_592] {strides = array<i32>} : memref<1600x32xf32, #tpu.memory_space<vmem>>, vector<1x16xf32>,
      %get3A_594 = vector.shape_cast %get3A_593 : vector<1x16xf32> to vector<16xf32>
      %add3A_595 = arith.addf %get3A_594, %get3A_431 : vector<16xf32>
      %swap3A_596 = arith.index_cast %add3A_590 : i32 to index
      %swap3A_597 = arith.constant 0 : index
      %swap3A_598 = tpu.vector_load %arg8[%swap3A_596, %swap3A_597] {strides = array<i32>} : memref<1600x32xf32, #tpu.memory_space<vmem>>, vector<1x16xf32>,
      %swap3A_599 = vector.shape_cast %swap3A_598 : vector<1x16xf32> to vector<16xf32>
      %swap3A_600 = vector.shape_cast %add3A_595 : vector<16xf32> to vector<1x16xf32>
      tpu.vector_store %arg8[%swap3A_596, %swap3A_597], %swap3A_600 {strides = array<i32>} : memref<1600x32xf32, #tpu.memory_space<vmem>>, vector<1x16xf32>,
      %get3A_601 = arith.index_cast %add3A_590 : i32 to index
      %get3A_602 = arith.constant 16 : index
      %get3A_603 = tpu.vector_load %arg8[%get3A_601, %get3A_602] {strides = array<i32>} : memref<1600x32xf32, #tpu.memory_space<vmem>>, vector<1x16xf32>,
      %get3A_604 = vector.shape_cast %get3A_603 : vector<1x16xf32> to vector<16xf32>
      %add3A_605 = arith.addf %get3A_604, %get3A_435 : vector<16xf32>
      %swap3A_606 = arith.index_cast %add3A_590 : i32 to index
      %swap3A_607 = arith.constant 16 : index
      %swap3A_608 = tpu.vector_load %arg8[%swap3A_606, %swap3A_607] {strides = array<i32>} : memref<1600x32xf32, #tpu.memory_space<vmem>>, vector<1x16xf32>,
      %swap3A_609 = vector.shape_cast %swap3A_608 : vector<1x16xf32> to vector<16xf32>
      %swap3A_610 = vector.shape_cast %add3A_605 : vector<16xf32> to vector<1x16xf32>
      tpu.vector_store %arg8[%swap3A_606, %swap3A_607], %swap3A_610 {strides = array<i32>} : memref<1600x32xf32, #tpu.memory_space<vmem>>, vector<1x16xf32>,
    }
    %scan3A_349 = arith.constant 200 : i32
    %add3A_350 = arith.constant 19200 : i32
    %add3A_351 = arith.addi %mul3A_2, %add3A_350 : i32
    %dma_start3A_352 = arith.constant 0 : i32
    %dma_start3A_353 = tpu.memref_slice %arg5[%add3A_351, %dma_start3A_352] : memref<819200x32xf32, #tpu.memory_space<hbm>> -> memref<1600x32xf32, #tpu.memory_space<hbm>>
    %dma_start3A_354 = arith.constant 0 : i32
    %dma_start3A_355 = tpu.memref_slice %arg5[%add3A_351, %dma_start3A_354] : memref<819200x32xf32, #tpu.memory_space<hbm>> -> memref<1600x32xf32, #tpu.memory_space<hbm>>
    tpu.enqueue_dma source(%arg8 : memref<1600x32xf32, #tpu.memory_space<vmem>>) target(%dma_start3A_355 : memref<1600x32xf32, #tpu.memory_space<hbm>>) target_semaphore(%arg15 : memref<!tpu.dma_semaphore, #tpu.memory_space<semaphore_mem>>)
    %dma_wait3A_356 = tpu.memref_slice %arg2[%add3A_342] : memref<819200xi32, #tpu.memory_space<hbm>> -> memref<1600xi32, #tpu.memory_space<hbm>>
    %dma_wait3A_357 = tpu.memref_slice %arg2[%add3A_342] : memref<819200xi32, #tpu.memory_space<hbm>> -> memref<1600xi32, #tpu.memory_space<hbm>>
    tpu.wait_dma2 semaphore(%arg11 : memref<!tpu.dma_semaphore, #tpu.memory_space<semaphore_mem>>) src(%dma_wait3A_357 : memref<1600xi32, #tpu.memory_space<hbm>>) dst(%arg6 : memref<1600xi32, #tpu.memory_space<vmem>>)
    %dma_wait3A_358 = arith.constant 0 : i32
    %dma_wait3A_359 = tpu.memref_slice %arg5[%add3A_351, %dma_wait3A_358] : memref<819200x32xf32, #tpu.memory_space<hbm>> -> memref<1600x32xf32, #tpu.memory_space<hbm>>
    %dma_wait3A_360 = arith.constant 0 : i32
    %dma_wait3A_361 = tpu.memref_slice %arg5[%add3A_351, %dma_wait3A_360] : memref<819200x32xf32, #tpu.memory_space<hbm>> -> memref<1600x32xf32, #tpu.memory_space<hbm>>
    tpu.wait_dma2 semaphore(%arg15 : memref<!tpu.dma_semaphore, #tpu.memory_space<semaphore_mem>>) src(%arg8 : memref<1600x32xf32, #tpu.memory_space<vmem>>) dst(%dma_wait3A_361 : memref<1600x32xf32, #tpu.memory_space<hbm>>)
    %dma_start3A_362 = arith.constant 0 : i32
    %dma_start3A_363 = arith.constant 0 : i32
    %dma_start3A_364 = tpu.memref_slice %arg3[%dma_start3A_362, %dma_start3A_363] : memref<1000000x32xf32, #tpu.memory_space<hbm>> -> memref<1000000x32xf32, #tpu.memory_space<hbm>>
    tpu.enqueue_indirect_dma source(%dma_start3A_364 : memref<1000000x32xf32, #tpu.memory_space<hbm>>) target(%arg8 : memref<1600x32xf32, #tpu.memory_space<vmem>>) offsets(%arg6 : memref<1600xi32, #tpu.memory_space<vmem>>) semaphore(%arg13 : memref<!tpu.dma_semaphore, #tpu.memory_space<semaphore_mem>>)
    %dma_wait3A_365 = arith.constant 0 : i32
    %dma_wait3A_366 = arith.constant 0 : i32
    %dma_wait3A_367 = tpu.memref_slice %arg3[%dma_wait3A_365, %dma_wait3A_366] : memref<1000000x32xf32, #tpu.memory_space<hbm>> -> memref<1000000x32xf32, #tpu.memory_space<hbm>>
    tpu.wait_indirect_dma semaphore(%arg14 : memref<!tpu.dma_semaphore, #tpu.memory_space<semaphore_mem>>) src(%dma_wait3A_367 : memref<1000000x32xf32, #tpu.memory_space<hbm>>) dst(%arg9 : memref<1600x32xf32, #tpu.memory_space<vmem>>)
    %add3A_368 = arith.constant 24000 : i32
    %add3A_369 = arith.addi %mul3A_2, %add3A_368 : i32
    %dma_start3A_370 = tpu.memref_slice %arg2[%add3A_369] : memref<819200xi32, #tpu.memory_space<hbm>> -> memref<1600xi32, #tpu.memory_space<hbm>>
    %dma_start3A_371 = tpu.memref_slice %arg2[%add3A_369] : memref<819200xi32, #tpu.memory_space<hbm>> -> memref<1600xi32, #tpu.memory_space<hbm>>
    tpu.enqueue_dma source(%dma_start3A_371 : memref<1600xi32, #tpu.memory_space<hbm>>) target(%arg7 : memref<1600xi32, #tpu.memory_space<vmem>>) target_semaphore(%arg12 : memref<!tpu.dma_semaphore, #tpu.memory_space<semaphore_mem>>)
    %scan3A_372 = arith.constant 0 : i32
    %scan3A_373 = arith.constant 200 : i32
    %scan3A_374 = arith.addi %scan3A_372, %scan3A_373 : i32
    %scan3A_375 = arith.constant 1 : i32
    scf.for %scan3A_428 = %scan3A_372 to %scan3A_374 step %scan3A_375  : i32 {
      %get3A = arith.index_cast %scan3A_428 : i32 to index
      %get3A_429 = arith.constant 0 : index
      %get3A_430 = tpu.vector_load %arg10[%get3A, %get3A_429] {strides = array<i32>} : memref<200x32xf32, #tpu.memory_space<vmem>>, vector<1x16xf32>,
      %get3A_431 = vector.shape_cast %get3A_430 : vector<1x16xf32> to vector<16xf32>
      %get3A_432 = arith.index_cast %scan3A_428 : i32 to index
      %get3A_433 = arith.constant 16 : index
      %get3A_434 = tpu.vector_load %arg10[%get3A_432, %get3A_433] {strides = array<i32>} : memref<200x32xf32, #tpu.memory_space<vmem>>, vector<1x16xf32>,
      %get3A_435 = vector.shape_cast %get3A_434 : vector<1x16xf32> to vector<16xf32>
      %add3A_436 = arith.constant 0 : i32
      %add3A_437 = arith.addi %add3A_436, %scan3A_428 : i32
      %get3A_438 = arith.index_cast %add3A_437 : i32 to index
      %get3A_439 = arith.constant 0 : index
      %get3A_440 = tpu.vector_load %arg9[%get3A_438, %get3A_439] {strides = array<i32>} : memref<1600x32xf32, #tpu.memory_space<vmem>>, vector<1x16xf32>,
      %get3A_441 = vector.shape_cast %get3A_440 : vector<1x16xf32> to vector<16xf32>
      %add3A_442 = arith.addf %get3A_441, %get3A_431 : vector<16xf32>
      %swap3A = arith.index_cast %add3A_437 : i32 to index
      %swap3A_443 = arith.constant 0 : index
      %swap3A_444 = tpu.vector_load %arg9[%swap3A, %swap3A_443] {strides = array<i32>} : memref<1600x32xf32, #tpu.memory_space<vmem>>, vector<1x16xf32>,
      %swap3A_445 = vector.shape_cast %swap3A_444 : vector<1x16xf32> to vector<16xf32>
      %swap3A_446 = vector.shape_cast %add3A_442 : vector<16xf32> to vector<1x16xf32>
      tpu.vector_store %arg9[%swap3A, %swap3A_443], %swap3A_446 {strides = array<i32>} : memref<1600x32xf32, #tpu.memory_space<vmem>>, vector<1x16xf32>,
      %get3A_447 = arith.index_cast %add3A_437 : i32 to index
      %get3A_448 = arith.constant 16 : index
      %get3A_449 = tpu.vector_load %arg9[%get3A_447, %get3A_448] {strides = array<i32>} : memref<1600x32xf32, #tpu.memory_space<vmem>>, vector<1x16xf32>,
      %get3A_450 = vector.shape_cast %get3A_449 : vector<1x16xf32> to vector<16xf32>
      %add3A_451 = arith.addf %get3A_450, %get3A_435 : vector<16xf32>
      %swap3A_452 = arith.index_cast %add3A_437 : i32 to index
      %swap3A_453 = arith.constant 16 : index
      %swap3A_454 = tpu.vector_load %arg9[%swap3A_452, %swap3A_453] {strides = array<i32>} : memref<1600x32xf32, #tpu.memory_space<vmem>>, vector<1x16xf32>,
      %swap3A_455 = vector.shape_cast %swap3A_454 : vector<1x16xf32> to vector<16xf32>
      %swap3A_456 = vector.shape_cast %add3A_451 : vector<16xf32> to vector<1x16xf32>
      tpu.vector_store %arg9[%swap3A_452, %swap3A_453], %swap3A_456 {strides = array<i32>} : memref<1600x32xf32, #tpu.memory_space<vmem>>, vector<1x16xf32>,
      %add3A_457 = arith.constant 200 : i32
      %add3A_458 = arith.addi %add3A_457, %scan3A_428 : i32
      %get3A_459 = arith.index_cast %add3A_458 : i32 to index
      %get3A_460 = arith.constant 0 : index
      %get3A_461 = tpu.vector_load %arg9[%get3A_459, %get3A_460] {strides = array<i32>} : memref<1600x32xf32, #tpu.memory_space<vmem>>, vector<1x16xf32>,
      %get3A_462 = vector.shape_cast %get3A_461 : vector<1x16xf32> to vector<16xf32>
      %add3A_463 = arith.addf %get3A_462, %get3A_431 : vector<16xf32>
      %swap3A_464 = arith.index_cast %add3A_458 : i32 to index
      %swap3A_465 = arith.constant 0 : index
      %swap3A_466 = tpu.vector_load %arg9[%swap3A_464, %swap3A_465] {strides = array<i32>} : memref<1600x32xf32, #tpu.memory_space<vmem>>, vector<1x16xf32>,
      %swap3A_467 = vector.shape_cast %swap3A_466 : vector<1x16xf32> to vector<16xf32>
      %swap3A_468 = vector.shape_cast %add3A_463 : vector<16xf32> to vector<1x16xf32>
      tpu.vector_store %arg9[%swap3A_464, %swap3A_465], %swap3A_468 {strides = array<i32>} : memref<1600x32xf32, #tpu.memory_space<vmem>>, vector<1x16xf32>,
      %get3A_469 = arith.index_cast %add3A_458 : i32 to index
      %get3A_470 = arith.constant 16 : index
      %get3A_471 = tpu.vector_load %arg9[%get3A_469, %get3A_470] {strides = array<i32>} : memref<1600x32xf32, #tpu.memory_space<vmem>>, vector<1x16xf32>,
      %get3A_472 = vector.shape_cast %get3A_471 : vector<1x16xf32> to vector<16xf32>
      %add3A_473 = arith.addf %get3A_472, %get3A_435 : vector<16xf32>
      %swap3A_474 = arith.index_cast %add3A_458 : i32 to index
      %swap3A_475 = arith.constant 16 : index
      %swap3A_476 = tpu.vector_load %arg9[%swap3A_474, %swap3A_475] {strides = array<i32>} : memref<1600x32xf32, #tpu.memory_space<vmem>>, vector<1x16xf32>,
      %swap3A_477 = vector.shape_cast %swap3A_476 : vector<1x16xf32> to vector<16xf32>
      %swap3A_478 = vector.shape_cast %add3A_473 : vector<16xf32> to vector<1x16xf32>
      tpu.vector_store %arg9[%swap3A_474, %swap3A_475], %swap3A_478 {strides = array<i32>} : memref<1600x32xf32, #tpu.memory_space<vmem>>, vector<1x16xf32>,
      %add3A_479 = arith.constant 400 : i32
      %add3A_480 = arith.addi %add3A_479, %scan3A_428 : i32
      %get3A_481 = arith.index_cast %add3A_480 : i32 to index
      %get3A_482 = arith.constant 0 : index
      %get3A_483 = tpu.vector_load %arg9[%get3A_481, %get3A_482] {strides = array<i32>} : memref<1600x32xf32, #tpu.memory_space<vmem>>, vector<1x16xf32>,
      %get3A_484 = vector.shape_cast %get3A_483 : vector<1x16xf32> to vector<16xf32>
      %add3A_485 = arith.addf %get3A_484, %get3A_431 : vector<16xf32>
      %swap3A_486 = arith.index_cast %add3A_480 : i32 to index
      %swap3A_487 = arith.constant 0 : index
      %swap3A_488 = tpu.vector_load %arg9[%swap3A_486, %swap3A_487] {strides = array<i32>} : memref<1600x32xf32, #tpu.memory_space<vmem>>, vector<1x16xf32>,
      %swap3A_489 = vector.shape_cast %swap3A_488 : vector<1x16xf32> to vector<16xf32>
      %swap3A_490 = vector.shape_cast %add3A_485 : vector<16xf32> to vector<1x16xf32>
      tpu.vector_store %arg9[%swap3A_486, %swap3A_487], %swap3A_490 {strides = array<i32>} : memref<1600x32xf32, #tpu.memory_space<vmem>>, vector<1x16xf32>,
      %get3A_491 = arith.index_cast %add3A_480 : i32 to index
      %get3A_492 = arith.constant 16 : index
      %get3A_493 = tpu.vector_load %arg9[%get3A_491, %get3A_492] {strides = array<i32>} : memref<1600x32xf32, #tpu.memory_space<vmem>>, vector<1x16xf32>,
      %get3A_494 = vector.shape_cast %get3A_493 : vector<1x16xf32> to vector<16xf32>
      %add3A_495 = arith.addf %get3A_494, %get3A_435 : vector<16xf32>
      %swap3A_496 = arith.index_cast %add3A_480 : i32 to index
      %swap3A_497 = arith.constant 16 : index
      %swap3A_498 = tpu.vector_load %arg9[%swap3A_496, %swap3A_497] {strides = array<i32>} : memref<1600x32xf32, #tpu.memory_space<vmem>>, vector<1x16xf32>,
      %swap3A_499 = vector.shape_cast %swap3A_498 : vector<1x16xf32> to vector<16xf32>
      %swap3A_500 = vector.shape_cast %add3A_495 : vector<16xf32> to vector<1x16xf32>
      tpu.vector_store %arg9[%swap3A_496, %swap3A_497], %swap3A_500 {strides = array<i32>} : memref<1600x32xf32, #tpu.memory_space<vmem>>, vector<1x16xf32>,
      %add3A_501 = arith.constant 600 : i32
      %add3A_502 = arith.addi %add3A_501, %scan3A_428 : i32
      %get3A_503 = arith.index_cast %add3A_502 : i32 to index
      %get3A_504 = arith.constant 0 : index
      %get3A_505 = tpu.vector_load %arg9[%get3A_503, %get3A_504] {strides = array<i32>} : memref<1600x32xf32, #tpu.memory_space<vmem>>, vector<1x16xf32>,
      %get3A_506 = vector.shape_cast %get3A_505 : vector<1x16xf32> to vector<16xf32>
      %add3A_507 = arith.addf %get3A_506, %get3A_431 : vector<16xf32>
      %swap3A_508 = arith.index_cast %add3A_502 : i32 to index
      %swap3A_509 = arith.constant 0 : index
      %swap3A_510 = tpu.vector_load %arg9[%swap3A_508, %swap3A_509] {strides = array<i32>} : memref<1600x32xf32, #tpu.memory_space<vmem>>, vector<1x16xf32>,
      %swap3A_511 = vector.shape_cast %swap3A_510 : vector<1x16xf32> to vector<16xf32>
      %swap3A_512 = vector.shape_cast %add3A_507 : vector<16xf32> to vector<1x16xf32>
      tpu.vector_store %arg9[%swap3A_508, %swap3A_509], %swap3A_512 {strides = array<i32>} : memref<1600x32xf32, #tpu.memory_space<vmem>>, vector<1x16xf32>,
      %get3A_513 = arith.index_cast %add3A_502 : i32 to index
      %get3A_514 = arith.constant 16 : index
      %get3A_515 = tpu.vector_load %arg9[%get3A_513, %get3A_514] {strides = array<i32>} : memref<1600x32xf32, #tpu.memory_space<vmem>>, vector<1x16xf32>,
      %get3A_516 = vector.shape_cast %get3A_515 : vector<1x16xf32> to vector<16xf32>
      %add3A_517 = arith.addf %get3A_516, %get3A_435 : vector<16xf32>
      %swap3A_518 = arith.index_cast %add3A_502 : i32 to index
      %swap3A_519 = arith.constant 16 : index
      %swap3A_520 = tpu.vector_load %arg9[%swap3A_518, %swap3A_519] {strides = array<i32>} : memref<1600x32xf32, #tpu.memory_space<vmem>>, vector<1x16xf32>,
      %swap3A_521 = vector.shape_cast %swap3A_520 : vector<1x16xf32> to vector<16xf32>
      %swap3A_522 = vector.shape_cast %add3A_517 : vector<16xf32> to vector<1x16xf32>
      tpu.vector_store %arg9[%swap3A_518, %swap3A_519], %swap3A_522 {strides = array<i32>} : memref<1600x32xf32, #tpu.memory_space<vmem>>, vector<1x16xf32>,
      %add3A_523 = arith.constant 800 : i32
      %add3A_524 = arith.addi %add3A_523, %scan3A_428 : i32
      %get3A_525 = arith.index_cast %add3A_524 : i32 to index
      %get3A_526 = arith.constant 0 : index
      %get3A_527 = tpu.vector_load %arg9[%get3A_525, %get3A_526] {strides = array<i32>} : memref<1600x32xf32, #tpu.memory_space<vmem>>, vector<1x16xf32>,
      %get3A_528 = vector.shape_cast %get3A_527 : vector<1x16xf32> to vector<16xf32>
      %add3A_529 = arith.addf %get3A_528, %get3A_431 : vector<16xf32>
      %swap3A_530 = arith.index_cast %add3A_524 : i32 to index
      %swap3A_531 = arith.constant 0 : index
      %swap3A_532 = tpu.vector_load %arg9[%swap3A_530, %swap3A_531] {strides = array<i32>} : memref<1600x32xf32, #tpu.memory_space<vmem>>, vector<1x16xf32>,
      %swap3A_533 = vector.shape_cast %swap3A_532 : vector<1x16xf32> to vector<16xf32>
      %swap3A_534 = vector.shape_cast %add3A_529 : vector<16xf32> to vector<1x16xf32>
      tpu.vector_store %arg9[%swap3A_530, %swap3A_531], %swap3A_534 {strides = array<i32>} : memref<1600x32xf32, #tpu.memory_space<vmem>>, vector<1x16xf32>,
      %get3A_535 = arith.index_cast %add3A_524 : i32 to index
      %get3A_536 = arith.constant 16 : index
      %get3A_537 = tpu.vector_load %arg9[%get3A_535, %get3A_536] {strides = array<i32>} : memref<1600x32xf32, #tpu.memory_space<vmem>>, vector<1x16xf32>,
      %get3A_538 = vector.shape_cast %get3A_537 : vector<1x16xf32> to vector<16xf32>
      %add3A_539 = arith.addf %get3A_538, %get3A_435 : vector<16xf32>
      %swap3A_540 = arith.index_cast %add3A_524 : i32 to index
      %swap3A_541 = arith.constant 16 : index
      %swap3A_542 = tpu.vector_load %arg9[%swap3A_540, %swap3A_541] {strides = array<i32>} : memref<1600x32xf32, #tpu.memory_space<vmem>>, vector<1x16xf32>,
      %swap3A_543 = vector.shape_cast %swap3A_542 : vector<1x16xf32> to vector<16xf32>
      %swap3A_544 = vector.shape_cast %add3A_539 : vector<16xf32> to vector<1x16xf32>
      tpu.vector_store %arg9[%swap3A_540, %swap3A_541], %swap3A_544 {strides = array<i32>} : memref<1600x32xf32, #tpu.memory_space<vmem>>, vector<1x16xf32>,
      %add3A_545 = arith.constant 1000 : i32
      %add3A_546 = arith.addi %add3A_545, %scan3A_428 : i32
      %get3A_547 = arith.index_cast %add3A_546 : i32 to index
      %get3A_548 = arith.constant 0 : index
      %get3A_549 = tpu.vector_load %arg9[%get3A_547, %get3A_548] {strides = array<i32>} : memref<1600x32xf32, #tpu.memory_space<vmem>>, vector<1x16xf32>,
      %get3A_550 = vector.shape_cast %get3A_549 : vector<1x16xf32> to vector<16xf32>
      %add3A_551 = arith.addf %get3A_550, %get3A_431 : vector<16xf32>
      %swap3A_552 = arith.index_cast %add3A_546 : i32 to index
      %swap3A_553 = arith.constant 0 : index
      %swap3A_554 = tpu.vector_load %arg9[%swap3A_552, %swap3A_553] {strides = array<i32>} : memref<1600x32xf32, #tpu.memory_space<vmem>>, vector<1x16xf32>,
      %swap3A_555 = vector.shape_cast %swap3A_554 : vector<1x16xf32> to vector<16xf32>
      %swap3A_556 = vector.shape_cast %add3A_551 : vector<16xf32> to vector<1x16xf32>
      tpu.vector_store %arg9[%swap3A_552, %swap3A_553], %swap3A_556 {strides = array<i32>} : memref<1600x32xf32, #tpu.memory_space<vmem>>, vector<1x16xf32>,
      %get3A_557 = arith.index_cast %add3A_546 : i32 to index
      %get3A_558 = arith.constant 16 : index
      %get3A_559 = tpu.vector_load %arg9[%get3A_557, %get3A_558] {strides = array<i32>} : memref<1600x32xf32, #tpu.memory_space<vmem>>, vector<1x16xf32>,
      %get3A_560 = vector.shape_cast %get3A_559 : vector<1x16xf32> to vector<16xf32>
      %add3A_561 = arith.addf %get3A_560, %get3A_435 : vector<16xf32>
      %swap3A_562 = arith.index_cast %add3A_546 : i32 to index
      %swap3A_563 = arith.constant 16 : index
      %swap3A_564 = tpu.vector_load %arg9[%swap3A_562, %swap3A_563] {strides = array<i32>} : memref<1600x32xf32, #tpu.memory_space<vmem>>, vector<1x16xf32>,
      %swap3A_565 = vector.shape_cast %swap3A_564 : vector<1x16xf32> to vector<16xf32>
      %swap3A_566 = vector.shape_cast %add3A_561 : vector<16xf32> to vector<1x16xf32>
      tpu.vector_store %arg9[%swap3A_562, %swap3A_563], %swap3A_566 {strides = array<i32>} : memref<1600x32xf32, #tpu.memory_space<vmem>>, vector<1x16xf32>,
      %add3A_567 = arith.constant 1200 : i32
      %add3A_568 = arith.addi %add3A_567, %scan3A_428 : i32
      %get3A_569 = arith.index_cast %add3A_568 : i32 to index
      %get3A_570 = arith.constant 0 : index
      %get3A_571 = tpu.vector_load %arg9[%get3A_569, %get3A_570] {strides = array<i32>} : memref<1600x32xf32, #tpu.memory_space<vmem>>, vector<1x16xf32>,
      %get3A_572 = vector.shape_cast %get3A_571 : vector<1x16xf32> to vector<16xf32>
      %add3A_573 = arith.addf %get3A_572, %get3A_431 : vector<16xf32>
      %swap3A_574 = arith.index_cast %add3A_568 : i32 to index
      %swap3A_575 = arith.constant 0 : index
      %swap3A_576 = tpu.vector_load %arg9[%swap3A_574, %swap3A_575] {strides = array<i32>} : memref<1600x32xf32, #tpu.memory_space<vmem>>, vector<1x16xf32>,
      %swap3A_577 = vector.shape_cast %swap3A_576 : vector<1x16xf32> to vector<16xf32>
      %swap3A_578 = vector.shape_cast %add3A_573 : vector<16xf32> to vector<1x16xf32>
      tpu.vector_store %arg9[%swap3A_574, %swap3A_575], %swap3A_578 {strides = array<i32>} : memref<1600x32xf32, #tpu.memory_space<vmem>>, vector<1x16xf32>,
      %get3A_579 = arith.index_cast %add3A_568 : i32 to index
      %get3A_580 = arith.constant 16 : index
      %get3A_581 = tpu.vector_load %arg9[%get3A_579, %get3A_580] {strides = array<i32>} : memref<1600x32xf32, #tpu.memory_space<vmem>>, vector<1x16xf32>,
      %get3A_582 = vector.shape_cast %get3A_581 : vector<1x16xf32> to vector<16xf32>
      %add3A_583 = arith.addf %get3A_582, %get3A_435 : vector<16xf32>
      %swap3A_584 = arith.index_cast %add3A_568 : i32 to index
      %swap3A_585 = arith.constant 16 : index
      %swap3A_586 = tpu.vector_load %arg9[%swap3A_584, %swap3A_585] {strides = array<i32>} : memref<1600x32xf32, #tpu.memory_space<vmem>>, vector<1x16xf32>,
      %swap3A_587 = vector.shape_cast %swap3A_586 : vector<1x16xf32> to vector<16xf32>
      %swap3A_588 = vector.shape_cast %add3A_583 : vector<16xf32> to vector<1x16xf32>
      tpu.vector_store %arg9[%swap3A_584, %swap3A_585], %swap3A_588 {strides = array<i32>} : memref<1600x32xf32, #tpu.memory_space<vmem>>, vector<1x16xf32>,
      %add3A_589 = arith.constant 1400 : i32
      %add3A_590 = arith.addi %add3A_589, %scan3A_428 : i32
      %get3A_591 = arith.index_cast %add3A_590 : i32 to index
      %get3A_592 = arith.constant 0 : index
      %get3A_593 = tpu.vector_load %arg9[%get3A_591, %get3A_592] {strides = array<i32>} : memref<1600x32xf32, #tpu.memory_space<vmem>>, vector<1x16xf32>,
      %get3A_594 = vector.shape_cast %get3A_593 : vector<1x16xf32> to vector<16xf32>
      %add3A_595 = arith.addf %get3A_594, %get3A_431 : vector<16xf32>
      %swap3A_596 = arith.index_cast %add3A_590 : i32 to index
      %swap3A_597 = arith.constant 0 : index
      %swap3A_598 = tpu.vector_load %arg9[%swap3A_596, %swap3A_597] {strides = array<i32>} : memref<1600x32xf32, #tpu.memory_space<vmem>>, vector<1x16xf32>,
      %swap3A_599 = vector.shape_cast %swap3A_598 : vector<1x16xf32> to vector<16xf32>
      %swap3A_600 = vector.shape_cast %add3A_595 : vector<16xf32> to vector<1x16xf32>
      tpu.vector_store %arg9[%swap3A_596, %swap3A_597], %swap3A_600 {strides = array<i32>} : memref<1600x32xf32, #tpu.memory_space<vmem>>, vector<1x16xf32>,
      %get3A_601 = arith.index_cast %add3A_590 : i32 to index
      %get3A_602 = arith.constant 16 : index
      %get3A_603 = tpu.vector_load %arg9[%get3A_601, %get3A_602] {strides = array<i32>} : memref<1600x32xf32, #tpu.memory_space<vmem>>, vector<1x16xf32>,
      %get3A_604 = vector.shape_cast %get3A_603 : vector<1x16xf32> to vector<16xf32>
      %add3A_605 = arith.addf %get3A_604, %get3A_435 : vector<16xf32>
      %swap3A_606 = arith.index_cast %add3A_590 : i32 to index
      %swap3A_607 = arith.constant 16 : index
      %swap3A_608 = tpu.vector_load %arg9[%swap3A_606, %swap3A_607] {strides = array<i32>} : memref<1600x32xf32, #tpu.memory_space<vmem>>, vector<1x16xf32>,
      %swap3A_609 = vector.shape_cast %swap3A_608 : vector<1x16xf32> to vector<16xf32>
      %swap3A_610 = vector.shape_cast %add3A_605 : vector<16xf32> to vector<1x16xf32>
      tpu.vector_store %arg9[%swap3A_606, %swap3A_607], %swap3A_610 {strides = array<i32>} : memref<1600x32xf32, #tpu.memory_space<vmem>>, vector<1x16xf32>,
    }
    %scan3A_376 = arith.constant 200 : i32
    %add3A_377 = arith.constant 20800 : i32
    %add3A_378 = arith.addi %mul3A_2, %add3A_377 : i32
    %dma_start3A_379 = arith.constant 0 : i32
    %dma_start3A_380 = tpu.memref_slice %arg5[%add3A_378, %dma_start3A_379] : memref<819200x32xf32, #tpu.memory_space<hbm>> -> memref<1600x32xf32, #tpu.memory_space<hbm>>
    %dma_start3A_381 = arith.constant 0 : i32
    %dma_start3A_382 = tpu.memref_slice %arg5[%add3A_378, %dma_start3A_381] : memref<819200x32xf32, #tpu.memory_space<hbm>> -> memref<1600x32xf32, #tpu.memory_space<hbm>>
    tpu.enqueue_dma source(%arg9 : memref<1600x32xf32, #tpu.memory_space<vmem>>) target(%dma_start3A_382 : memref<1600x32xf32, #tpu.memory_space<hbm>>) target_semaphore(%arg16 : memref<!tpu.dma_semaphore, #tpu.memory_space<semaphore_mem>>)
    %dma_wait3A_383 = tpu.memref_slice %arg2[%add3A_369] : memref<819200xi32, #tpu.memory_space<hbm>> -> memref<1600xi32, #tpu.memory_space<hbm>>
    %dma_wait3A_384 = tpu.memref_slice %arg2[%add3A_369] : memref<819200xi32, #tpu.memory_space<hbm>> -> memref<1600xi32, #tpu.memory_space<hbm>>
    tpu.wait_dma2 semaphore(%arg12 : memref<!tpu.dma_semaphore, #tpu.memory_space<semaphore_mem>>) src(%dma_wait3A_384 : memref<1600xi32, #tpu.memory_space<hbm>>) dst(%arg7 : memref<1600xi32, #tpu.memory_space<vmem>>)
    %dma_wait3A_385 = arith.constant 0 : i32
    %dma_wait3A_386 = tpu.memref_slice %arg5[%add3A_378, %dma_wait3A_385] : memref<819200x32xf32, #tpu.memory_space<hbm>> -> memref<1600x32xf32, #tpu.memory_space<hbm>>
    %dma_wait3A_387 = arith.constant 0 : i32
    %dma_wait3A_388 = tpu.memref_slice %arg5[%add3A_378, %dma_wait3A_387] : memref<819200x32xf32, #tpu.memory_space<hbm>> -> memref<1600x32xf32, #tpu.memory_space<hbm>>
    tpu.wait_dma2 semaphore(%arg16 : memref<!tpu.dma_semaphore, #tpu.memory_space<semaphore_mem>>) src(%arg9 : memref<1600x32xf32, #tpu.memory_space<vmem>>) dst(%dma_wait3A_388 : memref<1600x32xf32, #tpu.memory_space<hbm>>)
    %dma_start3A_389 = arith.constant 0 : i32
    %dma_start3A_390 = arith.constant 0 : i32
    %dma_start3A_391 = tpu.memref_slice %arg3[%dma_start3A_389, %dma_start3A_390] : memref<1000000x32xf32, #tpu.memory_space<hbm>> -> memref<1000000x32xf32, #tpu.memory_space<hbm>>
    tpu.enqueue_indirect_dma source(%dma_start3A_391 : memref<1000000x32xf32, #tpu.memory_space<hbm>>) target(%arg9 : memref<1600x32xf32, #tpu.memory_space<vmem>>) offsets(%arg7 : memref<1600xi32, #tpu.memory_space<vmem>>) semaphore(%arg14 : memref<!tpu.dma_semaphore, #tpu.memory_space<semaphore_mem>>)
    %dma_wait3A_392 = arith.constant 0 : i32
    %dma_wait3A_393 = arith.constant 0 : i32
    %dma_wait3A_394 = tpu.memref_slice %arg3[%dma_wait3A_392, %dma_wait3A_393] : memref<1000000x32xf32, #tpu.memory_space<hbm>> -> memref<1000000x32xf32, #tpu.memory_space<hbm>>
    tpu.wait_indirect_dma semaphore(%arg13 : memref<!tpu.dma_semaphore, #tpu.memory_space<semaphore_mem>>) src(%dma_wait3A_394 : memref<1000000x32xf32, #tpu.memory_space<hbm>>) dst(%arg8 : memref<1600x32xf32, #tpu.memory_space<vmem>>)
    %scan3A_395 = arith.constant 0 : i32
    %scan3A_396 = arith.constant 200 : i32
    %scan3A_397 = arith.addi %scan3A_395, %scan3A_396 : i32
    %scan3A_398 = arith.constant 1 : i32
    scf.for %scan3A_428 = %scan3A_395 to %scan3A_397 step %scan3A_398  : i32 {
      %get3A = arith.index_cast %scan3A_428 : i32 to index
      %get3A_429 = arith.constant 0 : index
      %get3A_430 = tpu.vector_load %arg10[%get3A, %get3A_429] {strides = array<i32>} : memref<200x32xf32, #tpu.memory_space<vmem>>, vector<1x16xf32>,
      %get3A_431 = vector.shape_cast %get3A_430 : vector<1x16xf32> to vector<16xf32>
      %get3A_432 = arith.index_cast %scan3A_428 : i32 to index
      %get3A_433 = arith.constant 16 : index
      %get3A_434 = tpu.vector_load %arg10[%get3A_432, %get3A_433] {strides = array<i32>} : memref<200x32xf32, #tpu.memory_space<vmem>>, vector<1x16xf32>,
      %get3A_435 = vector.shape_cast %get3A_434 : vector<1x16xf32> to vector<16xf32>
      %add3A_436 = arith.constant 0 : i32
      %add3A_437 = arith.addi %add3A_436, %scan3A_428 : i32
      %get3A_438 = arith.index_cast %add3A_437 : i32 to index
      %get3A_439 = arith.constant 0 : index
      %get3A_440 = tpu.vector_load %arg8[%get3A_438, %get3A_439] {strides = array<i32>} : memref<1600x32xf32, #tpu.memory_space<vmem>>, vector<1x16xf32>,
      %get3A_441 = vector.shape_cast %get3A_440 : vector<1x16xf32> to vector<16xf32>
      %add3A_442 = arith.addf %get3A_441, %get3A_431 : vector<16xf32>
      %swap3A = arith.index_cast %add3A_437 : i32 to index
      %swap3A_443 = arith.constant 0 : index
      %swap3A_444 = tpu.vector_load %arg8[%swap3A, %swap3A_443] {strides = array<i32>} : memref<1600x32xf32, #tpu.memory_space<vmem>>, vector<1x16xf32>,
      %swap3A_445 = vector.shape_cast %swap3A_444 : vector<1x16xf32> to vector<16xf32>
      %swap3A_446 = vector.shape_cast %add3A_442 : vector<16xf32> to vector<1x16xf32>
      tpu.vector_store %arg8[%swap3A, %swap3A_443], %swap3A_446 {strides = array<i32>} : memref<1600x32xf32, #tpu.memory_space<vmem>>, vector<1x16xf32>,
      %get3A_447 = arith.index_cast %add3A_437 : i32 to index
      %get3A_448 = arith.constant 16 : index
      %get3A_449 = tpu.vector_load %arg8[%get3A_447, %get3A_448] {strides = array<i32>} : memref<1600x32xf32, #tpu.memory_space<vmem>>, vector<1x16xf32>,
      %get3A_450 = vector.shape_cast %get3A_449 : vector<1x16xf32> to vector<16xf32>
      %add3A_451 = arith.addf %get3A_450, %get3A_435 : vector<16xf32>
      %swap3A_452 = arith.index_cast %add3A_437 : i32 to index
      %swap3A_453 = arith.constant 16 : index
      %swap3A_454 = tpu.vector_load %arg8[%swap3A_452, %swap3A_453] {strides = array<i32>} : memref<1600x32xf32, #tpu.memory_space<vmem>>, vector<1x16xf32>,
      %swap3A_455 = vector.shape_cast %swap3A_454 : vector<1x16xf32> to vector<16xf32>
      %swap3A_456 = vector.shape_cast %add3A_451 : vector<16xf32> to vector<1x16xf32>
      tpu.vector_store %arg8[%swap3A_452, %swap3A_453], %swap3A_456 {strides = array<i32>} : memref<1600x32xf32, #tpu.memory_space<vmem>>, vector<1x16xf32>,
      %add3A_457 = arith.constant 200 : i32
      %add3A_458 = arith.addi %add3A_457, %scan3A_428 : i32
      %get3A_459 = arith.index_cast %add3A_458 : i32 to index
      %get3A_460 = arith.constant 0 : index
      %get3A_461 = tpu.vector_load %arg8[%get3A_459, %get3A_460] {strides = array<i32>} : memref<1600x32xf32, #tpu.memory_space<vmem>>, vector<1x16xf32>,
      %get3A_462 = vector.shape_cast %get3A_461 : vector<1x16xf32> to vector<16xf32>
      %add3A_463 = arith.addf %get3A_462, %get3A_431 : vector<16xf32>
      %swap3A_464 = arith.index_cast %add3A_458 : i32 to index
      %swap3A_465 = arith.constant 0 : index
      %swap3A_466 = tpu.vector_load %arg8[%swap3A_464, %swap3A_465] {strides = array<i32>} : memref<1600x32xf32, #tpu.memory_space<vmem>>, vector<1x16xf32>,
      %swap3A_467 = vector.shape_cast %swap3A_466 : vector<1x16xf32> to vector<16xf32>
      %swap3A_468 = vector.shape_cast %add3A_463 : vector<16xf32> to vector<1x16xf32>
      tpu.vector_store %arg8[%swap3A_464, %swap3A_465], %swap3A_468 {strides = array<i32>} : memref<1600x32xf32, #tpu.memory_space<vmem>>, vector<1x16xf32>,
      %get3A_469 = arith.index_cast %add3A_458 : i32 to index
      %get3A_470 = arith.constant 16 : index
      %get3A_471 = tpu.vector_load %arg8[%get3A_469, %get3A_470] {strides = array<i32>} : memref<1600x32xf32, #tpu.memory_space<vmem>>, vector<1x16xf32>,
      %get3A_472 = vector.shape_cast %get3A_471 : vector<1x16xf32> to vector<16xf32>
      %add3A_473 = arith.addf %get3A_472, %get3A_435 : vector<16xf32>
      %swap3A_474 = arith.index_cast %add3A_458 : i32 to index
      %swap3A_475 = arith.constant 16 : index
      %swap3A_476 = tpu.vector_load %arg8[%swap3A_474, %swap3A_475] {strides = array<i32>} : memref<1600x32xf32, #tpu.memory_space<vmem>>, vector<1x16xf32>,
      %swap3A_477 = vector.shape_cast %swap3A_476 : vector<1x16xf32> to vector<16xf32>
      %swap3A_478 = vector.shape_cast %add3A_473 : vector<16xf32> to vector<1x16xf32>
      tpu.vector_store %arg8[%swap3A_474, %swap3A_475], %swap3A_478 {strides = array<i32>} : memref<1600x32xf32, #tpu.memory_space<vmem>>, vector<1x16xf32>,
      %add3A_479 = arith.constant 400 : i32
      %add3A_480 = arith.addi %add3A_479, %scan3A_428 : i32
      %get3A_481 = arith.index_cast %add3A_480 : i32 to index
      %get3A_482 = arith.constant 0 : index
      %get3A_483 = tpu.vector_load %arg8[%get3A_481, %get3A_482] {strides = array<i32>} : memref<1600x32xf32, #tpu.memory_space<vmem>>, vector<1x16xf32>,
      %get3A_484 = vector.shape_cast %get3A_483 : vector<1x16xf32> to vector<16xf32>
      %add3A_485 = arith.addf %get3A_484, %get3A_431 : vector<16xf32>
      %swap3A_486 = arith.index_cast %add3A_480 : i32 to index
      %swap3A_487 = arith.constant 0 : index
      %swap3A_488 = tpu.vector_load %arg8[%swap3A_486, %swap3A_487] {strides = array<i32>} : memref<1600x32xf32, #tpu.memory_space<vmem>>, vector<1x16xf32>,
      %swap3A_489 = vector.shape_cast %swap3A_488 : vector<1x16xf32> to vector<16xf32>
      %swap3A_490 = vector.shape_cast %add3A_485 : vector<16xf32> to vector<1x16xf32>
      tpu.vector_store %arg8[%swap3A_486, %swap3A_487], %swap3A_490 {strides = array<i32>} : memref<1600x32xf32, #tpu.memory_space<vmem>>, vector<1x16xf32>,
      %get3A_491 = arith.index_cast %add3A_480 : i32 to index
      %get3A_492 = arith.constant 16 : index
      %get3A_493 = tpu.vector_load %arg8[%get3A_491, %get3A_492] {strides = array<i32>} : memref<1600x32xf32, #tpu.memory_space<vmem>>, vector<1x16xf32>,
      %get3A_494 = vector.shape_cast %get3A_493 : vector<1x16xf32> to vector<16xf32>
      %add3A_495 = arith.addf %get3A_494, %get3A_435 : vector<16xf32>
      %swap3A_496 = arith.index_cast %add3A_480 : i32 to index
      %swap3A_497 = arith.constant 16 : index
      %swap3A_498 = tpu.vector_load %arg8[%swap3A_496, %swap3A_497] {strides = array<i32>} : memref<1600x32xf32, #tpu.memory_space<vmem>>, vector<1x16xf32>,
      %swap3A_499 = vector.shape_cast %swap3A_498 : vector<1x16xf32> to vector<16xf32>
      %swap3A_500 = vector.shape_cast %add3A_495 : vector<16xf32> to vector<1x16xf32>
      tpu.vector_store %arg8[%swap3A_496, %swap3A_497], %swap3A_500 {strides = array<i32>} : memref<1600x32xf32, #tpu.memory_space<vmem>>, vector<1x16xf32>,
      %add3A_501 = arith.constant 600 : i32
      %add3A_502 = arith.addi %add3A_501, %scan3A_428 : i32
      %get3A_503 = arith.index_cast %add3A_502 : i32 to index
      %get3A_504 = arith.constant 0 : index
      %get3A_505 = tpu.vector_load %arg8[%get3A_503, %get3A_504] {strides = array<i32>} : memref<1600x32xf32, #tpu.memory_space<vmem>>, vector<1x16xf32>,
      %get3A_506 = vector.shape_cast %get3A_505 : vector<1x16xf32> to vector<16xf32>
      %add3A_507 = arith.addf %get3A_506, %get3A_431 : vector<16xf32>
      %swap3A_508 = arith.index_cast %add3A_502 : i32 to index
      %swap3A_509 = arith.constant 0 : index
      %swap3A_510 = tpu.vector_load %arg8[%swap3A_508, %swap3A_509] {strides = array<i32>} : memref<1600x32xf32, #tpu.memory_space<vmem>>, vector<1x16xf32>,
      %swap3A_511 = vector.shape_cast %swap3A_510 : vector<1x16xf32> to vector<16xf32>
      %swap3A_512 = vector.shape_cast %add3A_507 : vector<16xf32> to vector<1x16xf32>
      tpu.vector_store %arg8[%swap3A_508, %swap3A_509], %swap3A_512 {strides = array<i32>} : memref<1600x32xf32, #tpu.memory_space<vmem>>, vector<1x16xf32>,
      %get3A_513 = arith.index_cast %add3A_502 : i32 to index
      %get3A_514 = arith.constant 16 : index
      %get3A_515 = tpu.vector_load %arg8[%get3A_513, %get3A_514] {strides = array<i32>} : memref<1600x32xf32, #tpu.memory_space<vmem>>, vector<1x16xf32>,
      %get3A_516 = vector.shape_cast %get3A_515 : vector<1x16xf32> to vector<16xf32>
      %add3A_517 = arith.addf %get3A_516, %get3A_435 : vector<16xf32>
      %swap3A_518 = arith.index_cast %add3A_502 : i32 to index
      %swap3A_519 = arith.constant 16 : index
      %swap3A_520 = tpu.vector_load %arg8[%swap3A_518, %swap3A_519] {strides = array<i32>} : memref<1600x32xf32, #tpu.memory_space<vmem>>, vector<1x16xf32>,
      %swap3A_521 = vector.shape_cast %swap3A_520 : vector<1x16xf32> to vector<16xf32>
      %swap3A_522 = vector.shape_cast %add3A_517 : vector<16xf32> to vector<1x16xf32>
      tpu.vector_store %arg8[%swap3A_518, %swap3A_519], %swap3A_522 {strides = array<i32>} : memref<1600x32xf32, #tpu.memory_space<vmem>>, vector<1x16xf32>,
      %add3A_523 = arith.constant 800 : i32
      %add3A_524 = arith.addi %add3A_523, %scan3A_428 : i32
      %get3A_525 = arith.index_cast %add3A_524 : i32 to index
      %get3A_526 = arith.constant 0 : index
      %get3A_527 = tpu.vector_load %arg8[%get3A_525, %get3A_526] {strides = array<i32>} : memref<1600x32xf32, #tpu.memory_space<vmem>>, vector<1x16xf32>,
      %get3A_528 = vector.shape_cast %get3A_527 : vector<1x16xf32> to vector<16xf32>
      %add3A_529 = arith.addf %get3A_528, %get3A_431 : vector<16xf32>
      %swap3A_530 = arith.index_cast %add3A_524 : i32 to index
      %swap3A_531 = arith.constant 0 : index
      %swap3A_532 = tpu.vector_load %arg8[%swap3A_530, %swap3A_531] {strides = array<i32>} : memref<1600x32xf32, #tpu.memory_space<vmem>>, vector<1x16xf32>,
      %swap3A_533 = vector.shape_cast %swap3A_532 : vector<1x16xf32> to vector<16xf32>
      %swap3A_534 = vector.shape_cast %add3A_529 : vector<16xf32> to vector<1x16xf32>
      tpu.vector_store %arg8[%swap3A_530, %swap3A_531], %swap3A_534 {strides = array<i32>} : memref<1600x32xf32, #tpu.memory_space<vmem>>, vector<1x16xf32>,
      %get3A_535 = arith.index_cast %add3A_524 : i32 to index
      %get3A_536 = arith.constant 16 : index
      %get3A_537 = tpu.vector_load %arg8[%get3A_535, %get3A_536] {strides = array<i32>} : memref<1600x32xf32, #tpu.memory_space<vmem>>, vector<1x16xf32>,
      %get3A_538 = vector.shape_cast %get3A_537 : vector<1x16xf32> to vector<16xf32>
      %add3A_539 = arith.addf %get3A_538, %get3A_435 : vector<16xf32>
      %swap3A_540 = arith.index_cast %add3A_524 : i32 to index
      %swap3A_541 = arith.constant 16 : index
      %swap3A_542 = tpu.vector_load %arg8[%swap3A_540, %swap3A_541] {strides = array<i32>} : memref<1600x32xf32, #tpu.memory_space<vmem>>, vector<1x16xf32>,
      %swap3A_543 = vector.shape_cast %swap3A_542 : vector<1x16xf32> to vector<16xf32>
      %swap3A_544 = vector.shape_cast %add3A_539 : vector<16xf32> to vector<1x16xf32>
      tpu.vector_store %arg8[%swap3A_540, %swap3A_541], %swap3A_544 {strides = array<i32>} : memref<1600x32xf32, #tpu.memory_space<vmem>>, vector<1x16xf32>,
      %add3A_545 = arith.constant 1000 : i32
      %add3A_546 = arith.addi %add3A_545, %scan3A_428 : i32
      %get3A_547 = arith.index_cast %add3A_546 : i32 to index
      %get3A_548 = arith.constant 0 : index
      %get3A_549 = tpu.vector_load %arg8[%get3A_547, %get3A_548] {strides = array<i32>} : memref<1600x32xf32, #tpu.memory_space<vmem>>, vector<1x16xf32>,
      %get3A_550 = vector.shape_cast %get3A_549 : vector<1x16xf32> to vector<16xf32>
      %add3A_551 = arith.addf %get3A_550, %get3A_431 : vector<16xf32>
      %swap3A_552 = arith.index_cast %add3A_546 : i32 to index
      %swap3A_553 = arith.constant 0 : index
      %swap3A_554 = tpu.vector_load %arg8[%swap3A_552, %swap3A_553] {strides = array<i32>} : memref<1600x32xf32, #tpu.memory_space<vmem>>, vector<1x16xf32>,
      %swap3A_555 = vector.shape_cast %swap3A_554 : vector<1x16xf32> to vector<16xf32>
      %swap3A_556 = vector.shape_cast %add3A_551 : vector<16xf32> to vector<1x16xf32>
      tpu.vector_store %arg8[%swap3A_552, %swap3A_553], %swap3A_556 {strides = array<i32>} : memref<1600x32xf32, #tpu.memory_space<vmem>>, vector<1x16xf32>,
      %get3A_557 = arith.index_cast %add3A_546 : i32 to index
      %get3A_558 = arith.constant 16 : index
      %get3A_559 = tpu.vector_load %arg8[%get3A_557, %get3A_558] {strides = array<i32>} : memref<1600x32xf32, #tpu.memory_space<vmem>>, vector<1x16xf32>,
      %get3A_560 = vector.shape_cast %get3A_559 : vector<1x16xf32> to vector<16xf32>
      %add3A_561 = arith.addf %get3A_560, %get3A_435 : vector<16xf32>
      %swap3A_562 = arith.index_cast %add3A_546 : i32 to index
      %swap3A_563 = arith.constant 16 : index
      %swap3A_564 = tpu.vector_load %arg8[%swap3A_562, %swap3A_563] {strides = array<i32>} : memref<1600x32xf32, #tpu.memory_space<vmem>>, vector<1x16xf32>,
      %swap3A_565 = vector.shape_cast %swap3A_564 : vector<1x16xf32> to vector<16xf32>
      %swap3A_566 = vector.shape_cast %add3A_561 : vector<16xf32> to vector<1x16xf32>
      tpu.vector_store %arg8[%swap3A_562, %swap3A_563], %swap3A_566 {strides = array<i32>} : memref<1600x32xf32, #tpu.memory_space<vmem>>, vector<1x16xf32>,
      %add3A_567 = arith.constant 1200 : i32
      %add3A_568 = arith.addi %add3A_567, %scan3A_428 : i32
      %get3A_569 = arith.index_cast %add3A_568 : i32 to index
      %get3A_570 = arith.constant 0 : index
      %get3A_571 = tpu.vector_load %arg8[%get3A_569, %get3A_570] {strides = array<i32>} : memref<1600x32xf32, #tpu.memory_space<vmem>>, vector<1x16xf32>,
      %get3A_572 = vector.shape_cast %get3A_571 : vector<1x16xf32> to vector<16xf32>
      %add3A_573 = arith.addf %get3A_572, %get3A_431 : vector<16xf32>
      %swap3A_574 = arith.index_cast %add3A_568 : i32 to index
      %swap3A_575 = arith.constant 0 : index
      %swap3A_576 = tpu.vector_load %arg8[%swap3A_574, %swap3A_575] {strides = array<i32>} : memref<1600x32xf32, #tpu.memory_space<vmem>>, vector<1x16xf32>,
      %swap3A_577 = vector.shape_cast %swap3A_576 : vector<1x16xf32> to vector<16xf32>
      %swap3A_578 = vector.shape_cast %add3A_573 : vector<16xf32> to vector<1x16xf32>
      tpu.vector_store %arg8[%swap3A_574, %swap3A_575], %swap3A_578 {strides = array<i32>} : memref<1600x32xf32, #tpu.memory_space<vmem>>, vector<1x16xf32>,
      %get3A_579 = arith.index_cast %add3A_568 : i32 to index
      %get3A_580 = arith.constant 16 : index
      %get3A_581 = tpu.vector_load %arg8[%get3A_579, %get3A_580] {strides = array<i32>} : memref<1600x32xf32, #tpu.memory_space<vmem>>, vector<1x16xf32>,
      %get3A_582 = vector.shape_cast %get3A_581 : vector<1x16xf32> to vector<16xf32>
      %add3A_583 = arith.addf %get3A_582, %get3A_435 : vector<16xf32>
      %swap3A_584 = arith.index_cast %add3A_568 : i32 to index
      %swap3A_585 = arith.constant 16 : index
      %swap3A_586 = tpu.vector_load %arg8[%swap3A_584, %swap3A_585] {strides = array<i32>} : memref<1600x32xf32, #tpu.memory_space<vmem>>, vector<1x16xf32>,
      %swap3A_587 = vector.shape_cast %swap3A_586 : vector<1x16xf32> to vector<16xf32>
      %swap3A_588 = vector.shape_cast %add3A_583 : vector<16xf32> to vector<1x16xf32>
      tpu.vector_store %arg8[%swap3A_584, %swap3A_585], %swap3A_588 {strides = array<i32>} : memref<1600x32xf32, #tpu.memory_space<vmem>>, vector<1x16xf32>,
      %add3A_589 = arith.constant 1400 : i32
      %add3A_590 = arith.addi %add3A_589, %scan3A_428 : i32
      %get3A_591 = arith.index_cast %add3A_590 : i32 to index
      %get3A_592 = arith.constant 0 : index
      %get3A_593 = tpu.vector_load %arg8[%get3A_591, %get3A_592] {strides = array<i32>} : memref<1600x32xf32, #tpu.memory_space<vmem>>, vector<1x16xf32>,
      %get3A_594 = vector.shape_cast %get3A_593 : vector<1x16xf32> to vector<16xf32>
      %add3A_595 = arith.addf %get3A_594, %get3A_431 : vector<16xf32>
      %swap3A_596 = arith.index_cast %add3A_590 : i32 to index
      %swap3A_597 = arith.constant 0 : index
      %swap3A_598 = tpu.vector_load %arg8[%swap3A_596, %swap3A_597] {strides = array<i32>} : memref<1600x32xf32, #tpu.memory_space<vmem>>, vector<1x16xf32>,
      %swap3A_599 = vector.shape_cast %swap3A_598 : vector<1x16xf32> to vector<16xf32>
      %swap3A_600 = vector.shape_cast %add3A_595 : vector<16xf32> to vector<1x16xf32>
      tpu.vector_store %arg8[%swap3A_596, %swap3A_597], %swap3A_600 {strides = array<i32>} : memref<1600x32xf32, #tpu.memory_space<vmem>>, vector<1x16xf32>,
      %get3A_601 = arith.index_cast %add3A_590 : i32 to index
      %get3A_602 = arith.constant 16 : index
      %get3A_603 = tpu.vector_load %arg8[%get3A_601, %get3A_602] {strides = array<i32>} : memref<1600x32xf32, #tpu.memory_space<vmem>>, vector<1x16xf32>,
      %get3A_604 = vector.shape_cast %get3A_603 : vector<1x16xf32> to vector<16xf32>
      %add3A_605 = arith.addf %get3A_604, %get3A_435 : vector<16xf32>
      %swap3A_606 = arith.index_cast %add3A_590 : i32 to index
      %swap3A_607 = arith.constant 16 : index
      %swap3A_608 = tpu.vector_load %arg8[%swap3A_606, %swap3A_607] {strides = array<i32>} : memref<1600x32xf32, #tpu.memory_space<vmem>>, vector<1x16xf32>,
      %swap3A_609 = vector.shape_cast %swap3A_608 : vector<1x16xf32> to vector<16xf32>
      %swap3A_610 = vector.shape_cast %add3A_605 : vector<16xf32> to vector<1x16xf32>
      tpu.vector_store %arg8[%swap3A_606, %swap3A_607], %swap3A_610 {strides = array<i32>} : memref<1600x32xf32, #tpu.memory_space<vmem>>, vector<1x16xf32>,
    }
    %scan3A_399 = arith.constant 200 : i32
    %add3A_400 = arith.constant 22400 : i32
    %add3A_401 = arith.addi %mul3A_2, %add3A_400 : i32
    %dma_start3A_402 = arith.constant 0 : i32
    %dma_start3A_403 = tpu.memref_slice %arg5[%add3A_401, %dma_start3A_402] : memref<819200x32xf32, #tpu.memory_space<hbm>> -> memref<1600x32xf32, #tpu.memory_space<hbm>>
    %dma_start3A_404 = arith.constant 0 : i32
    %dma_start3A_405 = tpu.memref_slice %arg5[%add3A_401, %dma_start3A_404] : memref<819200x32xf32, #tpu.memory_space<hbm>> -> memref<1600x32xf32, #tpu.memory_space<hbm>>
    tpu.enqueue_dma source(%arg8 : memref<1600x32xf32, #tpu.memory_space<vmem>>) target(%dma_start3A_405 : memref<1600x32xf32, #tpu.memory_space<hbm>>) target_semaphore(%arg15 : memref<!tpu.dma_semaphore, #tpu.memory_space<semaphore_mem>>)
    %dma_wait3A_406 = arith.constant 0 : i32
    %dma_wait3A_407 = arith.constant 0 : i32
    %dma_wait3A_408 = tpu.memref_slice %arg3[%dma_wait3A_406, %dma_wait3A_407] : memref<1000000x32xf32, #tpu.memory_space<hbm>> -> memref<1000000x32xf32, #tpu.memory_space<hbm>>
    tpu.wait_indirect_dma semaphore(%arg14 : memref<!tpu.dma_semaphore, #tpu.memory_space<semaphore_mem>>) src(%dma_wait3A_408 : memref<1000000x32xf32, #tpu.memory_space<hbm>>) dst(%arg9 : memref<1600x32xf32, #tpu.memory_space<vmem>>)
    %scan3A_409 = arith.constant 0 : i32
    %scan3A_410 = arith.constant 200 : i32
    %scan3A_411 = arith.addi %scan3A_409, %scan3A_410 : i32
    %scan3A_412 = arith.constant 1 : i32
    scf.for %scan3A_428 = %scan3A_409 to %scan3A_411 step %scan3A_412  : i32 {
      %get3A = arith.index_cast %scan3A_428 : i32 to index
      %get3A_429 = arith.constant 0 : index
      %get3A_430 = tpu.vector_load %arg10[%get3A, %get3A_429] {strides = array<i32>} : memref<200x32xf32, #tpu.memory_space<vmem>>, vector<1x16xf32>,
      %get3A_431 = vector.shape_cast %get3A_430 : vector<1x16xf32> to vector<16xf32>
      %get3A_432 = arith.index_cast %scan3A_428 : i32 to index
      %get3A_433 = arith.constant 16 : index
      %get3A_434 = tpu.vector_load %arg10[%get3A_432, %get3A_433] {strides = array<i32>} : memref<200x32xf32, #tpu.memory_space<vmem>>, vector<1x16xf32>,
      %get3A_435 = vector.shape_cast %get3A_434 : vector<1x16xf32> to vector<16xf32>
      %add3A_436 = arith.constant 0 : i32
      %add3A_437 = arith.addi %add3A_436, %scan3A_428 : i32
      %get3A_438 = arith.index_cast %add3A_437 : i32 to index
      %get3A_439 = arith.constant 0 : index
      %get3A_440 = tpu.vector_load %arg9[%get3A_438, %get3A_439] {strides = array<i32>} : memref<1600x32xf32, #tpu.memory_space<vmem>>, vector<1x16xf32>,
      %get3A_441 = vector.shape_cast %get3A_440 : vector<1x16xf32> to vector<16xf32>
      %add3A_442 = arith.addf %get3A_441, %get3A_431 : vector<16xf32>
      %swap3A = arith.index_cast %add3A_437 : i32 to index
      %swap3A_443 = arith.constant 0 : index
      %swap3A_444 = tpu.vector_load %arg9[%swap3A, %swap3A_443] {strides = array<i32>} : memref<1600x32xf32, #tpu.memory_space<vmem>>, vector<1x16xf32>,
      %swap3A_445 = vector.shape_cast %swap3A_444 : vector<1x16xf32> to vector<16xf32>
      %swap3A_446 = vector.shape_cast %add3A_442 : vector<16xf32> to vector<1x16xf32>
      tpu.vector_store %arg9[%swap3A, %swap3A_443], %swap3A_446 {strides = array<i32>} : memref<1600x32xf32, #tpu.memory_space<vmem>>, vector<1x16xf32>,
      %get3A_447 = arith.index_cast %add3A_437 : i32 to index
      %get3A_448 = arith.constant 16 : index
      %get3A_449 = tpu.vector_load %arg9[%get3A_447, %get3A_448] {strides = array<i32>} : memref<1600x32xf32, #tpu.memory_space<vmem>>, vector<1x16xf32>,
      %get3A_450 = vector.shape_cast %get3A_449 : vector<1x16xf32> to vector<16xf32>
      %add3A_451 = arith.addf %get3A_450, %get3A_435 : vector<16xf32>
      %swap3A_452 = arith.index_cast %add3A_437 : i32 to index
      %swap3A_453 = arith.constant 16 : index
      %swap3A_454 = tpu.vector_load %arg9[%swap3A_452, %swap3A_453] {strides = array<i32>} : memref<1600x32xf32, #tpu.memory_space<vmem>>, vector<1x16xf32>,
      %swap3A_455 = vector.shape_cast %swap3A_454 : vector<1x16xf32> to vector<16xf32>
      %swap3A_456 = vector.shape_cast %add3A_451 : vector<16xf32> to vector<1x16xf32>
      tpu.vector_store %arg9[%swap3A_452, %swap3A_453], %swap3A_456 {strides = array<i32>} : memref<1600x32xf32, #tpu.memory_space<vmem>>, vector<1x16xf32>,
      %add3A_457 = arith.constant 200 : i32
      %add3A_458 = arith.addi %add3A_457, %scan3A_428 : i32
      %get3A_459 = arith.index_cast %add3A_458 : i32 to index
      %get3A_460 = arith.constant 0 : index
      %get3A_461 = tpu.vector_load %arg9[%get3A_459, %get3A_460] {strides = array<i32>} : memref<1600x32xf32, #tpu.memory_space<vmem>>, vector<1x16xf32>,
      %get3A_462 = vector.shape_cast %get3A_461 : vector<1x16xf32> to vector<16xf32>
      %add3A_463 = arith.addf %get3A_462, %get3A_431 : vector<16xf32>
      %swap3A_464 = arith.index_cast %add3A_458 : i32 to index
      %swap3A_465 = arith.constant 0 : index
      %swap3A_466 = tpu.vector_load %arg9[%swap3A_464, %swap3A_465] {strides = array<i32>} : memref<1600x32xf32, #tpu.memory_space<vmem>>, vector<1x16xf32>,
      %swap3A_467 = vector.shape_cast %swap3A_466 : vector<1x16xf32> to vector<16xf32>
      %swap3A_468 = vector.shape_cast %add3A_463 : vector<16xf32> to vector<1x16xf32>
      tpu.vector_store %arg9[%swap3A_464, %swap3A_465], %swap3A_468 {strides = array<i32>} : memref<1600x32xf32, #tpu.memory_space<vmem>>, vector<1x16xf32>,
      %get3A_469 = arith.index_cast %add3A_458 : i32 to index
      %get3A_470 = arith.constant 16 : index
      %get3A_471 = tpu.vector_load %arg9[%get3A_469, %get3A_470] {strides = array<i32>} : memref<1600x32xf32, #tpu.memory_space<vmem>>, vector<1x16xf32>,
      %get3A_472 = vector.shape_cast %get3A_471 : vector<1x16xf32> to vector<16xf32>
      %add3A_473 = arith.addf %get3A_472, %get3A_435 : vector<16xf32>
      %swap3A_474 = arith.index_cast %add3A_458 : i32 to index
      %swap3A_475 = arith.constant 16 : index
      %swap3A_476 = tpu.vector_load %arg9[%swap3A_474, %swap3A_475] {strides = array<i32>} : memref<1600x32xf32, #tpu.memory_space<vmem>>, vector<1x16xf32>,
      %swap3A_477 = vector.shape_cast %swap3A_476 : vector<1x16xf32> to vector<16xf32>
      %swap3A_478 = vector.shape_cast %add3A_473 : vector<16xf32> to vector<1x16xf32>
      tpu.vector_store %arg9[%swap3A_474, %swap3A_475], %swap3A_478 {strides = array<i32>} : memref<1600x32xf32, #tpu.memory_space<vmem>>, vector<1x16xf32>,
      %add3A_479 = arith.constant 400 : i32
      %add3A_480 = arith.addi %add3A_479, %scan3A_428 : i32
      %get3A_481 = arith.index_cast %add3A_480 : i32 to index
      %get3A_482 = arith.constant 0 : index
      %get3A_483 = tpu.vector_load %arg9[%get3A_481, %get3A_482] {strides = array<i32>} : memref<1600x32xf32, #tpu.memory_space<vmem>>, vector<1x16xf32>,
      %get3A_484 = vector.shape_cast %get3A_483 : vector<1x16xf32> to vector<16xf32>
      %add3A_485 = arith.addf %get3A_484, %get3A_431 : vector<16xf32>
      %swap3A_486 = arith.index_cast %add3A_480 : i32 to index
      %swap3A_487 = arith.constant 0 : index
      %swap3A_488 = tpu.vector_load %arg9[%swap3A_486, %swap3A_487] {strides = array<i32>} : memref<1600x32xf32, #tpu.memory_space<vmem>>, vector<1x16xf32>,
      %swap3A_489 = vector.shape_cast %swap3A_488 : vector<1x16xf32> to vector<16xf32>
      %swap3A_490 = vector.shape_cast %add3A_485 : vector<16xf32> to vector<1x16xf32>
      tpu.vector_store %arg9[%swap3A_486, %swap3A_487], %swap3A_490 {strides = array<i32>} : memref<1600x32xf32, #tpu.memory_space<vmem>>, vector<1x16xf32>,
      %get3A_491 = arith.index_cast %add3A_480 : i32 to index
      %get3A_492 = arith.constant 16 : index
      %get3A_493 = tpu.vector_load %arg9[%get3A_491, %get3A_492] {strides = array<i32>} : memref<1600x32xf32, #tpu.memory_space<vmem>>, vector<1x16xf32>,
      %get3A_494 = vector.shape_cast %get3A_493 : vector<1x16xf32> to vector<16xf32>
      %add3A_495 = arith.addf %get3A_494, %get3A_435 : vector<16xf32>
      %swap3A_496 = arith.index_cast %add3A_480 : i32 to index
      %swap3A_497 = arith.constant 16 : index
      %swap3A_498 = tpu.vector_load %arg9[%swap3A_496, %swap3A_497] {strides = array<i32>} : memref<1600x32xf32, #tpu.memory_space<vmem>>, vector<1x16xf32>,
      %swap3A_499 = vector.shape_cast %swap3A_498 : vector<1x16xf32> to vector<16xf32>
      %swap3A_500 = vector.shape_cast %add3A_495 : vector<16xf32> to vector<1x16xf32>
      tpu.vector_store %arg9[%swap3A_496, %swap3A_497], %swap3A_500 {strides = array<i32>} : memref<1600x32xf32, #tpu.memory_space<vmem>>, vector<1x16xf32>,
      %add3A_501 = arith.constant 600 : i32
      %add3A_502 = arith.addi %add3A_501, %scan3A_428 : i32
      %get3A_503 = arith.index_cast %add3A_502 : i32 to index
      %get3A_504 = arith.constant 0 : index
      %get3A_505 = tpu.vector_load %arg9[%get3A_503, %get3A_504] {strides = array<i32>} : memref<1600x32xf32, #tpu.memory_space<vmem>>, vector<1x16xf32>,
      %get3A_506 = vector.shape_cast %get3A_505 : vector<1x16xf32> to vector<16xf32>
      %add3A_507 = arith.addf %get3A_506, %get3A_431 : vector<16xf32>
      %swap3A_508 = arith.index_cast %add3A_502 : i32 to index
      %swap3A_509 = arith.constant 0 : index
      %swap3A_510 = tpu.vector_load %arg9[%swap3A_508, %swap3A_509] {strides = array<i32>} : memref<1600x32xf32, #tpu.memory_space<vmem>>, vector<1x16xf32>,
      %swap3A_511 = vector.shape_cast %swap3A_510 : vector<1x16xf32> to vector<16xf32>
      %swap3A_512 = vector.shape_cast %add3A_507 : vector<16xf32> to vector<1x16xf32>
      tpu.vector_store %arg9[%swap3A_508, %swap3A_509], %swap3A_512 {strides = array<i32>} : memref<1600x32xf32, #tpu.memory_space<vmem>>, vector<1x16xf32>,
      %get3A_513 = arith.index_cast %add3A_502 : i32 to index
      %get3A_514 = arith.constant 16 : index
      %get3A_515 = tpu.vector_load %arg9[%get3A_513, %get3A_514] {strides = array<i32>} : memref<1600x32xf32, #tpu.memory_space<vmem>>, vector<1x16xf32>,
      %get3A_516 = vector.shape_cast %get3A_515 : vector<1x16xf32> to vector<16xf32>
      %add3A_517 = arith.addf %get3A_516, %get3A_435 : vector<16xf32>
      %swap3A_518 = arith.index_cast %add3A_502 : i32 to index
      %swap3A_519 = arith.constant 16 : index
      %swap3A_520 = tpu.vector_load %arg9[%swap3A_518, %swap3A_519] {strides = array<i32>} : memref<1600x32xf32, #tpu.memory_space<vmem>>, vector<1x16xf32>,
      %swap3A_521 = vector.shape_cast %swap3A_520 : vector<1x16xf32> to vector<16xf32>
      %swap3A_522 = vector.shape_cast %add3A_517 : vector<16xf32> to vector<1x16xf32>
      tpu.vector_store %arg9[%swap3A_518, %swap3A_519], %swap3A_522 {strides = array<i32>} : memref<1600x32xf32, #tpu.memory_space<vmem>>, vector<1x16xf32>,
      %add3A_523 = arith.constant 800 : i32
      %add3A_524 = arith.addi %add3A_523, %scan3A_428 : i32
      %get3A_525 = arith.index_cast %add3A_524 : i32 to index
      %get3A_526 = arith.constant 0 : index
      %get3A_527 = tpu.vector_load %arg9[%get3A_525, %get3A_526] {strides = array<i32>} : memref<1600x32xf32, #tpu.memory_space<vmem>>, vector<1x16xf32>,
      %get3A_528 = vector.shape_cast %get3A_527 : vector<1x16xf32> to vector<16xf32>
      %add3A_529 = arith.addf %get3A_528, %get3A_431 : vector<16xf32>
      %swap3A_530 = arith.index_cast %add3A_524 : i32 to index
      %swap3A_531 = arith.constant 0 : index
      %swap3A_532 = tpu.vector_load %arg9[%swap3A_530, %swap3A_531] {strides = array<i32>} : memref<1600x32xf32, #tpu.memory_space<vmem>>, vector<1x16xf32>,
      %swap3A_533 = vector.shape_cast %swap3A_532 : vector<1x16xf32> to vector<16xf32>
      %swap3A_534 = vector.shape_cast %add3A_529 : vector<16xf32> to vector<1x16xf32>
      tpu.vector_store %arg9[%swap3A_530, %swap3A_531], %swap3A_534 {strides = array<i32>} : memref<1600x32xf32, #tpu.memory_space<vmem>>, vector<1x16xf32>,
      %get3A_535 = arith.index_cast %add3A_524 : i32 to index
      %get3A_536 = arith.constant 16 : index
      %get3A_537 = tpu.vector_load %arg9[%get3A_535, %get3A_536] {strides = array<i32>} : memref<1600x32xf32, #tpu.memory_space<vmem>>, vector<1x16xf32>,
      %get3A_538 = vector.shape_cast %get3A_537 : vector<1x16xf32> to vector<16xf32>
      %add3A_539 = arith.addf %get3A_538, %get3A_435 : vector<16xf32>
      %swap3A_540 = arith.index_cast %add3A_524 : i32 to index
      %swap3A_541 = arith.constant 16 : index
      %swap3A_542 = tpu.vector_load %arg9[%swap3A_540, %swap3A_541] {strides = array<i32>} : memref<1600x32xf32, #tpu.memory_space<vmem>>, vector<1x16xf32>,
      %swap3A_543 = vector.shape_cast %swap3A_542 : vector<1x16xf32> to vector<16xf32>
      %swap3A_544 = vector.shape_cast %add3A_539 : vector<16xf32> to vector<1x16xf32>
      tpu.vector_store %arg9[%swap3A_540, %swap3A_541], %swap3A_544 {strides = array<i32>} : memref<1600x32xf32, #tpu.memory_space<vmem>>, vector<1x16xf32>,
      %add3A_545 = arith.constant 1000 : i32
      %add3A_546 = arith.addi %add3A_545, %scan3A_428 : i32
      %get3A_547 = arith.index_cast %add3A_546 : i32 to index
      %get3A_548 = arith.constant 0 : index
      %get3A_549 = tpu.vector_load %arg9[%get3A_547, %get3A_548] {strides = array<i32>} : memref<1600x32xf32, #tpu.memory_space<vmem>>, vector<1x16xf32>,
      %get3A_550 = vector.shape_cast %get3A_549 : vector<1x16xf32> to vector<16xf32>
      %add3A_551 = arith.addf %get3A_550, %get3A_431 : vector<16xf32>
      %swap3A_552 = arith.index_cast %add3A_546 : i32 to index
      %swap3A_553 = arith.constant 0 : index
      %swap3A_554 = tpu.vector_load %arg9[%swap3A_552, %swap3A_553] {strides = array<i32>} : memref<1600x32xf32, #tpu.memory_space<vmem>>, vector<1x16xf32>,
      %swap3A_555 = vector.shape_cast %swap3A_554 : vector<1x16xf32> to vector<16xf32>
      %swap3A_556 = vector.shape_cast %add3A_551 : vector<16xf32> to vector<1x16xf32>
      tpu.vector_store %arg9[%swap3A_552, %swap3A_553], %swap3A_556 {strides = array<i32>} : memref<1600x32xf32, #tpu.memory_space<vmem>>, vector<1x16xf32>,
      %get3A_557 = arith.index_cast %add3A_546 : i32 to index
      %get3A_558 = arith.constant 16 : index
      %get3A_559 = tpu.vector_load %arg9[%get3A_557, %get3A_558] {strides = array<i32>} : memref<1600x32xf32, #tpu.memory_space<vmem>>, vector<1x16xf32>,
      %get3A_560 = vector.shape_cast %get3A_559 : vector<1x16xf32> to vector<16xf32>
      %add3A_561 = arith.addf %get3A_560, %get3A_435 : vector<16xf32>
      %swap3A_562 = arith.index_cast %add3A_546 : i32 to index
      %swap3A_563 = arith.constant 16 : index
      %swap3A_564 = tpu.vector_load %arg9[%swap3A_562, %swap3A_563] {strides = array<i32>} : memref<1600x32xf32, #tpu.memory_space<vmem>>, vector<1x16xf32>,
      %swap3A_565 = vector.shape_cast %swap3A_564 : vector<1x16xf32> to vector<16xf32>
      %swap3A_566 = vector.shape_cast %add3A_561 : vector<16xf32> to vector<1x16xf32>
      tpu.vector_store %arg9[%swap3A_562, %swap3A_563], %swap3A_566 {strides = array<i32>} : memref<1600x32xf32, #tpu.memory_space<vmem>>, vector<1x16xf32>,
      %add3A_567 = arith.constant 1200 : i32
      %add3A_568 = arith.addi %add3A_567, %scan3A_428 : i32
      %get3A_569 = arith.index_cast %add3A_568 : i32 to index
      %get3A_570 = arith.constant 0 : index
      %get3A_571 = tpu.vector_load %arg9[%get3A_569, %get3A_570] {strides = array<i32>} : memref<1600x32xf32, #tpu.memory_space<vmem>>, vector<1x16xf32>,
      %get3A_572 = vector.shape_cast %get3A_571 : vector<1x16xf32> to vector<16xf32>
      %add3A_573 = arith.addf %get3A_572, %get3A_431 : vector<16xf32>
      %swap3A_574 = arith.index_cast %add3A_568 : i32 to index
      %swap3A_575 = arith.constant 0 : index
      %swap3A_576 = tpu.vector_load %arg9[%swap3A_574, %swap3A_575] {strides = array<i32>} : memref<1600x32xf32, #tpu.memory_space<vmem>>, vector<1x16xf32>,
      %swap3A_577 = vector.shape_cast %swap3A_576 : vector<1x16xf32> to vector<16xf32>
      %swap3A_578 = vector.shape_cast %add3A_573 : vector<16xf32> to vector<1x16xf32>
      tpu.vector_store %arg9[%swap3A_574, %swap3A_575], %swap3A_578 {strides = array<i32>} : memref<1600x32xf32, #tpu.memory_space<vmem>>, vector<1x16xf32>,
      %get3A_579 = arith.index_cast %add3A_568 : i32 to index
      %get3A_580 = arith.constant 16 : index
      %get3A_581 = tpu.vector_load %arg9[%get3A_579, %get3A_580] {strides = array<i32>} : memref<1600x32xf32, #tpu.memory_space<vmem>>, vector<1x16xf32>,
      %get3A_582 = vector.shape_cast %get3A_581 : vector<1x16xf32> to vector<16xf32>
      %add3A_583 = arith.addf %get3A_582, %get3A_435 : vector<16xf32>
      %swap3A_584 = arith.index_cast %add3A_568 : i32 to index
      %swap3A_585 = arith.constant 16 : index
      %swap3A_586 = tpu.vector_load %arg9[%swap3A_584, %swap3A_585] {strides = array<i32>} : memref<1600x32xf32, #tpu.memory_space<vmem>>, vector<1x16xf32>,
      %swap3A_587 = vector.shape_cast %swap3A_586 : vector<1x16xf32> to vector<16xf32>
      %swap3A_588 = vector.shape_cast %add3A_583 : vector<16xf32> to vector<1x16xf32>
      tpu.vector_store %arg9[%swap3A_584, %swap3A_585], %swap3A_588 {strides = array<i32>} : memref<1600x32xf32, #tpu.memory_space<vmem>>, vector<1x16xf32>,
      %add3A_589 = arith.constant 1400 : i32
      %add3A_590 = arith.addi %add3A_589, %scan3A_428 : i32
      %get3A_591 = arith.index_cast %add3A_590 : i32 to index
      %get3A_592 = arith.constant 0 : index
      %get3A_593 = tpu.vector_load %arg9[%get3A_591, %get3A_592] {strides = array<i32>} : memref<1600x32xf32, #tpu.memory_space<vmem>>, vector<1x16xf32>,
      %get3A_594 = vector.shape_cast %get3A_593 : vector<1x16xf32> to vector<16xf32>
      %add3A_595 = arith.addf %get3A_594, %get3A_431 : vector<16xf32>
      %swap3A_596 = arith.index_cast %add3A_590 : i32 to index
      %swap3A_597 = arith.constant 0 : index
      %swap3A_598 = tpu.vector_load %arg9[%swap3A_596, %swap3A_597] {strides = array<i32>} : memref<1600x32xf32, #tpu.memory_space<vmem>>, vector<1x16xf32>,
      %swap3A_599 = vector.shape_cast %swap3A_598 : vector<1x16xf32> to vector<16xf32>
      %swap3A_600 = vector.shape_cast %add3A_595 : vector<16xf32> to vector<1x16xf32>
      tpu.vector_store %arg9[%swap3A_596, %swap3A_597], %swap3A_600 {strides = array<i32>} : memref<1600x32xf32, #tpu.memory_space<vmem>>, vector<1x16xf32>,
      %get3A_601 = arith.index_cast %add3A_590 : i32 to index
      %get3A_602 = arith.constant 16 : index
      %get3A_603 = tpu.vector_load %arg9[%get3A_601, %get3A_602] {strides = array<i32>} : memref<1600x32xf32, #tpu.memory_space<vmem>>, vector<1x16xf32>,
      %get3A_604 = vector.shape_cast %get3A_603 : vector<1x16xf32> to vector<16xf32>
      %add3A_605 = arith.addf %get3A_604, %get3A_435 : vector<16xf32>
      %swap3A_606 = arith.index_cast %add3A_590 : i32 to index
      %swap3A_607 = arith.constant 16 : index
      %swap3A_608 = tpu.vector_load %arg9[%swap3A_606, %swap3A_607] {strides = array<i32>} : memref<1600x32xf32, #tpu.memory_space<vmem>>, vector<1x16xf32>,
      %swap3A_609 = vector.shape_cast %swap3A_608 : vector<1x16xf32> to vector<16xf32>
      %swap3A_610 = vector.shape_cast %add3A_605 : vector<16xf32> to vector<1x16xf32>
      tpu.vector_store %arg9[%swap3A_606, %swap3A_607], %swap3A_610 {strides = array<i32>} : memref<1600x32xf32, #tpu.memory_space<vmem>>, vector<1x16xf32>,
    }
    %scan3A_413 = arith.constant 200 : i32
    %add3A_414 = arith.constant 24000 : i32
    %add3A_415 = arith.addi %mul3A_2, %add3A_414 : i32
    %dma_start3A_416 = arith.constant 0 : i32
    %dma_start3A_417 = tpu.memref_slice %arg5[%add3A_415, %dma_start3A_416] : memref<819200x32xf32, #tpu.memory_space<hbm>> -> memref<1600x32xf32, #tpu.memory_space<hbm>>
    %dma_start3A_418 = arith.constant 0 : i32
    %dma_start3A_419 = tpu.memref_slice %arg5[%add3A_415, %dma_start3A_418] : memref<819200x32xf32, #tpu.memory_space<hbm>> -> memref<1600x32xf32, #tpu.memory_space<hbm>>
    tpu.enqueue_dma source(%arg9 : memref<1600x32xf32, #tpu.memory_space<vmem>>) target(%dma_start3A_419 : memref<1600x32xf32, #tpu.memory_space<hbm>>) target_semaphore(%arg16 : memref<!tpu.dma_semaphore, #tpu.memory_space<semaphore_mem>>)
    %dma_wait3A_420 = arith.constant 0 : i32
    %dma_wait3A_421 = tpu.memref_slice %arg5[%add3A_401, %dma_wait3A_420] : memref<819200x32xf32, #tpu.memory_space<hbm>> -> memref<1600x32xf32, #tpu.memory_space<hbm>>
    %dma_wait3A_422 = arith.constant 0 : i32
    %dma_wait3A_423 = tpu.memref_slice %arg5[%add3A_401, %dma_wait3A_422] : memref<819200x32xf32, #tpu.memory_space<hbm>> -> memref<1600x32xf32, #tpu.memory_space<hbm>>
    tpu.wait_dma2 semaphore(%arg15 : memref<!tpu.dma_semaphore, #tpu.memory_space<semaphore_mem>>) src(%arg8 : memref<1600x32xf32, #tpu.memory_space<vmem>>) dst(%dma_wait3A_423 : memref<1600x32xf32, #tpu.memory_space<hbm>>)
    %dma_wait3A_424 = arith.constant 0 : i32
    %dma_wait3A_425 = tpu.memref_slice %arg5[%add3A_415, %dma_wait3A_424] : memref<819200x32xf32, #tpu.memory_space<hbm>> -> memref<1600x32xf32, #tpu.memory_space<hbm>>
    %dma_wait3A_426 = arith.constant 0 : i32
    %dma_wait3A_427 = tpu.memref_slice %arg5[%add3A_415, %dma_wait3A_426] : memref<819200x32xf32, #tpu.memory_space<hbm>> -> memref<1600x32xf32, #tpu.memory_space<hbm>>
    tpu.wait_dma2 semaphore(%arg16 : memref<!tpu.dma_semaphore, #tpu.memory_space<semaphore_mem>>) src(%arg9 : memref<1600x32xf32, #tpu.memory_space<vmem>>) dst(%dma_wait3A_427 : memref<1600x32xf32, #tpu.memory_space<hbm>>)
    return
  }
}

</mosaic_0001>

<sc_bundles>
// kernel: _run.3.cloned.1.call-start
scs
__scs_entry_jumppad:
0x0: {  	(pc) =	sbr.rel $0x88, $3  }
0x1: {  	(tag) =	ssettag $0x0;
	lr =	simm.s32 $0x1  }
0x2: {  	[smem:$0x3F9E] =	sst lr;
	_ =	strace $0xD0000000  }
0x3: {  	_ = 	snop  }
0x4: {  	_ = 	snop  }
0x5: {  	_ = 	snop  }
0x6: {  	_ = 	snop  }
0x7: {  	_ = 	snop  }
__scs_overlays_trampoline_lowered:
0x8: {  	[smem:$0x3FAD] =	sst s0  }
0x9: {  	[smem:$0x3FAE] =	sst s1  }
0xa: {  	[smem:$0x3FAF] =	sst s2  }
0xb: {  	[smem:$0x3FB0] =	sst s3  }
0xc: {  	[smem:$0x3FB1] =	sst s4  }
0xd: {  	[smem:$0x3FB2] =	sst s5  }
0xe: {  	[smem:$0x3FB3] =	sst s6  }
0xf: {  	[smem:$0x3FB4] =	sst s7  }
0x10: {  	[smem:$0x3FB5] =	sst s8  }
0x11: {  	[smem:$0x3FB6] =	sst s9;
	s0 =	simm.s32 @!p0 $0x0  }
0x12: {  	s1 =	sld [smem:$0x3F9C];
	s0 =	simm.s32 @p0 $0x1  }
0x13: {  	[smem:$0x3FB7] =	sst s0;
	s0 =	simm.s32 @!p1 $0x0  }
0x14: {  	s2 =	sld [smem:$0x3F9B];
	s0 =	simm.s32 @p1 $0x1  }
0x15: {  	[smem:$0x3FB8] =	sst s0;
	s0 =	simm.s32 @!p2 $0x0  }
0x16: {  	s3 =	sld [smem:$0x3FDB];
	s0 =	simm.s32 @p2 $0x1  }
0x17: {  	s4 =	simm.s32 $0x1BF5;
	[smem:$0x3FBA] =	sst s0  }
0x18: {  	s0 =	sld [smem:$0x3F9D];
	_ =	swait.ge [sflag:s4], $0x0  }
0x19: {  	s7 =	sld [smem:$0x3F9E]  }
0x1a: {  	s8 =	sadd.s32 $0xFFFFE003, lr  }
0x1b: {  	s9 =	sadd.s32 $0xFFFFFEF7, lr;
	s5 =	simm.s32 $0xFFFFFFFF;
	p2 =	slt.u32 s8, $0xFFFFF086  }
0x1c: {  	p1 =	slt.u32 s9, $0xF7A;
	s5 =	simm.s32 @!p2 $0x0  }
0x1d: {  	s5 =	simm.s32 @p1 $0x1;
	p0 =	seq.s32 s7, s2  }
0x1e: {  	s7 =	smul.u32 @!p0 $0xF7A, s2;
	p2 =	seq.s32 @!p0 s5, $0x0  }
0x1f: {  	s9 =	smul.u32 $0xF7A, s1;
	s8 =	simm.s32 @!p0 $0x1BF5;
	p2 =	por !p2, p0  }
0x20: {  	[sflag:s8] =	ssyncset.s32 @!p0 $0xFFFFF086;
	s6 =	sadd.s32 @!p0 s3, s7;
	s7 =	simm.s32 @!p0 $0x108  }
0x21: {  	s3 =	sadd.s32 s3, s9;
	s6 =	sadd.s32 @!p0 $0x88, s6;
	s7 =	simm.s32 @p2 $0x1082  }
0x22: {  	[simem:s7], [sflag:s8] =	dma.local @!p0 [hbm:s6], $0xF7A  }
0x23: {  	s9 =	sor.u32 $0xD0000000, s2;
	s6 =	simm.s32 $0x108;
	_ =	swait.ge @!p0 [sflag:s8], $0x0  }
0x24: {  	s3 =	sadd.s32 $0x88, s3;
	s6 =	simm.s32 @!p1 $0x1082;
	[sflag:s4] =	ssyncset.s32 $0xFFFFF086  }
0x25: {  	[simem:s6], [sflag:s4] =	dma.local [hbm:s3], $0xF7A  }
0x26: {  	[smem:$0x3F9E] =	sst s1;
	(tag) =	ssettag s2;
	_ =	strace s9  }
0x27: {  	s1 =	sld [smem:$0x3FAE]  }
0x28: {  	s2 =	sld [smem:$0x3FAF]  }
0x29: {  	s4 =	sld [smem:$0x3FB1]  }
0x2a: {  	p0 =	seq.s32 s5, $0x0;
	s5 =	sld [smem:$0x3FB2]  }
0x2b: {  	s6 =	sld [smem:$0x3FB3]  }
0x2c: {  	s7 =	sld [smem:$0x3FB4]  }
0x2d: {  	s3 =	simm.s32 $0x108;
	s8 =	sld [smem:$0x3FB5]  }
0x2e: {  	s3 =	simm.s32 @!p0 $0x1082;
	s9 =	sld [smem:$0x3FB6]  }
0x2f: {  	lr =	sadd.s32 s0, s3;
	s0 =	sld [smem:$0x3FAD]  }
0x30: {  	s3 =	sld [smem:$0x3FB0]  }
0x31: {  	[smem:$0x3FB9] =	sst s10  }
0x32: {  	s10 =	sld [smem:$0x3FB7];
	_ =	sdelay $0x3  }
0x33: {  	p0 =	seq.s32 s10, $0x1;
	s10 =	sld [smem:$0x3FB9];
	_ =	sdelay $0x3  }
0x34: {  	[smem:$0x3FB9] =	sst s10  }
0x35: {  	s10 =	sld [smem:$0x3FB8];
	_ =	sdelay $0x3  }
0x36: {  	p1 =	seq.s32 s10, $0x1;
	s10 =	sld [smem:$0x3FB9];
	_ =	sdelay $0x3  }
0x37: {  	[smem:$0x3FB9] =	sst s10  }
0x38: {  	s10 =	sld [smem:$0x3FBA]  }
0x39: {  	_ = 	snop;
	(pc) =	sbr.ind lr, $3  }
0x3a: {  	_ = 	snop  }
0x3b: {  	_ = 	snop  }
0x3c: {  	p2 =	seq.s32 s10, $0x1;
	s10 =	sld [smem:$0x3FB9]  }
0x3d: {  	_ =	shalt  }
0x3e: {  	_ =	shalt  }
0x3f: {  	_ =	shalt  }
0x40: {  	_ =	shalt  }
0x41: {  	_ =	shalt  }
0x42: {  	_ =	shalt  }
0x43: {  	_ =	shalt  }
0x44: {  	_ =	shalt  }
0x45: {  	_ =	shalt  }
0x46: {  	_ =	shalt  }
0x47: {  	_ =	shalt  }
0x48: {  	_ =	shalt  }
0x49: {  	_ =	shalt  }
0x4a: {  	_ =	shalt  }
0x4b: {  	_ =	shalt  }
0x4c: {  	_ =	shalt  }
0x4d: {  	_ =	shalt  }
0x4e: {  	_ =	shalt  }
0x4f: {  	_ =	shalt  }
0x50: {  	_ =	shalt  }
0x51: {  	_ =	shalt  }
0x52: {  	_ =	shalt  }
0x53: {  	_ =	shalt  }
0x54: {  	_ =	shalt  }
0x55: {  	_ =	shalt  }
0x56: {  	_ =	shalt  }
0x57: {  	_ =	shalt  }
0x58: {  	_ =	shalt  }
0x59: {  	_ =	shalt  }
0x5a: {  	_ =	shalt  }
0x5b: {  	_ =	shalt  }
0x5c: {  	_ =	shalt  }
0x5d: {  	_ =	shalt  }
0x5e: {  	_ =	shalt  }
0x5f: {  	_ =	shalt  }
0x60: {  	_ =	shalt  }
0x61: {  	_ =	shalt  }
0x62: {  	_ =	shalt  }
0x63: {  	_ =	shalt  }
0x64: {  	_ =	shalt  }
0x65: {  	_ =	shalt  }
0x66: {  	_ =	shalt  }
0x67: {  	_ =	shalt  }
0x68: {  	_ =	shalt  }
0x69: {  	_ =	shalt  }
0x6a: {  	_ =	shalt  }
0x6b: {  	_ =	shalt  }
0x6c: {  	_ =	shalt  }
0x6d: {  	_ =	shalt  }
0x6e: {  	_ =	shalt  }
0x6f: {  	_ =	shalt  }
0x70: {  	_ =	shalt  }
0x71: {  	_ =	shalt  }
0x72: {  	_ =	shalt  }
0x73: {  	_ =	shalt  }
0x74: {  	_ =	shalt  }
0x75: {  	_ =	shalt  }
0x76: {  	_ =	shalt  }
0x77: {  	_ =	shalt  }
0x78: {  	_ =	shalt  }
0x79: {  	_ =	shalt  }
0x7a: {  	_ =	shalt  }
0x7b: {  	_ =	shalt  }
0x7c: {  	_ =	shalt  }
0x7d: {  	_ =	shalt  }
0x7e: {  	_ =	shalt  }
0x7f: {  	_ =	shalt  }
0x80: {  	_ =	shalt  }
0x81: {  	_ =	shalt  }
0x82: {  	_ =	shalt  }
0x83: {  	_ =	shalt  }
0x84: {  	_ =	shalt  }
0x85: {  	_ =	shalt  }
0x86: {  	_ =	shalt  }
0x87: {  	_ =	shalt  }
.Lfunc_end0:
.L_simem_size_0:
called_computation.1_lowered:
.L_overlay_start_0:
0x88: {  	s2 =	sld [smem:$0x3FD9]  }
0x89: {  	s3 =	sld [smem:$0x3FFE];
	_ =	sdelay $0x1  }
0x8a: {  	s1 =	srdreg.scid  }
0x8b: {  	s0 =	sand.u32 $0x1, s1  }
0x8c: {  	s17 =	sshll.u32 s0, $0xA;
	s2 =	sadd.s32 s3, s2  }
0x8d: {  	s2 =	sadd.s32 s2, s17  }
0x8e: {  	[smem:$0x3FC5] =	sst s2  }
0x8f: {  	_ = 	snop  }
0x90: {  	s2 =	sld [smem:$0x3FC9]  }
0x91: {  	s18 =	sld [smem:$0x3FD0];
	(tm) =	ssettm $0x1  }
0x92: {  	s4 =	sld [smem:$0x3FFB];
	_ =	sdelay $0x3  }
0x93: {  	_ =	strace s4  }
0x94: {  	s4 =	sld [smem:$0x3FFC];
	_ =	sdelay $0x3  }
0x95: {  	_ =	strace s4  }
0x96: {  	s4 =	sld [smem:$0x3FFD];
	_ =	sdelay $0x3  }
0x97: {  	_ =	strace s4  }
0x98: {  	_ =	strace $0x8FFFFFFF  }
0x99: {  	s19 =	sld [smem:$0x3FDB];
	_ =	sdelay $0x1  }
0x9a: {  	s5 =	simm.s32 $_scs_section_size  }
0x9b: {  	s6 =	simm.s32 $_size__tile_overlayer_lowered;
	s7 =	simm.s32 $_tile_overlayer_lowered  }
0x9c: {  	s22 =	simm.s32 $0x1BFF;
	s21 =	sshll.u32 s7, $0x1;
	s4 =	sadd.s32 s5, s19  }
0x9d: {  	s8 =	simm.s32 $0x0;
	s20 =	sshll.u32 s6, $0x1;
	s6 =	sadd.s32 s21, s4  }
0x9e: {  	[timem:s8], [sflag:s22] =	dma.local [hbm:s6], s20  }
0x9f: {  	_ =	swait.ge [sflag:s22], s20  }
0xa0: {  	s5 =	ssub.s32 $0x0, s20;
	[sflag:s22] =	ssyncset.done $0x0  }
0xa1: {  	[sflag:s22] =	ssyncadd.s32 s5;
	_ =	sdelay $0x1  }
0xa2: {  	s23 =	simm.s32 $0x1B8B  }
0xa3: {  	_ =	swait.ge [sflag:s23], $0x1  }
0xa4: {  	[sflag:s23] =	ssyncset.done $0x0  }
0xa5: {  	s25 =	simm.s32 $0x1B8E;
	s24 =	sld [smem:$0x3FFE];
	[sflag:s23] =	ssyncadd.s32 $0xFFFFFFFF  }
0xa6: {  	s26 =	simm.s32 $execute0_lowered;
	[smem:$0x3FD2] =	sst s25  }
0xa7: {  	s6 =	sshll.u32 s26, $0x1;
	_ =	strace $0x80000046;
	[dreg:$0x1] =	wrdreg $0xFFFFFFFF  }
0xa8: {  	s28 =	simm.s32 $_size_execute0_lowered;
	s4 =	sadd.s32 s4, s6;
	[dreg:$0x0] =	wrdreg $0x0  }
0xa9: {  	s6 =	sshll.u32 s28, $0x1;
	[dreg:$0x2] =	wrdreg s4  }
0xaa: {  	[dreg:$0x3] =	wrdreg s6  }
0xab: {  	[dreg:$0x4] =	wrdreg $0xC0  }
0xac: {  	_ =	task [dreg:s8], $0x5FFFF  }
0xad: {  	[dreg:$0x1] =	wrdreg $0xFFFFFFFF  }
0xae: {  	[dreg:$0x0] =	wrdreg $0x60  }
0xaf: {  	[dreg:$0x2] =	wrdreg s2  }
0xb0: {  	[dreg:$0x3] =	wrdreg s24  }
0xb1: {  	[dreg:$0x4] =	wrdreg s18  }
0xb2: {  	[dreg:$0x5] =	wrdreg $0x9  }
0xb3: {  	_ =	task.clear_ibuf [dreg:s8], $0x6FFFF;
	_ =	strace $0x90000046  }
0xb4: {  	s29 =	simm.s32 $0x9;
	_ =	strace $0x80000048  }
0xb5: {  	_ =	swait.ge [sflag:s29], $0x1  }
0xb6: {  	[sflag:s29] =	ssyncadd.s32 $0xFFFFFFFF  }
0xb7: {  	_ =	strace $0x90000048  }
0xb8: {  	_ =	sfence  }
0xb9: {  	s30 =	sld [smem:$0x0];
	_ =	sdelay $0x2  }
0xba: {  	s31 =	sshll.u32 s1, $0xD;
	s1 =	sshrl.u32 s1, $0x2  }
0xbb: {  	s3 =	sand.u32 $0x4000, s31;
	s1 =	sadd.s32 s1, s30  }
0xbc: {  	s0 =	sor.u32 s3, s0;
	s1 =	sshll.u32 s1, $0x11  }
0xbd: {  	s0 =	sor.u32 s1, s0  }
0xbe: {  	s0 =	sadd.s32 $0x8F2B, s0  }
0xbf: {  	[sflag:s0] =	ssyncadd.remote.s32 $0x1  }
0xc0: {  	_ =	sfence.sel $0xFFFF  }
0xc1: {  	[dreg:$0x0] =	wrdreg $0xFFFFFFFF;
	(pc) =	sbr.abs _section_cstart, $3  }
0xc2: {  	[dreg:$0x1] =	wrdreg $0xFFFFFFFF  }
0xc3: {  	_ =	task.clear_ibuf [dreg:s8], $0x2FFFF;
	_ =	strace $0x9FFFFFFF  }
0xc4: {  	(tm) =	ssettm $0x7FFFFFFF  }
0xc5: {  	_ =	shalt  }
tec
execute0_lowered:
.L_overlay_start_1:
0x0: {  	(tag) =	ssettag $0x1  }
0x1: {  	s0 =	srdreg.scid;
	s1 =	stileid.u32  }
0x2: {  	s0 =	sand.u32 $0x1, s0;
	s1 =	sshll.u32 s1, $0x1  }
0x3: {  	s2 =	rddreg [dreg:$0x0];
	s3 =	sor.u32 s0, s1;
	s0 =	ssub.s32 $0x2, s0  }
0x4: {  	s1 =	simm.s32 $0x0;
	s4 =	smul.u32 $0x6400, s3;
	s5 =	sshrl.u32 s0, $0x1  }
0x5: {  	[smem:$0x7FF] =	sst s1;
	s26 =	smul.u32 $0x19000, s3;
	s6 =	ssub.s32 s0, s5  }
0x6: {  	s23 =	sshrl.u32 s4, $0x3;
	s5 =	sadd.s32 $0x640, s4;
	s7 =	sadd.s32 $0xC80, s4  }
0x7: {  	s8 =	sadd.s32 $0x12C0, s4;
	s9 =	sadd.s32 $0x1F40, s4;
	s12 =	sadd.s32 $0x2580, s4  }
0x8: {  	s6 =	smax.u32 s6, $0x1;
	s0 =	sadd.s32 s2, s23;
	s24 =	sshrl.u32 s5, $0x3  }
0x9: {  	s25 =	sshrl.u32 s7, $0x3;
	s15 =	sshrl.u32 s8, $0x3;
	s11 =	sshrl.u32 s9, $0x3  }
0xa: {  	s17 =	sshrl.u32 s12, $0x3;
	[dreg:$0x4] =	wrdreg s0;
	s0 =	sadd.s32 s2, s24  }
0xb: {  	s3 =	sadd.s32 s2, s15;
	s24 =	sshll.u32 s5, $0x2;
	s5 =	rddreg [dreg:$0x2]  }
0xc: {  	s16 =	sadd.s32 s2, s11;
	s11 =	sadd.s32 $0x3200, s4;
	[dreg:$0x5] =	wrdreg s0  }
0xd: {  	s15 =	sadd.s32 $0x3840, s4;
	s0 =	sadd.s32 s2, s25;
	[dreg:$0x7] =	wrdreg s3  }
0xe: {  	s3 =	sadd.s32 $0x1900, s4;
	[dreg:$0x9] =	wrdreg s16;
	s14 =	sshrl.u32 s11, $0x3  }
0xf: {  	s19 =	sshrl.u32 s15, $0x3;
	s25 =	sadd.s32 s5, s24;
	s11 =	sshll.u32 s11, $0x2  }
0x10: {  	[dreg:$0x6] =	wrdreg s0;
	s10 =	sshrl.u32 s3, $0x3;
	s18 =	sadd.s32 s2, s14  }
0x11: {  	s14 =	sadd.s32 $0x44C0, s4;
	s0 =	sadd.s32 s5, s26;
	[dreg:$0x15] =	wrdreg s25  }
0x12: {  	s26 =	sshll.u32 s7, $0x2;
	s7 =	sshll.u32 s3, $0x2;
	[dreg:$0xc] =	wrdreg s18  }
0x13: {  	s10 =	sadd.s32 s2, s10;
	s18 =	sadd.s32 $0x4B00, s4;
	[dreg:$0x14] =	wrdreg s0  }
0x14: {  	s0 =	sadd.s32 s5, s26;
	s26 =	sadd.s32 s5, s11;
	s11 =	simm.s32 $0xD480  }
0x15: {  	[dreg:$0x8] =	wrdreg s10;
	s10 =	sadd.s32 s2, s17;
	s17 =	sshrl.u32 s14, $0x3  }
0x16: {  	s21 =	sshrl.u32 s18, $0x3;
	[dreg:$0x16] =	wrdreg s0;
	s14 =	sshll.u32 s14, $0x2  }
0x17: {  	[dreg:$0xa] =	wrdreg s10;
	s10 =	sadd.s32 $0x2BC0, s4;
	s20 =	sadd.s32 s2, s17  }
0x18: {  	s17 =	sadd.s32 $0x5780, s4;
	s30 =	sadd.s32 s5, s14;
	s14 =	simm.s32 $0x5  }
0x19: {  	s13 =	sshrl.u32 s10, $0x3;
	[dreg:$0xf] =	wrdreg s20;
	s20 =	sshrl.u32 s17, $0x3  }
0x1a: {  	s10 =	sshll.u32 s10, $0x2;
	s13 =	sadd.s32 s2, s13;
	s22 =	sadd.s32 s2, s20  }
0x1b: {  	s25 =	sadd.s32 s5, s10;
	[dreg:$0xb] =	wrdreg s13;
	s13 =	sadd.s32 s2, s19  }
0x1c: {  	s10 =	simm.s32 $0x2;
	[dreg:$0xd] =	wrdreg s13;
	s13 =	sadd.s32 $0x3E80, s4  }
0x1d: {  	[dreg:$0x12] =	wrdreg s22;
	s22 =	sadd.s32 s5, s7;
	s16 =	sshrl.u32 s13, $0x3  }
0x1e: {  	s7 =	simm.s32 $0x7;
	s13 =	sshll.u32 s13, $0x2;
	s16 =	sadd.s32 s2, s16  }
0x1f: {  	s29 =	sadd.s32 s5, s13;
	[dreg:$0xe] =	wrdreg s16;
	s16 =	sadd.s32 s2, s21  }
0x20: {  	[dreg:$0x10] =	wrdreg s16;
	s16 =	sadd.s32 $0x5140, s4;
	s4 =	sadd.s32 $0x5DC0, s4  }
0x21: {  	s13 =	simm.s32 $0x1;
	s19 =	sshrl.u32 s16, $0x3;
	s23 =	sshrl.u32 s4, $0x3  }
0x22: {  	s16 =	sshll.u32 s16, $0x2;
	s20 =	sshll.u32 s4, $0x2;
	s19 =	sadd.s32 s2, s19  }
0x23: {  	s2 =	sadd.s32 s2, s23;
	s0 =	sadd.s32 s5, s16;
	[dreg:$0x11] =	wrdreg s19  }
0x24: {  	s3 =	sadd.s32 s5, s20;
	s16 =	simm.s32 $0x6;
	[dreg:$0x13] =	wrdreg s2  }
0x25: {  	s2 =	sshll.u32 s8, $0x2;
	s8 =	sshll.u32 s9, $0x2;
	s9 =	sshll.u32 s12, $0x2  }
0x26: {  	s12 =	sshll.u32 s15, $0x2;
	s15 =	sshll.u32 s18, $0x2;
	s18 =	rddreg [dreg:$0x1]  }
0x27: {  	s19 =	sshll.u32 s17, $0x2;
	s17 =	simm.s32 $0x0;
	s21 =	sadd.s32 s5, s2  }
0x28: {  	s23 =	sadd.s32 s5, s8;
	s24 =	sadd.s32 s5, s9;
	s28 =	sadd.s32 s5, s12  }
0x29: {  	s31 =	sadd.s32 s5, s15;
	s2 =	sadd.s32 s5, s19;
	_ =	strace $0x80000047  }
0x2a: {  	s4 =	sadd.s32 $0xF42E00, s18;
	s5 =	sadd.s32 $0xA00, s18;
	s8 =	simm.s32 $0x640  }
0x2b: {  	s9 =	simm.s32 $0xC80;
	s12 =	simm.s32 $0x3;
	s15 =	simm.s32 $0x4  }
.LBB2_1:
0x2c: {  	s18 =	simm.s32 $0x19C80  }
0x2d: {  	[tilespmem:s18], [sflag:$0x7] =	stream.linear.gather [hbm4b:s5+s1], $0x1900, $0x38;
	[tilespmem:$0x1B580] =	vst v63  }
0x2e: {  	_ =	swait.ge [sflag:s7], $0x1900  }
0x2f: {  	[sflag:s7] =	ssyncset.done $0x0  }
0x30: {  	s20 =	rddreg [dreg:$0x4];
	[sflag:s7] =	ssyncadd.s32 $0xFFFFE700  }
0x31: {  	[tilespmem:s1], [sflag:$0x7] =	stream.linear.gather [hbm4b:s20+s1], $0x640, $0x38;
	[tilespmem:$0x1B580] =	vst v63  }
0x32: {  	_ =	swait.ge [sflag:s7], $0x640  }
0x33: {  	[sflag:s7] =	ssyncset.done $0x0  }
0x34: {  	[sflag:s7] =	ssyncadd.s32 $0xFFFFF9C0  }
0x35: {  	[tilespmem:s9], [sflag:$0x3] =	stream.indirect.gather [hbm4b:s4+s8], $0x20, s1, s8, $0xb8;
	[tilespmem:$0x1B580] =	vst v63  }
0x36: {  	s19 =	rddreg [dreg:$0x5]  }
0x37: {  	[tilespmem:s8], [sflag:$0x2] =	stream.linear.gather [hbm4b:s19+s1], $0x640, $0x38;
	[tilespmem:$0x1B580] =	vst v63  }
0x38: {  	_ =	swait.ge [sflag:s10], $0x640  }
0x39: {  	[sflag:s10] =	ssyncset.done $0x0  }
0x3a: {  	[sflag:s10] =	ssyncadd.s32 $0xFFFFF9C0  }
0x3b: {  	[tilespmem:s11], [sflag:$0x4] =	stream.indirect.gather [hbm4b:s4+s8], $0x20, s8, s8, $0xb8;
	[tilespmem:$0x1B580] =	vst v63  }
0x3c: {  	_ =	swait.ge [sflag:s12], $0xC800  }
0x3d: {  	[sflag:s12] =	ssyncset.done $0x0  }
0x3e: {  	s18 =	simm.s32 $0x0;
	s20 =	rddreg [dreg:$0x6];
	[sflag:s12] =	ssyncadd.s32 $0xFFFF3800  }
0x3f: {  	[tilespmem:s1], [sflag:$0x1] =	stream.linear.gather [hbm4b:s20+s1], $0x640, $0x38;
	[tilespmem:$0x1B580] =	vst v63  }
0x40: {  	v1 =	vld [tilespmem:s18+$0x19C80]  }
0x41: {  	v0 =	vld [tilespmem:s18+$0x19C90]  }
0x42: {  	v2 =	vld [tilespmem:s18+$0xC80]  }
0x43: {  	v3 =	vld [tilespmem:s18+$0xC90]  }
0x44: {  	v4 =	vld [tilespmem:s18+$0x2580]  }
0x45: {  	v5 =	vld [tilespmem:s18+$0x2590]  }
0x46: {  	v6 =	vld [tilespmem:s18+$0x3E80]  }
0x47: {  	v7 =	vld [tilespmem:s18+$0x3E90];
	v2 =	vadd.f32 v2, v1  }
0x48: {  	v8 =	vld [tilespmem:s18+$0x5780];
	v3 =	vadd.f32 v3, v0  }
0x49: {  	v9 =	vld [tilespmem:s18+$0x5790];
	[tilespmem:s18+$0xC80] =	vst v2;
	v2 =	vadd.f32 v4, v1  }
0x4a: {  	v10 =	vld [tilespmem:s18+$0x7080];
	[tilespmem:s18+$0xC90] =	vst v3;
	v3 =	vadd.f32 v5, v0  }
0x4b: {  	v11 =	vld [tilespmem:s18+$0x7090];
	[tilespmem:s18+$0x2580] =	vst v2;
	v2 =	vadd.f32 v6, v1  }
0x4c: {  	v4 =	vadd.f32 v7, v0;
	[tilespmem:s18+$0x2590] =	vst v3;
	v3 =	vld [tilespmem:s18+$0x8980]  }
0x4d: {  	v5 =	vadd.f32 v8, v1;
	[tilespmem:s18+$0x3E80] =	vst v2;
	v2 =	vld [tilespmem:s18+$0x8990]  }
0x4e: {  	[tilespmem:s18+$0x3E90] =	vst v4;
	v4 =	vld [tilespmem:s18+$0xA280];
	v6 =	vadd.f32 v9, v0  }
0x4f: {  	v8 =	vadd.f32 v10, v1;
	[tilespmem:s18+$0x5780] =	vst v5;
	v5 =	vld [tilespmem:s18+$0xA290]  }
0x50: {  	s19 =	simm.s32 $0x80;
	v7 =	vadd.f32 v11, v0;
	[tilespmem:s18+$0x5790] =	vst v6;
	v6 =	vld [tilespmem:s18+$0xBB80]  }
.LBB2_2:
0x51: {  	s20 =	sshra.s32 s19, $0x2;
	p0 =	sne.s32 s19, $0x6380;
	[tilespmem:s18+$0x7080] =	vst v8;
	v3 =	vadd.f32 v3, v1;
	v8 =	vld [tilespmem:s18+$0xBB90]  }
0x52: {  	v9 =	vld [tilespmem:s20+$0x19C80];
	[tilespmem:s18+$0x7090] =	vst v7;
	v2 =	vadd.f32 v2, v0  }
0x53: {  	v7 =	vld [tilespmem:s20+$0x19C90];
	[tilespmem:s18+$0x8980] =	vst v3;
	v3 =	vadd.f32 v4, v1  }
0x54: {  	v4 =	vld [tilespmem:s20+$0xC80];
	[tilespmem:s18+$0x8990] =	vst v2;
	v2 =	vadd.f32 v5, v0  }
0x55: {  	v5 =	vld [tilespmem:s20+$0xC90];
	[tilespmem:s18+$0xA280] =	vst v3;
	v6 =	vadd.f32 v6, v1  }
0x56: {  	v3 =	vld [tilespmem:s20+$0x2580];
	[tilespmem:s18+$0xA290] =	vst v2;
	v8 =	vadd.f32 v8, v0  }
0x57: {  	v2 =	vld [tilespmem:s20+$0x2590];
	[tilespmem:s18+$0xBB80] =	vst v6;
	v1 =	vmov v9  }
0x58: {  	v6 =	vld [tilespmem:s20+$0x3E80];
	[tilespmem:s18+$0xBB90] =	vst v8;
	v0 =	vmov v7;
	s18 =	smov.u32 s20  }
0x59: {  	v4 =	vadd.f32 v4, v1;
	v7 =	vld [tilespmem:s18+$0x3E90]  }
0x5a: {  	v5 =	vadd.f32 v5, v0;
	v8 =	vld [tilespmem:s18+$0x5780]  }
0x5b: {  	[tilespmem:s18+$0xC80] =	vst v4;
	v3 =	vadd.f32 v3, v1;
	v4 =	vld [tilespmem:s18+$0x5790]  }
0x5c: {  	[tilespmem:s18+$0xC90] =	vst v5;
	v2 =	vadd.f32 v2, v0;
	v5 =	vld [tilespmem:s18+$0x7080]  }
0x5d: {  	[tilespmem:s18+$0x2580] =	vst v3;
	v6 =	vadd.f32 v6, v1;
	v9 =	vld [tilespmem:s18+$0x7090]  }
.Ltmp0:
0x5e: {  	[tilespmem:s18+$0x2590] =	vst v2;
	v7 =	vadd.f32 v7, v0;
	v3 =	vld [tilespmem:s18+$0x8980];
	(pc) =	sbr.rel @p0 .LBB2_2-.Ltmp0, $4  }
0x5f: {  	[tilespmem:s18+$0x3E80] =	vst v6;
	v6 =	vadd.f32 v8, v1;
	v2 =	vld [tilespmem:s18+$0x8990]  }
0x60: {  	[tilespmem:s18+$0x3E90] =	vst v7;
	v7 =	vadd.f32 v4, v0;
	v4 =	vld [tilespmem:s18+$0xA280]  }
0x61: {  	[tilespmem:s18+$0x5780] =	vst v6;
	v8 =	vadd.f32 v5, v1;
	v5 =	vld [tilespmem:s18+$0xA290]  }
0x62: {  	s19 =	sadd.s32 $0x80, s19;
	[tilespmem:s18+$0x5790] =	vst v7;
	v7 =	vadd.f32 v9, v0;
	v6 =	vld [tilespmem:s18+$0xBB80]  }
0x63: {  	[tilespmem:s18+$0x7080] =	vst v8;
	v3 =	vadd.f32 v3, v1;
	v8 =	vld [tilespmem:s18+$0xBB90]  }
0x64: {  	[tilespmem:s18+$0x7090] =	vst v7;
	v2 =	vadd.f32 v2, v0  }
0x65: {  	[tilespmem:s18+$0x8980] =	vst v3;
	v3 =	vadd.f32 v4, v1  }
0x66: {  	[tilespmem:s18+$0x8990] =	vst v2;
	v2 =	vadd.f32 v5, v0  }
0x67: {  	[tilespmem:s18+$0xA280] =	vst v3;
	v1 =	vadd.f32 v6, v1  }
0x68: {  	[tilespmem:s18+$0xA290] =	vst v2;
	v0 =	vadd.f32 v8, v0  }
0x69: {  	[tilespmem:s18+$0xBB80] =	vst v1  }
0x6a: {  	s19 =	rddreg [dreg:$0x14];
	[tilespmem:s18+$0xBB90] =	vst v0;
	s18 =	simm.s32 $0x0  }
0x6b: {  	[hbm4b:s19+s18] =	stream.linear.scatter [tilespmem:s9], [sflag:$0x5], $0xC800, $0x38;
	[tilespmem:$0x1B580] =	vst v63  }
0x6c: {  	_ =	swait.ge [sflag:s13], $0x640  }
0x6d: {  	[sflag:s13] =	ssyncset.done $0x0  }
0x6e: {  	[sflag:s13] =	ssyncadd.s32 $0xFFFFF9C0  }
0x6f: {  	_ =	swait.ge [sflag:s14], $0xC800  }
0x70: {  	[sflag:s14] =	ssyncset.done $0x0  }
0x71: {  	[sflag:s14] =	ssyncadd.s32 $0xFFFF3800  }
0x72: {  	[tilespmem:s9], [sflag:$0x3] =	stream.indirect.gather [hbm4b:s4+s8], $0x20, s18, s8, $0xb8;
	[tilespmem:$0x1B580] =	vst v63  }
0x73: {  	_ =	swait.ge [sflag:s15], $0xC800  }
0x74: {  	[sflag:s15] =	ssyncset.done $0x0  }
0x75: {  	s20 =	rddreg [dreg:$0x7];
	[sflag:s15] =	ssyncadd.s32 $0xFFFF3800  }
0x76: {  	[tilespmem:s8], [sflag:$0x2] =	stream.linear.gather [hbm4b:s20+s18], $0x640, $0x38;
	[tilespmem:$0x1B580] =	vst v63  }
0x77: {  	s18 =	simm.s32 $0x0  }
0x78: {  	v1 =	vld [tilespmem:s18+$0x19C80]  }
0x79: {  	v0 =	vld [tilespmem:s18+$0x19C90]  }
0x7a: {  	v2 =	vld [tilespmem:s18+$0xD480]  }
0x7b: {  	v3 =	vld [tilespmem:s18+$0xD490]  }
0x7c: {  	v4 =	vld [tilespmem:s18+$0xED80]  }
0x7d: {  	v5 =	vld [tilespmem:s18+$0xED90]  }
0x7e: {  	v6 =	vld [tilespmem:s18+$0x10680]  }
0x7f: {  	v7 =	vld [tilespmem:s18+$0x10690];
	v2 =	vadd.f32 v2, v1  }
0x80: {  	v8 =	vld [tilespmem:s18+$0x11F80];
	v3 =	vadd.f32 v3, v0  }
0x81: {  	v9 =	vld [tilespmem:s18+$0x11F90];
	[tilespmem:s18+$0xD480] =	vst v2;
	v2 =	vadd.f32 v4, v1  }
0x82: {  	v10 =	vld [tilespmem:s18+$0x13880];
	[tilespmem:s18+$0xD490] =	vst v3;
	v3 =	vadd.f32 v5, v0  }
0x83: {  	v11 =	vld [tilespmem:s18+$0x13890];
	[tilespmem:s18+$0xED80] =	vst v2;
	v2 =	vadd.f32 v6, v1  }
0x84: {  	v4 =	vadd.f32 v7, v0;
	[tilespmem:s18+$0xED90] =	vst v3;
	v3 =	vld [tilespmem:s18+$0x15180]  }
0x85: {  	v5 =	vadd.f32 v8, v1;
	[tilespmem:s18+$0x10680] =	vst v2;
	v2 =	vld [tilespmem:s18+$0x15190]  }
0x86: {  	[tilespmem:s18+$0x10690] =	vst v4;
	v4 =	vld [tilespmem:s18+$0x16A80];
	v6 =	vadd.f32 v9, v0  }
0x87: {  	v8 =	vadd.f32 v10, v1;
	[tilespmem:s18+$0x11F80] =	vst v5;
	v5 =	vld [tilespmem:s18+$0x16A90]  }
0x88: {  	s19 =	simm.s32 $0x80;
	v7 =	vadd.f32 v11, v0;
	[tilespmem:s18+$0x11F90] =	vst v6;
	v6 =	vld [tilespmem:s18+$0x18380]  }
.LBB2_4:
0x89: {  	s20 =	sshra.s32 s19, $0x2;
	p0 =	sne.s32 s19, $0x6380;
	[tilespmem:s18+$0x13880] =	vst v8;
	v3 =	vadd.f32 v3, v1;
	v8 =	vld [tilespmem:s18+$0x18390]  }
0x8a: {  	v9 =	vld [tilespmem:s20+$0x19C80];
	[tilespmem:s18+$0x13890] =	vst v7;
	v2 =	vadd.f32 v2, v0  }
0x8b: {  	v7 =	vld [tilespmem:s20+$0x19C90];
	[tilespmem:s18+$0x15180] =	vst v3;
	v3 =	vadd.f32 v4, v1  }
0x8c: {  	v4 =	vld [tilespmem:s20+$0xD480];
	[tilespmem:s18+$0x15190] =	vst v2;
	v2 =	vadd.f32 v5, v0  }
0x8d: {  	v5 =	vld [tilespmem:s20+$0xD490];
	[tilespmem:s18+$0x16A80] =	vst v3;
	v6 =	vadd.f32 v6, v1  }
0x8e: {  	v3 =	vld [tilespmem:s20+$0xED80];
	[tilespmem:s18+$0x16A90] =	vst v2;
	v8 =	vadd.f32 v8, v0  }
0x8f: {  	v2 =	vld [tilespmem:s20+$0xED90];
	[tilespmem:s18+$0x18380] =	vst v6;
	v1 =	vmov v9  }
0x90: {  	v6 =	vld [tilespmem:s20+$0x10680];
	[tilespmem:s18+$0x18390] =	vst v8;
	v0 =	vmov v7;
	s18 =	smov.u32 s20  }
0x91: {  	v4 =	vadd.f32 v4, v1;
	v7 =	vld [tilespmem:s18+$0x10690]  }
0x92: {  	v5 =	vadd.f32 v5, v0;
	v8 =	vld [tilespmem:s18+$0x11F80]  }
0x93: {  	[tilespmem:s18+$0xD480] =	vst v4;
	v3 =	vadd.f32 v3, v1;
	v4 =	vld [tilespmem:s18+$0x11F90]  }
0x94: {  	[tilespmem:s18+$0xD490] =	vst v5;
	v2 =	vadd.f32 v2, v0;
	v5 =	vld [tilespmem:s18+$0x13880]  }
0x95: {  	[tilespmem:s18+$0xED80] =	vst v3;
	v6 =	vadd.f32 v6, v1;
	v9 =	vld [tilespmem:s18+$0x13890]  }
.Ltmp1:
0x96: {  	[tilespmem:s18+$0xED90] =	vst v2;
	v7 =	vadd.f32 v7, v0;
	v3 =	vld [tilespmem:s18+$0x15180];
	(pc) =	sbr.rel @p0 .LBB2_4-.Ltmp1, $4  }
0x97: {  	[tilespmem:s18+$0x10680] =	vst v6;
	v6 =	vadd.f32 v8, v1;
	v2 =	vld [tilespmem:s18+$0x15190]  }
0x98: {  	[tilespmem:s18+$0x10690] =	vst v7;
	v7 =	vadd.f32 v4, v0;
	v4 =	vld [tilespmem:s18+$0x16A80]  }
0x99: {  	[tilespmem:s18+$0x11F80] =	vst v6;
	v8 =	vadd.f32 v5, v1;
	v5 =	vld [tilespmem:s18+$0x16A90]  }
0x9a: {  	s19 =	sadd.s32 $0x80, s19;
	[tilespmem:s18+$0x11F90] =	vst v7;
	v7 =	vadd.f32 v9, v0;
	v6 =	vld [tilespmem:s18+$0x18380]  }
0x9b: {  	[tilespmem:s18+$0x13880] =	vst v8;
	v3 =	vadd.f32 v3, v1;
	v8 =	vld [tilespmem:s18+$0x18390]  }
0x9c: {  	[tilespmem:s18+$0x13890] =	vst v7;
	v2 =	vadd.f32 v2, v0  }
0x9d: {  	[tilespmem:s18+$0x15180] =	vst v3;
	v3 =	vadd.f32 v4, v1  }
0x9e: {  	[tilespmem:s18+$0x15190] =	vst v2;
	v2 =	vadd.f32 v5, v0  }
0x9f: {  	[tilespmem:s18+$0x16A80] =	vst v3;
	v1 =	vadd.f32 v6, v1  }
0xa0: {  	[tilespmem:s18+$0x16A90] =	vst v2;
	v0 =	vadd.f32 v8, v0  }
0xa1: {  	[tilespmem:s18+$0x18380] =	vst v1  }
0xa2: {  	s19 =	rddreg [dreg:$0x15];
	[tilespmem:s18+$0x18390] =	vst v0;
	s18 =	simm.s32 $0x0  }
0xa3: {  	[hbm4b:s19+s18] =	stream.linear.scatter [tilespmem:s11], [sflag:$0x6], $0xC800, $0x38;
	[tilespmem:$0x1B580] =	vst v63  }
0xa4: {  	_ =	swait.ge [sflag:s10], $0x640  }
0xa5: {  	[sflag:s10] =	ssyncset.done $0x0  }
0xa6: {  	[sflag:s10] =	ssyncadd.s32 $0xFFFFF9C0  }
0xa7: {  	_ =	swait.ge [sflag:s16], $0xC800  }
0xa8: {  	[sflag:s16] =	ssyncset.done $0x0  }
0xa9: {  	[sflag:s16] =	ssyncadd.s32 $0xFFFF3800  }
0xaa: {  	[tilespmem:s11], [sflag:$0x4] =	stream.indirect.gather [hbm4b:s4+s8], $0x20, s8, s8, $0xb8;
	[tilespmem:$0x1B580] =	vst v63  }
0xab: {  	_ =	swait.ge [sflag:s12], $0xC800  }
0xac: {  	[sflag:s12] =	ssyncset.done $0x0  }
0xad: {  	s20 =	rddreg [dreg:$0x8];
	[sflag:s12] =	ssyncadd.s32 $0xFFFF3800  }
0xae: {  	[tilespmem:s18], [sflag:$0x1] =	stream.linear.gather [hbm4b:s20+s18], $0x640, $0x38;
	[tilespmem:$0x1B580] =	vst v63  }
0xaf: {  	s18 =	simm.s32 $0x0  }
0xb0: {  	v1 =	vld [tilespmem:s18+$0x19C80]  }
0xb1: {  	v0 =	vld [tilespmem:s18+$0x19C90]  }
0xb2: {  	v2 =	vld [tilespmem:s18+$0xC80]  }
0xb3: {  	v3 =	vld [tilespmem:s18+$0xC90]  }
0xb4: {  	v4 =	vld [tilespmem:s18+$0x2580]  }
0xb5: {  	v5 =	vld [tilespmem:s18+$0x2590]  }
0xb6: {  	v6 =	vld [tilespmem:s18+$0x3E80]  }
0xb7: {  	v7 =	vld [tilespmem:s18+$0x3E90];
	v2 =	vadd.f32 v2, v1  }
0xb8: {  	v8 =	vld [tilespmem:s18+$0x5780];
	v3 =	vadd.f32 v3, v0  }
0xb9: {  	v9 =	vld [tilespmem:s18+$0x5790];
	[tilespmem:s18+$0xC80] =	vst v2;
	v2 =	vadd.f32 v4, v1  }
0xba: {  	v10 =	vld [tilespmem:s18+$0x7080];
	[tilespmem:s18+$0xC90] =	vst v3;
	v3 =	vadd.f32 v5, v0  }
0xbb: {  	v11 =	vld [tilespmem:s18+$0x7090];
	[tilespmem:s18+$0x2580] =	vst v2;
	v2 =	vadd.f32 v6, v1  }
0xbc: {  	v4 =	vadd.f32 v7, v0;
	[tilespmem:s18+$0x2590] =	vst v3;
	v3 =	vld [tilespmem:s18+$0x8980]  }
0xbd: {  	v5 =	vadd.f32 v8, v1;
	[tilespmem:s18+$0x3E80] =	vst v2;
	v2 =	vld [tilespmem:s18+$0x8990]  }
0xbe: {  	[tilespmem:s18+$0x3E90] =	vst v4;
	v4 =	vld [tilespmem:s18+$0xA280];
	v6 =	vadd.f32 v9, v0  }
0xbf: {  	v8 =	vadd.f32 v10, v1;
	[tilespmem:s18+$0x5780] =	vst v5;
	v5 =	vld [tilespmem:s18+$0xA290]  }
0xc0: {  	s19 =	simm.s32 $0x80;
	v7 =	vadd.f32 v11, v0;
	[tilespmem:s18+$0x5790] =	vst v6;
	v6 =	vld [tilespmem:s18+$0xBB80]  }
.LBB2_6:
0xc1: {  	s20 =	sshra.s32 s19, $0x2;
	p0 =	sne.s32 s19, $0x6380;
	[tilespmem:s18+$0x7080] =	vst v8;
	v3 =	vadd.f32 v3, v1;
	v8 =	vld [tilespmem:s18+$0xBB90]  }
0xc2: {  	v9 =	vld [tilespmem:s20+$0x19C80];
	[tilespmem:s18+$0x7090] =	vst v7;
	v2 =	vadd.f32 v2, v0  }
0xc3: {  	v7 =	vld [tilespmem:s20+$0x19C90];
	[tilespmem:s18+$0x8980] =	vst v3;
	v3 =	vadd.f32 v4, v1  }
0xc4: {  	v4 =	vld [tilespmem:s20+$0xC80];
	[tilespmem:s18+$0x8990] =	vst v2;
	v2 =	vadd.f32 v5, v0  }
0xc5: {  	v5 =	vld [tilespmem:s20+$0xC90];
	[tilespmem:s18+$0xA280] =	vst v3;
	v6 =	vadd.f32 v6, v1  }
0xc6: {  	v3 =	vld [tilespmem:s20+$0x2580];
	[tilespmem:s18+$0xA290] =	vst v2;
	v8 =	vadd.f32 v8, v0  }
0xc7: {  	v2 =	vld [tilespmem:s20+$0x2590];
	[tilespmem:s18+$0xBB80] =	vst v6;
	v1 =	vmov v9  }
0xc8: {  	v6 =	vld [tilespmem:s20+$0x3E80];
	[tilespmem:s18+$0xBB90] =	vst v8;
	v0 =	vmov v7;
	s18 =	smov.u32 s20  }
0xc9: {  	v4 =	vadd.f32 v4, v1;
	v7 =	vld [tilespmem:s18+$0x3E90]  }
0xca: {  	v5 =	vadd.f32 v5, v0;
	v8 =	vld [tilespmem:s18+$0x5780]  }
0xcb: {  	[tilespmem:s18+$0xC80] =	vst v4;
	v3 =	vadd.f32 v3, v1;
	v4 =	vld [tilespmem:s18+$0x5790]  }
0xcc: {  	[tilespmem:s18+$0xC90] =	vst v5;
	v2 =	vadd.f32 v2, v0;
	v5 =	vld [tilespmem:s18+$0x7080]  }
0xcd: {  	[tilespmem:s18+$0x2580] =	vst v3;
	v6 =	vadd.f32 v6, v1;
	v9 =	vld [tilespmem:s18+$0x7090]  }
.Ltmp2:
0xce: {  	[tilespmem:s18+$0x2590] =	vst v2;
	v7 =	vadd.f32 v7, v0;
	v3 =	vld [tilespmem:s18+$0x8980];
	(pc) =	sbr.rel @p0 .LBB2_6-.Ltmp2, $4  }
0xcf: {  	[tilespmem:s18+$0x3E80] =	vst v6;
	v6 =	vadd.f32 v8, v1;
	v2 =	vld [tilespmem:s18+$0x8990]  }
0xd0: {  	[tilespmem:s18+$0x3E90] =	vst v7;
	v7 =	vadd.f32 v4, v0;
	v4 =	vld [tilespmem:s18+$0xA280]  }
0xd1: {  	[tilespmem:s18+$0x5780] =	vst v6;
	v8 =	vadd.f32 v5, v1;
	v5 =	vld [tilespmem:s18+$0xA290]  }
0xd2: {  	s19 =	sadd.s32 $0x80, s19;
	[tilespmem:s18+$0x5790] =	vst v7;
	v7 =	vadd.f32 v9, v0;
	v6 =	vld [tilespmem:s18+$0xBB80]  }
0xd3: {  	[tilespmem:s18+$0x7080] =	vst v8;
	v3 =	vadd.f32 v3, v1;
	v8 =	vld [tilespmem:s18+$0xBB90]  }
0xd4: {  	[tilespmem:s18+$0x7090] =	vst v7;
	v2 =	vadd.f32 v2, v0  }
0xd5: {  	[tilespmem:s18+$0x8980] =	vst v3;
	v3 =	vadd.f32 v4, v1  }
0xd6: {  	[tilespmem:s18+$0x8990] =	vst v2;
	v2 =	vadd.f32 v5, v0  }
0xd7: {  	[tilespmem:s18+$0xA280] =	vst v3;
	v1 =	vadd.f32 v6, v1  }
0xd8: {  	[tilespmem:s18+$0xA290] =	vst v2;
	v0 =	vadd.f32 v8, v0  }
0xd9: {  	[tilespmem:s18+$0xBB80] =	vst v1  }
0xda: {  	s19 =	rddreg [dreg:$0x16];
	[tilespmem:s18+$0xBB90] =	vst v0;
	s18 =	simm.s32 $0x0  }
0xdb: {  	[hbm4b:s19+s18] =	stream.linear.scatter [tilespmem:s9], [sflag:$0x5], $0xC800, $0x38;
	[tilespmem:$0x1B580] =	vst v63  }
0xdc: {  	_ =	swait.ge [sflag:s13], $0x640  }
0xdd: {  	[sflag:s13] =	ssyncset.done $0x0  }
0xde: {  	[sflag:s13] =	ssyncadd.s32 $0xFFFFF9C0  }
0xdf: {  	_ =	swait.ge [sflag:s14], $0xC800  }
0xe0: {  	[sflag:s14] =	ssyncset.done $0x0  }
0xe1: {  	[sflag:s14] =	ssyncadd.s32 $0xFFFF3800  }
0xe2: {  	[tilespmem:s9], [sflag:$0x3] =	stream.indirect.gather [hbm4b:s4+s8], $0x20, s18, s8, $0xb8;
	[tilespmem:$0x1B580] =	vst v63  }
0xe3: {  	_ =	swait.ge [sflag:s15], $0xC800  }
0xe4: {  	[sflag:s15] =	ssyncset.done $0x0  }
0xe5: {  	s20 =	rddreg [dreg:$0x9];
	[sflag:s15] =	ssyncadd.s32 $0xFFFF3800  }
0xe6: {  	[tilespmem:s8], [sflag:$0x2] =	stream.linear.gather [hbm4b:s20+s18], $0x640, $0x38;
	[tilespmem:$0x1B580] =	vst v63  }
0xe7: {  	s18 =	simm.s32 $0x0  }
0xe8: {  	v1 =	vld [tilespmem:s18+$0x19C80]  }
0xe9: {  	v0 =	vld [tilespmem:s18+$0x19C90]  }
0xea: {  	v2 =	vld [tilespmem:s18+$0xD480]  }
0xeb: {  	v3 =	vld [tilespmem:s18+$0xD490]  }
0xec: {  	v4 =	vld [tilespmem:s18+$0xED80]  }
0xed: {  	v5 =	vld [tilespmem:s18+$0xED90]  }
0xee: {  	v6 =	vld [tilespmem:s18+$0x10680]  }
0xef: {  	v7 =	vld [tilespmem:s18+$0x10690];
	v2 =	vadd.f32 v2, v1  }
0xf0: {  	v8 =	vld [tilespmem:s18+$0x11F80];
	v3 =	vadd.f32 v3, v0  }
0xf1: {  	v9 =	vld [tilespmem:s18+$0x11F90];
	[tilespmem:s18+$0xD480] =	vst v2;
	v2 =	vadd.f32 v4, v1  }
0xf2: {  	v10 =	vld [tilespmem:s18+$0x13880];
	[tilespmem:s18+$0xD490] =	vst v3;
	v3 =	vadd.f32 v5, v0  }
0xf3: {  	v11 =	vld [tilespmem:s18+$0x13890];
	[tilespmem:s18+$0xED80] =	vst v2;
	v2 =	vadd.f32 v6, v1  }
0xf4: {  	v4 =	vadd.f32 v7, v0;
	[tilespmem:s18+$0xED90] =	vst v3;
	v3 =	vld [tilespmem:s18+$0x15180]  }
0xf5: {  	v5 =	vadd.f32 v8, v1;
	[tilespmem:s18+$0x10680] =	vst v2;
	v2 =	vld [tilespmem:s18+$0x15190]  }
0xf6: {  	[tilespmem:s18+$0x10690] =	vst v4;
	v4 =	vld [tilespmem:s18+$0x16A80];
	v6 =	vadd.f32 v9, v0  }
0xf7: {  	v8 =	vadd.f32 v10, v1;
	[tilespmem:s18+$0x11F80] =	vst v5;
	v5 =	vld [tilespmem:s18+$0x16A90]  }
0xf8: {  	s19 =	simm.s32 $0x80;
	v7 =	vadd.f32 v11, v0;
	[tilespmem:s18+$0x11F90] =	vst v6;
	v6 =	vld [tilespmem:s18+$0x18380]  }
.LBB2_8:
0xf9: {  	s20 =	sshra.s32 s19, $0x2;
	p0 =	sne.s32 s19, $0x6380;
	[tilespmem:s18+$0x13880] =	vst v8;
	v3 =	vadd.f32 v3, v1;
	v8 =	vld [tilespmem:s18+$0x18390]  }
0xfa: {  	v9 =	vld [tilespmem:s20+$0x19C80];
	[tilespmem:s18+$0x13890] =	vst v7;
	v2 =	vadd.f32 v2, v0  }
0xfb: {  	v7 =	vld [tilespmem:s20+$0x19C90];
	[tilespmem:s18+$0x15180] =	vst v3;
	v3 =	vadd.f32 v4, v1  }
0xfc: {  	v4 =	vld [tilespmem:s20+$0xD480];
	[tilespmem:s18+$0x15190] =	vst v2;
	v2 =	vadd.f32 v5, v0  }
0xfd: {  	v5 =	vld [tilespmem:s20+$0xD490];
	[tilespmem:s18+$0x16A80] =	vst v3;
	v6 =	vadd.f32 v6, v1  }
0xfe: {  	v3 =	vld [tilespmem:s20+$0xED80];
	[tilespmem:s18+$0x16A90] =	vst v2;
	v8 =	vadd.f32 v8, v0  }
0xff: {  	v2 =	vld [tilespmem:s20+$0xED90];
	[tilespmem:s18+$0x18380] =	vst v6;
	v1 =	vmov v9  }
0x100: {  	v6 =	vld [tilespmem:s20+$0x10680];
	[tilespmem:s18+$0x18390] =	vst v8;
	v0 =	vmov v7;
	s18 =	smov.u32 s20  }
0x101: {  	v4 =	vadd.f32 v4, v1;
	v7 =	vld [tilespmem:s18+$0x10690]  }
0x102: {  	v5 =	vadd.f32 v5, v0;
	v8 =	vld [tilespmem:s18+$0x11F80]  }
0x103: {  	[tilespmem:s18+$0xD480] =	vst v4;
	v3 =	vadd.f32 v3, v1;
	v4 =	vld [tilespmem:s18+$0x11F90]  }
0x104: {  	[tilespmem:s18+$0xD490] =	vst v5;
	v2 =	vadd.f32 v2, v0;
	v5 =	vld [tilespmem:s18+$0x13880]  }
0x105: {  	[tilespmem:s18+$0xED80] =	vst v3;
	v6 =	vadd.f32 v6, v1;
	v9 =	vld [tilespmem:s18+$0x13890]  }
.Ltmp3:
0x106: {  	[tilespmem:s18+$0xED90] =	vst v2;
	v7 =	vadd.f32 v7, v0;
	v3 =	vld [tilespmem:s18+$0x15180];
	(pc) =	sbr.rel @p0 .LBB2_8-.Ltmp3, $4  }
0x107: {  	[tilespmem:s18+$0x10680] =	vst v6;
	v6 =	vadd.f32 v8, v1;
	v2 =	vld [tilespmem:s18+$0x15190]  }
0x108: {  	[tilespmem:s18+$0x10690] =	vst v7;
	v7 =	vadd.f32 v4, v0;
	v4 =	vld [tilespmem:s18+$0x16A80]  }
0x109: {  	[tilespmem:s18+$0x11F80] =	vst v6;
	v8 =	vadd.f32 v5, v1;
	v5 =	vld [tilespmem:s18+$0x16A90]  }
0x10a: {  	s19 =	sadd.s32 $0x80, s19;
	[tilespmem:s18+$0x11F90] =	vst v7;
	v7 =	vadd.f32 v9, v0;
	v6 =	vld [tilespmem:s18+$0x18380]  }
0x10b: {  	[tilespmem:s18+$0x13880] =	vst v8;
	v3 =	vadd.f32 v3, v1;
	v8 =	vld [tilespmem:s18+$0x18390]  }
0x10c: {  	[tilespmem:s18+$0x13890] =	vst v7;
	v2 =	vadd.f32 v2, v0  }
0x10d: {  	[tilespmem:s18+$0x15180] =	vst v3;
	v3 =	vadd.f32 v4, v1  }
0x10e: {  	[tilespmem:s18+$0x15190] =	vst v2;
	v2 =	vadd.f32 v5, v0  }
0x10f: {  	[tilespmem:s18+$0x16A80] =	vst v3;
	v1 =	vadd.f32 v6, v1  }
0x110: {  	[tilespmem:s18+$0x16A90] =	vst v2;
	v0 =	vadd.f32 v8, v0  }
0x111: {  	[tilespmem:s18+$0x18380] =	vst v1  }
0x112: {  	s20 =	simm.s32 $0x0;
	[tilespmem:s18+$0x18390] =	vst v0  }
0x113: {  	[hbm4b:s21+s20] =	stream.linear.scatter [tilespmem:s11], [sflag:$0x6], $0xC800, $0x38;
	[tilespmem:$0x1B580] =	vst v63  }
0x114: {  	_ =	swait.ge [sflag:s10], $0x640  }
0x115: {  	[sflag:s10] =	ssyncset.done $0x0  }
0x116: {  	[sflag:s10] =	ssyncadd.s32 $0xFFFFF9C0  }
0x117: {  	_ =	swait.ge [sflag:s16], $0xC800  }
0x118: {  	[sflag:s16] =	ssyncset.done $0x0  }
0x119: {  	[sflag:s16] =	ssyncadd.s32 $0xFFFF3800  }
0x11a: {  	[tilespmem:s11], [sflag:$0x4] =	stream.indirect.gather [hbm4b:s4+s8], $0x20, s8, s8, $0xb8;
	[tilespmem:$0x1B580] =	vst v63  }
0x11b: {  	_ =	swait.ge [sflag:s12], $0xC800  }
0x11c: {  	[sflag:s12] =	ssyncset.done $0x0  }
0x11d: {  	s18 =	simm.s32 $0x0;
	s19 =	rddreg [dreg:$0xa];
	[sflag:s12] =	ssyncadd.s32 $0xFFFF3800  }
0x11e: {  	[tilespmem:s20], [sflag:$0x1] =	stream.linear.gather [hbm4b:s19+s20], $0x640, $0x38;
	[tilespmem:$0x1B580] =	vst v63  }
0x11f: {  	v1 =	vld [tilespmem:s18+$0x19C80]  }
0x120: {  	v0 =	vld [tilespmem:s18+$0x19C90]  }
0x121: {  	v2 =	vld [tilespmem:s18+$0xC80]  }
0x122: {  	v3 =	vld [tilespmem:s18+$0xC90]  }
0x123: {  	v4 =	vld [tilespmem:s18+$0x2580]  }
0x124: {  	v5 =	vld [tilespmem:s18+$0x2590]  }
0x125: {  	v6 =	vld [tilespmem:s18+$0x3E80]  }
0x126: {  	v7 =	vld [tilespmem:s18+$0x3E90];
	v2 =	vadd.f32 v2, v1  }
0x127: {  	v8 =	vld [tilespmem:s18+$0x5780];
	v3 =	vadd.f32 v3, v0  }
0x128: {  	v9 =	vld [tilespmem:s18+$0x5790];
	[tilespmem:s18+$0xC80] =	vst v2;
	v2 =	vadd.f32 v4, v1  }
0x129: {  	v10 =	vld [tilespmem:s18+$0x7080];
	[tilespmem:s18+$0xC90] =	vst v3;
	v3 =	vadd.f32 v5, v0  }
0x12a: {  	v11 =	vld [tilespmem:s18+$0x7090];
	[tilespmem:s18+$0x2580] =	vst v2;
	v2 =	vadd.f32 v6, v1  }
0x12b: {  	v4 =	vadd.f32 v7, v0;
	[tilespmem:s18+$0x2590] =	vst v3;
	v3 =	vld [tilespmem:s18+$0x8980]  }
0x12c: {  	v5 =	vadd.f32 v8, v1;
	[tilespmem:s18+$0x3E80] =	vst v2;
	v2 =	vld [tilespmem:s18+$0x8990]  }
0x12d: {  	[tilespmem:s18+$0x3E90] =	vst v4;
	v4 =	vld [tilespmem:s18+$0xA280];
	v6 =	vadd.f32 v9, v0  }
0x12e: {  	v8 =	vadd.f32 v10, v1;
	[tilespmem:s18+$0x5780] =	vst v5;
	v5 =	vld [tilespmem:s18+$0xA290]  }
0x12f: {  	s19 =	simm.s32 $0x80;
	v7 =	vadd.f32 v11, v0;
	[tilespmem:s18+$0x5790] =	vst v6;
	v6 =	vld [tilespmem:s18+$0xBB80]  }
.LBB2_10:
0x130: {  	s20 =	sshra.s32 s19, $0x2;
	p0 =	sne.s32 s19, $0x6380;
	[tilespmem:s18+$0x7080] =	vst v8;
	v3 =	vadd.f32 v3, v1;
	v8 =	vld [tilespmem:s18+$0xBB90]  }
0x131: {  	v9 =	vld [tilespmem:s20+$0x19C80];
	[tilespmem:s18+$0x7090] =	vst v7;
	v2 =	vadd.f32 v2, v0  }
0x132: {  	v7 =	vld [tilespmem:s20+$0x19C90];
	[tilespmem:s18+$0x8980] =	vst v3;
	v3 =	vadd.f32 v4, v1  }
0x133: {  	v4 =	vld [tilespmem:s20+$0xC80];
	[tilespmem:s18+$0x8990] =	vst v2;
	v2 =	vadd.f32 v5, v0  }
0x134: {  	v5 =	vld [tilespmem:s20+$0xC90];
	[tilespmem:s18+$0xA280] =	vst v3;
	v6 =	vadd.f32 v6, v1  }
0x135: {  	v3 =	vld [tilespmem:s20+$0x2580];
	[tilespmem:s18+$0xA290] =	vst v2;
	v8 =	vadd.f32 v8, v0  }
0x136: {  	v2 =	vld [tilespmem:s20+$0x2590];
	[tilespmem:s18+$0xBB80] =	vst v6;
	v1 =	vmov v9  }
0x137: {  	v6 =	vld [tilespmem:s20+$0x3E80];
	[tilespmem:s18+$0xBB90] =	vst v8;
	v0 =	vmov v7;
	s18 =	smov.u32 s20  }
0x138: {  	v4 =	vadd.f32 v4, v1;
	v7 =	vld [tilespmem:s18+$0x3E90]  }
0x139: {  	v5 =	vadd.f32 v5, v0;
	v8 =	vld [tilespmem:s18+$0x5780]  }
0x13a: {  	[tilespmem:s18+$0xC80] =	vst v4;
	v3 =	vadd.f32 v3, v1;
	v4 =	vld [tilespmem:s18+$0x5790]  }
0x13b: {  	[tilespmem:s18+$0xC90] =	vst v5;
	v2 =	vadd.f32 v2, v0;
	v5 =	vld [tilespmem:s18+$0x7080]  }
0x13c: {  	[tilespmem:s18+$0x2580] =	vst v3;
	v6 =	vadd.f32 v6, v1;
	v9 =	vld [tilespmem:s18+$0x7090]  }
.Ltmp4:
0x13d: {  	[tilespmem:s18+$0x2590] =	vst v2;
	v7 =	vadd.f32 v7, v0;
	v3 =	vld [tilespmem:s18+$0x8980];
	(pc) =	sbr.rel @p0 .LBB2_10-.Ltmp4, $4  }
0x13e: {  	[tilespmem:s18+$0x3E80] =	vst v6;
	v6 =	vadd.f32 v8, v1;
	v2 =	vld [tilespmem:s18+$0x8990]  }
0x13f: {  	[tilespmem:s18+$0x3E90] =	vst v7;
	v7 =	vadd.f32 v4, v0;
	v4 =	vld [tilespmem:s18+$0xA280]  }
0x140: {  	[tilespmem:s18+$0x5780] =	vst v6;
	v8 =	vadd.f32 v5, v1;
	v5 =	vld [tilespmem:s18+$0xA290]  }
0x141: {  	s19 =	sadd.s32 $0x80, s19;
	[tilespmem:s18+$0x5790] =	vst v7;
	v7 =	vadd.f32 v9, v0;
	v6 =	vld [tilespmem:s18+$0xBB80]  }
0x142: {  	[tilespmem:s18+$0x7080] =	vst v8;
	v3 =	vadd.f32 v3, v1;
	v8 =	vld [tilespmem:s18+$0xBB90]  }
0x143: {  	[tilespmem:s18+$0x7090] =	vst v7;
	v2 =	vadd.f32 v2, v0  }
0x144: {  	[tilespmem:s18+$0x8980] =	vst v3;
	v3 =	vadd.f32 v4, v1  }
0x145: {  	[tilespmem:s18+$0x8990] =	vst v2;
	v2 =	vadd.f32 v5, v0  }
0x146: {  	[tilespmem:s18+$0xA280] =	vst v3;
	v1 =	vadd.f32 v6, v1  }
0x147: {  	[tilespmem:s18+$0xA290] =	vst v2;
	v0 =	vadd.f32 v8, v0  }
0x148: {  	[tilespmem:s18+$0xBB80] =	vst v1  }
0x149: {  	s20 =	simm.s32 $0x0;
	[tilespmem:s18+$0xBB90] =	vst v0  }
0x14a: {  	[hbm4b:s22+s20] =	stream.linear.scatter [tilespmem:s9], [sflag:$0x5], $0xC800, $0x38;
	[tilespmem:$0x1B580] =	vst v63  }
0x14b: {  	_ =	swait.ge [sflag:s13], $0x640  }
0x14c: {  	[sflag:s13] =	ssyncset.done $0x0  }
0x14d: {  	[sflag:s13] =	ssyncadd.s32 $0xFFFFF9C0  }
0x14e: {  	_ =	swait.ge [sflag:s14], $0xC800  }
0x14f: {  	[sflag:s14] =	ssyncset.done $0x0  }
0x150: {  	[sflag:s14] =	ssyncadd.s32 $0xFFFF3800  }
0x151: {  	[tilespmem:s9], [sflag:$0x3] =	stream.indirect.gather [hbm4b:s4+s8], $0x20, s20, s8, $0xb8;
	[tilespmem:$0x1B580] =	vst v63  }
0x152: {  	_ =	swait.ge [sflag:s15], $0xC800  }
0x153: {  	[sflag:s15] =	ssyncset.done $0x0  }
0x154: {  	s18 =	simm.s32 $0x0;
	s19 =	rddreg [dreg:$0xb];
	[sflag:s15] =	ssyncadd.s32 $0xFFFF3800  }
0x155: {  	[tilespmem:s8], [sflag:$0x2] =	stream.linear.gather [hbm4b:s19+s20], $0x640, $0x38;
	[tilespmem:$0x1B580] =	vst v63  }
0x156: {  	v1 =	vld [tilespmem:s18+$0x19C80]  }
0x157: {  	v0 =	vld [tilespmem:s18+$0x19C90]  }
0x158: {  	v2 =	vld [tilespmem:s18+$0xD480]  }
0x159: {  	v3 =	vld [tilespmem:s18+$0xD490]  }
0x15a: {  	v4 =	vld [tilespmem:s18+$0xED80]  }
0x15b: {  	v5 =	vld [tilespmem:s18+$0xED90]  }
0x15c: {  	v6 =	vld [tilespmem:s18+$0x10680]  }
0x15d: {  	v7 =	vld [tilespmem:s18+$0x10690];
	v2 =	vadd.f32 v2, v1  }
0x15e: {  	v8 =	vld [tilespmem:s18+$0x11F80];
	v3 =	vadd.f32 v3, v0  }
0x15f: {  	v9 =	vld [tilespmem:s18+$0x11F90];
	[tilespmem:s18+$0xD480] =	vst v2;
	v2 =	vadd.f32 v4, v1  }
0x160: {  	v10 =	vld [tilespmem:s18+$0x13880];
	[tilespmem:s18+$0xD490] =	vst v3;
	v3 =	vadd.f32 v5, v0  }
0x161: {  	v11 =	vld [tilespmem:s18+$0x13890];
	[tilespmem:s18+$0xED80] =	vst v2;
	v2 =	vadd.f32 v6, v1  }
0x162: {  	v4 =	vadd.f32 v7, v0;
	[tilespmem:s18+$0xED90] =	vst v3;
	v3 =	vld [tilespmem:s18+$0x15180]  }
0x163: {  	v5 =	vadd.f32 v8, v1;
	[tilespmem:s18+$0x10680] =	vst v2;
	v2 =	vld [tilespmem:s18+$0x15190]  }
0x164: {  	[tilespmem:s18+$0x10690] =	vst v4;
	v4 =	vld [tilespmem:s18+$0x16A80];
	v6 =	vadd.f32 v9, v0  }
0x165: {  	v8 =	vadd.f32 v10, v1;
	[tilespmem:s18+$0x11F80] =	vst v5;
	v5 =	vld [tilespmem:s18+$0x16A90]  }
0x166: {  	s19 =	simm.s32 $0x80;
	v7 =	vadd.f32 v11, v0;
	[tilespmem:s18+$0x11F90] =	vst v6;
	v6 =	vld [tilespmem:s18+$0x18380]  }
.LBB2_12:
0x167: {  	s20 =	sshra.s32 s19, $0x2;
	p0 =	sne.s32 s19, $0x6380;
	[tilespmem:s18+$0x13880] =	vst v8;
	v3 =	vadd.f32 v3, v1;
	v8 =	vld [tilespmem:s18+$0x18390]  }
0x168: {  	v9 =	vld [tilespmem:s20+$0x19C80];
	[tilespmem:s18+$0x13890] =	vst v7;
	v2 =	vadd.f32 v2, v0  }
0x169: {  	v7 =	vld [tilespmem:s20+$0x19C90];
	[tilespmem:s18+$0x15180] =	vst v3;
	v3 =	vadd.f32 v4, v1  }
0x16a: {  	v4 =	vld [tilespmem:s20+$0xD480];
	[tilespmem:s18+$0x15190] =	vst v2;
	v2 =	vadd.f32 v5, v0  }
0x16b: {  	v5 =	vld [tilespmem:s20+$0xD490];
	[tilespmem:s18+$0x16A80] =	vst v3;
	v6 =	vadd.f32 v6, v1  }
0x16c: {  	v3 =	vld [tilespmem:s20+$0xED80];
	[tilespmem:s18+$0x16A90] =	vst v2;
	v8 =	vadd.f32 v8, v0  }
0x16d: {  	v2 =	vld [tilespmem:s20+$0xED90];
	[tilespmem:s18+$0x18380] =	vst v6;
	v1 =	vmov v9  }
0x16e: {  	v6 =	vld [tilespmem:s20+$0x10680];
	[tilespmem:s18+$0x18390] =	vst v8;
	v0 =	vmov v7;
	s18 =	smov.u32 s20  }
0x16f: {  	v4 =	vadd.f32 v4, v1;
	v7 =	vld [tilespmem:s18+$0x10690]  }
0x170: {  	v5 =	vadd.f32 v5, v0;
	v8 =	vld [tilespmem:s18+$0x11F80]  }
0x171: {  	[tilespmem:s18+$0xD480] =	vst v4;
	v3 =	vadd.f32 v3, v1;
	v4 =	vld [tilespmem:s18+$0x11F90]  }
0x172: {  	[tilespmem:s18+$0xD490] =	vst v5;
	v2 =	vadd.f32 v2, v0;
	v5 =	vld [tilespmem:s18+$0x13880]  }
0x173: {  	[tilespmem:s18+$0xED80] =	vst v3;
	v6 =	vadd.f32 v6, v1;
	v9 =	vld [tilespmem:s18+$0x13890]  }
.Ltmp5:
0x174: {  	[tilespmem:s18+$0xED90] =	vst v2;
	v7 =	vadd.f32 v7, v0;
	v3 =	vld [tilespmem:s18+$0x15180];
	(pc) =	sbr.rel @p0 .LBB2_12-.Ltmp5, $4  }
0x175: {  	[tilespmem:s18+$0x10680] =	vst v6;
	v6 =	vadd.f32 v8, v1;
	v2 =	vld [tilespmem:s18+$0x15190]  }
0x176: {  	[tilespmem:s18+$0x10690] =	vst v7;
	v7 =	vadd.f32 v4, v0;
	v4 =	vld [tilespmem:s18+$0x16A80]  }
0x177: {  	[tilespmem:s18+$0x11F80] =	vst v6;
	v8 =	vadd.f32 v5, v1;
	v5 =	vld [tilespmem:s18+$0x16A90]  }
0x178: {  	s19 =	sadd.s32 $0x80, s19;
	[tilespmem:s18+$0x11F90] =	vst v7;
	v7 =	vadd.f32 v9, v0;
	v6 =	vld [tilespmem:s18+$0x18380]  }
0x179: {  	[tilespmem:s18+$0x13880] =	vst v8;
	v3 =	vadd.f32 v3, v1;
	v8 =	vld [tilespmem:s18+$0x18390]  }
0x17a: {  	[tilespmem:s18+$0x13890] =	vst v7;
	v2 =	vadd.f32 v2, v0  }
0x17b: {  	[tilespmem:s18+$0x15180] =	vst v3;
	v3 =	vadd.f32 v4, v1  }
0x17c: {  	[tilespmem:s18+$0x15190] =	vst v2;
	v2 =	vadd.f32 v5, v0  }
0x17d: {  	[tilespmem:s18+$0x16A80] =	vst v3;
	v1 =	vadd.f32 v6, v1  }
0x17e: {  	[tilespmem:s18+$0x16A90] =	vst v2;
	v0 =	vadd.f32 v8, v0  }
0x17f: {  	[tilespmem:s18+$0x18380] =	vst v1  }
0x180: {  	s20 =	simm.s32 $0x0;
	[tilespmem:s18+$0x18390] =	vst v0  }
0x181: {  	[hbm4b:s23+s20] =	stream.linear.scatter [tilespmem:s11], [sflag:$0x6], $0xC800, $0x38;
	[tilespmem:$0x1B580] =	vst v63  }
0x182: {  	_ =	swait.ge [sflag:s10], $0x640  }
0x183: {  	[sflag:s10] =	ssyncset.done $0x0  }
0x184: {  	[sflag:s10] =	ssyncadd.s32 $0xFFFFF9C0  }
0x185: {  	_ =	swait.ge [sflag:s16], $0xC800  }
0x186: {  	[sflag:s16] =	ssyncset.done $0x0  }
0x187: {  	[sflag:s16] =	ssyncadd.s32 $0xFFFF3800  }
0x188: {  	[tilespmem:s11], [sflag:$0x4] =	stream.indirect.gather [hbm4b:s4+s8], $0x20, s8, s8, $0xb8;
	[tilespmem:$0x1B580] =	vst v63  }
0x189: {  	_ =	swait.ge [sflag:s12], $0xC800  }
0x18a: {  	[sflag:s12] =	ssyncset.done $0x0  }
0x18b: {  	s18 =	simm.s32 $0x0;
	s19 =	rddreg [dreg:$0xc];
	[sflag:s12] =	ssyncadd.s32 $0xFFFF3800  }
0x18c: {  	[tilespmem:s20], [sflag:$0x1] =	stream.linear.gather [hbm4b:s19+s20], $0x640, $0x38;
	[tilespmem:$0x1B580] =	vst v63  }
0x18d: {  	v1 =	vld [tilespmem:s18+$0x19C80]  }
0x18e: {  	v0 =	vld [tilespmem:s18+$0x19C90]  }
0x18f: {  	v2 =	vld [tilespmem:s18+$0xC80]  }
0x190: {  	v3 =	vld [tilespmem:s18+$0xC90]  }
0x191: {  	v4 =	vld [tilespmem:s18+$0x2580]  }
0x192: {  	v5 =	vld [tilespmem:s18+$0x2590]  }
0x193: {  	v6 =	vld [tilespmem:s18+$0x3E80]  }
0x194: {  	v7 =	vld [tilespmem:s18+$0x3E90];
	v2 =	vadd.f32 v2, v1  }
0x195: {  	v8 =	vld [tilespmem:s18+$0x5780];
	v3 =	vadd.f32 v3, v0  }
0x196: {  	v9 =	vld [tilespmem:s18+$0x5790];
	[tilespmem:s18+$0xC80] =	vst v2;
	v2 =	vadd.f32 v4, v1  }
0x197: {  	v10 =	vld [tilespmem:s18+$0x7080];
	[tilespmem:s18+$0xC90] =	vst v3;
	v3 =	vadd.f32 v5, v0  }
0x198: {  	v11 =	vld [tilespmem:s18+$0x7090];
	[tilespmem:s18+$0x2580] =	vst v2;
	v2 =	vadd.f32 v6, v1  }
0x199: {  	v4 =	vadd.f32 v7, v0;
	[tilespmem:s18+$0x2590] =	vst v3;
	v3 =	vld [tilespmem:s18+$0x8980]  }
0x19a: {  	v5 =	vadd.f32 v8, v1;
	[tilespmem:s18+$0x3E80] =	vst v2;
	v2 =	vld [tilespmem:s18+$0x8990]  }
0x19b: {  	[tilespmem:s18+$0x3E90] =	vst v4;
	v4 =	vld [tilespmem:s18+$0xA280];
	v6 =	vadd.f32 v9, v0  }
0x19c: {  	v8 =	vadd.f32 v10, v1;
	[tilespmem:s18+$0x5780] =	vst v5;
	v5 =	vld [tilespmem:s18+$0xA290]  }
0x19d: {  	s19 =	simm.s32 $0x80;
	v7 =	vadd.f32 v11, v0;
	[tilespmem:s18+$0x5790] =	vst v6;
	v6 =	vld [tilespmem:s18+$0xBB80]  }
.LBB2_14:
0x19e: {  	s20 =	sshra.s32 s19, $0x2;
	p0 =	sne.s32 s19, $0x6380;
	[tilespmem:s18+$0x7080] =	vst v8;
	v3 =	vadd.f32 v3, v1;
	v8 =	vld [tilespmem:s18+$0xBB90]  }
0x19f: {  	v9 =	vld [tilespmem:s20+$0x19C80];
	[tilespmem:s18+$0x7090] =	vst v7;
	v2 =	vadd.f32 v2, v0  }
0x1a0: {  	v7 =	vld [tilespmem:s20+$0x19C90];
	[tilespmem:s18+$0x8980] =	vst v3;
	v3 =	vadd.f32 v4, v1  }
0x1a1: {  	v4 =	vld [tilespmem:s20+$0xC80];
	[tilespmem:s18+$0x8990] =	vst v2;
	v2 =	vadd.f32 v5, v0  }
0x1a2: {  	v5 =	vld [tilespmem:s20+$0xC90];
	[tilespmem:s18+$0xA280] =	vst v3;
	v6 =	vadd.f32 v6, v1  }
0x1a3: {  	v3 =	vld [tilespmem:s20+$0x2580];
	[tilespmem:s18+$0xA290] =	vst v2;
	v8 =	vadd.f32 v8, v0  }
0x1a4: {  	v2 =	vld [tilespmem:s20+$0x2590];
	[tilespmem:s18+$0xBB80] =	vst v6;
	v1 =	vmov v9  }
0x1a5: {  	v6 =	vld [tilespmem:s20+$0x3E80];
	[tilespmem:s18+$0xBB90] =	vst v8;
	v0 =	vmov v7;
	s18 =	smov.u32 s20  }
0x1a6: {  	v4 =	vadd.f32 v4, v1;
	v7 =	vld [tilespmem:s18+$0x3E90]  }
0x1a7: {  	v5 =	vadd.f32 v5, v0;
	v8 =	vld [tilespmem:s18+$0x5780]  }
0x1a8: {  	[tilespmem:s18+$0xC80] =	vst v4;
	v3 =	vadd.f32 v3, v1;
	v4 =	vld [tilespmem:s18+$0x5790]  }
0x1a9: {  	[tilespmem:s18+$0xC90] =	vst v5;
	v2 =	vadd.f32 v2, v0;
	v5 =	vld [tilespmem:s18+$0x7080]  }
0x1aa: {  	[tilespmem:s18+$0x2580] =	vst v3;
	v6 =	vadd.f32 v6, v1;
	v9 =	vld [tilespmem:s18+$0x7090]  }
.Ltmp6:
0x1ab: {  	[tilespmem:s18+$0x2590] =	vst v2;
	v7 =	vadd.f32 v7, v0;
	v3 =	vld [tilespmem:s18+$0x8980];
	(pc) =	sbr.rel @p0 .LBB2_14-.Ltmp6, $4  }
0x1ac: {  	[tilespmem:s18+$0x3E80] =	vst v6;
	v6 =	vadd.f32 v8, v1;
	v2 =	vld [tilespmem:s18+$0x8990]  }
0x1ad: {  	[tilespmem:s18+$0x3E90] =	vst v7;
	v7 =	vadd.f32 v4, v0;
	v4 =	vld [tilespmem:s18+$0xA280]  }
0x1ae: {  	[tilespmem:s18+$0x5780] =	vst v6;
	v8 =	vadd.f32 v5, v1;
	v5 =	vld [tilespmem:s18+$0xA290]  }
0x1af: {  	s19 =	sadd.s32 $0x80, s19;
	[tilespmem:s18+$0x5790] =	vst v7;
	v7 =	vadd.f32 v9, v0;
	v6 =	vld [tilespmem:s18+$0xBB80]  }
0x1b0: {  	[tilespmem:s18+$0x7080] =	vst v8;
	v3 =	vadd.f32 v3, v1;
	v8 =	vld [tilespmem:s18+$0xBB90]  }
0x1b1: {  	[tilespmem:s18+$0x7090] =	vst v7;
	v2 =	vadd.f32 v2, v0  }
0x1b2: {  	[tilespmem:s18+$0x8980] =	vst v3;
	v3 =	vadd.f32 v4, v1  }
0x1b3: {  	[tilespmem:s18+$0x8990] =	vst v2;
	v2 =	vadd.f32 v5, v0  }
0x1b4: {  	[tilespmem:s18+$0xA280] =	vst v3;
	v1 =	vadd.f32 v6, v1  }
0x1b5: {  	[tilespmem:s18+$0xA290] =	vst v2;
	v0 =	vadd.f32 v8, v0  }
0x1b6: {  	[tilespmem:s18+$0xBB80] =	vst v1  }
0x1b7: {  	s20 =	simm.s32 $0x0;
	[tilespmem:s18+$0xBB90] =	vst v0  }
0x1b8: {  	[hbm4b:s24+s20] =	stream.linear.scatter [tilespmem:s9], [sflag:$0x5], $0xC800, $0x38;
	[tilespmem:$0x1B580] =	vst v63  }
0x1b9: {  	_ =	swait.ge [sflag:s13], $0x640  }
0x1ba: {  	[sflag:s13] =	ssyncset.done $0x0  }
0x1bb: {  	[sflag:s13] =	ssyncadd.s32 $0xFFFFF9C0  }
0x1bc: {  	_ =	swait.ge [sflag:s14], $0xC800  }
0x1bd: {  	[sflag:s14] =	ssyncset.done $0x0  }
0x1be: {  	[sflag:s14] =	ssyncadd.s32 $0xFFFF3800  }
0x1bf: {  	[tilespmem:s9], [sflag:$0x3] =	stream.indirect.gather [hbm4b:s4+s8], $0x20, s20, s8, $0xb8;
	[tilespmem:$0x1B580] =	vst v63  }
0x1c0: {  	_ =	swait.ge [sflag:s15], $0xC800  }
0x1c1: {  	[sflag:s15] =	ssyncset.done $0x0  }
0x1c2: {  	s18 =	simm.s32 $0x0;
	s19 =	rddreg [dreg:$0xd];
	[sflag:s15] =	ssyncadd.s32 $0xFFFF3800  }
0x1c3: {  	[tilespmem:s8], [sflag:$0x2] =	stream.linear.gather [hbm4b:s19+s20], $0x640, $0x38;
	[tilespmem:$0x1B580] =	vst v63  }
0x1c4: {  	v1 =	vld [tilespmem:s18+$0x19C80]  }
0x1c5: {  	v0 =	vld [tilespmem:s18+$0x19C90]  }
0x1c6: {  	v2 =	vld [tilespmem:s18+$0xD480]  }
0x1c7: {  	v3 =	vld [tilespmem:s18+$0xD490]  }
0x1c8: {  	v4 =	vld [tilespmem:s18+$0xED80]  }
0x1c9: {  	v5 =	vld [tilespmem:s18+$0xED90]  }
0x1ca: {  	v6 =	vld [tilespmem:s18+$0x10680]  }
0x1cb: {  	v7 =	vld [tilespmem:s18+$0x10690];
	v2 =	vadd.f32 v2, v1  }
0x1cc: {  	v8 =	vld [tilespmem:s18+$0x11F80];
	v3 =	vadd.f32 v3, v0  }
0x1cd: {  	v9 =	vld [tilespmem:s18+$0x11F90];
	[tilespmem:s18+$0xD480] =	vst v2;
	v2 =	vadd.f32 v4, v1  }
0x1ce: {  	v10 =	vld [tilespmem:s18+$0x13880];
	[tilespmem:s18+$0xD490] =	vst v3;
	v3 =	vadd.f32 v5, v0  }
0x1cf: {  	v11 =	vld [tilespmem:s18+$0x13890];
	[tilespmem:s18+$0xED80] =	vst v2;
	v2 =	vadd.f32 v6, v1  }
0x1d0: {  	v4 =	vadd.f32 v7, v0;
	[tilespmem:s18+$0xED90] =	vst v3;
	v3 =	vld [tilespmem:s18+$0x15180]  }
0x1d1: {  	v5 =	vadd.f32 v8, v1;
	[tilespmem:s18+$0x10680] =	vst v2;
	v2 =	vld [tilespmem:s18+$0x15190]  }
0x1d2: {  	[tilespmem:s18+$0x10690] =	vst v4;
	v4 =	vld [tilespmem:s18+$0x16A80];
	v6 =	vadd.f32 v9, v0  }
0x1d3: {  	v8 =	vadd.f32 v10, v1;
	[tilespmem:s18+$0x11F80] =	vst v5;
	v5 =	vld [tilespmem:s18+$0x16A90]  }
0x1d4: {  	s19 =	simm.s32 $0x80;
	v7 =	vadd.f32 v11, v0;
	[tilespmem:s18+$0x11F90] =	vst v6;
	v6 =	vld [tilespmem:s18+$0x18380]  }
.LBB2_16:
0x1d5: {  	s20 =	sshra.s32 s19, $0x2;
	p0 =	sne.s32 s19, $0x6380;
	[tilespmem:s18+$0x13880] =	vst v8;
	v3 =	vadd.f32 v3, v1;
	v8 =	vld [tilespmem:s18+$0x18390]  }
0x1d6: {  	v9 =	vld [tilespmem:s20+$0x19C80];
	[tilespmem:s18+$0x13890] =	vst v7;
	v2 =	vadd.f32 v2, v0  }
0x1d7: {  	v7 =	vld [tilespmem:s20+$0x19C90];
	[tilespmem:s18+$0x15180] =	vst v3;
	v3 =	vadd.f32 v4, v1  }
0x1d8: {  	v4 =	vld [tilespmem:s20+$0xD480];
	[tilespmem:s18+$0x15190] =	vst v2;
	v2 =	vadd.f32 v5, v0  }
0x1d9: {  	v5 =	vld [tilespmem:s20+$0xD490];
	[tilespmem:s18+$0x16A80] =	vst v3;
	v6 =	vadd.f32 v6, v1  }
0x1da: {  	v3 =	vld [tilespmem:s20+$0xED80];
	[tilespmem:s18+$0x16A90] =	vst v2;
	v8 =	vadd.f32 v8, v0  }
0x1db: {  	v2 =	vld [tilespmem:s20+$0xED90];
	[tilespmem:s18+$0x18380] =	vst v6;
	v1 =	vmov v9  }
0x1dc: {  	v6 =	vld [tilespmem:s20+$0x10680];
	[tilespmem:s18+$0x18390] =	vst v8;
	v0 =	vmov v7;
	s18 =	smov.u32 s20  }
0x1dd: {  	v4 =	vadd.f32 v4, v1;
	v7 =	vld [tilespmem:s18+$0x10690]  }
0x1de: {  	v5 =	vadd.f32 v5, v0;
	v8 =	vld [tilespmem:s18+$0x11F80]  }
0x1df: {  	[tilespmem:s18+$0xD480] =	vst v4;
	v3 =	vadd.f32 v3, v1;
	v4 =	vld [tilespmem:s18+$0x11F90]  }
0x1e0: {  	[tilespmem:s18+$0xD490] =	vst v5;
	v2 =	vadd.f32 v2, v0;
	v5 =	vld [tilespmem:s18+$0x13880]  }
0x1e1: {  	[tilespmem:s18+$0xED80] =	vst v3;
	v6 =	vadd.f32 v6, v1;
	v9 =	vld [tilespmem:s18+$0x13890]  }
.Ltmp7:
0x1e2: {  	[tilespmem:s18+$0xED90] =	vst v2;
	v7 =	vadd.f32 v7, v0;
	v3 =	vld [tilespmem:s18+$0x15180];
	(pc) =	sbr.rel @p0 .LBB2_16-.Ltmp7, $4  }
0x1e3: {  	[tilespmem:s18+$0x10680] =	vst v6;
	v6 =	vadd.f32 v8, v1;
	v2 =	vld [tilespmem:s18+$0x15190]  }
0x1e4: {  	[tilespmem:s18+$0x10690] =	vst v7;
	v7 =	vadd.f32 v4, v0;
	v4 =	vld [tilespmem:s18+$0x16A80]  }
0x1e5: {  	[tilespmem:s18+$0x11F80] =	vst v6;
	v8 =	vadd.f32 v5, v1;
	v5 =	vld [tilespmem:s18+$0x16A90]  }
0x1e6: {  	s19 =	sadd.s32 $0x80, s19;
	[tilespmem:s18+$0x11F90] =	vst v7;
	v7 =	vadd.f32 v9, v0;
	v6 =	vld [tilespmem:s18+$0x18380]  }
0x1e7: {  	[tilespmem:s18+$0x13880] =	vst v8;
	v3 =	vadd.f32 v3, v1;
	v8 =	vld [tilespmem:s18+$0x18390]  }
0x1e8: {  	[tilespmem:s18+$0x13890] =	vst v7;
	v2 =	vadd.f32 v2, v0  }
0x1e9: {  	[tilespmem:s18+$0x15180] =	vst v3;
	v3 =	vadd.f32 v4, v1  }
0x1ea: {  	[tilespmem:s18+$0x15190] =	vst v2;
	v2 =	vadd.f32 v5, v0  }
0x1eb: {  	[tilespmem:s18+$0x16A80] =	vst v3;
	v1 =	vadd.f32 v6, v1  }
0x1ec: {  	[tilespmem:s18+$0x16A90] =	vst v2;
	v0 =	vadd.f32 v8, v0  }
0x1ed: {  	[tilespmem:s18+$0x18380] =	vst v1  }
0x1ee: {  	s20 =	simm.s32 $0x0;
	[tilespmem:s18+$0x18390] =	vst v0  }
0x1ef: {  	[hbm4b:s25+s20] =	stream.linear.scatter [tilespmem:s11], [sflag:$0x6], $0xC800, $0x38;
	[tilespmem:$0x1B580] =	vst v63  }
0x1f0: {  	_ =	swait.ge [sflag:s10], $0x640  }
0x1f1: {  	[sflag:s10] =	ssyncset.done $0x0  }
0x1f2: {  	[sflag:s10] =	ssyncadd.s32 $0xFFFFF9C0  }
0x1f3: {  	_ =	swait.ge [sflag:s16], $0xC800  }
0x1f4: {  	[sflag:s16] =	ssyncset.done $0x0  }
0x1f5: {  	[sflag:s16] =	ssyncadd.s32 $0xFFFF3800  }
0x1f6: {  	[tilespmem:s11], [sflag:$0x4] =	stream.indirect.gather [hbm4b:s4+s8], $0x20, s8, s8, $0xb8;
	[tilespmem:$0x1B580] =	vst v63  }
0x1f7: {  	_ =	swait.ge [sflag:s12], $0xC800  }
0x1f8: {  	[sflag:s12] =	ssyncset.done $0x0  }
0x1f9: {  	s18 =	simm.s32 $0x0;
	s19 =	rddreg [dreg:$0xe];
	[sflag:s12] =	ssyncadd.s32 $0xFFFF3800  }
0x1fa: {  	[tilespmem:s20], [sflag:$0x1] =	stream.linear.gather [hbm4b:s19+s20], $0x640, $0x38;
	[tilespmem:$0x1B580] =	vst v63  }
0x1fb: {  	v1 =	vld [tilespmem:s18+$0x19C80]  }
0x1fc: {  	v0 =	vld [tilespmem:s18+$0x19C90]  }
0x1fd: {  	v2 =	vld [tilespmem:s18+$0xC80]  }
0x1fe: {  	v3 =	vld [tilespmem:s18+$0xC90]  }
0x1ff: {  	v4 =	vld [tilespmem:s18+$0x2580]  }
0x200: {  	v5 =	vld [tilespmem:s18+$0x2590]  }
0x201: {  	v6 =	vld [tilespmem:s18+$0x3E80]  }
0x202: {  	v7 =	vld [tilespmem:s18+$0x3E90];
	v2 =	vadd.f32 v2, v1  }
0x203: {  	v8 =	vld [tilespmem:s18+$0x5780];
	v3 =	vadd.f32 v3, v0  }
0x204: {  	v9 =	vld [tilespmem:s18+$0x5790];
	[tilespmem:s18+$0xC80] =	vst v2;
	v2 =	vadd.f32 v4, v1  }
0x205: {  	v10 =	vld [tilespmem:s18+$0x7080];
	[tilespmem:s18+$0xC90] =	vst v3;
	v3 =	vadd.f32 v5, v0  }
0x206: {  	v11 =	vld [tilespmem:s18+$0x7090];
	[tilespmem:s18+$0x2580] =	vst v2;
	v2 =	vadd.f32 v6, v1  }
0x207: {  	v4 =	vadd.f32 v7, v0;
	[tilespmem:s18+$0x2590] =	vst v3;
	v3 =	vld [tilespmem:s18+$0x8980]  }
0x208: {  	v5 =	vadd.f32 v8, v1;
	[tilespmem:s18+$0x3E80] =	vst v2;
	v2 =	vld [tilespmem:s18+$0x8990]  }
0x209: {  	[tilespmem:s18+$0x3E90] =	vst v4;
	v4 =	vld [tilespmem:s18+$0xA280];
	v6 =	vadd.f32 v9, v0  }
0x20a: {  	v8 =	vadd.f32 v10, v1;
	[tilespmem:s18+$0x5780] =	vst v5;
	v5 =	vld [tilespmem:s18+$0xA290]  }
0x20b: {  	s19 =	simm.s32 $0x80;
	v7 =	vadd.f32 v11, v0;
	[tilespmem:s18+$0x5790] =	vst v6;
	v6 =	vld [tilespmem:s18+$0xBB80]  }
.LBB2_18:
0x20c: {  	s20 =	sshra.s32 s19, $0x2;
	p0 =	sne.s32 s19, $0x6380;
	[tilespmem:s18+$0x7080] =	vst v8;
	v3 =	vadd.f32 v3, v1;
	v8 =	vld [tilespmem:s18+$0xBB90]  }
0x20d: {  	v9 =	vld [tilespmem:s20+$0x19C80];
	[tilespmem:s18+$0x7090] =	vst v7;
	v2 =	vadd.f32 v2, v0  }
0x20e: {  	v7 =	vld [tilespmem:s20+$0x19C90];
	[tilespmem:s18+$0x8980] =	vst v3;
	v3 =	vadd.f32 v4, v1  }
0x20f: {  	v4 =	vld [tilespmem:s20+$0xC80];
	[tilespmem:s18+$0x8990] =	vst v2;
	v2 =	vadd.f32 v5, v0  }
0x210: {  	v5 =	vld [tilespmem:s20+$0xC90];
	[tilespmem:s18+$0xA280] =	vst v3;
	v6 =	vadd.f32 v6, v1  }
0x211: {  	v3 =	vld [tilespmem:s20+$0x2580];
	[tilespmem:s18+$0xA290] =	vst v2;
	v8 =	vadd.f32 v8, v0  }
0x212: {  	v2 =	vld [tilespmem:s20+$0x2590];
	[tilespmem:s18+$0xBB80] =	vst v6;
	v1 =	vmov v9  }
0x213: {  	v6 =	vld [tilespmem:s20+$0x3E80];
	[tilespmem:s18+$0xBB90] =	vst v8;
	v0 =	vmov v7;
	s18 =	smov.u32 s20  }
0x214: {  	v4 =	vadd.f32 v4, v1;
	v7 =	vld [tilespmem:s18+$0x3E90]  }
0x215: {  	v5 =	vadd.f32 v5, v0;
	v8 =	vld [tilespmem:s18+$0x5780]  }
0x216: {  	[tilespmem:s18+$0xC80] =	vst v4;
	v3 =	vadd.f32 v3, v1;
	v4 =	vld [tilespmem:s18+$0x5790]  }
0x217: {  	[tilespmem:s18+$0xC90] =	vst v5;
	v2 =	vadd.f32 v2, v0;
	v5 =	vld [tilespmem:s18+$0x7080]  }
0x218: {  	[tilespmem:s18+$0x2580] =	vst v3;
	v6 =	vadd.f32 v6, v1;
	v9 =	vld [tilespmem:s18+$0x7090]  }
.Ltmp8:
0x219: {  	[tilespmem:s18+$0x2590] =	vst v2;
	v7 =	vadd.f32 v7, v0;
	v3 =	vld [tilespmem:s18+$0x8980];
	(pc) =	sbr.rel @p0 .LBB2_18-.Ltmp8, $4  }
0x21a: {  	[tilespmem:s18+$0x3E80] =	vst v6;
	v6 =	vadd.f32 v8, v1;
	v2 =	vld [tilespmem:s18+$0x8990]  }
0x21b: {  	[tilespmem:s18+$0x3E90] =	vst v7;
	v7 =	vadd.f32 v4, v0;
	v4 =	vld [tilespmem:s18+$0xA280]  }
0x21c: {  	[tilespmem:s18+$0x5780] =	vst v6;
	v8 =	vadd.f32 v5, v1;
	v5 =	vld [tilespmem:s18+$0xA290]  }
0x21d: {  	s19 =	sadd.s32 $0x80, s19;
	[tilespmem:s18+$0x5790] =	vst v7;
	v7 =	vadd.f32 v9, v0;
	v6 =	vld [tilespmem:s18+$0xBB80]  }
0x21e: {  	[tilespmem:s18+$0x7080] =	vst v8;
	v3 =	vadd.f32 v3, v1;
	v8 =	vld [tilespmem:s18+$0xBB90]  }
0x21f: {  	[tilespmem:s18+$0x7090] =	vst v7;
	v2 =	vadd.f32 v2, v0  }
0x220: {  	[tilespmem:s18+$0x8980] =	vst v3;
	v3 =	vadd.f32 v4, v1  }
0x221: {  	[tilespmem:s18+$0x8990] =	vst v2;
	v2 =	vadd.f32 v5, v0  }
0x222: {  	[tilespmem:s18+$0xA280] =	vst v3;
	v1 =	vadd.f32 v6, v1  }
0x223: {  	[tilespmem:s18+$0xA290] =	vst v2;
	v0 =	vadd.f32 v8, v0  }
0x224: {  	[tilespmem:s18+$0xBB80] =	vst v1  }
0x225: {  	s20 =	simm.s32 $0x0;
	[tilespmem:s18+$0xBB90] =	vst v0  }
0x226: {  	[hbm4b:s26+s20] =	stream.linear.scatter [tilespmem:s9], [sflag:$0x5], $0xC800, $0x38;
	[tilespmem:$0x1B580] =	vst v63  }
0x227: {  	_ =	swait.ge [sflag:s13], $0x640  }
0x228: {  	[sflag:s13] =	ssyncset.done $0x0  }
0x229: {  	[sflag:s13] =	ssyncadd.s32 $0xFFFFF9C0  }
0x22a: {  	_ =	swait.ge [sflag:s14], $0xC800  }
0x22b: {  	[sflag:s14] =	ssyncset.done $0x0  }
0x22c: {  	[sflag:s14] =	ssyncadd.s32 $0xFFFF3800  }
0x22d: {  	[tilespmem:s9], [sflag:$0x3] =	stream.indirect.gather [hbm4b:s4+s8], $0x20, s20, s8, $0xb8;
	[tilespmem:$0x1B580] =	vst v63  }
0x22e: {  	_ =	swait.ge [sflag:s15], $0xC800  }
0x22f: {  	[sflag:s15] =	ssyncset.done $0x0  }
0x230: {  	s18 =	simm.s32 $0x0;
	s19 =	rddreg [dreg:$0xf];
	[sflag:s15] =	ssyncadd.s32 $0xFFFF3800  }
0x231: {  	[tilespmem:s8], [sflag:$0x2] =	stream.linear.gather [hbm4b:s19+s20], $0x640, $0x38;
	[tilespmem:$0x1B580] =	vst v63  }
0x232: {  	v1 =	vld [tilespmem:s18+$0x19C80]  }
0x233: {  	v0 =	vld [tilespmem:s18+$0x19C90]  }
0x234: {  	v2 =	vld [tilespmem:s18+$0xD480]  }
0x235: {  	v3 =	vld [tilespmem:s18+$0xD490]  }
0x236: {  	v4 =	vld [tilespmem:s18+$0xED80]  }
0x237: {  	v5 =	vld [tilespmem:s18+$0xED90]  }
0x238: {  	v6 =	vld [tilespmem:s18+$0x10680]  }
0x239: {  	v7 =	vld [tilespmem:s18+$0x10690];
	v2 =	vadd.f32 v2, v1  }
0x23a: {  	v8 =	vld [tilespmem:s18+$0x11F80];
	v3 =	vadd.f32 v3, v0  }
0x23b: {  	v9 =	vld [tilespmem:s18+$0x11F90];
	[tilespmem:s18+$0xD480] =	vst v2;
	v2 =	vadd.f32 v4, v1  }
0x23c: {  	v10 =	vld [tilespmem:s18+$0x13880];
	[tilespmem:s18+$0xD490] =	vst v3;
	v3 =	vadd.f32 v5, v0  }
0x23d: {  	v11 =	vld [tilespmem:s18+$0x13890];
	[tilespmem:s18+$0xED80] =	vst v2;
	v2 =	vadd.f32 v6, v1  }
0x23e: {  	v4 =	vadd.f32 v7, v0;
	[tilespmem:s18+$0xED90] =	vst v3;
	v3 =	vld [tilespmem:s18+$0x15180]  }
0x23f: {  	v5 =	vadd.f32 v8, v1;
	[tilespmem:s18+$0x10680] =	vst v2;
	v2 =	vld [tilespmem:s18+$0x15190]  }
0x240: {  	[tilespmem:s18+$0x10690] =	vst v4;
	v4 =	vld [tilespmem:s18+$0x16A80];
	v6 =	vadd.f32 v9, v0  }
0x241: {  	v8 =	vadd.f32 v10, v1;
	[tilespmem:s18+$0x11F80] =	vst v5;
	v5 =	vld [tilespmem:s18+$0x16A90]  }
0x242: {  	s19 =	simm.s32 $0x80;
	v7 =	vadd.f32 v11, v0;
	[tilespmem:s18+$0x11F90] =	vst v6;
	v6 =	vld [tilespmem:s18+$0x18380]  }
.LBB2_20:
0x243: {  	s20 =	sshra.s32 s19, $0x2;
	p0 =	sne.s32 s19, $0x6380;
	[tilespmem:s18+$0x13880] =	vst v8;
	v3 =	vadd.f32 v3, v1;
	v8 =	vld [tilespmem:s18+$0x18390]  }
0x244: {  	v9 =	vld [tilespmem:s20+$0x19C80];
	[tilespmem:s18+$0x13890] =	vst v7;
	v2 =	vadd.f32 v2, v0  }
0x245: {  	v7 =	vld [tilespmem:s20+$0x19C90];
	[tilespmem:s18+$0x15180] =	vst v3;
	v3 =	vadd.f32 v4, v1  }
0x246: {  	v4 =	vld [tilespmem:s20+$0xD480];
	[tilespmem:s18+$0x15190] =	vst v2;
	v2 =	vadd.f32 v5, v0  }
0x247: {  	v5 =	vld [tilespmem:s20+$0xD490];
	[tilespmem:s18+$0x16A80] =	vst v3;
	v6 =	vadd.f32 v6, v1  }
0x248: {  	v3 =	vld [tilespmem:s20+$0xED80];
	[tilespmem:s18+$0x16A90] =	vst v2;
	v8 =	vadd.f32 v8, v0  }
0x249: {  	v2 =	vld [tilespmem:s20+$0xED90];
	[tilespmem:s18+$0x18380] =	vst v6;
	v1 =	vmov v9  }
0x24a: {  	v6 =	vld [tilespmem:s20+$0x10680];
	[tilespmem:s18+$0x18390] =	vst v8;
	v0 =	vmov v7;
	s18 =	smov.u32 s20  }
0x24b: {  	v4 =	vadd.f32 v4, v1;
	v7 =	vld [tilespmem:s18+$0x10690]  }
0x24c: {  	v5 =	vadd.f32 v5, v0;
	v8 =	vld [tilespmem:s18+$0x11F80]  }
0x24d: {  	[tilespmem:s18+$0xD480] =	vst v4;
	v3 =	vadd.f32 v3, v1;
	v4 =	vld [tilespmem:s18+$0x11F90]  }
0x24e: {  	[tilespmem:s18+$0xD490] =	vst v5;
	v2 =	vadd.f32 v2, v0;
	v5 =	vld [tilespmem:s18+$0x13880]  }
0x24f: {  	[tilespmem:s18+$0xED80] =	vst v3;
	v6 =	vadd.f32 v6, v1;
	v9 =	vld [tilespmem:s18+$0x13890]  }
.Ltmp9:
0x250: {  	[tilespmem:s18+$0xED90] =	vst v2;
	v7 =	vadd.f32 v7, v0;
	v3 =	vld [tilespmem:s18+$0x15180];
	(pc) =	sbr.rel @p0 .LBB2_20-.Ltmp9, $4  }
0x251: {  	[tilespmem:s18+$0x10680] =	vst v6;
	v6 =	vadd.f32 v8, v1;
	v2 =	vld [tilespmem:s18+$0x15190]  }
0x252: {  	[tilespmem:s18+$0x10690] =	vst v7;
	v7 =	vadd.f32 v4, v0;
	v4 =	vld [tilespmem:s18+$0x16A80]  }
0x253: {  	[tilespmem:s18+$0x11F80] =	vst v6;
	v8 =	vadd.f32 v5, v1;
	v5 =	vld [tilespmem:s18+$0x16A90]  }
0x254: {  	s19 =	sadd.s32 $0x80, s19;
	[tilespmem:s18+$0x11F90] =	vst v7;
	v7 =	vadd.f32 v9, v0;
	v6 =	vld [tilespmem:s18+$0x18380]  }
0x255: {  	[tilespmem:s18+$0x13880] =	vst v8;
	v3 =	vadd.f32 v3, v1;
	v8 =	vld [tilespmem:s18+$0x18390]  }
0x256: {  	[tilespmem:s18+$0x13890] =	vst v7;
	v2 =	vadd.f32 v2, v0  }
0x257: {  	[tilespmem:s18+$0x15180] =	vst v3;
	v3 =	vadd.f32 v4, v1  }
0x258: {  	[tilespmem:s18+$0x15190] =	vst v2;
	v2 =	vadd.f32 v5, v0  }
0x259: {  	[tilespmem:s18+$0x16A80] =	vst v3;
	v1 =	vadd.f32 v6, v1  }
0x25a: {  	[tilespmem:s18+$0x16A90] =	vst v2;
	v0 =	vadd.f32 v8, v0  }
0x25b: {  	[tilespmem:s18+$0x18380] =	vst v1  }
0x25c: {  	s20 =	simm.s32 $0x0;
	[tilespmem:s18+$0x18390] =	vst v0  }
0x25d: {  	[hbm4b:s28+s20] =	stream.linear.scatter [tilespmem:s11], [sflag:$0x6], $0xC800, $0x38;
	[tilespmem:$0x1B580] =	vst v63  }
0x25e: {  	_ =	swait.ge [sflag:s10], $0x640  }
0x25f: {  	[sflag:s10] =	ssyncset.done $0x0  }
0x260: {  	[sflag:s10] =	ssyncadd.s32 $0xFFFFF9C0  }
0x261: {  	_ =	swait.ge [sflag:s16], $0xC800  }
0x262: {  	[sflag:s16] =	ssyncset.done $0x0  }
0x263: {  	[sflag:s16] =	ssyncadd.s32 $0xFFFF3800  }
0x264: {  	[tilespmem:s11], [sflag:$0x4] =	stream.indirect.gather [hbm4b:s4+s8], $0x20, s8, s8, $0xb8;
	[tilespmem:$0x1B580] =	vst v63  }
0x265: {  	_ =	swait.ge [sflag:s12], $0xC800  }
0x266: {  	[sflag:s12] =	ssyncset.done $0x0  }
0x267: {  	s18 =	simm.s32 $0x0;
	s19 =	rddreg [dreg:$0x10];
	[sflag:s12] =	ssyncadd.s32 $0xFFFF3800  }
0x268: {  	[tilespmem:s20], [sflag:$0x1] =	stream.linear.gather [hbm4b:s19+s20], $0x640, $0x38;
	[tilespmem:$0x1B580] =	vst v63  }
0x269: {  	v1 =	vld [tilespmem:s18+$0x19C80]  }
0x26a: {  	v0 =	vld [tilespmem:s18+$0x19C90]  }
0x26b: {  	v2 =	vld [tilespmem:s18+$0xC80]  }
0x26c: {  	v3 =	vld [tilespmem:s18+$0xC90]  }
0x26d: {  	v4 =	vld [tilespmem:s18+$0x2580]  }
0x26e: {  	v5 =	vld [tilespmem:s18+$0x2590]  }
0x26f: {  	v6 =	vld [tilespmem:s18+$0x3E80]  }
0x270: {  	v7 =	vld [tilespmem:s18+$0x3E90];
	v2 =	vadd.f32 v2, v1  }
0x271: {  	v8 =	vld [tilespmem:s18+$0x5780];
	v3 =	vadd.f32 v3, v0  }
0x272: {  	v9 =	vld [tilespmem:s18+$0x5790];
	[tilespmem:s18+$0xC80] =	vst v2;
	v2 =	vadd.f32 v4, v1  }
0x273: {  	v10 =	vld [tilespmem:s18+$0x7080];
	[tilespmem:s18+$0xC90] =	vst v3;
	v3 =	vadd.f32 v5, v0  }
0x274: {  	v11 =	vld [tilespmem:s18+$0x7090];
	[tilespmem:s18+$0x2580] =	vst v2;
	v2 =	vadd.f32 v6, v1  }
0x275: {  	v4 =	vadd.f32 v7, v0;
	[tilespmem:s18+$0x2590] =	vst v3;
	v3 =	vld [tilespmem:s18+$0x8980]  }
0x276: {  	v5 =	vadd.f32 v8, v1;
	[tilespmem:s18+$0x3E80] =	vst v2;
	v2 =	vld [tilespmem:s18+$0x8990]  }
0x277: {  	[tilespmem:s18+$0x3E90] =	vst v4;
	v4 =	vld [tilespmem:s18+$0xA280];
	v6 =	vadd.f32 v9, v0  }
0x278: {  	v8 =	vadd.f32 v10, v1;
	[tilespmem:s18+$0x5780] =	vst v5;
	v5 =	vld [tilespmem:s18+$0xA290]  }
0x279: {  	s19 =	simm.s32 $0x80;
	v7 =	vadd.f32 v11, v0;
	[tilespmem:s18+$0x5790] =	vst v6;
	v6 =	vld [tilespmem:s18+$0xBB80]  }
.LBB2_22:
0x27a: {  	s20 =	sshra.s32 s19, $0x2;
	p0 =	sne.s32 s19, $0x6380;
	[tilespmem:s18+$0x7080] =	vst v8;
	v3 =	vadd.f32 v3, v1;
	v8 =	vld [tilespmem:s18+$0xBB90]  }
0x27b: {  	v9 =	vld [tilespmem:s20+$0x19C80];
	[tilespmem:s18+$0x7090] =	vst v7;
	v2 =	vadd.f32 v2, v0  }
0x27c: {  	v7 =	vld [tilespmem:s20+$0x19C90];
	[tilespmem:s18+$0x8980] =	vst v3;
	v3 =	vadd.f32 v4, v1  }
0x27d: {  	v4 =	vld [tilespmem:s20+$0xC80];
	[tilespmem:s18+$0x8990] =	vst v2;
	v2 =	vadd.f32 v5, v0  }
0x27e: {  	v5 =	vld [tilespmem:s20+$0xC90];
	[tilespmem:s18+$0xA280] =	vst v3;
	v6 =	vadd.f32 v6, v1  }
0x27f: {  	v3 =	vld [tilespmem:s20+$0x2580];
	[tilespmem:s18+$0xA290] =	vst v2;
	v8 =	vadd.f32 v8, v0  }
0x280: {  	v2 =	vld [tilespmem:s20+$0x2590];
	[tilespmem:s18+$0xBB80] =	vst v6;
	v1 =	vmov v9  }
0x281: {  	v6 =	vld [tilespmem:s20+$0x3E80];
	[tilespmem:s18+$0xBB90] =	vst v8;
	v0 =	vmov v7;
	s18 =	smov.u32 s20  }
0x282: {  	v4 =	vadd.f32 v4, v1;
	v7 =	vld [tilespmem:s18+$0x3E90]  }
0x283: {  	v5 =	vadd.f32 v5, v0;
	v8 =	vld [tilespmem:s18+$0x5780]  }
0x284: {  	[tilespmem:s18+$0xC80] =	vst v4;
	v3 =	vadd.f32 v3, v1;
	v4 =	vld [tilespmem:s18+$0x5790]  }
0x285: {  	[tilespmem:s18+$0xC90] =	vst v5;
	v2 =	vadd.f32 v2, v0;
	v5 =	vld [tilespmem:s18+$0x7080]  }
0x286: {  	[tilespmem:s18+$0x2580] =	vst v3;
	v6 =	vadd.f32 v6, v1;
	v9 =	vld [tilespmem:s18+$0x7090]  }
.Ltmp10:
0x287: {  	[tilespmem:s18+$0x2590] =	vst v2;
	v7 =	vadd.f32 v7, v0;
	v3 =	vld [tilespmem:s18+$0x8980];
	(pc) =	sbr.rel @p0 .LBB2_22-.Ltmp10, $4  }
0x288: {  	[tilespmem:s18+$0x3E80] =	vst v6;
	v6 =	vadd.f32 v8, v1;
	v2 =	vld [tilespmem:s18+$0x8990]  }
0x289: {  	[tilespmem:s18+$0x3E90] =	vst v7;
	v7 =	vadd.f32 v4, v0;
	v4 =	vld [tilespmem:s18+$0xA280]  }
0x28a: {  	[tilespmem:s18+$0x5780] =	vst v6;
	v8 =	vadd.f32 v5, v1;
	v5 =	vld [tilespmem:s18+$0xA290]  }
0x28b: {  	s19 =	sadd.s32 $0x80, s19;
	[tilespmem:s18+$0x5790] =	vst v7;
	v7 =	vadd.f32 v9, v0;
	v6 =	vld [tilespmem:s18+$0xBB80]  }
0x28c: {  	[tilespmem:s18+$0x7080] =	vst v8;
	v3 =	vadd.f32 v3, v1;
	v8 =	vld [tilespmem:s18+$0xBB90]  }
0x28d: {  	[tilespmem:s18+$0x7090] =	vst v7;
	v2 =	vadd.f32 v2, v0  }
0x28e: {  	[tilespmem:s18+$0x8980] =	vst v3;
	v3 =	vadd.f32 v4, v1  }
0x28f: {  	[tilespmem:s18+$0x8990] =	vst v2;
	v2 =	vadd.f32 v5, v0  }
0x290: {  	[tilespmem:s18+$0xA280] =	vst v3;
	v1 =	vadd.f32 v6, v1  }
0x291: {  	[tilespmem:s18+$0xA290] =	vst v2;
	v0 =	vadd.f32 v8, v0  }
0x292: {  	[tilespmem:s18+$0xBB80] =	vst v1  }
0x293: {  	s20 =	simm.s32 $0x0;
	[tilespmem:s18+$0xBB90] =	vst v0  }
0x294: {  	[hbm4b:s29+s20] =	stream.linear.scatter [tilespmem:s9], [sflag:$0x5], $0xC800, $0x38;
	[tilespmem:$0x1B580] =	vst v63  }
0x295: {  	_ =	swait.ge [sflag:s13], $0x640  }
0x296: {  	[sflag:s13] =	ssyncset.done $0x0  }
0x297: {  	[sflag:s13] =	ssyncadd.s32 $0xFFFFF9C0  }
0x298: {  	_ =	swait.ge [sflag:s14], $0xC800  }
0x299: {  	[sflag:s14] =	ssyncset.done $0x0  }
0x29a: {  	[sflag:s14] =	ssyncadd.s32 $0xFFFF3800  }
0x29b: {  	[tilespmem:s9], [sflag:$0x3] =	stream.indirect.gather [hbm4b:s4+s8], $0x20, s20, s8, $0xb8;
	[tilespmem:$0x1B580] =	vst v63  }
0x29c: {  	_ =	swait.ge [sflag:s15], $0xC800  }
0x29d: {  	[sflag:s15] =	ssyncset.done $0x0  }
0x29e: {  	s18 =	simm.s32 $0x0;
	s19 =	rddreg [dreg:$0x11];
	[sflag:s15] =	ssyncadd.s32 $0xFFFF3800  }
0x29f: {  	[tilespmem:s8], [sflag:$0x2] =	stream.linear.gather [hbm4b:s19+s20], $0x640, $0x38;
	[tilespmem:$0x1B580] =	vst v63  }
0x2a0: {  	v1 =	vld [tilespmem:s18+$0x19C80]  }
0x2a1: {  	v0 =	vld [tilespmem:s18+$0x19C90]  }
0x2a2: {  	v2 =	vld [tilespmem:s18+$0xD480]  }
0x2a3: {  	v3 =	vld [tilespmem:s18+$0xD490]  }
0x2a4: {  	v4 =	vld [tilespmem:s18+$0xED80]  }
0x2a5: {  	v5 =	vld [tilespmem:s18+$0xED90]  }
0x2a6: {  	v6 =	vld [tilespmem:s18+$0x10680]  }
0x2a7: {  	v7 =	vld [tilespmem:s18+$0x10690];
	v2 =	vadd.f32 v2, v1  }
0x2a8: {  	v8 =	vld [tilespmem:s18+$0x11F80];
	v3 =	vadd.f32 v3, v0  }
0x2a9: {  	v9 =	vld [tilespmem:s18+$0x11F90];
	[tilespmem:s18+$0xD480] =	vst v2;
	v2 =	vadd.f32 v4, v1  }
0x2aa: {  	v10 =	vld [tilespmem:s18+$0x13880];
	[tilespmem:s18+$0xD490] =	vst v3;
	v3 =	vadd.f32 v5, v0  }
0x2ab: {  	v11 =	vld [tilespmem:s18+$0x13890];
	[tilespmem:s18+$0xED80] =	vst v2;
	v2 =	vadd.f32 v6, v1  }
0x2ac: {  	v4 =	vadd.f32 v7, v0;
	[tilespmem:s18+$0xED90] =	vst v3;
	v3 =	vld [tilespmem:s18+$0x15180]  }
0x2ad: {  	v5 =	vadd.f32 v8, v1;
	[tilespmem:s18+$0x10680] =	vst v2;
	v2 =	vld [tilespmem:s18+$0x15190]  }
0x2ae: {  	[tilespmem:s18+$0x10690] =	vst v4;
	v4 =	vld [tilespmem:s18+$0x16A80];
	v6 =	vadd.f32 v9, v0  }
0x2af: {  	v8 =	vadd.f32 v10, v1;
	[tilespmem:s18+$0x11F80] =	vst v5;
	v5 =	vld [tilespmem:s18+$0x16A90]  }
0x2b0: {  	s19 =	simm.s32 $0x80;
	v7 =	vadd.f32 v11, v0;
	[tilespmem:s18+$0x11F90] =	vst v6;
	v6 =	vld [tilespmem:s18+$0x18380]  }
.LBB2_24:
0x2b1: {  	s20 =	sshra.s32 s19, $0x2;
	p0 =	sne.s32 s19, $0x6380;
	[tilespmem:s18+$0x13880] =	vst v8;
	v3 =	vadd.f32 v3, v1;
	v8 =	vld [tilespmem:s18+$0x18390]  }
0x2b2: {  	v9 =	vld [tilespmem:s20+$0x19C80];
	[tilespmem:s18+$0x13890] =	vst v7;
	v2 =	vadd.f32 v2, v0  }
0x2b3: {  	v7 =	vld [tilespmem:s20+$0x19C90];
	[tilespmem:s18+$0x15180] =	vst v3;
	v3 =	vadd.f32 v4, v1  }
0x2b4: {  	v4 =	vld [tilespmem:s20+$0xD480];
	[tilespmem:s18+$0x15190] =	vst v2;
	v2 =	vadd.f32 v5, v0  }
0x2b5: {  	v5 =	vld [tilespmem:s20+$0xD490];
	[tilespmem:s18+$0x16A80] =	vst v3;
	v6 =	vadd.f32 v6, v1  }
0x2b6: {  	v3 =	vld [tilespmem:s20+$0xED80];
	[tilespmem:s18+$0x16A90] =	vst v2;
	v8 =	vadd.f32 v8, v0  }
0x2b7: {  	v2 =	vld [tilespmem:s20+$0xED90];
	[tilespmem:s18+$0x18380] =	vst v6;
	v1 =	vmov v9  }
0x2b8: {  	v6 =	vld [tilespmem:s20+$0x10680];
	[tilespmem:s18+$0x18390] =	vst v8;
	v0 =	vmov v7;
	s18 =	smov.u32 s20  }
0x2b9: {  	v4 =	vadd.f32 v4, v1;
	v7 =	vld [tilespmem:s18+$0x10690]  }
0x2ba: {  	v5 =	vadd.f32 v5, v0;
	v8 =	vld [tilespmem:s18+$0x11F80]  }
0x2bb: {  	[tilespmem:s18+$0xD480] =	vst v4;
	v3 =	vadd.f32 v3, v1;
	v4 =	vld [tilespmem:s18+$0x11F90]  }
0x2bc: {  	[tilespmem:s18+$0xD490] =	vst v5;
	v2 =	vadd.f32 v2, v0;
	v5 =	vld [tilespmem:s18+$0x13880]  }
0x2bd: {  	[tilespmem:s18+$0xED80] =	vst v3;
	v6 =	vadd.f32 v6, v1;
	v9 =	vld [tilespmem:s18+$0x13890]  }
.Ltmp11:
0x2be: {  	[tilespmem:s18+$0xED90] =	vst v2;
	v7 =	vadd.f32 v7, v0;
	v3 =	vld [tilespmem:s18+$0x15180];
	(pc) =	sbr.rel @p0 .LBB2_24-.Ltmp11, $4  }
0x2bf: {  	[tilespmem:s18+$0x10680] =	vst v6;
	v6 =	vadd.f32 v8, v1;
	v2 =	vld [tilespmem:s18+$0x15190]  }
0x2c0: {  	[tilespmem:s18+$0x10690] =	vst v7;
	v7 =	vadd.f32 v4, v0;
	v4 =	vld [tilespmem:s18+$0x16A80]  }
0x2c1: {  	[tilespmem:s18+$0x11F80] =	vst v6;
	v8 =	vadd.f32 v5, v1;
	v5 =	vld [tilespmem:s18+$0x16A90]  }
0x2c2: {  	s19 =	sadd.s32 $0x80, s19;
	[tilespmem:s18+$0x11F90] =	vst v7;
	v7 =	vadd.f32 v9, v0;
	v6 =	vld [tilespmem:s18+$0x18380]  }
0x2c3: {  	[tilespmem:s18+$0x13880] =	vst v8;
	v3 =	vadd.f32 v3, v1;
	v8 =	vld [tilespmem:s18+$0x18390]  }
0x2c4: {  	[tilespmem:s18+$0x13890] =	vst v7;
	v2 =	vadd.f32 v2, v0  }
0x2c5: {  	[tilespmem:s18+$0x15180] =	vst v3;
	v3 =	vadd.f32 v4, v1  }
0x2c6: {  	[tilespmem:s18+$0x15190] =	vst v2;
	v2 =	vadd.f32 v5, v0  }
0x2c7: {  	[tilespmem:s18+$0x16A80] =	vst v3;
	v1 =	vadd.f32 v6, v1  }
0x2c8: {  	[tilespmem:s18+$0x16A90] =	vst v2;
	v0 =	vadd.f32 v8, v0  }
0x2c9: {  	[tilespmem:s18+$0x18380] =	vst v1  }
0x2ca: {  	s20 =	simm.s32 $0x0;
	[tilespmem:s18+$0x18390] =	vst v0  }
0x2cb: {  	[hbm4b:s30+s20] =	stream.linear.scatter [tilespmem:s11], [sflag:$0x6], $0xC800, $0x38;
	[tilespmem:$0x1B580] =	vst v63  }
0x2cc: {  	_ =	swait.ge [sflag:s10], $0x640  }
0x2cd: {  	[sflag:s10] =	ssyncset.done $0x0  }
0x2ce: {  	[sflag:s10] =	ssyncadd.s32 $0xFFFFF9C0  }
0x2cf: {  	_ =	swait.ge [sflag:s16], $0xC800  }
0x2d0: {  	[sflag:s16] =	ssyncset.done $0x0  }
0x2d1: {  	[sflag:s16] =	ssyncadd.s32 $0xFFFF3800  }
0x2d2: {  	[tilespmem:s11], [sflag:$0x4] =	stream.indirect.gather [hbm4b:s4+s8], $0x20, s8, s8, $0xb8;
	[tilespmem:$0x1B580] =	vst v63  }
0x2d3: {  	_ =	swait.ge [sflag:s12], $0xC800  }
0x2d4: {  	[sflag:s12] =	ssyncset.done $0x0  }
0x2d5: {  	s18 =	simm.s32 $0x0;
	s19 =	rddreg [dreg:$0x12];
	[sflag:s12] =	ssyncadd.s32 $0xFFFF3800  }
0x2d6: {  	[tilespmem:s20], [sflag:$0x1] =	stream.linear.gather [hbm4b:s19+s20], $0x640, $0x38;
	[tilespmem:$0x1B580] =	vst v63  }
0x2d7: {  	v1 =	vld [tilespmem:s18+$0x19C80]  }
0x2d8: {  	v0 =	vld [tilespmem:s18+$0x19C90]  }
0x2d9: {  	v2 =	vld [tilespmem:s18+$0xC80]  }
0x2da: {  	v3 =	vld [tilespmem:s18+$0xC90]  }
0x2db: {  	v4 =	vld [tilespmem:s18+$0x2580]  }
0x2dc: {  	v5 =	vld [tilespmem:s18+$0x2590]  }
0x2dd: {  	v6 =	vld [tilespmem:s18+$0x3E80]  }
0x2de: {  	v7 =	vld [tilespmem:s18+$0x3E90];
	v2 =	vadd.f32 v2, v1  }
0x2df: {  	v8 =	vld [tilespmem:s18+$0x5780];
	v3 =	vadd.f32 v3, v0  }
0x2e0: {  	v9 =	vld [tilespmem:s18+$0x5790];
	[tilespmem:s18+$0xC80] =	vst v2;
	v2 =	vadd.f32 v4, v1  }
0x2e1: {  	v10 =	vld [tilespmem:s18+$0x7080];
	[tilespmem:s18+$0xC90] =	vst v3;
	v3 =	vadd.f32 v5, v0  }
0x2e2: {  	v11 =	vld [tilespmem:s18+$0x7090];
	[tilespmem:s18+$0x2580] =	vst v2;
	v2 =	vadd.f32 v6, v1  }
0x2e3: {  	v4 =	vadd.f32 v7, v0;
	[tilespmem:s18+$0x2590] =	vst v3;
	v3 =	vld [tilespmem:s18+$0x8980]  }
0x2e4: {  	v5 =	vadd.f32 v8, v1;
	[tilespmem:s18+$0x3E80] =	vst v2;
	v2 =	vld [tilespmem:s18+$0x8990]  }
0x2e5: {  	[tilespmem:s18+$0x3E90] =	vst v4;
	v4 =	vld [tilespmem:s18+$0xA280];
	v6 =	vadd.f32 v9, v0  }
0x2e6: {  	v8 =	vadd.f32 v10, v1;
	[tilespmem:s18+$0x5780] =	vst v5;
	v5 =	vld [tilespmem:s18+$0xA290]  }
0x2e7: {  	s19 =	simm.s32 $0x80;
	v7 =	vadd.f32 v11, v0;
	[tilespmem:s18+$0x5790] =	vst v6;
	v6 =	vld [tilespmem:s18+$0xBB80]  }
.LBB2_26:
0x2e8: {  	s20 =	sshra.s32 s19, $0x2;
	p0 =	sne.s32 s19, $0x6380;
	[tilespmem:s18+$0x7080] =	vst v8;
	v3 =	vadd.f32 v3, v1;
	v8 =	vld [tilespmem:s18+$0xBB90]  }
0x2e9: {  	v9 =	vld [tilespmem:s20+$0x19C80];
	[tilespmem:s18+$0x7090] =	vst v7;
	v2 =	vadd.f32 v2, v0  }
0x2ea: {  	v7 =	vld [tilespmem:s20+$0x19C90];
	[tilespmem:s18+$0x8980] =	vst v3;
	v3 =	vadd.f32 v4, v1  }
0x2eb: {  	v4 =	vld [tilespmem:s20+$0xC80];
	[tilespmem:s18+$0x8990] =	vst v2;
	v2 =	vadd.f32 v5, v0  }
0x2ec: {  	v5 =	vld [tilespmem:s20+$0xC90];
	[tilespmem:s18+$0xA280] =	vst v3;
	v6 =	vadd.f32 v6, v1  }
0x2ed: {  	v3 =	vld [tilespmem:s20+$0x2580];
	[tilespmem:s18+$0xA290] =	vst v2;
	v8 =	vadd.f32 v8, v0  }
0x2ee: {  	v2 =	vld [tilespmem:s20+$0x2590];
	[tilespmem:s18+$0xBB80] =	vst v6;
	v1 =	vmov v9  }
0x2ef: {  	v6 =	vld [tilespmem:s20+$0x3E80];
	[tilespmem:s18+$0xBB90] =	vst v8;
	v0 =	vmov v7;
	s18 =	smov.u32 s20  }
0x2f0: {  	v4 =	vadd.f32 v4, v1;
	v7 =	vld [tilespmem:s18+$0x3E90]  }
0x2f1: {  	v5 =	vadd.f32 v5, v0;
	v8 =	vld [tilespmem:s18+$0x5780]  }
0x2f2: {  	[tilespmem:s18+$0xC80] =	vst v4;
	v3 =	vadd.f32 v3, v1;
	v4 =	vld [tilespmem:s18+$0x5790]  }
0x2f3: {  	[tilespmem:s18+$0xC90] =	vst v5;
	v2 =	vadd.f32 v2, v0;
	v5 =	vld [tilespmem:s18+$0x7080]  }
0x2f4: {  	[tilespmem:s18+$0x2580] =	vst v3;
	v6 =	vadd.f32 v6, v1;
	v9 =	vld [tilespmem:s18+$0x7090]  }
.Ltmp12:
0x2f5: {  	[tilespmem:s18+$0x2590] =	vst v2;
	v7 =	vadd.f32 v7, v0;
	v3 =	vld [tilespmem:s18+$0x8980];
	(pc) =	sbr.rel @p0 .LBB2_26-.Ltmp12, $4  }
0x2f6: {  	[tilespmem:s18+$0x3E80] =	vst v6;
	v6 =	vadd.f32 v8, v1;
	v2 =	vld [tilespmem:s18+$0x8990]  }
0x2f7: {  	[tilespmem:s18+$0x3E90] =	vst v7;
	v7 =	vadd.f32 v4, v0;
	v4 =	vld [tilespmem:s18+$0xA280]  }
0x2f8: {  	[tilespmem:s18+$0x5780] =	vst v6;
	v8 =	vadd.f32 v5, v1;
	v5 =	vld [tilespmem:s18+$0xA290]  }
0x2f9: {  	s19 =	sadd.s32 $0x80, s19;
	[tilespmem:s18+$0x5790] =	vst v7;
	v7 =	vadd.f32 v9, v0;
	v6 =	vld [tilespmem:s18+$0xBB80]  }
0x2fa: {  	[tilespmem:s18+$0x7080] =	vst v8;
	v3 =	vadd.f32 v3, v1;
	v8 =	vld [tilespmem:s18+$0xBB90]  }
0x2fb: {  	[tilespmem:s18+$0x7090] =	vst v7;
	v2 =	vadd.f32 v2, v0  }
0x2fc: {  	[tilespmem:s18+$0x8980] =	vst v3;
	v3 =	vadd.f32 v4, v1  }
0x2fd: {  	[tilespmem:s18+$0x8990] =	vst v2;
	v2 =	vadd.f32 v5, v0  }
0x2fe: {  	[tilespmem:s18+$0xA280] =	vst v3;
	v1 =	vadd.f32 v6, v1  }
0x2ff: {  	[tilespmem:s18+$0xA290] =	vst v2;
	v0 =	vadd.f32 v8, v0  }
0x300: {  	[tilespmem:s18+$0xBB80] =	vst v1  }
0x301: {  	s20 =	simm.s32 $0x0;
	[tilespmem:s18+$0xBB90] =	vst v0  }
0x302: {  	[hbm4b:s31+s20] =	stream.linear.scatter [tilespmem:s9], [sflag:$0x5], $0xC800, $0x38;
	[tilespmem:$0x1B580] =	vst v63  }
0x303: {  	_ =	swait.ge [sflag:s13], $0x640  }
0x304: {  	[sflag:s13] =	ssyncset.done $0x0  }
0x305: {  	[sflag:s13] =	ssyncadd.s32 $0xFFFFF9C0  }
0x306: {  	_ =	swait.ge [sflag:s14], $0xC800  }
0x307: {  	[sflag:s14] =	ssyncset.done $0x0  }
0x308: {  	[sflag:s14] =	ssyncadd.s32 $0xFFFF3800  }
0x309: {  	[tilespmem:s9], [sflag:$0x3] =	stream.indirect.gather [hbm4b:s4+s8], $0x20, s20, s8, $0xb8;
	[tilespmem:$0x1B580] =	vst v63  }
0x30a: {  	_ =	swait.ge [sflag:s15], $0xC800  }
0x30b: {  	[sflag:s15] =	ssyncset.done $0x0  }
0x30c: {  	s18 =	simm.s32 $0x0;
	s19 =	rddreg [dreg:$0x13];
	[sflag:s15] =	ssyncadd.s32 $0xFFFF3800  }
0x30d: {  	[tilespmem:s8], [sflag:$0x2] =	stream.linear.gather [hbm4b:s19+s20], $0x640, $0x38;
	[tilespmem:$0x1B580] =	vst v63  }
0x30e: {  	v1 =	vld [tilespmem:s18+$0x19C80]  }
0x30f: {  	v0 =	vld [tilespmem:s18+$0x19C90]  }
0x310: {  	v2 =	vld [tilespmem:s18+$0xD480]  }
0x311: {  	v3 =	vld [tilespmem:s18+$0xD490]  }
0x312: {  	v4 =	vld [tilespmem:s18+$0xED80]  }
0x313: {  	v5 =	vld [tilespmem:s18+$0xED90]  }
0x314: {  	v6 =	vld [tilespmem:s18+$0x10680]  }
0x315: {  	v7 =	vld [tilespmem:s18+$0x10690];
	v2 =	vadd.f32 v2, v1  }
0x316: {  	v8 =	vld [tilespmem:s18+$0x11F80];
	v3 =	vadd.f32 v3, v0  }
0x317: {  	v9 =	vld [tilespmem:s18+$0x11F90];
	[tilespmem:s18+$0xD480] =	vst v2;
	v2 =	vadd.f32 v4, v1  }
0x318: {  	v10 =	vld [tilespmem:s18+$0x13880];
	[tilespmem:s18+$0xD490] =	vst v3;
	v3 =	vadd.f32 v5, v0  }
0x319: {  	v11 =	vld [tilespmem:s18+$0x13890];
	[tilespmem:s18+$0xED80] =	vst v2;
	v2 =	vadd.f32 v6, v1  }
0x31a: {  	v4 =	vadd.f32 v7, v0;
	[tilespmem:s18+$0xED90] =	vst v3;
	v3 =	vld [tilespmem:s18+$0x15180]  }
0x31b: {  	v5 =	vadd.f32 v8, v1;
	[tilespmem:s18+$0x10680] =	vst v2;
	v2 =	vld [tilespmem:s18+$0x15190]  }
0x31c: {  	[tilespmem:s18+$0x10690] =	vst v4;
	v4 =	vld [tilespmem:s18+$0x16A80];
	v6 =	vadd.f32 v9, v0  }
0x31d: {  	v8 =	vadd.f32 v10, v1;
	[tilespmem:s18+$0x11F80] =	vst v5;
	v5 =	vld [tilespmem:s18+$0x16A90]  }
0x31e: {  	s19 =	simm.s32 $0x80;
	v7 =	vadd.f32 v11, v0;
	[tilespmem:s18+$0x11F90] =	vst v6;
	v6 =	vld [tilespmem:s18+$0x18380]  }
.LBB2_28:
0x31f: {  	s20 =	sshra.s32 s19, $0x2;
	p0 =	sne.s32 s19, $0x6380;
	[tilespmem:s18+$0x13880] =	vst v8;
	v3 =	vadd.f32 v3, v1;
	v8 =	vld [tilespmem:s18+$0x18390]  }
0x320: {  	v9 =	vld [tilespmem:s20+$0x19C80];
	[tilespmem:s18+$0x13890] =	vst v7;
	v2 =	vadd.f32 v2, v0  }
0x321: {  	v7 =	vld [tilespmem:s20+$0x19C90];
	[tilespmem:s18+$0x15180] =	vst v3;
	v3 =	vadd.f32 v4, v1  }
0x322: {  	v4 =	vld [tilespmem:s20+$0xD480];
	[tilespmem:s18+$0x15190] =	vst v2;
	v2 =	vadd.f32 v5, v0  }
0x323: {  	v5 =	vld [tilespmem:s20+$0xD490];
	[tilespmem:s18+$0x16A80] =	vst v3;
	v6 =	vadd.f32 v6, v1  }
0x324: {  	v3 =	vld [tilespmem:s20+$0xED80];
	[tilespmem:s18+$0x16A90] =	vst v2;
	v8 =	vadd.f32 v8, v0  }
0x325: {  	v2 =	vld [tilespmem:s20+$0xED90];
	[tilespmem:s18+$0x18380] =	vst v6;
	v1 =	vmov v9  }
0x326: {  	v6 =	vld [tilespmem:s20+$0x10680];
	[tilespmem:s18+$0x18390] =	vst v8;
	v0 =	vmov v7;
	s18 =	smov.u32 s20  }
0x327: {  	v4 =	vadd.f32 v4, v1;
	v7 =	vld [tilespmem:s18+$0x10690]  }
0x328: {  	v5 =	vadd.f32 v5, v0;
	v8 =	vld [tilespmem:s18+$0x11F80]  }
0x329: {  	[tilespmem:s18+$0xD480] =	vst v4;
	v3 =	vadd.f32 v3, v1;
	v4 =	vld [tilespmem:s18+$0x11F90]  }
0x32a: {  	[tilespmem:s18+$0xD490] =	vst v5;
	v2 =	vadd.f32 v2, v0;
	v5 =	vld [tilespmem:s18+$0x13880]  }
0x32b: {  	[tilespmem:s18+$0xED80] =	vst v3;
	v6 =	vadd.f32 v6, v1;
	v9 =	vld [tilespmem:s18+$0x13890]  }
.Ltmp13:
0x32c: {  	[tilespmem:s18+$0xED90] =	vst v2;
	v7 =	vadd.f32 v7, v0;
	v3 =	vld [tilespmem:s18+$0x15180];
	(pc) =	sbr.rel @p0 .LBB2_28-.Ltmp13, $4  }
0x32d: {  	[tilespmem:s18+$0x10680] =	vst v6;
	v6 =	vadd.f32 v8, v1;
	v2 =	vld [tilespmem:s18+$0x15190]  }
0x32e: {  	[tilespmem:s18+$0x10690] =	vst v7;
	v7 =	vadd.f32 v4, v0;
	v4 =	vld [tilespmem:s18+$0x16A80]  }
0x32f: {  	[tilespmem:s18+$0x11F80] =	vst v6;
	v8 =	vadd.f32 v5, v1;
	v5 =	vld [tilespmem:s18+$0x16A90]  }
0x330: {  	s19 =	sadd.s32 $0x80, s19;
	[tilespmem:s18+$0x11F90] =	vst v7;
	v7 =	vadd.f32 v9, v0;
	v6 =	vld [tilespmem:s18+$0x18380]  }
0x331: {  	[tilespmem:s18+$0x13880] =	vst v8;
	v3 =	vadd.f32 v3, v1;
	v8 =	vld [tilespmem:s18+$0x18390]  }
0x332: {  	[tilespmem:s18+$0x13890] =	vst v7;
	v2 =	vadd.f32 v2, v0  }
0x333: {  	[tilespmem:s18+$0x15180] =	vst v3;
	v3 =	vadd.f32 v4, v1  }
0x334: {  	[tilespmem:s18+$0x15190] =	vst v2;
	v2 =	vadd.f32 v5, v0  }
0x335: {  	[tilespmem:s18+$0x16A80] =	vst v3;
	v1 =	vadd.f32 v6, v1  }
0x336: {  	[tilespmem:s18+$0x16A90] =	vst v2;
	v0 =	vadd.f32 v8, v0  }
0x337: {  	[tilespmem:s18+$0x18380] =	vst v1  }
0x338: {  	s20 =	simm.s32 $0x0;
	[tilespmem:s18+$0x18390] =	vst v0  }
0x339: {  	[hbm4b:s0+s20] =	stream.linear.scatter [tilespmem:s11], [sflag:$0x6], $0xC800, $0x38;
	[tilespmem:$0x1B580] =	vst v63  }
0x33a: {  	_ =	swait.ge [sflag:s10], $0x640  }
0x33b: {  	[sflag:s10] =	ssyncset.done $0x0  }
0x33c: {  	[sflag:s10] =	ssyncadd.s32 $0xFFFFF9C0  }
0x33d: {  	_ =	swait.ge [sflag:s16], $0xC800  }
0x33e: {  	[sflag:s16] =	ssyncset.done $0x0  }
0x33f: {  	[sflag:s16] =	ssyncadd.s32 $0xFFFF3800  }
0x340: {  	[tilespmem:s11], [sflag:$0x4] =	stream.indirect.gather [hbm4b:s4+s8], $0x20, s8, s8, $0xb8;
	[tilespmem:$0x1B580] =	vst v63  }
0x341: {  	_ =	swait.ge [sflag:s12], $0xC800  }
0x342: {  	[sflag:s12] =	ssyncset.done $0x0  }
0x343: {  	s18 =	simm.s32 $0x0;
	[sflag:s12] =	ssyncadd.s32 $0xFFFF3800  }
0x344: {  	v1 =	vld [tilespmem:s18+$0x19C80]  }
0x345: {  	v0 =	vld [tilespmem:s18+$0x19C90]  }
0x346: {  	v2 =	vld [tilespmem:s18+$0xC80]  }
0x347: {  	v3 =	vld [tilespmem:s18+$0xC90]  }
0x348: {  	v4 =	vld [tilespmem:s18+$0x2580]  }
0x349: {  	v5 =	vld [tilespmem:s18+$0x2590]  }
0x34a: {  	v6 =	vld [tilespmem:s18+$0x3E80]  }
0x34b: {  	v7 =	vld [tilespmem:s18+$0x3E90];
	v2 =	vadd.f32 v2, v1  }
0x34c: {  	v8 =	vld [tilespmem:s18+$0x5780];
	v3 =	vadd.f32 v3, v0  }
0x34d: {  	v9 =	vld [tilespmem:s18+$0x5790];
	[tilespmem:s18+$0xC80] =	vst v2;
	v2 =	vadd.f32 v4, v1  }
0x34e: {  	v10 =	vld [tilespmem:s18+$0x7080];
	[tilespmem:s18+$0xC90] =	vst v3;
	v3 =	vadd.f32 v5, v0  }
0x34f: {  	v11 =	vld [tilespmem:s18+$0x7090];
	[tilespmem:s18+$0x2580] =	vst v2;
	v2 =	vadd.f32 v6, v1  }
0x350: {  	v4 =	vadd.f32 v7, v0;
	[tilespmem:s18+$0x2590] =	vst v3;
	v3 =	vld [tilespmem:s18+$0x8980]  }
0x351: {  	v5 =	vadd.f32 v8, v1;
	[tilespmem:s18+$0x3E80] =	vst v2;
	v2 =	vld [tilespmem:s18+$0x8990]  }
0x352: {  	[tilespmem:s18+$0x3E90] =	vst v4;
	v4 =	vld [tilespmem:s18+$0xA280];
	v6 =	vadd.f32 v9, v0  }
0x353: {  	v8 =	vadd.f32 v10, v1;
	[tilespmem:s18+$0x5780] =	vst v5;
	v5 =	vld [tilespmem:s18+$0xA290]  }
0x354: {  	s19 =	simm.s32 $0x80;
	v7 =	vadd.f32 v11, v0;
	[tilespmem:s18+$0x5790] =	vst v6;
	v6 =	vld [tilespmem:s18+$0xBB80]  }
.LBB2_30:
0x355: {  	s20 =	sshra.s32 s19, $0x2;
	p0 =	sne.s32 s19, $0x6380;
	[tilespmem:s18+$0x7080] =	vst v8;
	v3 =	vadd.f32 v3, v1;
	v8 =	vld [tilespmem:s18+$0xBB90]  }
0x356: {  	v9 =	vld [tilespmem:s20+$0x19C80];
	[tilespmem:s18+$0x7090] =	vst v7;
	v2 =	vadd.f32 v2, v0  }
0x357: {  	v7 =	vld [tilespmem:s20+$0x19C90];
	[tilespmem:s18+$0x8980] =	vst v3;
	v3 =	vadd.f32 v4, v1  }
0x358: {  	v4 =	vld [tilespmem:s20+$0xC80];
	[tilespmem:s18+$0x8990] =	vst v2;
	v2 =	vadd.f32 v5, v0  }
0x359: {  	v5 =	vld [tilespmem:s20+$0xC90];
	[tilespmem:s18+$0xA280] =	vst v3;
	v6 =	vadd.f32 v6, v1  }
0x35a: {  	v3 =	vld [tilespmem:s20+$0x2580];
	[tilespmem:s18+$0xA290] =	vst v2;
	v8 =	vadd.f32 v8, v0  }
0x35b: {  	v2 =	vld [tilespmem:s20+$0x2590];
	[tilespmem:s18+$0xBB80] =	vst v6;
	v1 =	vmov v9  }
0x35c: {  	v6 =	vld [tilespmem:s20+$0x3E80];
	[tilespmem:s18+$0xBB90] =	vst v8;
	v0 =	vmov v7;
	s18 =	smov.u32 s20  }
0x35d: {  	v4 =	vadd.f32 v4, v1;
	v7 =	vld [tilespmem:s18+$0x3E90]  }
0x35e: {  	v5 =	vadd.f32 v5, v0;
	v8 =	vld [tilespmem:s18+$0x5780]  }
0x35f: {  	[tilespmem:s18+$0xC80] =	vst v4;
	v3 =	vadd.f32 v3, v1;
	v4 =	vld [tilespmem:s18+$0x5790]  }
0x360: {  	[tilespmem:s18+$0xC90] =	vst v5;
	v2 =	vadd.f32 v2, v0;
	v5 =	vld [tilespmem:s18+$0x7080]  }
0x361: {  	[tilespmem:s18+$0x2580] =	vst v3;
	v6 =	vadd.f32 v6, v1;
	v9 =	vld [tilespmem:s18+$0x7090]  }
.Ltmp14:
0x362: {  	[tilespmem:s18+$0x2590] =	vst v2;
	v7 =	vadd.f32 v7, v0;
	v3 =	vld [tilespmem:s18+$0x8980];
	(pc) =	sbr.rel @p0 .LBB2_30-.Ltmp14, $4  }
0x363: {  	[tilespmem:s18+$0x3E80] =	vst v6;
	v6 =	vadd.f32 v8, v1;
	v2 =	vld [tilespmem:s18+$0x8990]  }
0x364: {  	[tilespmem:s18+$0x3E90] =	vst v7;
	v7 =	vadd.f32 v4, v0;
	v4 =	vld [tilespmem:s18+$0xA280]  }
0x365: {  	[tilespmem:s18+$0x5780] =	vst v6;
	v8 =	vadd.f32 v5, v1;
	v5 =	vld [tilespmem:s18+$0xA290]  }
0x366: {  	s19 =	sadd.s32 $0x80, s19;
	[tilespmem:s18+$0x5790] =	vst v7;
	v7 =	vadd.f32 v9, v0;
	v6 =	vld [tilespmem:s18+$0xBB80]  }
0x367: {  	[tilespmem:s18+$0x7080] =	vst v8;
	v3 =	vadd.f32 v3, v1;
	v8 =	vld [tilespmem:s18+$0xBB90]  }
0x368: {  	[tilespmem:s18+$0x7090] =	vst v7;
	v2 =	vadd.f32 v2, v0  }
0x369: {  	[tilespmem:s18+$0x8980] =	vst v3;
	v3 =	vadd.f32 v4, v1  }
0x36a: {  	[tilespmem:s18+$0x8990] =	vst v2;
	v2 =	vadd.f32 v5, v0  }
0x36b: {  	[tilespmem:s18+$0xA280] =	vst v3;
	v1 =	vadd.f32 v6, v1  }
0x36c: {  	[tilespmem:s18+$0xA290] =	vst v2;
	v0 =	vadd.f32 v8, v0  }
0x36d: {  	[tilespmem:s18+$0xBB80] =	vst v1  }
0x36e: {  	s20 =	simm.s32 $0x0;
	[tilespmem:s18+$0xBB90] =	vst v0  }
0x36f: {  	[hbm4b:s2+s20] =	stream.linear.scatter [tilespmem:s9], [sflag:$0x5], $0xC800, $0x38;
	[tilespmem:$0x1B580] =	vst v63  }
0x370: {  	_ =	swait.ge [sflag:s15], $0xC800  }
0x371: {  	[sflag:s15] =	ssyncset.done $0x0  }
0x372: {  	s18 =	simm.s32 $0x0;
	[sflag:s15] =	ssyncadd.s32 $0xFFFF3800  }
0x373: {  	v1 =	vld [tilespmem:s18+$0x19C80]  }
0x374: {  	v0 =	vld [tilespmem:s18+$0x19C90]  }
0x375: {  	v2 =	vld [tilespmem:s18+$0xD480]  }
0x376: {  	v3 =	vld [tilespmem:s18+$0xD490]  }
0x377: {  	v4 =	vld [tilespmem:s18+$0xED80]  }
0x378: {  	v5 =	vld [tilespmem:s18+$0xED90]  }
0x379: {  	v6 =	vld [tilespmem:s18+$0x10680]  }
0x37a: {  	v7 =	vld [tilespmem:s18+$0x10690];
	v2 =	vadd.f32 v2, v1  }
0x37b: {  	v8 =	vld [tilespmem:s18+$0x11F80];
	v3 =	vadd.f32 v3, v0  }
0x37c: {  	v9 =	vld [tilespmem:s18+$0x11F90];
	[tilespmem:s18+$0xD480] =	vst v2;
	v2 =	vadd.f32 v4, v1  }
0x37d: {  	v10 =	vld [tilespmem:s18+$0x13880];
	[tilespmem:s18+$0xD490] =	vst v3;
	v3 =	vadd.f32 v5, v0  }
0x37e: {  	v11 =	vld [tilespmem:s18+$0x13890];
	[tilespmem:s18+$0xED80] =	vst v2;
	v2 =	vadd.f32 v6, v1  }
0x37f: {  	v4 =	vadd.f32 v7, v0;
	[tilespmem:s18+$0xED90] =	vst v3;
	v3 =	vld [tilespmem:s18+$0x15180]  }
0x380: {  	v5 =	vadd.f32 v8, v1;
	[tilespmem:s18+$0x10680] =	vst v2;
	v2 =	vld [tilespmem:s18+$0x15190]  }
0x381: {  	[tilespmem:s18+$0x10690] =	vst v4;
	v4 =	vld [tilespmem:s18+$0x16A80];
	v6 =	vadd.f32 v9, v0  }
0x382: {  	v8 =	vadd.f32 v10, v1;
	[tilespmem:s18+$0x11F80] =	vst v5;
	v5 =	vld [tilespmem:s18+$0x16A90]  }
0x383: {  	s19 =	simm.s32 $0x80;
	v7 =	vadd.f32 v11, v0;
	[tilespmem:s18+$0x11F90] =	vst v6;
	v6 =	vld [tilespmem:s18+$0x18380]  }
.LBB2_32:
0x384: {  	s20 =	sshra.s32 s19, $0x2;
	p0 =	sne.s32 s19, $0x6380;
	[tilespmem:s18+$0x13880] =	vst v8;
	v3 =	vadd.f32 v3, v1;
	v8 =	vld [tilespmem:s18+$0x18390]  }
0x385: {  	v9 =	vld [tilespmem:s20+$0x19C80];
	[tilespmem:s18+$0x13890] =	vst v7;
	v2 =	vadd.f32 v2, v0  }
0x386: {  	v7 =	vld [tilespmem:s20+$0x19C90];
	[tilespmem:s18+$0x15180] =	vst v3;
	v3 =	vadd.f32 v4, v1  }
0x387: {  	v4 =	vld [tilespmem:s20+$0xD480];
	[tilespmem:s18+$0x15190] =	vst v2;
	v2 =	vadd.f32 v5, v0  }
0x388: {  	v5 =	vld [tilespmem:s20+$0xD490];
	[tilespmem:s18+$0x16A80] =	vst v3;
	v6 =	vadd.f32 v6, v1  }
0x389: {  	v3 =	vld [tilespmem:s20+$0xED80];
	[tilespmem:s18+$0x16A90] =	vst v2;
	v8 =	vadd.f32 v8, v0  }
0x38a: {  	v2 =	vld [tilespmem:s20+$0xED90];
	[tilespmem:s18+$0x18380] =	vst v6;
	v1 =	vmov v9  }
0x38b: {  	v6 =	vld [tilespmem:s20+$0x10680];
	[tilespmem:s18+$0x18390] =	vst v8;
	v0 =	vmov v7;
	s18 =	smov.u32 s20  }
0x38c: {  	v4 =	vadd.f32 v4, v1;
	v7 =	vld [tilespmem:s18+$0x10690]  }
0x38d: {  	v5 =	vadd.f32 v5, v0;
	v8 =	vld [tilespmem:s18+$0x11F80]  }
0x38e: {  	[tilespmem:s18+$0xD480] =	vst v4;
	v3 =	vadd.f32 v3, v1;
	v4 =	vld [tilespmem:s18+$0x11F90]  }
0x38f: {  	[tilespmem:s18+$0xD490] =	vst v5;
	v2 =	vadd.f32 v2, v0;
	v5 =	vld [tilespmem:s18+$0x13880]  }
0x390: {  	[tilespmem:s18+$0xED80] =	vst v3;
	v6 =	vadd.f32 v6, v1;
	v9 =	vld [tilespmem:s18+$0x13890]  }
.Ltmp15:
0x391: {  	[tilespmem:s18+$0xED90] =	vst v2;
	v7 =	vadd.f32 v7, v0;
	v3 =	vld [tilespmem:s18+$0x15180];
	(pc) =	sbr.rel @p0 .LBB2_32-.Ltmp15, $4  }
0x392: {  	[tilespmem:s18+$0x10680] =	vst v6;
	v6 =	vadd.f32 v8, v1;
	v2 =	vld [tilespmem:s18+$0x15190]  }
0x393: {  	[tilespmem:s18+$0x10690] =	vst v7;
	v7 =	vadd.f32 v4, v0;
	v4 =	vld [tilespmem:s18+$0x16A80]  }
0x394: {  	[tilespmem:s18+$0x11F80] =	vst v6;
	v8 =	vadd.f32 v5, v1;
	v5 =	vld [tilespmem:s18+$0x16A90]  }
0x395: {  	s19 =	sadd.s32 $0x80, s19;
	[tilespmem:s18+$0x11F90] =	vst v7;
	v7 =	vadd.f32 v9, v0;
	v6 =	vld [tilespmem:s18+$0x18380]  }
0x396: {  	[tilespmem:s18+$0x13880] =	vst v8;
	v3 =	vadd.f32 v3, v1;
	v59 =	vld [tilespmem:s18+$0x18390]  }
0x397: {  	[tilespmem:s18+$0x13890] =	vst v7;
	v2 =	vadd.f32 v2, v0  }
0x398: {  	[tilespmem:s18+$0x15180] =	vst v3;
	v60 =	vadd.f32 v4, v1  }
0x399: {  	[tilespmem:s18+$0x15190] =	vst v2;
	v61 =	vadd.f32 v5, v0  }
0x39a: {  	[tilespmem:s18+$0x16A80] =	vst v60;
	v62 =	vadd.f32 v6, v1  }
0x39b: {  	[tilespmem:s18+$0x16A90] =	vst v61;
	v63 =	vadd.f32 v59, v0  }
0x39c: {  	[tilespmem:s18+$0x18380] =	vst v62  }
0x39d: {  	s17 =	sadd.s32 $0x1, s17;
	[tilespmem:s18+$0x18390] =	vst v63  }
0x39e: {  	[hbm4b:s3+s1] =	stream.linear.scatter [tilespmem:s11], [sflag:$0x6], $0xC800, $0x38;
	[tilespmem:$0x1B580] =	vst v63  }
0x39f: {  	p0 =	sne.s32 s17, s6;
	_ =	swait.ge [sflag:s14], $0xC800  }
.Ltmp16:
0x3a0: {  	[sflag:s14] =	ssyncset.done $0x0;
	(pc) =	sbr.rel @p0 .LBB2_1-.Ltmp16, $4  }
0x3a1: {  	[sflag:s14] =	ssyncadd.s32 $0xFFFF3800  }
0x3a2: {  	_ =	swait.ge [sflag:s16], $0xC800  }
0x3a3: {  	[sflag:s16] =	ssyncset.done $0x0  }
0x3a4: {  	[sflag:s16] =	ssyncadd.s32 $0xFFFF3800  }
0x3a5: {  	_ =	sfence.sel $0x180000  }
0x3a6: {  	[bflag:$0x0] =	sbarrier.arrive $0xFFFF  }
0x3a7: {  	_ =	strace $0x90000047  }
0x3a8: {  	s0 =	stileid.u32;
	[bflag:$0x2] =	sbarrier.arrive $0xFFFF  }
0x3a9: {  	p0 =	sne.s32 s0, $0x0;
	s0 =	rddreg [dreg:$0x3]  }
0x3aa: {  	s0 =	sadd.s32 @!p0 $0x100000, s0  }
0x3ab: {  	[sflag:s0] =	ssyncadd.tile.s32 @!p0 $0x1;
	_ =	shalt  }
.Lfunc_end2:
_tile_overlayer_lowered:
.L_overlay_start_2:
0x3ac: {  	(tag) =	ssettag $0x2  }
0x3ad: {  	s0 =	rddreg [dreg:$0x0];
	s2 =	stileid.u32  }
0x3ae: {  	s1 =	rddreg [dreg:$0x1];
	p0 =	sne.s32 s2, $0x0  }
0x3af: {  	s3 =	rddreg [dreg:$0x2];
	[bflag:$0x3] =	sbarrier.arrive $0xFFFF;
	s2 =	simm.s32 @!p0 $0x1C07  }
0x3b0: {  	[timem:s3], [sflag:s2] =	dma.local @!p0 [hbm:s0], s1  }
0x3b1: {  	s0 =	simm.s32 @!p0 $0x7  }
0x3b2: {  	_ =	swait.ge @!p0 [sflag:s0], s1  }
0x3b3: {  	s1 =	ssub.s32 @!p0 $0x0, s1;
	[sflag:s0] =	ssyncset.done @!p0 $0x0  }
0x3b4: {  	[sflag:s0] =	ssyncadd.s32 @!p0 s1  }
0x3b5: {  	[bflag:$0x3] =	sbarrier.arrive $0xFFFF  }
0x3b6: {  	_ =	shalt  }

// kernel: sparse-core-data-format-call.cloned.1.call-start
scs
called_computation_lowered:
.L_overlay_start_0:
0x0: {  	s2 =	sld [smem:$0x3FD9]  }
0x1: {  	s3 =	sld [smem:$0x3FFE];
	_ =	sdelay $0x1  }
0x2: {  	s1 =	srdreg.scid  }
0x3: {  	s0 =	sand.u32 $0x1, s1  }
0x4: {  	s18 =	sshll.u32 s0, $0xA;
	s2 =	sadd.s32 s3, s2  }
0x5: {  	s2 =	sadd.s32 s2, s18  }
0x6: {  	[smem:$0x3FC5] =	sst s2  }
0x7: {  	_ = 	snop  }
0x8: {  	s2 =	sld [smem:$0x3FD0];
	(tm) =	ssettm $0x1  }
0x9: {  	s19 =	sld [smem:$0x3FFB];
	_ =	sdelay $0x3  }
0xa: {  	_ =	strace s19  }
0xb: {  	s3 =	sld [smem:$0x3FFC];
	_ =	sdelay $0x3  }
0xc: {  	_ =	strace s3  }
0xd: {  	s3 =	sld [smem:$0x3FFD];
	_ =	sdelay $0x3  }
0xe: {  	_ =	strace s3  }
0xf: {  	_ =	strace $0x8FFFFFFF  }
0x10: {  	s20 =	sld [smem:$0x3FDB];
	_ =	sdelay $0x1  }
0x11: {  	s4 =	simm.s32 $_scs_section_size  }
0x12: {  	s5 =	simm.s32 $_size__tile_overlayer_lowered;
	s6 =	simm.s32 $_tile_overlayer_lowered  }
0x13: {  	s23 =	simm.s32 $0x1BFF;
	s22 =	sshll.u32 s6, $0x1;
	s3 =	sadd.s32 s4, s20  }
0x14: {  	s7 =	simm.s32 $0x0;
	s21 =	sshll.u32 s5, $0x1;
	s5 =	sadd.s32 s22, s3  }
0x15: {  	[timem:s7], [sflag:s23] =	dma.local [hbm:s5], s21  }
0x16: {  	_ =	swait.ge [sflag:s23], s21  }
0x17: {  	s4 =	ssub.s32 $0x0, s21;
	[sflag:s23] =	ssyncset.done $0x0  }
0x18: {  	[sflag:s23] =	ssyncadd.s32 s4;
	_ =	sdelay $0x1  }
0x19: {  	s24 =	simm.s32 $0x1B8B  }
0x1a: {  	_ =	swait.ge [sflag:s24], $0x1  }
0x1b: {  	[sflag:s24] =	ssyncset.done $0x0  }
0x1c: {  	s26 =	simm.s32 $0x1B8E;
	s25 =	sld [smem:$0x3FFE];
	[sflag:s24] =	ssyncadd.s32 $0xFFFFFFFF  }
0x1d: {  	s27 =	simm.s32 $execute0_lowered;
	[smem:$0x3FD2] =	sst s26  }
0x1e: {  	s5 =	sshll.u32 s27, $0x1;
	_ =	strace $0x80000049;
	[dreg:$0x1] =	wrdreg $0xFFFFFFFF  }
0x1f: {  	s28 =	simm.s32 $_size_execute0_lowered;
	s3 =	sadd.s32 s3, s5;
	[dreg:$0x0] =	wrdreg $0x0  }
0x20: {  	s5 =	sshll.u32 s28, $0x1;
	[dreg:$0x2] =	wrdreg s3  }
0x21: {  	[dreg:$0x3] =	wrdreg s5  }
0x22: {  	[dreg:$0x4] =	wrdreg $0xC0  }
0x23: {  	_ =	task [dreg:s7], $0x5FFFF  }
0x24: {  	[dreg:$0x1] =	wrdreg $0xFFFFFFFF  }
0x25: {  	[dreg:$0x0] =	wrdreg $0x60  }
0x26: {  	[dreg:$0x2] =	wrdreg s25  }
0x27: {  	[dreg:$0x3] =	wrdreg s2  }
0x28: {  	[dreg:$0x4] =	wrdreg $0x9  }
0x29: {  	_ =	task.clear_ibuf [dreg:s7], $0x5FFFF;
	_ =	strace $0x90000049  }
0x2a: {  	s29 =	simm.s32 $0x9;
	_ =	strace $0x8000004B  }
0x2b: {  	_ =	swait.ge [sflag:s29], $0x1  }
0x2c: {  	[sflag:s29] =	ssyncadd.s32 $0xFFFFFFFF  }
0x2d: {  	_ =	strace $0x9000004B  }
0x2e: {  	_ =	sfence  }
0x2f: {  	s30 =	sld [smem:$0x0];
	_ =	sdelay $0x2  }
0x30: {  	s31 =	sshll.u32 s1, $0xD;
	s1 =	sshrl.u32 s1, $0x2  }
0x31: {  	s3 =	sand.u32 $0x4000, s31;
	s1 =	sadd.s32 s1, s30  }
0x32: {  	s0 =	sor.u32 s3, s0;
	s1 =	sshll.u32 s1, $0x11  }
0x33: {  	s0 =	sor.u32 s1, s0  }
0x34: {  	s0 =	sadd.s32 $0x8F2B, s0  }
0x35: {  	[sflag:s0] =	ssyncadd.remote.s32 $0x1  }
0x36: {  	_ =	sfence.sel $0xFFFF  }
0x37: {  	[dreg:$0x0] =	wrdreg $0xFFFFFFFF;
	(pc) =	sbr.abs _section_cstart, $3  }
0x38: {  	[dreg:$0x1] =	wrdreg $0xFFFFFFFF  }
0x39: {  	_ =	task.clear_ibuf [dreg:s7], $0x2FFFF;
	_ =	strace $0x9FFFFFFF  }
0x3a: {  	(tm) =	ssettm $0x7FFFFFFF  }
0x3b: {  	_ =	shalt  }
tec
execute0_lowered:
.L_overlay_start_1:
0x0: {  	(tag) =	ssettag $0x1  }
0x1: {  	s0 =	srdreg.scid  }
0x2: {  	s1 =	sshll.u32 s0, $0x4  }
0x3: {  	s4 =	rddreg [dreg:$0x0];
	s0 =	stileid.u32;
	s1 =	sand.u32 $0x10, s1  }
0x4: {  	s2 =	rddreg [dreg:$0x1];
	s7 =	simm.s32 $0x1;
	s1 =	sor.u32 s0, s1  }
0x5: {  	s8 =	simm.s32 $0x2;
	s11 =	simm.s32 $0x0;
	s3 =	sshll.u32 s1, $0x7  }
0x6: {  	s10 =	simm.s32 $0x0;
	s4 =	sadd.s32 $0xA00, s4;
	s6 =	ssub.s32 $0xC8000, s3  }
.Ltmp0:
0x7: {  	s1 =	rddreg [dreg:$0x2];
	s5 =	sand.u32 $0xF80, s6;
	(pc) =	sbr.rel .LBB1_1-.Ltmp0, $4  }
0x8: {  	_ =	strace $0x8000004A;
	s9 =	smov.u32 s3;
	p0 =	sne.s32 s5, $0x0  }
0x9: {  	s6 =	sshrl.u32 s6, $0xC;
	s5 =	simm.s32 $0x1;
	s7 =	simm.s32 @!p0 $0x0  }
0xa: {  	[sflag:s5] =	ssyncpa.u1 $0x0;
	p0 =	por $0x0, $0x0;
	s6 =	sadd.s32 s7, s6  }
0xb: {  	[sflag:s8] =	ssyncpa.u1 $0x0;
	s8 =	simm.s32 $0x640000;
	s7 =	sadd.s32 $0x1, s6  }
.LBB1_4:
0xc: {  	s14 =	sshll.u32 s11, $0x3  }
0xd: {  	s30 =	sand.u32 $0x7F, s11;
	s15 =	sand.u32 $0xFFFFFC00, s14  }
0xe: {  	s11 =	sor.u32 s30, s15  }
0xf: {  	s15 =	smulhi.u32 $0x51EB851F, s11  }
0x10: {  	s14 =	smulhi.u32 $0x51EB851F, s14  }
0x11: {  	s15 =	sshrl.u32 s15, $0x12  }
0x12: {  	s14 =	sshrl.u32 s14, $0x12;
	s15 =	smul.u32 $0xC8000, s15  }
0x13: {  	s14 =	sand.u32 $0x1F, s14  }
0x14: {  	s14 =	smul.u32 $0x19000, s14;
	s11 =	ssub.s32 s11, s15  }
0x15: {  	s15 =	sand.u32 $0x7, s11  }
0x16: {  	s14 =	sadd.s32 s2, s14;
	s11 =	sshrl.u32 s11, $0x3;
	s15 =	sshll.u32 s15, $0x12  }
0x17: {  	[tilespmem:s13+$0x0 ss:$0x81] =	vst.msk $0xffff, v0;
	s11 =	sadd.s32 s11, s14;
	s31 =	sor.u32 $0x400, s15  }
0x18: {  	[hbm4b:s11+s31] =	stream.strided.scatter [tilespmem:s12], [sflag:$0x2], $0x1000, s8, s31, $0x20;
	[tilespmem:$0x4040] =	vst v63  }
.LBB1_5:
0x19: {  	s13 =	sadd.s32 $0x1000, s9  }
0x1a: {  	p2 =	sgt.s32 s13, $0xC7FFF  }
0x1b: {  	s13 =	smov.u32 @p2 s3;
	p2 =	sne.s32 s10, s7  }
.Ltmp1:
0x1c: {  	p1 =	slt.u32 s10, $0x2;
	(pc) =	sbr.rel @!p2 .LBB1_6-.Ltmp1, $4  }
0x1d: {  	s12 =	simm.s32 @!p1 $0x2  }
0x1e: {  	s14 =	sadd.s32 $0x1, s10;
	_ =	swait.ge @!p1 [sflag:s12], $0x1000  }
0x1f: {  	s11 =	smov.u32 s9;
	p0 =	por !p0, !p0;
	[sflag:s12] =	ssyncset.done @!p1 $0x0  }
0x20: {  	s10 =	smov.u32 s14;
	s9 =	smov.u32 s13;
	[sflag:s12] =	ssyncadd.s32 @!p1 $0xFFFFF000  }
.LBB1_1:
0x21: {  	p1 =	sge.u32 s10, s6  }
0x22: {  	s12 =	sand.u32 @!p1 $0x1FFFFFF, s9  }
0x23: {  	s13 =	smulhi.u32 @!p1 $0x147AE15, s12;
	_ =	sdelay $0x1  }
0x24: {  	s13 =	sshrl.u32 @!p1 s13, $0xC  }
0x25: {  	s13 =	smul.u32 @!p1 $0xC8000, s13;
	_ =	sdelay $0x1  }
0x26: {  	s31 =	sadd.s32 $0xFFFFFFFF, s10;
	s14 =	sxor.u32 @!p1 $0xFFFFFFFF, s10;
	s12 =	ssub.s32 @!p1 s12, s13  }
0x27: {  	s15 =	simm.s32 @!p1 $0x80;
	s14 =	sshll.u32 @!p1 s14, $0xC;
	s12 =	sshll.u32 @!p1 s12, $0x4  }
0x28: {  	s13 =	sand.u32 @!p1 $0x1000, s14;
	s14 =	simm.s32 @!p1 $0x20;
	s12 =	sadd.s32 @!p1 s4, s12  }
0x29: {  	[tilespmem:s13], [sflag:$0x1] =	stream.strided.gather @!p1 [hbm4b:s12+s14], $0x1000, s15, s14, $0x38;
	[tilespmem:$0x4040] =	vst v63  }
0x2a: {  	p1 =	sge.u32 s31, s6  }
.Ltmp2:
0x2b: {  	_ = 	snop;
	(pc) =	sbr.rel @p1 .LBB1_5-.Ltmp2, $1  }
0x2c: {  	_ =	sdelay $0x3  }
0x2d: {  	s12 =	simm.s32 $0x1  }
0x2e: {  	_ =	swait.ge [sflag:s5], $0x1000;
	s12 =	simm.s32 @!p0 $0x0  }
0x2f: {  	[sflag:s5] =	ssyncset.done $0x0;
	s13 =	sshll.u32 s12, $0xC  }
0x30: {  	[sflag:s5] =	ssyncadd.s32 $0xFFFFF000;
	s16 =	sor.u32 $0x10, s13  }
0x31: {  	s12 =	smul.u32 $0x4080, s12;
	v1 =	vld [tilespmem:s16+$0x0]  }
0x32: {  	s30 =	sand.u32 $0x1, s10;
	v0 =	vld [tilespmem:s16+$0xFFFFFFF0]  }
0x33: {  	s13 =	smul.u32 $0x4080, s30;
	s12 =	sshrl.u32 s12, $0x2  }
0x34: {  	s14 =	sor.u32 $0x2000, s12  }
0x35: {  	s31 =	sshrl.u32 s13, $0x2;
	s13 =	sadd.s32 $0x0, s14  }
0x36: {  	s15 =	simm.s32 $0x4;
	s16 =	sadd.s32 $0x20, s16;
	s12 =	sor.u32 $0x2000, s31;
	[tilespmem:s13+$0x810 ss:$0x81] =	vst.msk $0xffff, v1  }
.LBB1_3:
0x37: {  	v1 =	vld [tilespmem:s16+$0x0];
	p1 =	sne.s32 s15, $0x1FC;
	[tilespmem:s13+$0x0 ss:$0x81] =	vst.msk $0xffff, v0;
	s13 =	smov.u32 s15;
	s15 =	sadd.s32 $0x4, s15  }
.Ltmp3:
0x38: {  	v0 =	vld [tilespmem:s16+$0xFFFFFFF0];
	(pc) =	sbr.rel @p1 .LBB1_3-.Ltmp3, $4  }
0x39: {  	_ = 	snop  }
0x3a: {  	s13 =	sshra.s32 s13, $0x2  }
0x3b: {  	s13 =	sadd.s32 s13, s14  }
0x3c: {  	s16 =	sadd.s32 $0x20, s16;
	[tilespmem:s13+$0x810 ss:$0x81] =	vst.msk $0xffff, v1  }
.Ltmp4:
0x3d: {  	_ = 	snop;
	(pc) =	sbr.rel .LBB1_4-.Ltmp4, $1  }
0x3e: {  	_ =	sdelay $0x3  }
.LBB1_6:
0x3f: {  	_ =	sfence.sel $0x180000  }
0x40: {  	s2 =	simm.s32 $0x1;
	[bflag:$0x0] =	sbarrier.arrive $0xFFFF  }
0x41: {  	s31 =	simm.s32 $0x2;
	[sflag:s2] =	ssyncpa.u1 $0x1  }
0x42: {  	[sflag:s31] =	ssyncpa.u1 $0x1  }
0x43: {  	p0 =	sne.s32 s0, $0x0;
	_ =	strace $0x9000004A  }
0x44: {  	s0 =	sadd.s32 @!p0 $0x100000, s1;
	[bflag:$0x2] =	sbarrier.arrive $0xFFFF  }
0x45: {  	[sflag:s0] =	ssyncadd.tile.s32 @!p0 $0x1;
	_ =	shalt  }
.Lfunc_end1:
_tile_overlayer_lowered:
.L_overlay_start_2:
0x46: {  	(tag) =	ssettag $0x2  }
0x47: {  	s0 =	rddreg [dreg:$0x0];
	s2 =	stileid.u32  }
0x48: {  	s1 =	rddreg [dreg:$0x1];
	p0 =	sne.s32 s2, $0x0  }
0x49: {  	s3 =	rddreg [dreg:$0x2];
	[bflag:$0x3] =	sbarrier.arrive $0xFFFF;
	s2 =	simm.s32 @!p0 $0x1C01  }
0x4a: {  	[timem:s3], [sflag:s2] =	dma.local @!p0 [hbm:s0], s1  }
0x4b: {  	s0 =	simm.s32 @!p0 $0x1  }
0x4c: {  	_ =	swait.ge @!p0 [sflag:s0], s1  }
0x4d: {  	s1 =	ssub.s32 @!p0 $0x0, s1;
	[sflag:s0] =	ssyncset.done @!p0 $0x0  }
0x4e: {  	[sflag:s0] =	ssyncadd.s32 @!p0 s1  }
0x4f: {  	[bflag:$0x3] =	sbarrier.arrive $0xFFFF  }
0x50: {  	_ =	shalt  }

</sc_bundles>
